<compile_context>
chip_gen: v7x
topology: tpu7x:2x2x1
jax: 0.10.2.dev20260603
libtpu: 0.0.44.dev20260713+nightly
codegen_flags: <defaults>
</compile_context>

<pallas_src>
import functools

import jax
import jax.numpy as jnp
from jax import lax
from jax.experimental import pallas as pl
from jax.experimental.pallas import tpu as pltpu
from jax.experimental.pallas import tpu_sc as plsc

_HEADS = 4
_LANES = 16


def _node_projections(x, W, b):
    n, c = x.shape
    npad = ((n + 127) // 128) * 128
    bn = 1024
    w8 = jnp.concatenate([W[:, :c], W[:, c:]], axis=0)
    bc = jnp.concatenate([jnp.zeros_like(b), b]).reshape(2 * _HEADS, 1)
    grid = (npad + bn - 1) // bn

    def body(x_ref, w8_ref, bc_ref, o_ref):
        o_ref[...] = (
            lax.dot_general(
                w8_ref[...],
                x_ref[...],
                (((1,), (1,)), ((), ())),
                preferred_element_type=jnp.float32,
                precision=lax.Precision.HIGHEST,
            )
            + bc_ref[...]
        )

    return pl.pallas_call(
        body,
        grid=(grid,),
        in_specs=[
            pl.BlockSpec((bn, c), lambda j: (j, 0)),
            pl.BlockSpec((2 * _HEADS, c), lambda j: (0, 0)),
            pl.BlockSpec((2 * _HEADS, 1), lambda j: (0, 0)),
        ],
        out_specs=pl.BlockSpec((2 * _HEADS, bn), lambda j: (0, j)),
        out_shape=jax.ShapeDtypeStruct((2 * _HEADS, npad), jnp.float32),
    )(x, w8, bc)


def _edge_stage(p_flat, ei3, ea):
    n_edges = ea.shape[0]
    info = plsc.get_sparse_core_info()
    nw = info.num_cores * info.num_subcores
    n_blocks = n_edges // 128
    bpw = n_blocks // nw
    n_tail = n_blocks - bpw * nw
    cblk = 26
    n_chunks = bpw // cblk
    chunk = cblk * 128
    steps = chunk // _LANES

    mesh = plsc.VectorSubcoreMesh(core_axis_name="c", subcore_axis_name="s")

    @functools.partial(
        pl.kernel,
        out_type=jax.ShapeDtypeStruct((n_blocks, _HEADS, 128), jnp.float32),
        mesh=mesh,
        compiler_params=pltpu.CompilerParams(
            needs_layout_passes=False, use_tc_tiling_on_sc=False
        ),
        scratch_types=[
            pltpu.VMEM(p_flat.shape, jnp.float32),
            pltpu.VMEM((2, cblk, 2, 128), jnp.int32),
            pltpu.VMEM((2, chunk), jnp.float32),
            pltpu.VMEM((2, cblk, _HEADS, 128), jnp.float32),
            pltpu.SemaphoreType.DMA,
            pltpu.SemaphoreType.DMA,
            pltpu.SemaphoreType.DMA,
            pltpu.SemaphoreType.DMA,
            pltpu.SemaphoreType.DMA,
        ],
    )
    def k(
        p_hbm, ei_hbm, ea_hbm, out_hbm,
        ptab, rc_v, ea_v, out_v,
        psem, isem0, isem1, osem0, osem1,
    ):
        wid = lax.axis_index("s") * info.num_cores + lax.axis_index("c")
        isems = (isem0, isem1)
        osems = (osem0, osem1)

        def start_in(j, buf):
            blk0 = wid * bpw + j * cblk
            a = pltpu.async_copy(ei_hbm.at[pl.ds(blk0, cblk)], rc_v.at[buf], isems[buf])
            b = pltpu.async_copy(
                ea_hbm.at[pl.ds(blk0 * 128, chunk)], ea_v.at[buf], isems[buf]
            )
            return a, b

        def do_steps(n_steps, rc, ea_b, out_b):
            @plsc.parallel_loop(0, n_steps, 1, unroll=2)
            def _body(i):
                ib = i >> 3
                off = (i & 7) * _LANES
                sl = pl.ds(off, _LANES)
                r = rc[ib, 0, sl]
                c = rc[ib, 1, sl]
                a = ea_b[pl.ds(i * _LANES, _LANES)]
                is_loop = r == c
                rf = ((r >> 7) << 10) | (r & 127)
                cf = ((c >> 7) << 10) | (c & 127)
                for h in range(_HEADS):
                    z = plsc.load_gather(ptab, [rf + h * 128]) + plsc.load_gather(
                        ptab, [cf + (h + _HEADS) * 128]
                    )
                    s = 1.0 / (1.0 + jnp.exp(-z))
                    out_b[ib, h, sl] = jnp.where(is_loop, jnp.float32(1.0), s * a)

        pcopy = pltpu.async_copy(p_hbm, ptab, psem)
        ins = [start_in(0, 0), start_in(1, 1)]
        pcopy.wait()
        out_pending = [None, None]
        for j in range(n_chunks):
            buf = j % 2
            for handle in ins[j]:
                handle.wait()
            if out_pending[buf] is not None:
                out_pending[buf].wait()
            do_steps(steps, rc_v.at[buf], ea_v.at[buf], out_v.at[buf])
            blk0 = wid * bpw + j * cblk
            out_pending[buf] = pltpu.async_copy(
                out_v.at[buf], out_hbm.at[pl.ds(blk0, cblk)], osems[buf]
            )
            if j + 2 < n_chunks:
                ins.append(start_in(j + 2, buf))
            else:
                ins.append(())
        out_pending[0].wait()
        out_pending[1].wait()

        @pl.when(wid < n_tail)
        def _():
            tb = nw * bpw + wid
            pltpu.sync_copy(ei_hbm.at[pl.ds(tb, 1)], rc_v.at[0, pl.ds(0, 1)])
            pltpu.sync_copy(ea_hbm.at[pl.ds(tb * 128, 128)], ea_v.at[0, pl.ds(0, 128)])
            do_steps(128 // _LANES, rc_v.at[0], ea_v.at[0], out_v.at[0])
            pltpu.sync_copy(out_v.at[0, pl.ds(0, 1)], out_hbm.at[pl.ds(tb, 1)])

    return k(p_flat, ei3, ea)


def kernel(x, edge_index, edge_attr, W, b):
    p8 = _node_projections(x, W, b)
    npad = p8.shape[1]
    p_flat = p8.reshape(2 * _HEADS, npad // 128, 128).transpose(1, 0, 2).reshape(-1)
    ei32 = edge_index.astype(jnp.int32)
    n_edges = edge_index.shape[1]
    ei3 = ei32.reshape(2, n_edges // 128, 128).transpose(1, 0, 2)
    alpha3 = _edge_stage(p_flat, ei3, edge_attr)
    alpha = alpha3.transpose(0, 2, 1).reshape(-1, _HEADS)
    return (alpha, edge_index)

# --- scband reference (transcript-rebuilt; emitter-appended) ---
"""Pipeline reference for scband-attention-16338055594502 (READ-ONLY COPY).

The authoritative reference and input builder live on the scoring server;
editing this copy changes nothing except your own understanding.
"""

import jax, jax.numpy as jnp
import numpy as np

CHANNELS = 128
HEADS = 4
N_NODES = 10000
N_EDGES = 320000


def setup_inputs(seed: int = 0) -> dict:
    key = jax.random.key(seed)
    k1, k2, k3, k4, k5 = jax.random.split(key, 5)
    x = jax.random.normal(k1, (N_NODES, CHANNELS), dtype=jnp.float32)
    edge_index = jax.random.randint(k2, (2, N_EDGES), 0, N_NODES, dtype=jnp.int64)
    edge_attr = jax.random.uniform(k3, (N_EDGES,), dtype=jnp.float32)
    # Linear(2*channels -> heads) parameters (PyTorch convention: W [out, in], b [out])
    bound = 1.0 / np.sqrt(2 * CHANNELS)
    W = jax.random.uniform(k4, (HEADS, 2 * CHANNELS), minval=-bound, maxval=bound, dtype=jnp.float32)
    b = jax.random.uniform(k5, (HEADS,), minval=-bound, maxval=bound, dtype=jnp.float32)
    return {"x": x, "edge_index": edge_index, "edge_attr": edge_attr, "W": W, "b": b}


def reference(x, edge_index, edge_attr, W, b):
    row = edge_index[0]
    col = edge_index[1]
    # gather source/dest node features and concat: [E, 2*C]
    alpha = jnp.concatenate([jnp.take(x, row, axis=0), jnp.take(x, col, axis=0)], axis=-1)
    # Linear(2C -> heads)
    alpha = alpha @ W.T + b
    alpha = jax.nn.sigmoid(alpha)
    alpha = alpha * edge_attr.reshape(-1, 1)
    # att_dropout == 0, so no dropout_adj branch
    mask = row == col
    new_mask = jnp.stack([mask for _ in range(HEADS)], axis=-1)
    alpha = jnp.where(new_mask, jnp.float32(1.0), alpha)
    # concat=True, so no mean over heads
    return (alpha, edge_index)

if __name__ == "__main__":
    import jax
    _d = setup_inputs()
    print(jax.jit(kernel)(*tuple(_d.values())))

</pallas_src>

<mosaic_0001>
#map = affine_map<(d0, d1) -> (0)>
#map1 = affine_map<(d0, d1) -> (0, 0, 0)>
module attributes {stable_mosaic.version = 14 : i64} {
  func.func @k(%arg0: i32, %arg1: i32, %arg2: memref<80896xf32, #tpu.memory_space<hbm>>, %arg3: memref<2500x2x128xi32, #tpu.memory_space<hbm>>, %arg4: memref<320000xf32, #tpu.memory_space<hbm>>, %arg5: memref<2500x4x128xf32, #tpu.memory_space<hbm>>, %arg6: memref<80896xf32, #tpu.memory_space<vmem>>, %arg7: memref<2x26x2x128xi32, #tpu.memory_space<vmem>>, %arg8: memref<2x3328xf32, #tpu.memory_space<vmem>>, %arg9: memref<2x26x4x128xf32, #tpu.memory_space<vmem>>, %arg10: memref<!tpu.dma_semaphore, #tpu.memory_space<semaphore_mem>>, %arg11: memref<!tpu.dma_semaphore, #tpu.memory_space<semaphore_mem>>, %arg12: memref<!tpu.dma_semaphore, #tpu.memory_space<semaphore_mem>>, %arg13: memref<!tpu.dma_semaphore, #tpu.memory_space<semaphore_mem>>, %arg14: memref<!tpu.dma_semaphore, #tpu.memory_space<semaphore_mem>>) attributes {dimension_semantics = [#tpu.dimension_semantics<core_parallel>, #tpu.dimension_semantics<subcore_parallel>], iteration_bounds = array<i64: 2, 16>, scalar_prefetch = 0 : i64, scratch_operands = 9 : i64, tpu.core_type = #tpu.core_type<sc_vector_subcore>, window_params = [{transform_indices = #map}, {transform_indices = #map1}, {transform_indices = #map}, {transform_indices = #map1}]} {
    %mul3A = arith.constant 2 : i32
    %mul3A_0 = arith.muli %arg1, %mul3A : i32
    %add3A = arith.addi %mul3A_0, %arg0 : i32
    tpu.enqueue_dma source(%arg2 : memref<80896xf32, #tpu.memory_space<hbm>>) target(%arg6 : memref<80896xf32, #tpu.memory_space<vmem>>) target_semaphore(%arg10 : memref<!tpu.dma_semaphore, #tpu.memory_space<semaphore_mem>>)
    %mul3A_1 = arith.constant 78 : i32
    %mul3A_2 = arith.muli %add3A, %mul3A_1 : i32
    %add3A_3 = arith.constant 0 : i32
    %add3A_4 = arith.addi %mul3A_2, %add3A_3 : i32
    %dma_start3A = arith.constant 0 : i32
    %dma_start3A_5 = arith.constant 0 : i32
    %dma_start3A_6 = arith.constant 0 : i32
    %dma_start3A_7 = arith.constant 0 : i32
    %dma_start3A_8 = tpu.memref_slice %arg7[%dma_start3A, %dma_start3A_5, %dma_start3A_6, %dma_start3A_7] : memref<2x26x2x128xi32, #tpu.memory_space<vmem>> -> memref<1x26x2x128xi32, #tpu.memory_space<vmem>>
    %dma_start3A_9 = tpu.memref_squeeze %dma_start3A_8 : memref<1x26x2x128xi32, #tpu.memory_space<vmem>> -> memref<26x2x128xi32, #tpu.memory_space<vmem>>
    %dma_start3A_10 = arith.constant 0 : i32
    %dma_start3A_11 = arith.constant 0 : i32
    %dma_start3A_12 = tpu.memref_slice %arg3[%add3A_4, %dma_start3A_10, %dma_start3A_11] : memref<2500x2x128xi32, #tpu.memory_space<hbm>> -> memref<26x2x128xi32, #tpu.memory_space<hbm>>
    %dma_start3A_13 = arith.constant 0 : i32
    %dma_start3A_14 = arith.constant 0 : i32
    %dma_start3A_15 = arith.constant 0 : i32
    %dma_start3A_16 = tpu.memref_slice %arg7[%dma_start3A, %dma_start3A_13, %dma_start3A_14, %dma_start3A_15] : memref<2x26x2x128xi32, #tpu.memory_space<vmem>> -> memref<1x26x2x128xi32, #tpu.memory_space<vmem>>
    %dma_start3A_17 = tpu.memref_squeeze %dma_start3A_16 : memref<1x26x2x128xi32, #tpu.memory_space<vmem>> -> memref<26x2x128xi32, #tpu.memory_space<vmem>>
    %dma_start3A_18 = arith.constant 0 : i32
    %dma_start3A_19 = arith.constant 0 : i32
    %dma_start3A_20 = tpu.memref_slice %arg3[%add3A_4, %dma_start3A_18, %dma_start3A_19] : memref<2500x2x128xi32, #tpu.memory_space<hbm>> -> memref<26x2x128xi32, #tpu.memory_space<hbm>>
    tpu.enqueue_dma source(%dma_start3A_20 : memref<26x2x128xi32, #tpu.memory_space<hbm>>) target(%dma_start3A_17 : memref<26x2x128xi32, #tpu.memory_space<vmem>>) target_semaphore(%arg11 : memref<!tpu.dma_semaphore, #tpu.memory_space<semaphore_mem>>)
    %mul3A_21 = arith.constant 128 : i32
    %mul3A_22 = arith.muli %add3A_4, %mul3A_21 : i32
    %dma_start3A_23 = arith.constant 0 : i32
    %dma_start3A_24 = arith.constant 0 : i32
    %dma_start3A_25 = tpu.memref_slice %arg8[%dma_start3A_23, %dma_start3A_24] : memref<2x3328xf32, #tpu.memory_space<vmem>> -> memref<1x3328xf32, #tpu.memory_space<vmem>>
    %dma_start3A_26 = tpu.memref_squeeze %dma_start3A_25 : memref<1x3328xf32, #tpu.memory_space<vmem>> -> memref<3328xf32, #tpu.memory_space<vmem>>
    %dma_start3A_27 = tpu.memref_slice %arg4[%mul3A_22] : memref<320000xf32, #tpu.memory_space<hbm>> -> memref<3328xf32, #tpu.memory_space<hbm>>
    %dma_start3A_28 = arith.constant 0 : i32
    %dma_start3A_29 = tpu.memref_slice %arg8[%dma_start3A_23, %dma_start3A_28] : memref<2x3328xf32, #tpu.memory_space<vmem>> -> memref<1x3328xf32, #tpu.memory_space<vmem>>
    %dma_start3A_30 = tpu.memref_squeeze %dma_start3A_29 : memref<1x3328xf32, #tpu.memory_space<vmem>> -> memref<3328xf32, #tpu.memory_space<vmem>>
    %dma_start3A_31 = tpu.memref_slice %arg4[%mul3A_22] : memref<320000xf32, #tpu.memory_space<hbm>> -> memref<3328xf32, #tpu.memory_space<hbm>>
    tpu.enqueue_dma source(%dma_start3A_31 : memref<3328xf32, #tpu.memory_space<hbm>>) target(%dma_start3A_30 : memref<3328xf32, #tpu.memory_space<vmem>>) target_semaphore(%arg11 : memref<!tpu.dma_semaphore, #tpu.memory_space<semaphore_mem>>)
    %mul3A_32 = arith.constant 78 : i32
    %mul3A_33 = arith.muli %add3A, %mul3A_32 : i32
    %add3A_34 = arith.constant 26 : i32
    %add3A_35 = arith.addi %mul3A_33, %add3A_34 : i32
    %dma_start3A_36 = arith.constant 1 : i32
    %dma_start3A_37 = arith.constant 0 : i32
    %dma_start3A_38 = arith.constant 0 : i32
    %dma_start3A_39 = arith.constant 0 : i32
    %dma_start3A_40 = tpu.memref_slice %arg7[%dma_start3A_36, %dma_start3A_37, %dma_start3A_38, %dma_start3A_39] : memref<2x26x2x128xi32, #tpu.memory_space<vmem>> -> memref<1x26x2x128xi32, #tpu.memory_space<vmem>>
    %dma_start3A_41 = tpu.memref_squeeze %dma_start3A_40 : memref<1x26x2x128xi32, #tpu.memory_space<vmem>> -> memref<26x2x128xi32, #tpu.memory_space<vmem>>
    %dma_start3A_42 = arith.constant 0 : i32
    %dma_start3A_43 = arith.constant 0 : i32
    %dma_start3A_44 = tpu.memref_slice %arg3[%add3A_35, %dma_start3A_42, %dma_start3A_43] : memref<2500x2x128xi32, #tpu.memory_space<hbm>> -> memref<26x2x128xi32, #tpu.memory_space<hbm>>
    %dma_start3A_45 = arith.constant 0 : i32
    %dma_start3A_46 = arith.constant 0 : i32
    %dma_start3A_47 = arith.constant 0 : i32
    %dma_start3A_48 = tpu.memref_slice %arg7[%dma_start3A_36, %dma_start3A_45, %dma_start3A_46, %dma_start3A_47] : memref<2x26x2x128xi32, #tpu.memory_space<vmem>> -> memref<1x26x2x128xi32, #tpu.memory_space<vmem>>
    %dma_start3A_49 = tpu.memref_squeeze %dma_start3A_48 : memref<1x26x2x128xi32, #tpu.memory_space<vmem>> -> memref<26x2x128xi32, #tpu.memory_space<vmem>>
    %dma_start3A_50 = arith.constant 0 : i32
    %dma_start3A_51 = arith.constant 0 : i32
    %dma_start3A_52 = tpu.memref_slice %arg3[%add3A_35, %dma_start3A_50, %dma_start3A_51] : memref<2500x2x128xi32, #tpu.memory_space<hbm>> -> memref<26x2x128xi32, #tpu.memory_space<hbm>>
    tpu.enqueue_dma source(%dma_start3A_52 : memref<26x2x128xi32, #tpu.memory_space<hbm>>) target(%dma_start3A_49 : memref<26x2x128xi32, #tpu.memory_space<vmem>>) target_semaphore(%arg12 : memref<!tpu.dma_semaphore, #tpu.memory_space<semaphore_mem>>)
    %mul3A_53 = arith.constant 128 : i32
    %mul3A_54 = arith.muli %add3A_35, %mul3A_53 : i32
    %dma_start3A_55 = arith.constant 1 : i32
    %dma_start3A_56 = arith.constant 0 : i32
    %dma_start3A_57 = tpu.memref_slice %arg8[%dma_start3A_55, %dma_start3A_56] : memref<2x3328xf32, #tpu.memory_space<vmem>> -> memref<1x3328xf32, #tpu.memory_space<vmem>>
    %dma_start3A_58 = tpu.memref_squeeze %dma_start3A_57 : memref<1x3328xf32, #tpu.memory_space<vmem>> -> memref<3328xf32, #tpu.memory_space<vmem>>
    %dma_start3A_59 = tpu.memref_slice %arg4[%mul3A_54] : memref<320000xf32, #tpu.memory_space<hbm>> -> memref<3328xf32, #tpu.memory_space<hbm>>
    %dma_start3A_60 = arith.constant 0 : i32
    %dma_start3A_61 = tpu.memref_slice %arg8[%dma_start3A_55, %dma_start3A_60] : memref<2x3328xf32, #tpu.memory_space<vmem>> -> memref<1x3328xf32, #tpu.memory_space<vmem>>
    %dma_start3A_62 = tpu.memref_squeeze %dma_start3A_61 : memref<1x3328xf32, #tpu.memory_space<vmem>> -> memref<3328xf32, #tpu.memory_space<vmem>>
    %dma_start3A_63 = tpu.memref_slice %arg4[%mul3A_54] : memref<320000xf32, #tpu.memory_space<hbm>> -> memref<3328xf32, #tpu.memory_space<hbm>>
    tpu.enqueue_dma source(%dma_start3A_63 : memref<3328xf32, #tpu.memory_space<hbm>>) target(%dma_start3A_62 : memref<3328xf32, #tpu.memory_space<vmem>>) target_semaphore(%arg12 : memref<!tpu.dma_semaphore, #tpu.memory_space<semaphore_mem>>)
    tpu.wait_dma2 semaphore(%arg10 : memref<!tpu.dma_semaphore, #tpu.memory_space<semaphore_mem>>) src(%arg2 : memref<80896xf32, #tpu.memory_space<hbm>>) dst(%arg6 : memref<80896xf32, #tpu.memory_space<vmem>>)
    %dma_wait3A = arith.constant 0 : i32
    %dma_wait3A_64 = arith.constant 0 : i32
    %dma_wait3A_65 = arith.constant 0 : i32
    %dma_wait3A_66 = arith.constant 0 : i32
    %dma_wait3A_67 = tpu.memref_slice %arg7[%dma_wait3A, %dma_wait3A_64, %dma_wait3A_65, %dma_wait3A_66] : memref<2x26x2x128xi32, #tpu.memory_space<vmem>> -> memref<1x26x2x128xi32, #tpu.memory_space<vmem>>
    %dma_wait3A_68 = tpu.memref_squeeze %dma_wait3A_67 : memref<1x26x2x128xi32, #tpu.memory_space<vmem>> -> memref<26x2x128xi32, #tpu.memory_space<vmem>>
    %dma_wait3A_69 = arith.constant 0 : i32
    %dma_wait3A_70 = arith.constant 0 : i32
    %dma_wait3A_71 = tpu.memref_slice %arg3[%add3A_4, %dma_wait3A_69, %dma_wait3A_70] : memref<2500x2x128xi32, #tpu.memory_space<hbm>> -> memref<26x2x128xi32, #tpu.memory_space<hbm>>
    %dma_wait3A_72 = arith.constant 0 : i32
    %dma_wait3A_73 = arith.constant 0 : i32
    %dma_wait3A_74 = arith.constant 0 : i32
    %dma_wait3A_75 = tpu.memref_slice %arg7[%dma_wait3A, %dma_wait3A_72, %dma_wait3A_73, %dma_wait3A_74] : memref<2x26x2x128xi32, #tpu.memory_space<vmem>> -> memref<1x26x2x128xi32, #tpu.memory_space<vmem>>
    %dma_wait3A_76 = tpu.memref_squeeze %dma_wait3A_75 : memref<1x26x2x128xi32, #tpu.memory_space<vmem>> -> memref<26x2x128xi32, #tpu.memory_space<vmem>>
    %dma_wait3A_77 = arith.constant 0 : i32
    %dma_wait3A_78 = arith.constant 0 : i32
    %dma_wait3A_79 = tpu.memref_slice %arg3[%add3A_4, %dma_wait3A_77, %dma_wait3A_78] : memref<2500x2x128xi32, #tpu.memory_space<hbm>> -> memref<26x2x128xi32, #tpu.memory_space<hbm>>
    tpu.wait_dma2 semaphore(%arg11 : memref<!tpu.dma_semaphore, #tpu.memory_space<semaphore_mem>>) src(%dma_wait3A_79 : memref<26x2x128xi32, #tpu.memory_space<hbm>>) dst(%dma_wait3A_76 : memref<26x2x128xi32, #tpu.memory_space<vmem>>)
    %dma_wait3A_80 = arith.constant 0 : i32
    %dma_wait3A_81 = arith.constant 0 : i32
    %dma_wait3A_82 = tpu.memref_slice %arg8[%dma_wait3A_80, %dma_wait3A_81] : memref<2x3328xf32, #tpu.memory_space<vmem>> -> memref<1x3328xf32, #tpu.memory_space<vmem>>
    %dma_wait3A_83 = tpu.memref_squeeze %dma_wait3A_82 : memref<1x3328xf32, #tpu.memory_space<vmem>> -> memref<3328xf32, #tpu.memory_space<vmem>>
    %dma_wait3A_84 = tpu.memref_slice %arg4[%mul3A_22] : memref<320000xf32, #tpu.memory_space<hbm>> -> memref<3328xf32, #tpu.memory_space<hbm>>
    %dma_wait3A_85 = arith.constant 0 : i32
    %dma_wait3A_86 = tpu.memref_slice %arg8[%dma_wait3A_80, %dma_wait3A_85] : memref<2x3328xf32, #tpu.memory_space<vmem>> -> memref<1x3328xf32, #tpu.memory_space<vmem>>
    %dma_wait3A_87 = tpu.memref_squeeze %dma_wait3A_86 : memref<1x3328xf32, #tpu.memory_space<vmem>> -> memref<3328xf32, #tpu.memory_space<vmem>>
    %dma_wait3A_88 = tpu.memref_slice %arg4[%mul3A_22] : memref<320000xf32, #tpu.memory_space<hbm>> -> memref<3328xf32, #tpu.memory_space<hbm>>
    tpu.wait_dma2 semaphore(%arg11 : memref<!tpu.dma_semaphore, #tpu.memory_space<semaphore_mem>>) src(%dma_wait3A_88 : memref<3328xf32, #tpu.memory_space<hbm>>) dst(%dma_wait3A_87 : memref<3328xf32, #tpu.memory_space<vmem>>)
    %parallel_loop3A = arith.constant 0 : i32
    %parallel_loop3A_89 = arith.constant 208 : i32
    %parallel_loop3A_90 = arith.constant 1 : i32
    %parallel_loop3A_91 = arith.constant 0 : i32
    %parallel_loop3A_92 = arith.constant 0 : i32
    %parallel_loop3A_93 = arith.constant 0 : i32
    scf.for %parallel_loop3A_306 = %parallel_loop3A to %parallel_loop3A_89 step %parallel_loop3A_90  : i32 {
      %parallel_loop3A_307 = arith.constant 3 : i32
      %parallel_loop3A_308 = arith.shrsi %parallel_loop3A_306, %parallel_loop3A_307 : i32
      %parallel_loop3A_309 = arith.constant 7 : i32
      %parallel_loop3A_310 = arith.andi %parallel_loop3A_306, %parallel_loop3A_309 : i32
      %parallel_loop3A_311 = arith.constant 16 : i32
      %parallel_loop3A_312 = arith.muli %parallel_loop3A_310, %parallel_loop3A_311 : i32
      %parallel_loop3A_313 = arith.constant 0 : i32
      %parallel_loop3A_314 = arith.constant 0 : i32
      %parallel_loop3A_315 = arith.constant 0 : i32
      %parallel_loop3A_316 = arith.constant 0 : i32
      %parallel_loop3A_317 = tpu.memref_slice %arg7[%parallel_loop3A_91, %parallel_loop3A_314, %parallel_loop3A_315, %parallel_loop3A_316] : memref<2x26x2x128xi32, #tpu.memory_space<vmem>> -> memref<1x26x2x128xi32, #tpu.memory_space<vmem>>
      %parallel_loop3A_318 = tpu.memref_squeeze %parallel_loop3A_317 : memref<1x26x2x128xi32, #tpu.memory_space<vmem>> -> memref<26x2x128xi32, #tpu.memory_space<vmem>>
      %parallel_loop3A_319 = arith.index_cast %parallel_loop3A_308 : i32 to index
      %parallel_loop3A_320 = arith.index_cast %parallel_loop3A_313 : i32 to index
      %parallel_loop3A_321 = arith.index_cast %parallel_loop3A_312 : i32 to index
      %parallel_loop3A_322 = tpu.vector_load %parallel_loop3A_318[%parallel_loop3A_319, %parallel_loop3A_320, %parallel_loop3A_321] {strides = array<i32>} : memref<26x2x128xi32, #tpu.memory_space<vmem>>, vector<16xi32>,
      %parallel_loop3A_323 = arith.constant 1 : i32
      %parallel_loop3A_324 = arith.constant 0 : i32
      %parallel_loop3A_325 = arith.constant 0 : i32
      %parallel_loop3A_326 = arith.constant 0 : i32
      %parallel_loop3A_327 = tpu.memref_slice %arg7[%parallel_loop3A_91, %parallel_loop3A_324, %parallel_loop3A_325, %parallel_loop3A_326] : memref<2x26x2x128xi32, #tpu.memory_space<vmem>> -> memref<1x26x2x128xi32, #tpu.memory_space<vmem>>
      %parallel_loop3A_328 = tpu.memref_squeeze %parallel_loop3A_327 : memref<1x26x2x128xi32, #tpu.memory_space<vmem>> -> memref<26x2x128xi32, #tpu.memory_space<vmem>>
      %parallel_loop3A_329 = arith.index_cast %parallel_loop3A_308 : i32 to index
      %parallel_loop3A_330 = arith.index_cast %parallel_loop3A_323 : i32 to index
      %parallel_loop3A_331 = arith.index_cast %parallel_loop3A_312 : i32 to index
      %parallel_loop3A_332 = tpu.vector_load %parallel_loop3A_328[%parallel_loop3A_329, %parallel_loop3A_330, %parallel_loop3A_331] {strides = array<i32>} : memref<26x2x128xi32, #tpu.memory_space<vmem>>, vector<16xi32>,
      %parallel_loop3A_333 = arith.constant 16 : i32
      %parallel_loop3A_334 = arith.muli %parallel_loop3A_306, %parallel_loop3A_333 : i32
      %parallel_loop3A_335 = arith.constant 0 : i32
      %parallel_loop3A_336 = tpu.memref_slice %arg8[%parallel_loop3A_92, %parallel_loop3A_335] : memref<2x3328xf32, #tpu.memory_space<vmem>> -> memref<1x3328xf32, #tpu.memory_space<vmem>>
      %parallel_loop3A_337 = tpu.memref_squeeze %parallel_loop3A_336 : memref<1x3328xf32, #tpu.memory_space<vmem>> -> memref<3328xf32, #tpu.memory_space<vmem>>
      %parallel_loop3A_338 = arith.index_cast %parallel_loop3A_334 : i32 to index
      %parallel_loop3A_339 = tpu.vector_load %parallel_loop3A_337[%parallel_loop3A_338] {strides = array<i32>} : memref<3328xf32, #tpu.memory_space<vmem>>, vector<16xf32>,
      %parallel_loop3A_340 = arith.cmpi eq, %parallel_loop3A_322, %parallel_loop3A_332 : vector<16xi32>
      %parallel_loop3A_341 = arith.constant 7 : i32
      %parallel_loop3A_342 = vector.broadcast %parallel_loop3A_341 : i32 to vector<16xi32>
      %parallel_loop3A_343 = arith.shrsi %parallel_loop3A_322, %parallel_loop3A_342 : vector<16xi32>
      %parallel_loop3A_344 = arith.constant 10 : i32
      %parallel_loop3A_345 = vector.broadcast %parallel_loop3A_344 : i32 to vector<16xi32>
      %parallel_loop3A_346 = arith.shli %parallel_loop3A_343, %parallel_loop3A_345 : vector<16xi32>
      %parallel_loop3A_347 = arith.constant 127 : i32
      %parallel_loop3A_348 = vector.broadcast %parallel_loop3A_347 : i32 to vector<16xi32>
      %parallel_loop3A_349 = arith.andi %parallel_loop3A_322, %parallel_loop3A_348 : vector<16xi32>
      %parallel_loop3A_350 = arith.ori %parallel_loop3A_346, %parallel_loop3A_349 : vector<16xi32>
      %parallel_loop3A_351 = arith.constant 7 : i32
      %parallel_loop3A_352 = vector.broadcast %parallel_loop3A_351 : i32 to vector<16xi32>
      %parallel_loop3A_353 = arith.shrsi %parallel_loop3A_332, %parallel_loop3A_352 : vector<16xi32>
      %parallel_loop3A_354 = arith.constant 10 : i32
      %parallel_loop3A_355 = vector.broadcast %parallel_loop3A_354 : i32 to vector<16xi32>
      %parallel_loop3A_356 = arith.shli %parallel_loop3A_353, %parallel_loop3A_355 : vector<16xi32>
      %parallel_loop3A_357 = arith.constant 127 : i32
      %parallel_loop3A_358 = vector.broadcast %parallel_loop3A_357 : i32 to vector<16xi32>
      %parallel_loop3A_359 = arith.andi %parallel_loop3A_332, %parallel_loop3A_358 : vector<16xi32>
      %parallel_loop3A_360 = arith.ori %parallel_loop3A_356, %parallel_loop3A_359 : vector<16xi32>
      %parallel_loop3A_361 = arith.constant 0 : i32
      %parallel_loop3A_362 = vector.broadcast %parallel_loop3A_361 : i32 to vector<16xi32>
      %parallel_loop3A_363 = arith.addi %parallel_loop3A_350, %parallel_loop3A_362 : vector<16xi32>
      %parallel_loop3A_364 = tpu.vector_load_idx %arg6[%parallel_loop3A_363] : memref<80896xf32, #tpu.memory_space<vmem>>[vector<16xi32>], vector<16xf32>,
      %parallel_loop3A_365 = arith.constant 512 : i32
      %parallel_loop3A_366 = vector.broadcast %parallel_loop3A_365 : i32 to vector<16xi32>
      %parallel_loop3A_367 = arith.addi %parallel_loop3A_360, %parallel_loop3A_366 : vector<16xi32>
      %parallel_loop3A_368 = tpu.vector_load_idx %arg6[%parallel_loop3A_367] : memref<80896xf32, #tpu.memory_space<vmem>>[vector<16xi32>], vector<16xf32>,
      %parallel_loop3A_369 = arith.addf %parallel_loop3A_364, %parallel_loop3A_368 : vector<16xf32>
      %parallel_loop3A_370 = arith.constant 0.000000e+00 : f32
      %parallel_loop3A_371 = vector.broadcast %parallel_loop3A_370 : f32 to vector<16xf32>
      %parallel_loop3A_372 = arith.subf %parallel_loop3A_371, %parallel_loop3A_369 : vector<16xf32>
      %parallel_loop3A_373 = math.exp %parallel_loop3A_372 : vector<16xf32>
      %parallel_loop3A_374 = arith.constant 1.000000e+00 : f32
      %parallel_loop3A_375 = vector.broadcast %parallel_loop3A_374 : f32 to vector<16xf32>
      %parallel_loop3A_376 = arith.addf %parallel_loop3A_375, %parallel_loop3A_373 : vector<16xf32>
      %parallel_loop3A_377 = arith.constant 1.000000e+00 : f32
      %parallel_loop3A_378 = vector.broadcast %parallel_loop3A_377 : f32 to vector<16xf32>
      %parallel_loop3A_379 = arith.divf %parallel_loop3A_378, %parallel_loop3A_376 : vector<16xf32>
      %parallel_loop3A_380 = arith.mulf %parallel_loop3A_379, %parallel_loop3A_339 : vector<16xf32>
      %parallel_loop3A_381 = arith.constant 1.000000e+00 : f32
      %parallel_loop3A_382 = vector.broadcast %parallel_loop3A_381 : f32 to vector<16xf32>
      %parallel_loop3A_383 = arith.select %parallel_loop3A_340, %parallel_loop3A_382, %parallel_loop3A_380 : vector<16xi1>, vector<16xf32>
      %parallel_loop3A_384 = arith.constant 0 : i32
      %parallel_loop3A_385 = arith.constant 0 : i32
      %parallel_loop3A_386 = arith.constant 0 : i32
      %parallel_loop3A_387 = arith.constant 0 : i32
      %parallel_loop3A_388 = tpu.memref_slice %arg9[%parallel_loop3A_93, %parallel_loop3A_385, %parallel_loop3A_386, %parallel_loop3A_387] : memref<2x26x4x128xf32, #tpu.memory_space<vmem>> -> memref<1x26x4x128xf32, #tpu.memory_space<vmem>>
      %parallel_loop3A_389 = tpu.memref_squeeze %parallel_loop3A_388 : memref<1x26x4x128xf32, #tpu.memory_space<vmem>> -> memref<26x4x128xf32, #tpu.memory_space<vmem>>
      %parallel_loop3A_390 = arith.index_cast %parallel_loop3A_308 : i32 to index
      %parallel_loop3A_391 = arith.index_cast %parallel_loop3A_384 : i32 to index
      %parallel_loop3A_392 = arith.index_cast %parallel_loop3A_312 : i32 to index
      %parallel_loop3A_393 = tpu.vector_load %parallel_loop3A_389[%parallel_loop3A_390, %parallel_loop3A_391, %parallel_loop3A_392] {strides = array<i32>} : memref<26x4x128xf32, #tpu.memory_space<vmem>>, vector<16xf32>,
      tpu.vector_store %parallel_loop3A_389[%parallel_loop3A_390, %parallel_loop3A_391, %parallel_loop3A_392], %parallel_loop3A_383 {strides = array<i32>} : memref<26x4x128xf32, #tpu.memory_space<vmem>>, vector<16xf32>,
      %parallel_loop3A_394 = arith.constant 128 : i32
      %parallel_loop3A_395 = vector.broadcast %parallel_loop3A_394 : i32 to vector<16xi32>
      %parallel_loop3A_396 = arith.addi %parallel_loop3A_350, %parallel_loop3A_395 : vector<16xi32>
      %parallel_loop3A_397 = tpu.vector_load_idx %arg6[%parallel_loop3A_396] : memref<80896xf32, #tpu.memory_space<vmem>>[vector<16xi32>], vector<16xf32>,
      %parallel_loop3A_398 = arith.constant 640 : i32
      %parallel_loop3A_399 = vector.broadcast %parallel_loop3A_398 : i32 to vector<16xi32>
      %parallel_loop3A_400 = arith.addi %parallel_loop3A_360, %parallel_loop3A_399 : vector<16xi32>
      %parallel_loop3A_401 = tpu.vector_load_idx %arg6[%parallel_loop3A_400] : memref<80896xf32, #tpu.memory_space<vmem>>[vector<16xi32>], vector<16xf32>,
      %parallel_loop3A_402 = arith.addf %parallel_loop3A_397, %parallel_loop3A_401 : vector<16xf32>
      %parallel_loop3A_403 = arith.constant 0.000000e+00 : f32
      %parallel_loop3A_404 = vector.broadcast %parallel_loop3A_403 : f32 to vector<16xf32>
      %parallel_loop3A_405 = arith.subf %parallel_loop3A_404, %parallel_loop3A_402 : vector<16xf32>
      %parallel_loop3A_406 = math.exp %parallel_loop3A_405 : vector<16xf32>
      %parallel_loop3A_407 = arith.constant 1.000000e+00 : f32
      %parallel_loop3A_408 = vector.broadcast %parallel_loop3A_407 : f32 to vector<16xf32>
      %parallel_loop3A_409 = arith.addf %parallel_loop3A_408, %parallel_loop3A_406 : vector<16xf32>
      %parallel_loop3A_410 = arith.constant 1.000000e+00 : f32
      %parallel_loop3A_411 = vector.broadcast %parallel_loop3A_410 : f32 to vector<16xf32>
      %parallel_loop3A_412 = arith.divf %parallel_loop3A_411, %parallel_loop3A_409 : vector<16xf32>
      %parallel_loop3A_413 = arith.mulf %parallel_loop3A_412, %parallel_loop3A_339 : vector<16xf32>
      %parallel_loop3A_414 = arith.constant 1.000000e+00 : f32
      %parallel_loop3A_415 = vector.broadcast %parallel_loop3A_414 : f32 to vector<16xf32>
      %parallel_loop3A_416 = arith.select %parallel_loop3A_340, %parallel_loop3A_415, %parallel_loop3A_413 : vector<16xi1>, vector<16xf32>
      %parallel_loop3A_417 = arith.constant 1 : i32
      %parallel_loop3A_418 = arith.constant 0 : i32
      %parallel_loop3A_419 = arith.constant 0 : i32
      %parallel_loop3A_420 = arith.constant 0 : i32
      %parallel_loop3A_421 = tpu.memref_slice %arg9[%parallel_loop3A_93, %parallel_loop3A_418, %parallel_loop3A_419, %parallel_loop3A_420] : memref<2x26x4x128xf32, #tpu.memory_space<vmem>> -> memref<1x26x4x128xf32, #tpu.memory_space<vmem>>
      %parallel_loop3A_422 = tpu.memref_squeeze %parallel_loop3A_421 : memref<1x26x4x128xf32, #tpu.memory_space<vmem>> -> memref<26x4x128xf32, #tpu.memory_space<vmem>>
      %parallel_loop3A_423 = arith.index_cast %parallel_loop3A_308 : i32 to index
      %parallel_loop3A_424 = arith.index_cast %parallel_loop3A_417 : i32 to index
      %parallel_loop3A_425 = arith.index_cast %parallel_loop3A_312 : i32 to index
      %parallel_loop3A_426 = tpu.vector_load %parallel_loop3A_422[%parallel_loop3A_423, %parallel_loop3A_424, %parallel_loop3A_425] {strides = array<i32>} : memref<26x4x128xf32, #tpu.memory_space<vmem>>, vector<16xf32>,
      tpu.vector_store %parallel_loop3A_422[%parallel_loop3A_423, %parallel_loop3A_424, %parallel_loop3A_425], %parallel_loop3A_416 {strides = array<i32>} : memref<26x4x128xf32, #tpu.memory_space<vmem>>, vector<16xf32>,
      %parallel_loop3A_427 = arith.constant 256 : i32
      %parallel_loop3A_428 = vector.broadcast %parallel_loop3A_427 : i32 to vector<16xi32>
      %parallel_loop3A_429 = arith.addi %parallel_loop3A_350, %parallel_loop3A_428 : vector<16xi32>
      %parallel_loop3A_430 = tpu.vector_load_idx %arg6[%parallel_loop3A_429] : memref<80896xf32, #tpu.memory_space<vmem>>[vector<16xi32>], vector<16xf32>,
      %parallel_loop3A_431 = arith.constant 768 : i32
      %parallel_loop3A_432 = vector.broadcast %parallel_loop3A_431 : i32 to vector<16xi32>
      %parallel_loop3A_433 = arith.addi %parallel_loop3A_360, %parallel_loop3A_432 : vector<16xi32>
      %parallel_loop3A_434 = tpu.vector_load_idx %arg6[%parallel_loop3A_433] : memref<80896xf32, #tpu.memory_space<vmem>>[vector<16xi32>], vector<16xf32>,
      %parallel_loop3A_435 = arith.addf %parallel_loop3A_430, %parallel_loop3A_434 : vector<16xf32>
      %parallel_loop3A_436 = arith.constant 0.000000e+00 : f32
      %parallel_loop3A_437 = vector.broadcast %parallel_loop3A_436 : f32 to vector<16xf32>
      %parallel_loop3A_438 = arith.subf %parallel_loop3A_437, %parallel_loop3A_435 : vector<16xf32>
      %parallel_loop3A_439 = math.exp %parallel_loop3A_438 : vector<16xf32>
      %parallel_loop3A_440 = arith.constant 1.000000e+00 : f32
      %parallel_loop3A_441 = vector.broadcast %parallel_loop3A_440 : f32 to vector<16xf32>
      %parallel_loop3A_442 = arith.addf %parallel_loop3A_441, %parallel_loop3A_439 : vector<16xf32>
      %parallel_loop3A_443 = arith.constant 1.000000e+00 : f32
      %parallel_loop3A_444 = vector.broadcast %parallel_loop3A_443 : f32 to vector<16xf32>
      %parallel_loop3A_445 = arith.divf %parallel_loop3A_444, %parallel_loop3A_442 : vector<16xf32>
      %parallel_loop3A_446 = arith.mulf %parallel_loop3A_445, %parallel_loop3A_339 : vector<16xf32>
      %parallel_loop3A_447 = arith.constant 1.000000e+00 : f32
      %parallel_loop3A_448 = vector.broadcast %parallel_loop3A_447 : f32 to vector<16xf32>
      %parallel_loop3A_449 = arith.select %parallel_loop3A_340, %parallel_loop3A_448, %parallel_loop3A_446 : vector<16xi1>, vector<16xf32>
      %parallel_loop3A_450 = arith.constant 2 : i32
      %parallel_loop3A_451 = arith.constant 0 : i32
      %parallel_loop3A_452 = arith.constant 0 : i32
      %parallel_loop3A_453 = arith.constant 0 : i32
      %parallel_loop3A_454 = tpu.memref_slice %arg9[%parallel_loop3A_93, %parallel_loop3A_451, %parallel_loop3A_452, %parallel_loop3A_453] : memref<2x26x4x128xf32, #tpu.memory_space<vmem>> -> memref<1x26x4x128xf32, #tpu.memory_space<vmem>>
      %parallel_loop3A_455 = tpu.memref_squeeze %parallel_loop3A_454 : memref<1x26x4x128xf32, #tpu.memory_space<vmem>> -> memref<26x4x128xf32, #tpu.memory_space<vmem>>
      %parallel_loop3A_456 = arith.index_cast %parallel_loop3A_308 : i32 to index
      %parallel_loop3A_457 = arith.index_cast %parallel_loop3A_450 : i32 to index
      %parallel_loop3A_458 = arith.index_cast %parallel_loop3A_312 : i32 to index
      %parallel_loop3A_459 = tpu.vector_load %parallel_loop3A_455[%parallel_loop3A_456, %parallel_loop3A_457, %parallel_loop3A_458] {strides = array<i32>} : memref<26x4x128xf32, #tpu.memory_space<vmem>>, vector<16xf32>,
      tpu.vector_store %parallel_loop3A_455[%parallel_loop3A_456, %parallel_loop3A_457, %parallel_loop3A_458], %parallel_loop3A_449 {strides = array<i32>} : memref<26x4x128xf32, #tpu.memory_space<vmem>>, vector<16xf32>,
      %parallel_loop3A_460 = arith.constant 384 : i32
      %parallel_loop3A_461 = vector.broadcast %parallel_loop3A_460 : i32 to vector<16xi32>
      %parallel_loop3A_462 = arith.addi %parallel_loop3A_350, %parallel_loop3A_461 : vector<16xi32>
      %parallel_loop3A_463 = tpu.vector_load_idx %arg6[%parallel_loop3A_462] : memref<80896xf32, #tpu.memory_space<vmem>>[vector<16xi32>], vector<16xf32>,
      %parallel_loop3A_464 = arith.constant 896 : i32
      %parallel_loop3A_465 = vector.broadcast %parallel_loop3A_464 : i32 to vector<16xi32>
      %parallel_loop3A_466 = arith.addi %parallel_loop3A_360, %parallel_loop3A_465 : vector<16xi32>
      %parallel_loop3A_467 = tpu.vector_load_idx %arg6[%parallel_loop3A_466] : memref<80896xf32, #tpu.memory_space<vmem>>[vector<16xi32>], vector<16xf32>,
      %parallel_loop3A_468 = arith.addf %parallel_loop3A_463, %parallel_loop3A_467 : vector<16xf32>
      %parallel_loop3A_469 = arith.constant 0.000000e+00 : f32
      %parallel_loop3A_470 = vector.broadcast %parallel_loop3A_469 : f32 to vector<16xf32>
      %parallel_loop3A_471 = arith.subf %parallel_loop3A_470, %parallel_loop3A_468 : vector<16xf32>
      %parallel_loop3A_472 = math.exp %parallel_loop3A_471 : vector<16xf32>
      %parallel_loop3A_473 = arith.constant 1.000000e+00 : f32
      %parallel_loop3A_474 = vector.broadcast %parallel_loop3A_473 : f32 to vector<16xf32>
      %parallel_loop3A_475 = arith.addf %parallel_loop3A_474, %parallel_loop3A_472 : vector<16xf32>
      %parallel_loop3A_476 = arith.constant 1.000000e+00 : f32
      %parallel_loop3A_477 = vector.broadcast %parallel_loop3A_476 : f32 to vector<16xf32>
      %parallel_loop3A_478 = arith.divf %parallel_loop3A_477, %parallel_loop3A_475 : vector<16xf32>
      %parallel_loop3A_479 = arith.mulf %parallel_loop3A_478, %parallel_loop3A_339 : vector<16xf32>
      %parallel_loop3A_480 = arith.constant 1.000000e+00 : f32
      %parallel_loop3A_481 = vector.broadcast %parallel_loop3A_480 : f32 to vector<16xf32>
      %parallel_loop3A_482 = arith.select %parallel_loop3A_340, %parallel_loop3A_481, %parallel_loop3A_479 : vector<16xi1>, vector<16xf32>
      %parallel_loop3A_483 = arith.constant 3 : i32
      %parallel_loop3A_484 = arith.constant 0 : i32
      %parallel_loop3A_485 = arith.constant 0 : i32
      %parallel_loop3A_486 = arith.constant 0 : i32
      %parallel_loop3A_487 = tpu.memref_slice %arg9[%parallel_loop3A_93, %parallel_loop3A_484, %parallel_loop3A_485, %parallel_loop3A_486] : memref<2x26x4x128xf32, #tpu.memory_space<vmem>> -> memref<1x26x4x128xf32, #tpu.memory_space<vmem>>
      %parallel_loop3A_488 = tpu.memref_squeeze %parallel_loop3A_487 : memref<1x26x4x128xf32, #tpu.memory_space<vmem>> -> memref<26x4x128xf32, #tpu.memory_space<vmem>>
      %parallel_loop3A_489 = arith.index_cast %parallel_loop3A_308 : i32 to index
      %parallel_loop3A_490 = arith.index_cast %parallel_loop3A_483 : i32 to index
      %parallel_loop3A_491 = arith.index_cast %parallel_loop3A_312 : i32 to index
      %parallel_loop3A_492 = tpu.vector_load %parallel_loop3A_488[%parallel_loop3A_489, %parallel_loop3A_490, %parallel_loop3A_491] {strides = array<i32>} : memref<26x4x128xf32, #tpu.memory_space<vmem>>, vector<16xf32>,
      tpu.vector_store %parallel_loop3A_488[%parallel_loop3A_489, %parallel_loop3A_490, %parallel_loop3A_491], %parallel_loop3A_482 {strides = array<i32>} : memref<26x4x128xf32, #tpu.memory_space<vmem>>, vector<16xf32>,
    } {sc.loop_unroll_factor = 2 : i64, sc.parallel_access}
    %mul3A_94 = arith.constant 78 : i32
    %mul3A_95 = arith.muli %add3A, %mul3A_94 : i32
    %add3A_96 = arith.constant 0 : i32
    %add3A_97 = arith.addi %mul3A_95, %add3A_96 : i32
    %dma_start3A_98 = arith.constant 0 : i32
    %dma_start3A_99 = arith.constant 0 : i32
    %dma_start3A_100 = arith.constant 0 : i32
    %dma_start3A_101 = arith.constant 0 : i32
    %dma_start3A_102 = tpu.memref_slice %arg9[%dma_start3A_98, %dma_start3A_99, %dma_start3A_100, %dma_start3A_101] : memref<2x26x4x128xf32, #tpu.memory_space<vmem>> -> memref<1x26x4x128xf32, #tpu.memory_space<vmem>>
    %dma_start3A_103 = tpu.memref_squeeze %dma_start3A_102 : memref<1x26x4x128xf32, #tpu.memory_space<vmem>> -> memref<26x4x128xf32, #tpu.memory_space<vmem>>
    %dma_start3A_104 = arith.constant 0 : i32
    %dma_start3A_105 = arith.constant 0 : i32
    %dma_start3A_106 = tpu.memref_slice %arg5[%add3A_97, %dma_start3A_104, %dma_start3A_105] : memref<2500x4x128xf32, #tpu.memory_space<hbm>> -> memref<26x4x128xf32, #tpu.memory_space<hbm>>
    %dma_start3A_107 = arith.constant 0 : i32
    %dma_start3A_108 = arith.constant 0 : i32
    %dma_start3A_109 = tpu.memref_slice %arg5[%add3A_97, %dma_start3A_107, %dma_start3A_108] : memref<2500x4x128xf32, #tpu.memory_space<hbm>> -> memref<26x4x128xf32, #tpu.memory_space<hbm>>
    %dma_start3A_110 = arith.constant 0 : i32
    %dma_start3A_111 = arith.constant 0 : i32
    %dma_start3A_112 = arith.constant 0 : i32
    %dma_start3A_113 = tpu.memref_slice %arg9[%dma_start3A_98, %dma_start3A_110, %dma_start3A_111, %dma_start3A_112] : memref<2x26x4x128xf32, #tpu.memory_space<vmem>> -> memref<1x26x4x128xf32, #tpu.memory_space<vmem>>
    %dma_start3A_114 = tpu.memref_squeeze %dma_start3A_113 : memref<1x26x4x128xf32, #tpu.memory_space<vmem>> -> memref<26x4x128xf32, #tpu.memory_space<vmem>>
    tpu.enqueue_dma source(%dma_start3A_114 : memref<26x4x128xf32, #tpu.memory_space<vmem>>) target(%dma_start3A_109 : memref<26x4x128xf32, #tpu.memory_space<hbm>>) target_semaphore(%arg13 : memref<!tpu.dma_semaphore, #tpu.memory_space<semaphore_mem>>)
    %mul3A_115 = arith.constant 78 : i32
    %mul3A_116 = arith.muli %add3A, %mul3A_115 : i32
    %add3A_117 = arith.constant 52 : i32
    %add3A_118 = arith.addi %mul3A_116, %add3A_117 : i32
    %dma_start3A_119 = arith.constant 0 : i32
    %dma_start3A_120 = arith.constant 0 : i32
    %dma_start3A_121 = arith.constant 0 : i32
    %dma_start3A_122 = arith.constant 0 : i32
    %dma_start3A_123 = tpu.memref_slice %arg7[%dma_start3A_119, %dma_start3A_120, %dma_start3A_121, %dma_start3A_122] : memref<2x26x2x128xi32, #tpu.memory_space<vmem>> -> memref<1x26x2x128xi32, #tpu.memory_space<vmem>>
    %dma_start3A_124 = tpu.memref_squeeze %dma_start3A_123 : memref<1x26x2x128xi32, #tpu.memory_space<vmem>> -> memref<26x2x128xi32, #tpu.memory_space<vmem>>
    %dma_start3A_125 = arith.constant 0 : i32
    %dma_start3A_126 = arith.constant 0 : i32
    %dma_start3A_127 = tpu.memref_slice %arg3[%add3A_118, %dma_start3A_125, %dma_start3A_126] : memref<2500x2x128xi32, #tpu.memory_space<hbm>> -> memref<26x2x128xi32, #tpu.memory_space<hbm>>
    %dma_start3A_128 = arith.constant 0 : i32
    %dma_start3A_129 = arith.constant 0 : i32
    %dma_start3A_130 = arith.constant 0 : i32
    %dma_start3A_131 = tpu.memref_slice %arg7[%dma_start3A_119, %dma_start3A_128, %dma_start3A_129, %dma_start3A_130] : memref<2x26x2x128xi32, #tpu.memory_space<vmem>> -> memref<1x26x2x128xi32, #tpu.memory_space<vmem>>
    %dma_start3A_132 = tpu.memref_squeeze %dma_start3A_131 : memref<1x26x2x128xi32, #tpu.memory_space<vmem>> -> memref<26x2x128xi32, #tpu.memory_space<vmem>>
    %dma_start3A_133 = arith.constant 0 : i32
    %dma_start3A_134 = arith.constant 0 : i32
    %dma_start3A_135 = tpu.memref_slice %arg3[%add3A_118, %dma_start3A_133, %dma_start3A_134] : memref<2500x2x128xi32, #tpu.memory_space<hbm>> -> memref<26x2x128xi32, #tpu.memory_space<hbm>>
    tpu.enqueue_dma source(%dma_start3A_135 : memref<26x2x128xi32, #tpu.memory_space<hbm>>) target(%dma_start3A_132 : memref<26x2x128xi32, #tpu.memory_space<vmem>>) target_semaphore(%arg11 : memref<!tpu.dma_semaphore, #tpu.memory_space<semaphore_mem>>)
    %mul3A_136 = arith.constant 128 : i32
    %mul3A_137 = arith.muli %add3A_118, %mul3A_136 : i32
    %dma_start3A_138 = arith.constant 0 : i32
    %dma_start3A_139 = arith.constant 0 : i32
    %dma_start3A_140 = tpu.memref_slice %arg8[%dma_start3A_138, %dma_start3A_139] : memref<2x3328xf32, #tpu.memory_space<vmem>> -> memref<1x3328xf32, #tpu.memory_space<vmem>>
    %dma_start3A_141 = tpu.memref_squeeze %dma_start3A_140 : memref<1x3328xf32, #tpu.memory_space<vmem>> -> memref<3328xf32, #tpu.memory_space<vmem>>
    %dma_start3A_142 = tpu.memref_slice %arg4[%mul3A_137] : memref<320000xf32, #tpu.memory_space<hbm>> -> memref<3328xf32, #tpu.memory_space<hbm>>
    %dma_start3A_143 = arith.constant 0 : i32
    %dma_start3A_144 = tpu.memref_slice %arg8[%dma_start3A_138, %dma_start3A_143] : memref<2x3328xf32, #tpu.memory_space<vmem>> -> memref<1x3328xf32, #tpu.memory_space<vmem>>
    %dma_start3A_145 = tpu.memref_squeeze %dma_start3A_144 : memref<1x3328xf32, #tpu.memory_space<vmem>> -> memref<3328xf32, #tpu.memory_space<vmem>>
    %dma_start3A_146 = tpu.memref_slice %arg4[%mul3A_137] : memref<320000xf32, #tpu.memory_space<hbm>> -> memref<3328xf32, #tpu.memory_space<hbm>>
    tpu.enqueue_dma source(%dma_start3A_146 : memref<3328xf32, #tpu.memory_space<hbm>>) target(%dma_start3A_145 : memref<3328xf32, #tpu.memory_space<vmem>>) target_semaphore(%arg11 : memref<!tpu.dma_semaphore, #tpu.memory_space<semaphore_mem>>)
    %dma_wait3A_147 = arith.constant 1 : i32
    %dma_wait3A_148 = arith.constant 0 : i32
    %dma_wait3A_149 = arith.constant 0 : i32
    %dma_wait3A_150 = arith.constant 0 : i32
    %dma_wait3A_151 = tpu.memref_slice %arg7[%dma_wait3A_147, %dma_wait3A_148, %dma_wait3A_149, %dma_wait3A_150] : memref<2x26x2x128xi32, #tpu.memory_space<vmem>> -> memref<1x26x2x128xi32, #tpu.memory_space<vmem>>
    %dma_wait3A_152 = tpu.memref_squeeze %dma_wait3A_151 : memref<1x26x2x128xi32, #tpu.memory_space<vmem>> -> memref<26x2x128xi32, #tpu.memory_space<vmem>>
    %dma_wait3A_153 = arith.constant 0 : i32
    %dma_wait3A_154 = arith.constant 0 : i32
    %dma_wait3A_155 = tpu.memref_slice %arg3[%add3A_35, %dma_wait3A_153, %dma_wait3A_154] : memref<2500x2x128xi32, #tpu.memory_space<hbm>> -> memref<26x2x128xi32, #tpu.memory_space<hbm>>
    %dma_wait3A_156 = arith.constant 0 : i32
    %dma_wait3A_157 = arith.constant 0 : i32
    %dma_wait3A_158 = arith.constant 0 : i32
    %dma_wait3A_159 = tpu.memref_slice %arg7[%dma_wait3A_147, %dma_wait3A_156, %dma_wait3A_157, %dma_wait3A_158] : memref<2x26x2x128xi32, #tpu.memory_space<vmem>> -> memref<1x26x2x128xi32, #tpu.memory_space<vmem>>
    %dma_wait3A_160 = tpu.memref_squeeze %dma_wait3A_159 : memref<1x26x2x128xi32, #tpu.memory_space<vmem>> -> memref<26x2x128xi32, #tpu.memory_space<vmem>>
    %dma_wait3A_161 = arith.constant 0 : i32
    %dma_wait3A_162 = arith.constant 0 : i32
    %dma_wait3A_163 = tpu.memref_slice %arg3[%add3A_35, %dma_wait3A_161, %dma_wait3A_162] : memref<2500x2x128xi32, #tpu.memory_space<hbm>> -> memref<26x2x128xi32, #tpu.memory_space<hbm>>
    tpu.wait_dma2 semaphore(%arg12 : memref<!tpu.dma_semaphore, #tpu.memory_space<semaphore_mem>>) src(%dma_wait3A_163 : memref<26x2x128xi32, #tpu.memory_space<hbm>>) dst(%dma_wait3A_160 : memref<26x2x128xi32, #tpu.memory_space<vmem>>)
    %dma_wait3A_164 = arith.constant 1 : i32
    %dma_wait3A_165 = arith.constant 0 : i32
    %dma_wait3A_166 = tpu.memref_slice %arg8[%dma_wait3A_164, %dma_wait3A_165] : memref<2x3328xf32, #tpu.memory_space<vmem>> -> memref<1x3328xf32, #tpu.memory_space<vmem>>
    %dma_wait3A_167 = tpu.memref_squeeze %dma_wait3A_166 : memref<1x3328xf32, #tpu.memory_space<vmem>> -> memref<3328xf32, #tpu.memory_space<vmem>>
    %dma_wait3A_168 = tpu.memref_slice %arg4[%mul3A_54] : memref<320000xf32, #tpu.memory_space<hbm>> -> memref<3328xf32, #tpu.memory_space<hbm>>
    %dma_wait3A_169 = arith.constant 0 : i32
    %dma_wait3A_170 = tpu.memref_slice %arg8[%dma_wait3A_164, %dma_wait3A_169] : memref<2x3328xf32, #tpu.memory_space<vmem>> -> memref<1x3328xf32, #tpu.memory_space<vmem>>
    %dma_wait3A_171 = tpu.memref_squeeze %dma_wait3A_170 : memref<1x3328xf32, #tpu.memory_space<vmem>> -> memref<3328xf32, #tpu.memory_space<vmem>>
    %dma_wait3A_172 = tpu.memref_slice %arg4[%mul3A_54] : memref<320000xf32, #tpu.memory_space<hbm>> -> memref<3328xf32, #tpu.memory_space<hbm>>
    tpu.wait_dma2 semaphore(%arg12 : memref<!tpu.dma_semaphore, #tpu.memory_space<semaphore_mem>>) src(%dma_wait3A_172 : memref<3328xf32, #tpu.memory_space<hbm>>) dst(%dma_wait3A_171 : memref<3328xf32, #tpu.memory_space<vmem>>)
    %parallel_loop3A_173 = arith.constant 0 : i32
    %parallel_loop3A_174 = arith.constant 208 : i32
    %parallel_loop3A_175 = arith.constant 1 : i32
    %parallel_loop3A_176 = arith.constant 1 : i32
    %parallel_loop3A_177 = arith.constant 1 : i32
    %parallel_loop3A_178 = arith.constant 1 : i32
    scf.for %parallel_loop3A_306 = %parallel_loop3A_173 to %parallel_loop3A_174 step %parallel_loop3A_175  : i32 {
      %parallel_loop3A_307 = arith.constant 3 : i32
      %parallel_loop3A_308 = arith.shrsi %parallel_loop3A_306, %parallel_loop3A_307 : i32
      %parallel_loop3A_309 = arith.constant 7 : i32
      %parallel_loop3A_310 = arith.andi %parallel_loop3A_306, %parallel_loop3A_309 : i32
      %parallel_loop3A_311 = arith.constant 16 : i32
      %parallel_loop3A_312 = arith.muli %parallel_loop3A_310, %parallel_loop3A_311 : i32
      %parallel_loop3A_313 = arith.constant 0 : i32
      %parallel_loop3A_314 = arith.constant 0 : i32
      %parallel_loop3A_315 = arith.constant 0 : i32
      %parallel_loop3A_316 = arith.constant 0 : i32
      %parallel_loop3A_317 = tpu.memref_slice %arg7[%parallel_loop3A_176, %parallel_loop3A_314, %parallel_loop3A_315, %parallel_loop3A_316] : memref<2x26x2x128xi32, #tpu.memory_space<vmem>> -> memref<1x26x2x128xi32, #tpu.memory_space<vmem>>
      %parallel_loop3A_318 = tpu.memref_squeeze %parallel_loop3A_317 : memref<1x26x2x128xi32, #tpu.memory_space<vmem>> -> memref<26x2x128xi32, #tpu.memory_space<vmem>>
      %parallel_loop3A_319 = arith.index_cast %parallel_loop3A_308 : i32 to index
      %parallel_loop3A_320 = arith.index_cast %parallel_loop3A_313 : i32 to index
      %parallel_loop3A_321 = arith.index_cast %parallel_loop3A_312 : i32 to index
      %parallel_loop3A_322 = tpu.vector_load %parallel_loop3A_318[%parallel_loop3A_319, %parallel_loop3A_320, %parallel_loop3A_321] {strides = array<i32>} : memref<26x2x128xi32, #tpu.memory_space<vmem>>, vector<16xi32>,
      %parallel_loop3A_323 = arith.constant 1 : i32
      %parallel_loop3A_324 = arith.constant 0 : i32
      %parallel_loop3A_325 = arith.constant 0 : i32
      %parallel_loop3A_326 = arith.constant 0 : i32
      %parallel_loop3A_327 = tpu.memref_slice %arg7[%parallel_loop3A_176, %parallel_loop3A_324, %parallel_loop3A_325, %parallel_loop3A_326] : memref<2x26x2x128xi32, #tpu.memory_space<vmem>> -> memref<1x26x2x128xi32, #tpu.memory_space<vmem>>
      %parallel_loop3A_328 = tpu.memref_squeeze %parallel_loop3A_327 : memref<1x26x2x128xi32, #tpu.memory_space<vmem>> -> memref<26x2x128xi32, #tpu.memory_space<vmem>>
      %parallel_loop3A_329 = arith.index_cast %parallel_loop3A_308 : i32 to index
      %parallel_loop3A_330 = arith.index_cast %parallel_loop3A_323 : i32 to index
      %parallel_loop3A_331 = arith.index_cast %parallel_loop3A_312 : i32 to index
      %parallel_loop3A_332 = tpu.vector_load %parallel_loop3A_328[%parallel_loop3A_329, %parallel_loop3A_330, %parallel_loop3A_331] {strides = array<i32>} : memref<26x2x128xi32, #tpu.memory_space<vmem>>, vector<16xi32>,
      %parallel_loop3A_333 = arith.constant 16 : i32
      %parallel_loop3A_334 = arith.muli %parallel_loop3A_306, %parallel_loop3A_333 : i32
      %parallel_loop3A_335 = arith.constant 0 : i32
      %parallel_loop3A_336 = tpu.memref_slice %arg8[%parallel_loop3A_177, %parallel_loop3A_335] : memref<2x3328xf32, #tpu.memory_space<vmem>> -> memref<1x3328xf32, #tpu.memory_space<vmem>>
      %parallel_loop3A_337 = tpu.memref_squeeze %parallel_loop3A_336 : memref<1x3328xf32, #tpu.memory_space<vmem>> -> memref<3328xf32, #tpu.memory_space<vmem>>
      %parallel_loop3A_338 = arith.index_cast %parallel_loop3A_334 : i32 to index
      %parallel_loop3A_339 = tpu.vector_load %parallel_loop3A_337[%parallel_loop3A_338] {strides = array<i32>} : memref<3328xf32, #tpu.memory_space<vmem>>, vector<16xf32>,
      %parallel_loop3A_340 = arith.cmpi eq, %parallel_loop3A_322, %parallel_loop3A_332 : vector<16xi32>
      %parallel_loop3A_341 = arith.constant 7 : i32
      %parallel_loop3A_342 = vector.broadcast %parallel_loop3A_341 : i32 to vector<16xi32>
      %parallel_loop3A_343 = arith.shrsi %parallel_loop3A_322, %parallel_loop3A_342 : vector<16xi32>
      %parallel_loop3A_344 = arith.constant 10 : i32
      %parallel_loop3A_345 = vector.broadcast %parallel_loop3A_344 : i32 to vector<16xi32>
      %parallel_loop3A_346 = arith.shli %parallel_loop3A_343, %parallel_loop3A_345 : vector<16xi32>
      %parallel_loop3A_347 = arith.constant 127 : i32
      %parallel_loop3A_348 = vector.broadcast %parallel_loop3A_347 : i32 to vector<16xi32>
      %parallel_loop3A_349 = arith.andi %parallel_loop3A_322, %parallel_loop3A_348 : vector<16xi32>
      %parallel_loop3A_350 = arith.ori %parallel_loop3A_346, %parallel_loop3A_349 : vector<16xi32>
      %parallel_loop3A_351 = arith.constant 7 : i32
      %parallel_loop3A_352 = vector.broadcast %parallel_loop3A_351 : i32 to vector<16xi32>
      %parallel_loop3A_353 = arith.shrsi %parallel_loop3A_332, %parallel_loop3A_352 : vector<16xi32>
      %parallel_loop3A_354 = arith.constant 10 : i32
      %parallel_loop3A_355 = vector.broadcast %parallel_loop3A_354 : i32 to vector<16xi32>
      %parallel_loop3A_356 = arith.shli %parallel_loop3A_353, %parallel_loop3A_355 : vector<16xi32>
      %parallel_loop3A_357 = arith.constant 127 : i32
      %parallel_loop3A_358 = vector.broadcast %parallel_loop3A_357 : i32 to vector<16xi32>
      %parallel_loop3A_359 = arith.andi %parallel_loop3A_332, %parallel_loop3A_358 : vector<16xi32>
      %parallel_loop3A_360 = arith.ori %parallel_loop3A_356, %parallel_loop3A_359 : vector<16xi32>
      %parallel_loop3A_361 = arith.constant 0 : i32
      %parallel_loop3A_362 = vector.broadcast %parallel_loop3A_361 : i32 to vector<16xi32>
      %parallel_loop3A_363 = arith.addi %parallel_loop3A_350, %parallel_loop3A_362 : vector<16xi32>
      %parallel_loop3A_364 = tpu.vector_load_idx %arg6[%parallel_loop3A_363] : memref<80896xf32, #tpu.memory_space<vmem>>[vector<16xi32>], vector<16xf32>,
      %parallel_loop3A_365 = arith.constant 512 : i32
      %parallel_loop3A_366 = vector.broadcast %parallel_loop3A_365 : i32 to vector<16xi32>
      %parallel_loop3A_367 = arith.addi %parallel_loop3A_360, %parallel_loop3A_366 : vector<16xi32>
      %parallel_loop3A_368 = tpu.vector_load_idx %arg6[%parallel_loop3A_367] : memref<80896xf32, #tpu.memory_space<vmem>>[vector<16xi32>], vector<16xf32>,
      %parallel_loop3A_369 = arith.addf %parallel_loop3A_364, %parallel_loop3A_368 : vector<16xf32>
      %parallel_loop3A_370 = arith.constant 0.000000e+00 : f32
      %parallel_loop3A_371 = vector.broadcast %parallel_loop3A_370 : f32 to vector<16xf32>
      %parallel_loop3A_372 = arith.subf %parallel_loop3A_371, %parallel_loop3A_369 : vector<16xf32>
      %parallel_loop3A_373 = math.exp %parallel_loop3A_372 : vector<16xf32>
      %parallel_loop3A_374 = arith.constant 1.000000e+00 : f32
      %parallel_loop3A_375 = vector.broadcast %parallel_loop3A_374 : f32 to vector<16xf32>
      %parallel_loop3A_376 = arith.addf %parallel_loop3A_375, %parallel_loop3A_373 : vector<16xf32>
      %parallel_loop3A_377 = arith.constant 1.000000e+00 : f32
      %parallel_loop3A_378 = vector.broadcast %parallel_loop3A_377 : f32 to vector<16xf32>
      %parallel_loop3A_379 = arith.divf %parallel_loop3A_378, %parallel_loop3A_376 : vector<16xf32>
      %parallel_loop3A_380 = arith.mulf %parallel_loop3A_379, %parallel_loop3A_339 : vector<16xf32>
      %parallel_loop3A_381 = arith.constant 1.000000e+00 : f32
      %parallel_loop3A_382 = vector.broadcast %parallel_loop3A_381 : f32 to vector<16xf32>
      %parallel_loop3A_383 = arith.select %parallel_loop3A_340, %parallel_loop3A_382, %parallel_loop3A_380 : vector<16xi1>, vector<16xf32>
      %parallel_loop3A_384 = arith.constant 0 : i32
      %parallel_loop3A_385 = arith.constant 0 : i32
      %parallel_loop3A_386 = arith.constant 0 : i32
      %parallel_loop3A_387 = arith.constant 0 : i32
      %parallel_loop3A_388 = tpu.memref_slice %arg9[%parallel_loop3A_178, %parallel_loop3A_385, %parallel_loop3A_386, %parallel_loop3A_387] : memref<2x26x4x128xf32, #tpu.memory_space<vmem>> -> memref<1x26x4x128xf32, #tpu.memory_space<vmem>>
      %parallel_loop3A_389 = tpu.memref_squeeze %parallel_loop3A_388 : memref<1x26x4x128xf32, #tpu.memory_space<vmem>> -> memref<26x4x128xf32, #tpu.memory_space<vmem>>
      %parallel_loop3A_390 = arith.index_cast %parallel_loop3A_308 : i32 to index
      %parallel_loop3A_391 = arith.index_cast %parallel_loop3A_384 : i32 to index
      %parallel_loop3A_392 = arith.index_cast %parallel_loop3A_312 : i32 to index
      %parallel_loop3A_393 = tpu.vector_load %parallel_loop3A_389[%parallel_loop3A_390, %parallel_loop3A_391, %parallel_loop3A_392] {strides = array<i32>} : memref<26x4x128xf32, #tpu.memory_space<vmem>>, vector<16xf32>,
      tpu.vector_store %parallel_loop3A_389[%parallel_loop3A_390, %parallel_loop3A_391, %parallel_loop3A_392], %parallel_loop3A_383 {strides = array<i32>} : memref<26x4x128xf32, #tpu.memory_space<vmem>>, vector<16xf32>,
      %parallel_loop3A_394 = arith.constant 128 : i32
      %parallel_loop3A_395 = vector.broadcast %parallel_loop3A_394 : i32 to vector<16xi32>
      %parallel_loop3A_396 = arith.addi %parallel_loop3A_350, %parallel_loop3A_395 : vector<16xi32>
      %parallel_loop3A_397 = tpu.vector_load_idx %arg6[%parallel_loop3A_396] : memref<80896xf32, #tpu.memory_space<vmem>>[vector<16xi32>], vector<16xf32>,
      %parallel_loop3A_398 = arith.constant 640 : i32
      %parallel_loop3A_399 = vector.broadcast %parallel_loop3A_398 : i32 to vector<16xi32>
      %parallel_loop3A_400 = arith.addi %parallel_loop3A_360, %parallel_loop3A_399 : vector<16xi32>
      %parallel_loop3A_401 = tpu.vector_load_idx %arg6[%parallel_loop3A_400] : memref<80896xf32, #tpu.memory_space<vmem>>[vector<16xi32>], vector<16xf32>,
      %parallel_loop3A_402 = arith.addf %parallel_loop3A_397, %parallel_loop3A_401 : vector<16xf32>
      %parallel_loop3A_403 = arith.constant 0.000000e+00 : f32
      %parallel_loop3A_404 = vector.broadcast %parallel_loop3A_403 : f32 to vector<16xf32>
      %parallel_loop3A_405 = arith.subf %parallel_loop3A_404, %parallel_loop3A_402 : vector<16xf32>
      %parallel_loop3A_406 = math.exp %parallel_loop3A_405 : vector<16xf32>
      %parallel_loop3A_407 = arith.constant 1.000000e+00 : f32
      %parallel_loop3A_408 = vector.broadcast %parallel_loop3A_407 : f32 to vector<16xf32>
      %parallel_loop3A_409 = arith.addf %parallel_loop3A_408, %parallel_loop3A_406 : vector<16xf32>
      %parallel_loop3A_410 = arith.constant 1.000000e+00 : f32
      %parallel_loop3A_411 = vector.broadcast %parallel_loop3A_410 : f32 to vector<16xf32>
      %parallel_loop3A_412 = arith.divf %parallel_loop3A_411, %parallel_loop3A_409 : vector<16xf32>
      %parallel_loop3A_413 = arith.mulf %parallel_loop3A_412, %parallel_loop3A_339 : vector<16xf32>
      %parallel_loop3A_414 = arith.constant 1.000000e+00 : f32
      %parallel_loop3A_415 = vector.broadcast %parallel_loop3A_414 : f32 to vector<16xf32>
      %parallel_loop3A_416 = arith.select %parallel_loop3A_340, %parallel_loop3A_415, %parallel_loop3A_413 : vector<16xi1>, vector<16xf32>
      %parallel_loop3A_417 = arith.constant 1 : i32
      %parallel_loop3A_418 = arith.constant 0 : i32
      %parallel_loop3A_419 = arith.constant 0 : i32
      %parallel_loop3A_420 = arith.constant 0 : i32
      %parallel_loop3A_421 = tpu.memref_slice %arg9[%parallel_loop3A_178, %parallel_loop3A_418, %parallel_loop3A_419, %parallel_loop3A_420] : memref<2x26x4x128xf32, #tpu.memory_space<vmem>> -> memref<1x26x4x128xf32, #tpu.memory_space<vmem>>
      %parallel_loop3A_422 = tpu.memref_squeeze %parallel_loop3A_421 : memref<1x26x4x128xf32, #tpu.memory_space<vmem>> -> memref<26x4x128xf32, #tpu.memory_space<vmem>>
      %parallel_loop3A_423 = arith.index_cast %parallel_loop3A_308 : i32 to index
      %parallel_loop3A_424 = arith.index_cast %parallel_loop3A_417 : i32 to index
      %parallel_loop3A_425 = arith.index_cast %parallel_loop3A_312 : i32 to index
      %parallel_loop3A_426 = tpu.vector_load %parallel_loop3A_422[%parallel_loop3A_423, %parallel_loop3A_424, %parallel_loop3A_425] {strides = array<i32>} : memref<26x4x128xf32, #tpu.memory_space<vmem>>, vector<16xf32>,
      tpu.vector_store %parallel_loop3A_422[%parallel_loop3A_423, %parallel_loop3A_424, %parallel_loop3A_425], %parallel_loop3A_416 {strides = array<i32>} : memref<26x4x128xf32, #tpu.memory_space<vmem>>, vector<16xf32>,
      %parallel_loop3A_427 = arith.constant 256 : i32
      %parallel_loop3A_428 = vector.broadcast %parallel_loop3A_427 : i32 to vector<16xi32>
      %parallel_loop3A_429 = arith.addi %parallel_loop3A_350, %parallel_loop3A_428 : vector<16xi32>
      %parallel_loop3A_430 = tpu.vector_load_idx %arg6[%parallel_loop3A_429] : memref<80896xf32, #tpu.memory_space<vmem>>[vector<16xi32>], vector<16xf32>,
      %parallel_loop3A_431 = arith.constant 768 : i32
      %parallel_loop3A_432 = vector.broadcast %parallel_loop3A_431 : i32 to vector<16xi32>
      %parallel_loop3A_433 = arith.addi %parallel_loop3A_360, %parallel_loop3A_432 : vector<16xi32>
      %parallel_loop3A_434 = tpu.vector_load_idx %arg6[%parallel_loop3A_433] : memref<80896xf32, #tpu.memory_space<vmem>>[vector<16xi32>], vector<16xf32>,
      %parallel_loop3A_435 = arith.addf %parallel_loop3A_430, %parallel_loop3A_434 : vector<16xf32>
      %parallel_loop3A_436 = arith.constant 0.000000e+00 : f32
      %parallel_loop3A_437 = vector.broadcast %parallel_loop3A_436 : f32 to vector<16xf32>
      %parallel_loop3A_438 = arith.subf %parallel_loop3A_437, %parallel_loop3A_435 : vector<16xf32>
      %parallel_loop3A_439 = math.exp %parallel_loop3A_438 : vector<16xf32>
      %parallel_loop3A_440 = arith.constant 1.000000e+00 : f32
      %parallel_loop3A_441 = vector.broadcast %parallel_loop3A_440 : f32 to vector<16xf32>
      %parallel_loop3A_442 = arith.addf %parallel_loop3A_441, %parallel_loop3A_439 : vector<16xf32>
      %parallel_loop3A_443 = arith.constant 1.000000e+00 : f32
      %parallel_loop3A_444 = vector.broadcast %parallel_loop3A_443 : f32 to vector<16xf32>
      %parallel_loop3A_445 = arith.divf %parallel_loop3A_444, %parallel_loop3A_442 : vector<16xf32>
      %parallel_loop3A_446 = arith.mulf %parallel_loop3A_445, %parallel_loop3A_339 : vector<16xf32>
      %parallel_loop3A_447 = arith.constant 1.000000e+00 : f32
      %parallel_loop3A_448 = vector.broadcast %parallel_loop3A_447 : f32 to vector<16xf32>
      %parallel_loop3A_449 = arith.select %parallel_loop3A_340, %parallel_loop3A_448, %parallel_loop3A_446 : vector<16xi1>, vector<16xf32>
      %parallel_loop3A_450 = arith.constant 2 : i32
      %parallel_loop3A_451 = arith.constant 0 : i32
      %parallel_loop3A_452 = arith.constant 0 : i32
      %parallel_loop3A_453 = arith.constant 0 : i32
      %parallel_loop3A_454 = tpu.memref_slice %arg9[%parallel_loop3A_178, %parallel_loop3A_451, %parallel_loop3A_452, %parallel_loop3A_453] : memref<2x26x4x128xf32, #tpu.memory_space<vmem>> -> memref<1x26x4x128xf32, #tpu.memory_space<vmem>>
      %parallel_loop3A_455 = tpu.memref_squeeze %parallel_loop3A_454 : memref<1x26x4x128xf32, #tpu.memory_space<vmem>> -> memref<26x4x128xf32, #tpu.memory_space<vmem>>
      %parallel_loop3A_456 = arith.index_cast %parallel_loop3A_308 : i32 to index
      %parallel_loop3A_457 = arith.index_cast %parallel_loop3A_450 : i32 to index
      %parallel_loop3A_458 = arith.index_cast %parallel_loop3A_312 : i32 to index
      %parallel_loop3A_459 = tpu.vector_load %parallel_loop3A_455[%parallel_loop3A_456, %parallel_loop3A_457, %parallel_loop3A_458] {strides = array<i32>} : memref<26x4x128xf32, #tpu.memory_space<vmem>>, vector<16xf32>,
      tpu.vector_store %parallel_loop3A_455[%parallel_loop3A_456, %parallel_loop3A_457, %parallel_loop3A_458], %parallel_loop3A_449 {strides = array<i32>} : memref<26x4x128xf32, #tpu.memory_space<vmem>>, vector<16xf32>,
      %parallel_loop3A_460 = arith.constant 384 : i32
      %parallel_loop3A_461 = vector.broadcast %parallel_loop3A_460 : i32 to vector<16xi32>
      %parallel_loop3A_462 = arith.addi %parallel_loop3A_350, %parallel_loop3A_461 : vector<16xi32>
      %parallel_loop3A_463 = tpu.vector_load_idx %arg6[%parallel_loop3A_462] : memref<80896xf32, #tpu.memory_space<vmem>>[vector<16xi32>], vector<16xf32>,
      %parallel_loop3A_464 = arith.constant 896 : i32
      %parallel_loop3A_465 = vector.broadcast %parallel_loop3A_464 : i32 to vector<16xi32>
      %parallel_loop3A_466 = arith.addi %parallel_loop3A_360, %parallel_loop3A_465 : vector<16xi32>
      %parallel_loop3A_467 = tpu.vector_load_idx %arg6[%parallel_loop3A_466] : memref<80896xf32, #tpu.memory_space<vmem>>[vector<16xi32>], vector<16xf32>,
      %parallel_loop3A_468 = arith.addf %parallel_loop3A_463, %parallel_loop3A_467 : vector<16xf32>
      %parallel_loop3A_469 = arith.constant 0.000000e+00 : f32
      %parallel_loop3A_470 = vector.broadcast %parallel_loop3A_469 : f32 to vector<16xf32>
      %parallel_loop3A_471 = arith.subf %parallel_loop3A_470, %parallel_loop3A_468 : vector<16xf32>
      %parallel_loop3A_472 = math.exp %parallel_loop3A_471 : vector<16xf32>
      %parallel_loop3A_473 = arith.constant 1.000000e+00 : f32
      %parallel_loop3A_474 = vector.broadcast %parallel_loop3A_473 : f32 to vector<16xf32>
      %parallel_loop3A_475 = arith.addf %parallel_loop3A_474, %parallel_loop3A_472 : vector<16xf32>
      %parallel_loop3A_476 = arith.constant 1.000000e+00 : f32
      %parallel_loop3A_477 = vector.broadcast %parallel_loop3A_476 : f32 to vector<16xf32>
      %parallel_loop3A_478 = arith.divf %parallel_loop3A_477, %parallel_loop3A_475 : vector<16xf32>
      %parallel_loop3A_479 = arith.mulf %parallel_loop3A_478, %parallel_loop3A_339 : vector<16xf32>
      %parallel_loop3A_480 = arith.constant 1.000000e+00 : f32
      %parallel_loop3A_481 = vector.broadcast %parallel_loop3A_480 : f32 to vector<16xf32>
      %parallel_loop3A_482 = arith.select %parallel_loop3A_340, %parallel_loop3A_481, %parallel_loop3A_479 : vector<16xi1>, vector<16xf32>
      %parallel_loop3A_483 = arith.constant 3 : i32
      %parallel_loop3A_484 = arith.constant 0 : i32
      %parallel_loop3A_485 = arith.constant 0 : i32
      %parallel_loop3A_486 = arith.constant 0 : i32
      %parallel_loop3A_487 = tpu.memref_slice %arg9[%parallel_loop3A_178, %parallel_loop3A_484, %parallel_loop3A_485, %parallel_loop3A_486] : memref<2x26x4x128xf32, #tpu.memory_space<vmem>> -> memref<1x26x4x128xf32, #tpu.memory_space<vmem>>
      %parallel_loop3A_488 = tpu.memref_squeeze %parallel_loop3A_487 : memref<1x26x4x128xf32, #tpu.memory_space<vmem>> -> memref<26x4x128xf32, #tpu.memory_space<vmem>>
      %parallel_loop3A_489 = arith.index_cast %parallel_loop3A_308 : i32 to index
      %parallel_loop3A_490 = arith.index_cast %parallel_loop3A_483 : i32 to index
      %parallel_loop3A_491 = arith.index_cast %parallel_loop3A_312 : i32 to index
      %parallel_loop3A_492 = tpu.vector_load %parallel_loop3A_488[%parallel_loop3A_489, %parallel_loop3A_490, %parallel_loop3A_491] {strides = array<i32>} : memref<26x4x128xf32, #tpu.memory_space<vmem>>, vector<16xf32>,
      tpu.vector_store %parallel_loop3A_488[%parallel_loop3A_489, %parallel_loop3A_490, %parallel_loop3A_491], %parallel_loop3A_482 {strides = array<i32>} : memref<26x4x128xf32, #tpu.memory_space<vmem>>, vector<16xf32>,
    } {sc.loop_unroll_factor = 2 : i64, sc.parallel_access}
    %mul3A_179 = arith.constant 78 : i32
    %mul3A_180 = arith.muli %add3A, %mul3A_179 : i32
    %add3A_181 = arith.constant 26 : i32
    %add3A_182 = arith.addi %mul3A_180, %add3A_181 : i32
    %dma_start3A_183 = arith.constant 1 : i32
    %dma_start3A_184 = arith.constant 0 : i32
    %dma_start3A_185 = arith.constant 0 : i32
    %dma_start3A_186 = arith.constant 0 : i32
    %dma_start3A_187 = tpu.memref_slice %arg9[%dma_start3A_183, %dma_start3A_184, %dma_start3A_185, %dma_start3A_186] : memref<2x26x4x128xf32, #tpu.memory_space<vmem>> -> memref<1x26x4x128xf32, #tpu.memory_space<vmem>>
    %dma_start3A_188 = tpu.memref_squeeze %dma_start3A_187 : memref<1x26x4x128xf32, #tpu.memory_space<vmem>> -> memref<26x4x128xf32, #tpu.memory_space<vmem>>
    %dma_start3A_189 = arith.constant 0 : i32
    %dma_start3A_190 = arith.constant 0 : i32
    %dma_start3A_191 = tpu.memref_slice %arg5[%add3A_182, %dma_start3A_189, %dma_start3A_190] : memref<2500x4x128xf32, #tpu.memory_space<hbm>> -> memref<26x4x128xf32, #tpu.memory_space<hbm>>
    %dma_start3A_192 = arith.constant 0 : i32
    %dma_start3A_193 = arith.constant 0 : i32
    %dma_start3A_194 = tpu.memref_slice %arg5[%add3A_182, %dma_start3A_192, %dma_start3A_193] : memref<2500x4x128xf32, #tpu.memory_space<hbm>> -> memref<26x4x128xf32, #tpu.memory_space<hbm>>
    %dma_start3A_195 = arith.constant 0 : i32
    %dma_start3A_196 = arith.constant 0 : i32
    %dma_start3A_197 = arith.constant 0 : i32
    %dma_start3A_198 = tpu.memref_slice %arg9[%dma_start3A_183, %dma_start3A_195, %dma_start3A_196, %dma_start3A_197] : memref<2x26x4x128xf32, #tpu.memory_space<vmem>> -> memref<1x26x4x128xf32, #tpu.memory_space<vmem>>
    %dma_start3A_199 = tpu.memref_squeeze %dma_start3A_198 : memref<1x26x4x128xf32, #tpu.memory_space<vmem>> -> memref<26x4x128xf32, #tpu.memory_space<vmem>>
    tpu.enqueue_dma source(%dma_start3A_199 : memref<26x4x128xf32, #tpu.memory_space<vmem>>) target(%dma_start3A_194 : memref<26x4x128xf32, #tpu.memory_space<hbm>>) target_semaphore(%arg14 : memref<!tpu.dma_semaphore, #tpu.memory_space<semaphore_mem>>)
    %dma_wait3A_200 = arith.constant 0 : i32
    %dma_wait3A_201 = arith.constant 0 : i32
    %dma_wait3A_202 = arith.constant 0 : i32
    %dma_wait3A_203 = arith.constant 0 : i32
    %dma_wait3A_204 = tpu.memref_slice %arg7[%dma_wait3A_200, %dma_wait3A_201, %dma_wait3A_202, %dma_wait3A_203] : memref<2x26x2x128xi32, #tpu.memory_space<vmem>> -> memref<1x26x2x128xi32, #tpu.memory_space<vmem>>
    %dma_wait3A_205 = tpu.memref_squeeze %dma_wait3A_204 : memref<1x26x2x128xi32, #tpu.memory_space<vmem>> -> memref<26x2x128xi32, #tpu.memory_space<vmem>>
    %dma_wait3A_206 = arith.constant 0 : i32
    %dma_wait3A_207 = arith.constant 0 : i32
    %dma_wait3A_208 = tpu.memref_slice %arg3[%add3A_118, %dma_wait3A_206, %dma_wait3A_207] : memref<2500x2x128xi32, #tpu.memory_space<hbm>> -> memref<26x2x128xi32, #tpu.memory_space<hbm>>
    %dma_wait3A_209 = arith.constant 0 : i32
    %dma_wait3A_210 = arith.constant 0 : i32
    %dma_wait3A_211 = arith.constant 0 : i32
    %dma_wait3A_212 = tpu.memref_slice %arg7[%dma_wait3A_200, %dma_wait3A_209, %dma_wait3A_210, %dma_wait3A_211] : memref<2x26x2x128xi32, #tpu.memory_space<vmem>> -> memref<1x26x2x128xi32, #tpu.memory_space<vmem>>
    %dma_wait3A_213 = tpu.memref_squeeze %dma_wait3A_212 : memref<1x26x2x128xi32, #tpu.memory_space<vmem>> -> memref<26x2x128xi32, #tpu.memory_space<vmem>>
    %dma_wait3A_214 = arith.constant 0 : i32
    %dma_wait3A_215 = arith.constant 0 : i32
    %dma_wait3A_216 = tpu.memref_slice %arg3[%add3A_118, %dma_wait3A_214, %dma_wait3A_215] : memref<2500x2x128xi32, #tpu.memory_space<hbm>> -> memref<26x2x128xi32, #tpu.memory_space<hbm>>
    tpu.wait_dma2 semaphore(%arg11 : memref<!tpu.dma_semaphore, #tpu.memory_space<semaphore_mem>>) src(%dma_wait3A_216 : memref<26x2x128xi32, #tpu.memory_space<hbm>>) dst(%dma_wait3A_213 : memref<26x2x128xi32, #tpu.memory_space<vmem>>)
    %dma_wait3A_217 = arith.constant 0 : i32
    %dma_wait3A_218 = arith.constant 0 : i32
    %dma_wait3A_219 = tpu.memref_slice %arg8[%dma_wait3A_217, %dma_wait3A_218] : memref<2x3328xf32, #tpu.memory_space<vmem>> -> memref<1x3328xf32, #tpu.memory_space<vmem>>
    %dma_wait3A_220 = tpu.memref_squeeze %dma_wait3A_219 : memref<1x3328xf32, #tpu.memory_space<vmem>> -> memref<3328xf32, #tpu.memory_space<vmem>>
    %dma_wait3A_221 = tpu.memref_slice %arg4[%mul3A_137] : memref<320000xf32, #tpu.memory_space<hbm>> -> memref<3328xf32, #tpu.memory_space<hbm>>
    %dma_wait3A_222 = arith.constant 0 : i32
    %dma_wait3A_223 = tpu.memref_slice %arg8[%dma_wait3A_217, %dma_wait3A_222] : memref<2x3328xf32, #tpu.memory_space<vmem>> -> memref<1x3328xf32, #tpu.memory_space<vmem>>
    %dma_wait3A_224 = tpu.memref_squeeze %dma_wait3A_223 : memref<1x3328xf32, #tpu.memory_space<vmem>> -> memref<3328xf32, #tpu.memory_space<vmem>>
    %dma_wait3A_225 = tpu.memref_slice %arg4[%mul3A_137] : memref<320000xf32, #tpu.memory_space<hbm>> -> memref<3328xf32, #tpu.memory_space<hbm>>
    tpu.wait_dma2 semaphore(%arg11 : memref<!tpu.dma_semaphore, #tpu.memory_space<semaphore_mem>>) src(%dma_wait3A_225 : memref<3328xf32, #tpu.memory_space<hbm>>) dst(%dma_wait3A_224 : memref<3328xf32, #tpu.memory_space<vmem>>)
    %dma_wait3A_226 = arith.constant 0 : i32
    %dma_wait3A_227 = arith.constant 0 : i32
    %dma_wait3A_228 = arith.constant 0 : i32
    %dma_wait3A_229 = arith.constant 0 : i32
    %dma_wait3A_230 = tpu.memref_slice %arg9[%dma_wait3A_226, %dma_wait3A_227, %dma_wait3A_228, %dma_wait3A_229] : memref<2x26x4x128xf32, #tpu.memory_space<vmem>> -> memref<1x26x4x128xf32, #tpu.memory_space<vmem>>
    %dma_wait3A_231 = tpu.memref_squeeze %dma_wait3A_230 : memref<1x26x4x128xf32, #tpu.memory_space<vmem>> -> memref<26x4x128xf32, #tpu.memory_space<vmem>>
    %dma_wait3A_232 = arith.constant 0 : i32
    %dma_wait3A_233 = arith.constant 0 : i32
    %dma_wait3A_234 = tpu.memref_slice %arg5[%add3A_97, %dma_wait3A_232, %dma_wait3A_233] : memref<2500x4x128xf32, #tpu.memory_space<hbm>> -> memref<26x4x128xf32, #tpu.memory_space<hbm>>
    %dma_wait3A_235 = arith.constant 0 : i32
    %dma_wait3A_236 = arith.constant 0 : i32
    %dma_wait3A_237 = tpu.memref_slice %arg5[%add3A_97, %dma_wait3A_235, %dma_wait3A_236] : memref<2500x4x128xf32, #tpu.memory_space<hbm>> -> memref<26x4x128xf32, #tpu.memory_space<hbm>>
    %dma_wait3A_238 = arith.constant 0 : i32
    %dma_wait3A_239 = arith.constant 0 : i32
    %dma_wait3A_240 = arith.constant 0 : i32
    %dma_wait3A_241 = tpu.memref_slice %arg9[%dma_wait3A_226, %dma_wait3A_238, %dma_wait3A_239, %dma_wait3A_240] : memref<2x26x4x128xf32, #tpu.memory_space<vmem>> -> memref<1x26x4x128xf32, #tpu.memory_space<vmem>>
    %dma_wait3A_242 = tpu.memref_squeeze %dma_wait3A_241 : memref<1x26x4x128xf32, #tpu.memory_space<vmem>> -> memref<26x4x128xf32, #tpu.memory_space<vmem>>
    tpu.wait_dma2 semaphore(%arg13 : memref<!tpu.dma_semaphore, #tpu.memory_space<semaphore_mem>>) src(%dma_wait3A_242 : memref<26x4x128xf32, #tpu.memory_space<vmem>>) dst(%dma_wait3A_237 : memref<26x4x128xf32, #tpu.memory_space<hbm>>)
    %parallel_loop3A_243 = arith.constant 0 : i32
    %parallel_loop3A_244 = arith.constant 208 : i32
    %parallel_loop3A_245 = arith.constant 1 : i32
    %parallel_loop3A_246 = arith.constant 0 : i32
    %parallel_loop3A_247 = arith.constant 0 : i32
    %parallel_loop3A_248 = arith.constant 0 : i32
    scf.for %parallel_loop3A_306 = %parallel_loop3A_243 to %parallel_loop3A_244 step %parallel_loop3A_245  : i32 {
      %parallel_loop3A_307 = arith.constant 3 : i32
      %parallel_loop3A_308 = arith.shrsi %parallel_loop3A_306, %parallel_loop3A_307 : i32
      %parallel_loop3A_309 = arith.constant 7 : i32
      %parallel_loop3A_310 = arith.andi %parallel_loop3A_306, %parallel_loop3A_309 : i32
      %parallel_loop3A_311 = arith.constant 16 : i32
      %parallel_loop3A_312 = arith.muli %parallel_loop3A_310, %parallel_loop3A_311 : i32
      %parallel_loop3A_313 = arith.constant 0 : i32
      %parallel_loop3A_314 = arith.constant 0 : i32
      %parallel_loop3A_315 = arith.constant 0 : i32
      %parallel_loop3A_316 = arith.constant 0 : i32
      %parallel_loop3A_317 = tpu.memref_slice %arg7[%parallel_loop3A_246, %parallel_loop3A_314, %parallel_loop3A_315, %parallel_loop3A_316] : memref<2x26x2x128xi32, #tpu.memory_space<vmem>> -> memref<1x26x2x128xi32, #tpu.memory_space<vmem>>
      %parallel_loop3A_318 = tpu.memref_squeeze %parallel_loop3A_317 : memref<1x26x2x128xi32, #tpu.memory_space<vmem>> -> memref<26x2x128xi32, #tpu.memory_space<vmem>>
      %parallel_loop3A_319 = arith.index_cast %parallel_loop3A_308 : i32 to index
      %parallel_loop3A_320 = arith.index_cast %parallel_loop3A_313 : i32 to index
      %parallel_loop3A_321 = arith.index_cast %parallel_loop3A_312 : i32 to index
      %parallel_loop3A_322 = tpu.vector_load %parallel_loop3A_318[%parallel_loop3A_319, %parallel_loop3A_320, %parallel_loop3A_321] {strides = array<i32>} : memref<26x2x128xi32, #tpu.memory_space<vmem>>, vector<16xi32>,
      %parallel_loop3A_323 = arith.constant 1 : i32
      %parallel_loop3A_324 = arith.constant 0 : i32
      %parallel_loop3A_325 = arith.constant 0 : i32
      %parallel_loop3A_326 = arith.constant 0 : i32
      %parallel_loop3A_327 = tpu.memref_slice %arg7[%parallel_loop3A_246, %parallel_loop3A_324, %parallel_loop3A_325, %parallel_loop3A_326] : memref<2x26x2x128xi32, #tpu.memory_space<vmem>> -> memref<1x26x2x128xi32, #tpu.memory_space<vmem>>
      %parallel_loop3A_328 = tpu.memref_squeeze %parallel_loop3A_327 : memref<1x26x2x128xi32, #tpu.memory_space<vmem>> -> memref<26x2x128xi32, #tpu.memory_space<vmem>>
      %parallel_loop3A_329 = arith.index_cast %parallel_loop3A_308 : i32 to index
      %parallel_loop3A_330 = arith.index_cast %parallel_loop3A_323 : i32 to index
      %parallel_loop3A_331 = arith.index_cast %parallel_loop3A_312 : i32 to index
      %parallel_loop3A_332 = tpu.vector_load %parallel_loop3A_328[%parallel_loop3A_329, %parallel_loop3A_330, %parallel_loop3A_331] {strides = array<i32>} : memref<26x2x128xi32, #tpu.memory_space<vmem>>, vector<16xi32>,
      %parallel_loop3A_333 = arith.constant 16 : i32
      %parallel_loop3A_334 = arith.muli %parallel_loop3A_306, %parallel_loop3A_333 : i32
      %parallel_loop3A_335 = arith.constant 0 : i32
      %parallel_loop3A_336 = tpu.memref_slice %arg8[%parallel_loop3A_247, %parallel_loop3A_335] : memref<2x3328xf32, #tpu.memory_space<vmem>> -> memref<1x3328xf32, #tpu.memory_space<vmem>>
      %parallel_loop3A_337 = tpu.memref_squeeze %parallel_loop3A_336 : memref<1x3328xf32, #tpu.memory_space<vmem>> -> memref<3328xf32, #tpu.memory_space<vmem>>
      %parallel_loop3A_338 = arith.index_cast %parallel_loop3A_334 : i32 to index
      %parallel_loop3A_339 = tpu.vector_load %parallel_loop3A_337[%parallel_loop3A_338] {strides = array<i32>} : memref<3328xf32, #tpu.memory_space<vmem>>, vector<16xf32>,
      %parallel_loop3A_340 = arith.cmpi eq, %parallel_loop3A_322, %parallel_loop3A_332 : vector<16xi32>
      %parallel_loop3A_341 = arith.constant 7 : i32
      %parallel_loop3A_342 = vector.broadcast %parallel_loop3A_341 : i32 to vector<16xi32>
      %parallel_loop3A_343 = arith.shrsi %parallel_loop3A_322, %parallel_loop3A_342 : vector<16xi32>
      %parallel_loop3A_344 = arith.constant 10 : i32
      %parallel_loop3A_345 = vector.broadcast %parallel_loop3A_344 : i32 to vector<16xi32>
      %parallel_loop3A_346 = arith.shli %parallel_loop3A_343, %parallel_loop3A_345 : vector<16xi32>
      %parallel_loop3A_347 = arith.constant 127 : i32
      %parallel_loop3A_348 = vector.broadcast %parallel_loop3A_347 : i32 to vector<16xi32>
      %parallel_loop3A_349 = arith.andi %parallel_loop3A_322, %parallel_loop3A_348 : vector<16xi32>
      %parallel_loop3A_350 = arith.ori %parallel_loop3A_346, %parallel_loop3A_349 : vector<16xi32>
      %parallel_loop3A_351 = arith.constant 7 : i32
      %parallel_loop3A_352 = vector.broadcast %parallel_loop3A_351 : i32 to vector<16xi32>
      %parallel_loop3A_353 = arith.shrsi %parallel_loop3A_332, %parallel_loop3A_352 : vector<16xi32>
      %parallel_loop3A_354 = arith.constant 10 : i32
      %parallel_loop3A_355 = vector.broadcast %parallel_loop3A_354 : i32 to vector<16xi32>
      %parallel_loop3A_356 = arith.shli %parallel_loop3A_353, %parallel_loop3A_355 : vector<16xi32>
      %parallel_loop3A_357 = arith.constant 127 : i32
      %parallel_loop3A_358 = vector.broadcast %parallel_loop3A_357 : i32 to vector<16xi32>
      %parallel_loop3A_359 = arith.andi %parallel_loop3A_332, %parallel_loop3A_358 : vector<16xi32>
      %parallel_loop3A_360 = arith.ori %parallel_loop3A_356, %parallel_loop3A_359 : vector<16xi32>
      %parallel_loop3A_361 = arith.constant 0 : i32
      %parallel_loop3A_362 = vector.broadcast %parallel_loop3A_361 : i32 to vector<16xi32>
      %parallel_loop3A_363 = arith.addi %parallel_loop3A_350, %parallel_loop3A_362 : vector<16xi32>
      %parallel_loop3A_364 = tpu.vector_load_idx %arg6[%parallel_loop3A_363] : memref<80896xf32, #tpu.memory_space<vmem>>[vector<16xi32>], vector<16xf32>,
      %parallel_loop3A_365 = arith.constant 512 : i32
      %parallel_loop3A_366 = vector.broadcast %parallel_loop3A_365 : i32 to vector<16xi32>
      %parallel_loop3A_367 = arith.addi %parallel_loop3A_360, %parallel_loop3A_366 : vector<16xi32>
      %parallel_loop3A_368 = tpu.vector_load_idx %arg6[%parallel_loop3A_367] : memref<80896xf32, #tpu.memory_space<vmem>>[vector<16xi32>], vector<16xf32>,
      %parallel_loop3A_369 = arith.addf %parallel_loop3A_364, %parallel_loop3A_368 : vector<16xf32>
      %parallel_loop3A_370 = arith.constant 0.000000e+00 : f32
      %parallel_loop3A_371 = vector.broadcast %parallel_loop3A_370 : f32 to vector<16xf32>
      %parallel_loop3A_372 = arith.subf %parallel_loop3A_371, %parallel_loop3A_369 : vector<16xf32>
      %parallel_loop3A_373 = math.exp %parallel_loop3A_372 : vector<16xf32>
      %parallel_loop3A_374 = arith.constant 1.000000e+00 : f32
      %parallel_loop3A_375 = vector.broadcast %parallel_loop3A_374 : f32 to vector<16xf32>
      %parallel_loop3A_376 = arith.addf %parallel_loop3A_375, %parallel_loop3A_373 : vector<16xf32>
      %parallel_loop3A_377 = arith.constant 1.000000e+00 : f32
      %parallel_loop3A_378 = vector.broadcast %parallel_loop3A_377 : f32 to vector<16xf32>
      %parallel_loop3A_379 = arith.divf %parallel_loop3A_378, %parallel_loop3A_376 : vector<16xf32>
      %parallel_loop3A_380 = arith.mulf %parallel_loop3A_379, %parallel_loop3A_339 : vector<16xf32>
      %parallel_loop3A_381 = arith.constant 1.000000e+00 : f32
      %parallel_loop3A_382 = vector.broadcast %parallel_loop3A_381 : f32 to vector<16xf32>
      %parallel_loop3A_383 = arith.select %parallel_loop3A_340, %parallel_loop3A_382, %parallel_loop3A_380 : vector<16xi1>, vector<16xf32>
      %parallel_loop3A_384 = arith.constant 0 : i32
      %parallel_loop3A_385 = arith.constant 0 : i32
      %parallel_loop3A_386 = arith.constant 0 : i32
      %parallel_loop3A_387 = arith.constant 0 : i32
      %parallel_loop3A_388 = tpu.memref_slice %arg9[%parallel_loop3A_248, %parallel_loop3A_385, %parallel_loop3A_386, %parallel_loop3A_387] : memref<2x26x4x128xf32, #tpu.memory_space<vmem>> -> memref<1x26x4x128xf32, #tpu.memory_space<vmem>>
      %parallel_loop3A_389 = tpu.memref_squeeze %parallel_loop3A_388 : memref<1x26x4x128xf32, #tpu.memory_space<vmem>> -> memref<26x4x128xf32, #tpu.memory_space<vmem>>
      %parallel_loop3A_390 = arith.index_cast %parallel_loop3A_308 : i32 to index
      %parallel_loop3A_391 = arith.index_cast %parallel_loop3A_384 : i32 to index
      %parallel_loop3A_392 = arith.index_cast %parallel_loop3A_312 : i32 to index
      %parallel_loop3A_393 = tpu.vector_load %parallel_loop3A_389[%parallel_loop3A_390, %parallel_loop3A_391, %parallel_loop3A_392] {strides = array<i32>} : memref<26x4x128xf32, #tpu.memory_space<vmem>>, vector<16xf32>,
      tpu.vector_store %parallel_loop3A_389[%parallel_loop3A_390, %parallel_loop3A_391, %parallel_loop3A_392], %parallel_loop3A_383 {strides = array<i32>} : memref<26x4x128xf32, #tpu.memory_space<vmem>>, vector<16xf32>,
      %parallel_loop3A_394 = arith.constant 128 : i32
      %parallel_loop3A_395 = vector.broadcast %parallel_loop3A_394 : i32 to vector<16xi32>
      %parallel_loop3A_396 = arith.addi %parallel_loop3A_350, %parallel_loop3A_395 : vector<16xi32>
      %parallel_loop3A_397 = tpu.vector_load_idx %arg6[%parallel_loop3A_396] : memref<80896xf32, #tpu.memory_space<vmem>>[vector<16xi32>], vector<16xf32>,
      %parallel_loop3A_398 = arith.constant 640 : i32
      %parallel_loop3A_399 = vector.broadcast %parallel_loop3A_398 : i32 to vector<16xi32>
      %parallel_loop3A_400 = arith.addi %parallel_loop3A_360, %parallel_loop3A_399 : vector<16xi32>
      %parallel_loop3A_401 = tpu.vector_load_idx %arg6[%parallel_loop3A_400] : memref<80896xf32, #tpu.memory_space<vmem>>[vector<16xi32>], vector<16xf32>,
      %parallel_loop3A_402 = arith.addf %parallel_loop3A_397, %parallel_loop3A_401 : vector<16xf32>
      %parallel_loop3A_403 = arith.constant 0.000000e+00 : f32
      %parallel_loop3A_404 = vector.broadcast %parallel_loop3A_403 : f32 to vector<16xf32>
      %parallel_loop3A_405 = arith.subf %parallel_loop3A_404, %parallel_loop3A_402 : vector<16xf32>
      %parallel_loop3A_406 = math.exp %parallel_loop3A_405 : vector<16xf32>
      %parallel_loop3A_407 = arith.constant 1.000000e+00 : f32
      %parallel_loop3A_408 = vector.broadcast %parallel_loop3A_407 : f32 to vector<16xf32>
      %parallel_loop3A_409 = arith.addf %parallel_loop3A_408, %parallel_loop3A_406 : vector<16xf32>
      %parallel_loop3A_410 = arith.constant 1.000000e+00 : f32
      %parallel_loop3A_411 = vector.broadcast %parallel_loop3A_410 : f32 to vector<16xf32>
      %parallel_loop3A_412 = arith.divf %parallel_loop3A_411, %parallel_loop3A_409 : vector<16xf32>
      %parallel_loop3A_413 = arith.mulf %parallel_loop3A_412, %parallel_loop3A_339 : vector<16xf32>
      %parallel_loop3A_414 = arith.constant 1.000000e+00 : f32
      %parallel_loop3A_415 = vector.broadcast %parallel_loop3A_414 : f32 to vector<16xf32>
      %parallel_loop3A_416 = arith.select %parallel_loop3A_340, %parallel_loop3A_415, %parallel_loop3A_413 : vector<16xi1>, vector<16xf32>
      %parallel_loop3A_417 = arith.constant 1 : i32
      %parallel_loop3A_418 = arith.constant 0 : i32
      %parallel_loop3A_419 = arith.constant 0 : i32
      %parallel_loop3A_420 = arith.constant 0 : i32
      %parallel_loop3A_421 = tpu.memref_slice %arg9[%parallel_loop3A_248, %parallel_loop3A_418, %parallel_loop3A_419, %parallel_loop3A_420] : memref<2x26x4x128xf32, #tpu.memory_space<vmem>> -> memref<1x26x4x128xf32, #tpu.memory_space<vmem>>
      %parallel_loop3A_422 = tpu.memref_squeeze %parallel_loop3A_421 : memref<1x26x4x128xf32, #tpu.memory_space<vmem>> -> memref<26x4x128xf32, #tpu.memory_space<vmem>>
      %parallel_loop3A_423 = arith.index_cast %parallel_loop3A_308 : i32 to index
      %parallel_loop3A_424 = arith.index_cast %parallel_loop3A_417 : i32 to index
      %parallel_loop3A_425 = arith.index_cast %parallel_loop3A_312 : i32 to index
      %parallel_loop3A_426 = tpu.vector_load %parallel_loop3A_422[%parallel_loop3A_423, %parallel_loop3A_424, %parallel_loop3A_425] {strides = array<i32>} : memref<26x4x128xf32, #tpu.memory_space<vmem>>, vector<16xf32>,
      tpu.vector_store %parallel_loop3A_422[%parallel_loop3A_423, %parallel_loop3A_424, %parallel_loop3A_425], %parallel_loop3A_416 {strides = array<i32>} : memref<26x4x128xf32, #tpu.memory_space<vmem>>, vector<16xf32>,
      %parallel_loop3A_427 = arith.constant 256 : i32
      %parallel_loop3A_428 = vector.broadcast %parallel_loop3A_427 : i32 to vector<16xi32>
      %parallel_loop3A_429 = arith.addi %parallel_loop3A_350, %parallel_loop3A_428 : vector<16xi32>
      %parallel_loop3A_430 = tpu.vector_load_idx %arg6[%parallel_loop3A_429] : memref<80896xf32, #tpu.memory_space<vmem>>[vector<16xi32>], vector<16xf32>,
      %parallel_loop3A_431 = arith.constant 768 : i32
      %parallel_loop3A_432 = vector.broadcast %parallel_loop3A_431 : i32 to vector<16xi32>
      %parallel_loop3A_433 = arith.addi %parallel_loop3A_360, %parallel_loop3A_432 : vector<16xi32>
      %parallel_loop3A_434 = tpu.vector_load_idx %arg6[%parallel_loop3A_433] : memref<80896xf32, #tpu.memory_space<vmem>>[vector<16xi32>], vector<16xf32>,
      %parallel_loop3A_435 = arith.addf %parallel_loop3A_430, %parallel_loop3A_434 : vector<16xf32>
      %parallel_loop3A_436 = arith.constant 0.000000e+00 : f32
      %parallel_loop3A_437 = vector.broadcast %parallel_loop3A_436 : f32 to vector<16xf32>
      %parallel_loop3A_438 = arith.subf %parallel_loop3A_437, %parallel_loop3A_435 : vector<16xf32>
      %parallel_loop3A_439 = math.exp %parallel_loop3A_438 : vector<16xf32>
      %parallel_loop3A_440 = arith.constant 1.000000e+00 : f32
      %parallel_loop3A_441 = vector.broadcast %parallel_loop3A_440 : f32 to vector<16xf32>
      %parallel_loop3A_442 = arith.addf %parallel_loop3A_441, %parallel_loop3A_439 : vector<16xf32>
      %parallel_loop3A_443 = arith.constant 1.000000e+00 : f32
      %parallel_loop3A_444 = vector.broadcast %parallel_loop3A_443 : f32 to vector<16xf32>
      %parallel_loop3A_445 = arith.divf %parallel_loop3A_444, %parallel_loop3A_442 : vector<16xf32>
      %parallel_loop3A_446 = arith.mulf %parallel_loop3A_445, %parallel_loop3A_339 : vector<16xf32>
      %parallel_loop3A_447 = arith.constant 1.000000e+00 : f32
      %parallel_loop3A_448 = vector.broadcast %parallel_loop3A_447 : f32 to vector<16xf32>
      %parallel_loop3A_449 = arith.select %parallel_loop3A_340, %parallel_loop3A_448, %parallel_loop3A_446 : vector<16xi1>, vector<16xf32>
      %parallel_loop3A_450 = arith.constant 2 : i32
      %parallel_loop3A_451 = arith.constant 0 : i32
      %parallel_loop3A_452 = arith.constant 0 : i32
      %parallel_loop3A_453 = arith.constant 0 : i32
      %parallel_loop3A_454 = tpu.memref_slice %arg9[%parallel_loop3A_248, %parallel_loop3A_451, %parallel_loop3A_452, %parallel_loop3A_453] : memref<2x26x4x128xf32, #tpu.memory_space<vmem>> -> memref<1x26x4x128xf32, #tpu.memory_space<vmem>>
      %parallel_loop3A_455 = tpu.memref_squeeze %parallel_loop3A_454 : memref<1x26x4x128xf32, #tpu.memory_space<vmem>> -> memref<26x4x128xf32, #tpu.memory_space<vmem>>
      %parallel_loop3A_456 = arith.index_cast %parallel_loop3A_308 : i32 to index
      %parallel_loop3A_457 = arith.index_cast %parallel_loop3A_450 : i32 to index
      %parallel_loop3A_458 = arith.index_cast %parallel_loop3A_312 : i32 to index
      %parallel_loop3A_459 = tpu.vector_load %parallel_loop3A_455[%parallel_loop3A_456, %parallel_loop3A_457, %parallel_loop3A_458] {strides = array<i32>} : memref<26x4x128xf32, #tpu.memory_space<vmem>>, vector<16xf32>,
      tpu.vector_store %parallel_loop3A_455[%parallel_loop3A_456, %parallel_loop3A_457, %parallel_loop3A_458], %parallel_loop3A_449 {strides = array<i32>} : memref<26x4x128xf32, #tpu.memory_space<vmem>>, vector<16xf32>,
      %parallel_loop3A_460 = arith.constant 384 : i32
      %parallel_loop3A_461 = vector.broadcast %parallel_loop3A_460 : i32 to vector<16xi32>
      %parallel_loop3A_462 = arith.addi %parallel_loop3A_350, %parallel_loop3A_461 : vector<16xi32>
      %parallel_loop3A_463 = tpu.vector_load_idx %arg6[%parallel_loop3A_462] : memref<80896xf32, #tpu.memory_space<vmem>>[vector<16xi32>], vector<16xf32>,
      %parallel_loop3A_464 = arith.constant 896 : i32
      %parallel_loop3A_465 = vector.broadcast %parallel_loop3A_464 : i32 to vector<16xi32>
      %parallel_loop3A_466 = arith.addi %parallel_loop3A_360, %parallel_loop3A_465 : vector<16xi32>
      %parallel_loop3A_467 = tpu.vector_load_idx %arg6[%parallel_loop3A_466] : memref<80896xf32, #tpu.memory_space<vmem>>[vector<16xi32>], vector<16xf32>,
      %parallel_loop3A_468 = arith.addf %parallel_loop3A_463, %parallel_loop3A_467 : vector<16xf32>
      %parallel_loop3A_469 = arith.constant 0.000000e+00 : f32
      %parallel_loop3A_470 = vector.broadcast %parallel_loop3A_469 : f32 to vector<16xf32>
      %parallel_loop3A_471 = arith.subf %parallel_loop3A_470, %parallel_loop3A_468 : vector<16xf32>
      %parallel_loop3A_472 = math.exp %parallel_loop3A_471 : vector<16xf32>
      %parallel_loop3A_473 = arith.constant 1.000000e+00 : f32
      %parallel_loop3A_474 = vector.broadcast %parallel_loop3A_473 : f32 to vector<16xf32>
      %parallel_loop3A_475 = arith.addf %parallel_loop3A_474, %parallel_loop3A_472 : vector<16xf32>
      %parallel_loop3A_476 = arith.constant 1.000000e+00 : f32
      %parallel_loop3A_477 = vector.broadcast %parallel_loop3A_476 : f32 to vector<16xf32>
      %parallel_loop3A_478 = arith.divf %parallel_loop3A_477, %parallel_loop3A_475 : vector<16xf32>
      %parallel_loop3A_479 = arith.mulf %parallel_loop3A_478, %parallel_loop3A_339 : vector<16xf32>
      %parallel_loop3A_480 = arith.constant 1.000000e+00 : f32
      %parallel_loop3A_481 = vector.broadcast %parallel_loop3A_480 : f32 to vector<16xf32>
      %parallel_loop3A_482 = arith.select %parallel_loop3A_340, %parallel_loop3A_481, %parallel_loop3A_479 : vector<16xi1>, vector<16xf32>
      %parallel_loop3A_483 = arith.constant 3 : i32
      %parallel_loop3A_484 = arith.constant 0 : i32
      %parallel_loop3A_485 = arith.constant 0 : i32
      %parallel_loop3A_486 = arith.constant 0 : i32
      %parallel_loop3A_487 = tpu.memref_slice %arg9[%parallel_loop3A_248, %parallel_loop3A_484, %parallel_loop3A_485, %parallel_loop3A_486] : memref<2x26x4x128xf32, #tpu.memory_space<vmem>> -> memref<1x26x4x128xf32, #tpu.memory_space<vmem>>
      %parallel_loop3A_488 = tpu.memref_squeeze %parallel_loop3A_487 : memref<1x26x4x128xf32, #tpu.memory_space<vmem>> -> memref<26x4x128xf32, #tpu.memory_space<vmem>>
      %parallel_loop3A_489 = arith.index_cast %parallel_loop3A_308 : i32 to index
      %parallel_loop3A_490 = arith.index_cast %parallel_loop3A_483 : i32 to index
      %parallel_loop3A_491 = arith.index_cast %parallel_loop3A_312 : i32 to index
      %parallel_loop3A_492 = tpu.vector_load %parallel_loop3A_488[%parallel_loop3A_489, %parallel_loop3A_490, %parallel_loop3A_491] {strides = array<i32>} : memref<26x4x128xf32, #tpu.memory_space<vmem>>, vector<16xf32>,
      tpu.vector_store %parallel_loop3A_488[%parallel_loop3A_489, %parallel_loop3A_490, %parallel_loop3A_491], %parallel_loop3A_482 {strides = array<i32>} : memref<26x4x128xf32, #tpu.memory_space<vmem>>, vector<16xf32>,
    } {sc.loop_unroll_factor = 2 : i64, sc.parallel_access}
    %mul3A_249 = arith.constant 78 : i32
    %mul3A_250 = arith.muli %add3A, %mul3A_249 : i32
    %add3A_251 = arith.constant 52 : i32
    %add3A_252 = arith.addi %mul3A_250, %add3A_251 : i32
    %dma_start3A_253 = arith.constant 0 : i32
    %dma_start3A_254 = arith.constant 0 : i32
    %dma_start3A_255 = arith.constant 0 : i32
    %dma_start3A_256 = arith.constant 0 : i32
    %dma_start3A_257 = tpu.memref_slice %arg9[%dma_start3A_253, %dma_start3A_254, %dma_start3A_255, %dma_start3A_256] : memref<2x26x4x128xf32, #tpu.memory_space<vmem>> -> memref<1x26x4x128xf32, #tpu.memory_space<vmem>>
    %dma_start3A_258 = tpu.memref_squeeze %dma_start3A_257 : memref<1x26x4x128xf32, #tpu.memory_space<vmem>> -> memref<26x4x128xf32, #tpu.memory_space<vmem>>
    %dma_start3A_259 = arith.constant 0 : i32
    %dma_start3A_260 = arith.constant 0 : i32
    %dma_start3A_261 = tpu.memref_slice %arg5[%add3A_252, %dma_start3A_259, %dma_start3A_260] : memref<2500x4x128xf32, #tpu.memory_space<hbm>> -> memref<26x4x128xf32, #tpu.memory_space<hbm>>
    %dma_start3A_262 = arith.constant 0 : i32
    %dma_start3A_263 = arith.constant 0 : i32
    %dma_start3A_264 = tpu.memref_slice %arg5[%add3A_252, %dma_start3A_262, %dma_start3A_263] : memref<2500x4x128xf32, #tpu.memory_space<hbm>> -> memref<26x4x128xf32, #tpu.memory_space<hbm>>
    %dma_start3A_265 = arith.constant 0 : i32
    %dma_start3A_266 = arith.constant 0 : i32
    %dma_start3A_267 = arith.constant 0 : i32
    %dma_start3A_268 = tpu.memref_slice %arg9[%dma_start3A_253, %dma_start3A_265, %dma_start3A_266, %dma_start3A_267] : memref<2x26x4x128xf32, #tpu.memory_space<vmem>> -> memref<1x26x4x128xf32, #tpu.memory_space<vmem>>
    %dma_start3A_269 = tpu.memref_squeeze %dma_start3A_268 : memref<1x26x4x128xf32, #tpu.memory_space<vmem>> -> memref<26x4x128xf32, #tpu.memory_space<vmem>>
    tpu.enqueue_dma source(%dma_start3A_269 : memref<26x4x128xf32, #tpu.memory_space<vmem>>) target(%dma_start3A_264 : memref<26x4x128xf32, #tpu.memory_space<hbm>>) target_semaphore(%arg13 : memref<!tpu.dma_semaphore, #tpu.memory_space<semaphore_mem>>)
    %dma_wait3A_270 = arith.constant 0 : i32
    %dma_wait3A_271 = arith.constant 0 : i32
    %dma_wait3A_272 = arith.constant 0 : i32
    %dma_wait3A_273 = arith.constant 0 : i32
    %dma_wait3A_274 = tpu.memref_slice %arg9[%dma_wait3A_270, %dma_wait3A_271, %dma_wait3A_272, %dma_wait3A_273] : memref<2x26x4x128xf32, #tpu.memory_space<vmem>> -> memref<1x26x4x128xf32, #tpu.memory_space<vmem>>
    %dma_wait3A_275 = tpu.memref_squeeze %dma_wait3A_274 : memref<1x26x4x128xf32, #tpu.memory_space<vmem>> -> memref<26x4x128xf32, #tpu.memory_space<vmem>>
    %dma_wait3A_276 = arith.constant 0 : i32
    %dma_wait3A_277 = arith.constant 0 : i32
    %dma_wait3A_278 = tpu.memref_slice %arg5[%add3A_252, %dma_wait3A_276, %dma_wait3A_277] : memref<2500x4x128xf32, #tpu.memory_space<hbm>> -> memref<26x4x128xf32, #tpu.memory_space<hbm>>
    %dma_wait3A_279 = arith.constant 0 : i32
    %dma_wait3A_280 = arith.constant 0 : i32
    %dma_wait3A_281 = tpu.memref_slice %arg5[%add3A_252, %dma_wait3A_279, %dma_wait3A_280] : memref<2500x4x128xf32, #tpu.memory_space<hbm>> -> memref<26x4x128xf32, #tpu.memory_space<hbm>>
    %dma_wait3A_282 = arith.constant 0 : i32
    %dma_wait3A_283 = arith.constant 0 : i32
    %dma_wait3A_284 = arith.constant 0 : i32
    %dma_wait3A_285 = tpu.memref_slice %arg9[%dma_wait3A_270, %dma_wait3A_282, %dma_wait3A_283, %dma_wait3A_284] : memref<2x26x4x128xf32, #tpu.memory_space<vmem>> -> memref<1x26x4x128xf32, #tpu.memory_space<vmem>>
    %dma_wait3A_286 = tpu.memref_squeeze %dma_wait3A_285 : memref<1x26x4x128xf32, #tpu.memory_space<vmem>> -> memref<26x4x128xf32, #tpu.memory_space<vmem>>
    tpu.wait_dma2 semaphore(%arg13 : memref<!tpu.dma_semaphore, #tpu.memory_space<semaphore_mem>>) src(%dma_wait3A_286 : memref<26x4x128xf32, #tpu.memory_space<vmem>>) dst(%dma_wait3A_281 : memref<26x4x128xf32, #tpu.memory_space<hbm>>)
    %dma_wait3A_287 = arith.constant 1 : i32
    %dma_wait3A_288 = arith.constant 0 : i32
    %dma_wait3A_289 = arith.constant 0 : i32
    %dma_wait3A_290 = arith.constant 0 : i32
    %dma_wait3A_291 = tpu.memref_slice %arg9[%dma_wait3A_287, %dma_wait3A_288, %dma_wait3A_289, %dma_wait3A_290] : memref<2x26x4x128xf32, #tpu.memory_space<vmem>> -> memref<1x26x4x128xf32, #tpu.memory_space<vmem>>
    %dma_wait3A_292 = tpu.memref_squeeze %dma_wait3A_291 : memref<1x26x4x128xf32, #tpu.memory_space<vmem>> -> memref<26x4x128xf32, #tpu.memory_space<vmem>>
    %dma_wait3A_293 = arith.constant 0 : i32
    %dma_wait3A_294 = arith.constant 0 : i32
    %dma_wait3A_295 = tpu.memref_slice %arg5[%add3A_182, %dma_wait3A_293, %dma_wait3A_294] : memref<2500x4x128xf32, #tpu.memory_space<hbm>> -> memref<26x4x128xf32, #tpu.memory_space<hbm>>
    %dma_wait3A_296 = arith.constant 0 : i32
    %dma_wait3A_297 = arith.constant 0 : i32
    %dma_wait3A_298 = tpu.memref_slice %arg5[%add3A_182, %dma_wait3A_296, %dma_wait3A_297] : memref<2500x4x128xf32, #tpu.memory_space<hbm>> -> memref<26x4x128xf32, #tpu.memory_space<hbm>>
    %dma_wait3A_299 = arith.constant 0 : i32
    %dma_wait3A_300 = arith.constant 0 : i32
    %dma_wait3A_301 = arith.constant 0 : i32
    %dma_wait3A_302 = tpu.memref_slice %arg9[%dma_wait3A_287, %dma_wait3A_299, %dma_wait3A_300, %dma_wait3A_301] : memref<2x26x4x128xf32, #tpu.memory_space<vmem>> -> memref<1x26x4x128xf32, #tpu.memory_space<vmem>>
    %dma_wait3A_303 = tpu.memref_squeeze %dma_wait3A_302 : memref<1x26x4x128xf32, #tpu.memory_space<vmem>> -> memref<26x4x128xf32, #tpu.memory_space<vmem>>
    tpu.wait_dma2 semaphore(%arg14 : memref<!tpu.dma_semaphore, #tpu.memory_space<semaphore_mem>>) src(%dma_wait3A_303 : memref<26x4x128xf32, #tpu.memory_space<vmem>>) dst(%dma_wait3A_298 : memref<26x4x128xf32, #tpu.memory_space<hbm>>)
    %lt3A = arith.constant 4 : i32
    %lt3A_304 = arith.cmpi slt, %add3A, %lt3A : i32
    %convert_element_type3A = arith.extui %lt3A_304 : i1 to i32
    %cond3A = arith.constant 0 : i32
    %cond3A_305 = arith.cmpi ne, %convert_element_type3A, %cond3A : i32
    scf.if %cond3A_305 {
      %add3A_306 = arith.constant 2496 : i32
      %add3A_307 = arith.addi %add3A_306, %add3A : i32
      %run_scoped3A = arith.constant 0 : i32
      "tpu.region"() ({
        %run_scoped3A_318 = tpu.sem_alloc : memref<!tpu.dma_semaphore, #tpu.memory_space<semaphore_mem>>
        %dma_start3A_319 = arith.constant 0 : i32
        %dma_start3A_320 = arith.constant 0 : i32
        %dma_start3A_321 = arith.constant 0 : i32
        %dma_start3A_322 = tpu.memref_slice %arg7[%run_scoped3A, %dma_start3A_319, %dma_start3A_320, %dma_start3A_321] : memref<2x26x2x128xi32, #tpu.memory_space<vmem>> -> memref<1x1x2x128xi32, #tpu.memory_space<vmem>>
        %dma_start3A_323 = tpu.memref_squeeze %dma_start3A_322 : memref<1x1x2x128xi32, #tpu.memory_space<vmem>> -> memref<1x2x128xi32, #tpu.memory_space<vmem>>
        %dma_start3A_324 = arith.constant 0 : i32
        %dma_start3A_325 = arith.constant 0 : i32
        %dma_start3A_326 = tpu.memref_slice %arg3[%add3A_307, %dma_start3A_324, %dma_start3A_325] : memref<2500x2x128xi32, #tpu.memory_space<hbm>> -> memref<1x2x128xi32, #tpu.memory_space<hbm>>
        %dma_start3A_327 = arith.constant 0 : i32
        %dma_start3A_328 = arith.constant 0 : i32
        %dma_start3A_329 = arith.constant 0 : i32
        %dma_start3A_330 = tpu.memref_slice %arg7[%run_scoped3A, %dma_start3A_327, %dma_start3A_328, %dma_start3A_329] : memref<2x26x2x128xi32, #tpu.memory_space<vmem>> -> memref<1x1x2x128xi32, #tpu.memory_space<vmem>>
        %dma_start3A_331 = tpu.memref_squeeze %dma_start3A_330 : memref<1x1x2x128xi32, #tpu.memory_space<vmem>> -> memref<1x2x128xi32, #tpu.memory_space<vmem>>
        %dma_start3A_332 = arith.constant 0 : i32
        %dma_start3A_333 = arith.constant 0 : i32
        %dma_start3A_334 = tpu.memref_slice %arg3[%add3A_307, %dma_start3A_332, %dma_start3A_333] : memref<2500x2x128xi32, #tpu.memory_space<hbm>> -> memref<1x2x128xi32, #tpu.memory_space<hbm>>
        tpu.enqueue_dma source(%dma_start3A_334 : memref<1x2x128xi32, #tpu.memory_space<hbm>>) target(%dma_start3A_331 : memref<1x2x128xi32, #tpu.memory_space<vmem>>) target_semaphore(%run_scoped3A_318 : memref<!tpu.dma_semaphore, #tpu.memory_space<semaphore_mem>>)
        %dma_wait3A_335 = arith.constant 0 : i32
        %dma_wait3A_336 = arith.constant 0 : i32
        %dma_wait3A_337 = arith.constant 0 : i32
        %dma_wait3A_338 = tpu.memref_slice %arg7[%run_scoped3A, %dma_wait3A_335, %dma_wait3A_336, %dma_wait3A_337] : memref<2x26x2x128xi32, #tpu.memory_space<vmem>> -> memref<1x1x2x128xi32, #tpu.memory_space<vmem>>
        %dma_wait3A_339 = tpu.memref_squeeze %dma_wait3A_338 : memref<1x1x2x128xi32, #tpu.memory_space<vmem>> -> memref<1x2x128xi32, #tpu.memory_space<vmem>>
        %dma_wait3A_340 = arith.constant 0 : i32
        %dma_wait3A_341 = arith.constant 0 : i32
        %dma_wait3A_342 = tpu.memref_slice %arg3[%add3A_307, %dma_wait3A_340, %dma_wait3A_341] : memref<2500x2x128xi32, #tpu.memory_space<hbm>> -> memref<1x2x128xi32, #tpu.memory_space<hbm>>
        %dma_wait3A_343 = arith.constant 0 : i32
        %dma_wait3A_344 = arith.constant 0 : i32
        %dma_wait3A_345 = arith.constant 0 : i32
        %dma_wait3A_346 = tpu.memref_slice %arg7[%run_scoped3A, %dma_wait3A_343, %dma_wait3A_344, %dma_wait3A_345] : memref<2x26x2x128xi32, #tpu.memory_space<vmem>> -> memref<1x1x2x128xi32, #tpu.memory_space<vmem>>
        %dma_wait3A_347 = tpu.memref_squeeze %dma_wait3A_346 : memref<1x1x2x128xi32, #tpu.memory_space<vmem>> -> memref<1x2x128xi32, #tpu.memory_space<vmem>>
        %dma_wait3A_348 = arith.constant 0 : i32
        %dma_wait3A_349 = arith.constant 0 : i32
        %dma_wait3A_350 = tpu.memref_slice %arg3[%add3A_307, %dma_wait3A_348, %dma_wait3A_349] : memref<2500x2x128xi32, #tpu.memory_space<hbm>> -> memref<1x2x128xi32, #tpu.memory_space<hbm>>
        tpu.wait_dma2 semaphore(%run_scoped3A_318 : memref<!tpu.dma_semaphore, #tpu.memory_space<semaphore_mem>>) src(%dma_wait3A_350 : memref<1x2x128xi32, #tpu.memory_space<hbm>>) dst(%dma_wait3A_347 : memref<1x2x128xi32, #tpu.memory_space<vmem>>)
        tpu.yield
      }) : () -> ()
      %mul3A_308 = arith.constant 128 : i32
      %mul3A_309 = arith.muli %add3A_307, %mul3A_308 : i32
      %run_scoped3A_310 = arith.constant 0 : i32
      "tpu.region"() ({
        %run_scoped3A_318 = tpu.sem_alloc : memref<!tpu.dma_semaphore, #tpu.memory_space<semaphore_mem>>
        %dma_start3A_319 = arith.constant 0 : i32
        %dma_start3A_320 = tpu.memref_slice %arg8[%run_scoped3A_310, %dma_start3A_319] : memref<2x3328xf32, #tpu.memory_space<vmem>> -> memref<1x128xf32, #tpu.memory_space<vmem>>
        %dma_start3A_321 = tpu.memref_squeeze %dma_start3A_320 : memref<1x128xf32, #tpu.memory_space<vmem>> -> memref<128xf32, #tpu.memory_space<vmem>>
        %dma_start3A_322 = tpu.memref_slice %arg4[%mul3A_309] : memref<320000xf32, #tpu.memory_space<hbm>> -> memref<128xf32, #tpu.memory_space<hbm>>
        %dma_start3A_323 = arith.constant 0 : i32
        %dma_start3A_324 = tpu.memref_slice %arg8[%run_scoped3A_310, %dma_start3A_323] : memref<2x3328xf32, #tpu.memory_space<vmem>> -> memref<1x128xf32, #tpu.memory_space<vmem>>
        %dma_start3A_325 = tpu.memref_squeeze %dma_start3A_324 : memref<1x128xf32, #tpu.memory_space<vmem>> -> memref<128xf32, #tpu.memory_space<vmem>>
        %dma_start3A_326 = tpu.memref_slice %arg4[%mul3A_309] : memref<320000xf32, #tpu.memory_space<hbm>> -> memref<128xf32, #tpu.memory_space<hbm>>
        tpu.enqueue_dma source(%dma_start3A_326 : memref<128xf32, #tpu.memory_space<hbm>>) target(%dma_start3A_325 : memref<128xf32, #tpu.memory_space<vmem>>) target_semaphore(%run_scoped3A_318 : memref<!tpu.dma_semaphore, #tpu.memory_space<semaphore_mem>>)
        %dma_wait3A_327 = arith.constant 0 : i32
        %dma_wait3A_328 = tpu.memref_slice %arg8[%run_scoped3A_310, %dma_wait3A_327] : memref<2x3328xf32, #tpu.memory_space<vmem>> -> memref<1x128xf32, #tpu.memory_space<vmem>>
        %dma_wait3A_329 = tpu.memref_squeeze %dma_wait3A_328 : memref<1x128xf32, #tpu.memory_space<vmem>> -> memref<128xf32, #tpu.memory_space<vmem>>
        %dma_wait3A_330 = tpu.memref_slice %arg4[%mul3A_309] : memref<320000xf32, #tpu.memory_space<hbm>> -> memref<128xf32, #tpu.memory_space<hbm>>
        %dma_wait3A_331 = arith.constant 0 : i32
        %dma_wait3A_332 = tpu.memref_slice %arg8[%run_scoped3A_310, %dma_wait3A_331] : memref<2x3328xf32, #tpu.memory_space<vmem>> -> memref<1x128xf32, #tpu.memory_space<vmem>>
        %dma_wait3A_333 = tpu.memref_squeeze %dma_wait3A_332 : memref<1x128xf32, #tpu.memory_space<vmem>> -> memref<128xf32, #tpu.memory_space<vmem>>
        %dma_wait3A_334 = tpu.memref_slice %arg4[%mul3A_309] : memref<320000xf32, #tpu.memory_space<hbm>> -> memref<128xf32, #tpu.memory_space<hbm>>
        tpu.wait_dma2 semaphore(%run_scoped3A_318 : memref<!tpu.dma_semaphore, #tpu.memory_space<semaphore_mem>>) src(%dma_wait3A_334 : memref<128xf32, #tpu.memory_space<hbm>>) dst(%dma_wait3A_333 : memref<128xf32, #tpu.memory_space<vmem>>)
        tpu.yield
      }) : () -> ()
      %parallel_loop3A_311 = arith.constant 0 : i32
      %parallel_loop3A_312 = arith.constant 8 : i32
      %parallel_loop3A_313 = arith.constant 1 : i32
      %parallel_loop3A_314 = arith.constant 0 : i32
      %parallel_loop3A_315 = arith.constant 0 : i32
      %parallel_loop3A_316 = arith.constant 0 : i32
      scf.for %parallel_loop3A_318 = %parallel_loop3A_311 to %parallel_loop3A_312 step %parallel_loop3A_313  : i32 {
        %parallel_loop3A_319 = arith.constant 3 : i32
        %parallel_loop3A_320 = arith.shrsi %parallel_loop3A_318, %parallel_loop3A_319 : i32
        %parallel_loop3A_321 = arith.constant 7 : i32
        %parallel_loop3A_322 = arith.andi %parallel_loop3A_318, %parallel_loop3A_321 : i32
        %parallel_loop3A_323 = arith.constant 16 : i32
        %parallel_loop3A_324 = arith.muli %parallel_loop3A_322, %parallel_loop3A_323 : i32
        %parallel_loop3A_325 = arith.constant 0 : i32
        %parallel_loop3A_326 = arith.constant 0 : i32
        %parallel_loop3A_327 = arith.constant 0 : i32
        %parallel_loop3A_328 = arith.constant 0 : i32
        %parallel_loop3A_329 = tpu.memref_slice %arg7[%parallel_loop3A_314, %parallel_loop3A_326, %parallel_loop3A_327, %parallel_loop3A_328] : memref<2x26x2x128xi32, #tpu.memory_space<vmem>> -> memref<1x26x2x128xi32, #tpu.memory_space<vmem>>
        %parallel_loop3A_330 = tpu.memref_squeeze %parallel_loop3A_329 : memref<1x26x2x128xi32, #tpu.memory_space<vmem>> -> memref<26x2x128xi32, #tpu.memory_space<vmem>>
        %parallel_loop3A_331 = arith.index_cast %parallel_loop3A_320 : i32 to index
        %parallel_loop3A_332 = arith.index_cast %parallel_loop3A_325 : i32 to index
        %parallel_loop3A_333 = arith.index_cast %parallel_loop3A_324 : i32 to index
        %parallel_loop3A_334 = tpu.vector_load %parallel_loop3A_330[%parallel_loop3A_331, %parallel_loop3A_332, %parallel_loop3A_333] {strides = array<i32>} : memref<26x2x128xi32, #tpu.memory_space<vmem>>, vector<16xi32>,
        %parallel_loop3A_335 = arith.constant 1 : i32
        %parallel_loop3A_336 = arith.constant 0 : i32
        %parallel_loop3A_337 = arith.constant 0 : i32
        %parallel_loop3A_338 = arith.constant 0 : i32
        %parallel_loop3A_339 = tpu.memref_slice %arg7[%parallel_loop3A_314, %parallel_loop3A_336, %parallel_loop3A_337, %parallel_loop3A_338] : memref<2x26x2x128xi32, #tpu.memory_space<vmem>> -> memref<1x26x2x128xi32, #tpu.memory_space<vmem>>
        %parallel_loop3A_340 = tpu.memref_squeeze %parallel_loop3A_339 : memref<1x26x2x128xi32, #tpu.memory_space<vmem>> -> memref<26x2x128xi32, #tpu.memory_space<vmem>>
        %parallel_loop3A_341 = arith.index_cast %parallel_loop3A_320 : i32 to index
        %parallel_loop3A_342 = arith.index_cast %parallel_loop3A_335 : i32 to index
        %parallel_loop3A_343 = arith.index_cast %parallel_loop3A_324 : i32 to index
        %parallel_loop3A_344 = tpu.vector_load %parallel_loop3A_340[%parallel_loop3A_341, %parallel_loop3A_342, %parallel_loop3A_343] {strides = array<i32>} : memref<26x2x128xi32, #tpu.memory_space<vmem>>, vector<16xi32>,
        %parallel_loop3A_345 = arith.constant 16 : i32
        %parallel_loop3A_346 = arith.muli %parallel_loop3A_318, %parallel_loop3A_345 : i32
        %parallel_loop3A_347 = arith.constant 0 : i32
        %parallel_loop3A_348 = tpu.memref_slice %arg8[%parallel_loop3A_315, %parallel_loop3A_347] : memref<2x3328xf32, #tpu.memory_space<vmem>> -> memref<1x3328xf32, #tpu.memory_space<vmem>>
        %parallel_loop3A_349 = tpu.memref_squeeze %parallel_loop3A_348 : memref<1x3328xf32, #tpu.memory_space<vmem>> -> memref<3328xf32, #tpu.memory_space<vmem>>
        %parallel_loop3A_350 = arith.index_cast %parallel_loop3A_346 : i32 to index
        %parallel_loop3A_351 = tpu.vector_load %parallel_loop3A_349[%parallel_loop3A_350] {strides = array<i32>} : memref<3328xf32, #tpu.memory_space<vmem>>, vector<16xf32>,
        %parallel_loop3A_352 = arith.cmpi eq, %parallel_loop3A_334, %parallel_loop3A_344 : vector<16xi32>
        %parallel_loop3A_353 = arith.constant 7 : i32
        %parallel_loop3A_354 = vector.broadcast %parallel_loop3A_353 : i32 to vector<16xi32>
        %parallel_loop3A_355 = arith.shrsi %parallel_loop3A_334, %parallel_loop3A_354 : vector<16xi32>
        %parallel_loop3A_356 = arith.constant 10 : i32
        %parallel_loop3A_357 = vector.broadcast %parallel_loop3A_356 : i32 to vector<16xi32>
        %parallel_loop3A_358 = arith.shli %parallel_loop3A_355, %parallel_loop3A_357 : vector<16xi32>
        %parallel_loop3A_359 = arith.constant 127 : i32
        %parallel_loop3A_360 = vector.broadcast %parallel_loop3A_359 : i32 to vector<16xi32>
        %parallel_loop3A_361 = arith.andi %parallel_loop3A_334, %parallel_loop3A_360 : vector<16xi32>
        %parallel_loop3A_362 = arith.ori %parallel_loop3A_358, %parallel_loop3A_361 : vector<16xi32>
        %parallel_loop3A_363 = arith.constant 7 : i32
        %parallel_loop3A_364 = vector.broadcast %parallel_loop3A_363 : i32 to vector<16xi32>
        %parallel_loop3A_365 = arith.shrsi %parallel_loop3A_344, %parallel_loop3A_364 : vector<16xi32>
        %parallel_loop3A_366 = arith.constant 10 : i32
        %parallel_loop3A_367 = vector.broadcast %parallel_loop3A_366 : i32 to vector<16xi32>
        %parallel_loop3A_368 = arith.shli %parallel_loop3A_365, %parallel_loop3A_367 : vector<16xi32>
        %parallel_loop3A_369 = arith.constant 127 : i32
        %parallel_loop3A_370 = vector.broadcast %parallel_loop3A_369 : i32 to vector<16xi32>
        %parallel_loop3A_371 = arith.andi %parallel_loop3A_344, %parallel_loop3A_370 : vector<16xi32>
        %parallel_loop3A_372 = arith.ori %parallel_loop3A_368, %parallel_loop3A_371 : vector<16xi32>
        %parallel_loop3A_373 = arith.constant 0 : i32
        %parallel_loop3A_374 = vector.broadcast %parallel_loop3A_373 : i32 to vector<16xi32>
        %parallel_loop3A_375 = arith.addi %parallel_loop3A_362, %parallel_loop3A_374 : vector<16xi32>
        %parallel_loop3A_376 = tpu.vector_load_idx %arg6[%parallel_loop3A_375] : memref<80896xf32, #tpu.memory_space<vmem>>[vector<16xi32>], vector<16xf32>,
        %parallel_loop3A_377 = arith.constant 512 : i32
        %parallel_loop3A_378 = vector.broadcast %parallel_loop3A_377 : i32 to vector<16xi32>
        %parallel_loop3A_379 = arith.addi %parallel_loop3A_372, %parallel_loop3A_378 : vector<16xi32>
        %parallel_loop3A_380 = tpu.vector_load_idx %arg6[%parallel_loop3A_379] : memref<80896xf32, #tpu.memory_space<vmem>>[vector<16xi32>], vector<16xf32>,
        %parallel_loop3A_381 = arith.addf %parallel_loop3A_376, %parallel_loop3A_380 : vector<16xf32>
        %parallel_loop3A_382 = arith.constant 0.000000e+00 : f32
        %parallel_loop3A_383 = vector.broadcast %parallel_loop3A_382 : f32 to vector<16xf32>
        %parallel_loop3A_384 = arith.subf %parallel_loop3A_383, %parallel_loop3A_381 : vector<16xf32>
        %parallel_loop3A_385 = math.exp %parallel_loop3A_384 : vector<16xf32>
        %parallel_loop3A_386 = arith.constant 1.000000e+00 : f32
        %parallel_loop3A_387 = vector.broadcast %parallel_loop3A_386 : f32 to vector<16xf32>
        %parallel_loop3A_388 = arith.addf %parallel_loop3A_387, %parallel_loop3A_385 : vector<16xf32>
        %parallel_loop3A_389 = arith.constant 1.000000e+00 : f32
        %parallel_loop3A_390 = vector.broadcast %parallel_loop3A_389 : f32 to vector<16xf32>
        %parallel_loop3A_391 = arith.divf %parallel_loop3A_390, %parallel_loop3A_388 : vector<16xf32>
        %parallel_loop3A_392 = arith.mulf %parallel_loop3A_391, %parallel_loop3A_351 : vector<16xf32>
        %parallel_loop3A_393 = arith.constant 1.000000e+00 : f32
        %parallel_loop3A_394 = vector.broadcast %parallel_loop3A_393 : f32 to vector<16xf32>
        %parallel_loop3A_395 = arith.select %parallel_loop3A_352, %parallel_loop3A_394, %parallel_loop3A_392 : vector<16xi1>, vector<16xf32>
        %parallel_loop3A_396 = arith.constant 0 : i32
        %parallel_loop3A_397 = arith.constant 0 : i32
        %parallel_loop3A_398 = arith.constant 0 : i32
        %parallel_loop3A_399 = arith.constant 0 : i32
        %parallel_loop3A_400 = tpu.memref_slice %arg9[%parallel_loop3A_316, %parallel_loop3A_397, %parallel_loop3A_398, %parallel_loop3A_399] : memref<2x26x4x128xf32, #tpu.memory_space<vmem>> -> memref<1x26x4x128xf32, #tpu.memory_space<vmem>>
        %parallel_loop3A_401 = tpu.memref_squeeze %parallel_loop3A_400 : memref<1x26x4x128xf32, #tpu.memory_space<vmem>> -> memref<26x4x128xf32, #tpu.memory_space<vmem>>
        %parallel_loop3A_402 = arith.index_cast %parallel_loop3A_320 : i32 to index
        %parallel_loop3A_403 = arith.index_cast %parallel_loop3A_396 : i32 to index
        %parallel_loop3A_404 = arith.index_cast %parallel_loop3A_324 : i32 to index
        %parallel_loop3A_405 = tpu.vector_load %parallel_loop3A_401[%parallel_loop3A_402, %parallel_loop3A_403, %parallel_loop3A_404] {strides = array<i32>} : memref<26x4x128xf32, #tpu.memory_space<vmem>>, vector<16xf32>,
        tpu.vector_store %parallel_loop3A_401[%parallel_loop3A_402, %parallel_loop3A_403, %parallel_loop3A_404], %parallel_loop3A_395 {strides = array<i32>} : memref<26x4x128xf32, #tpu.memory_space<vmem>>, vector<16xf32>,
        %parallel_loop3A_406 = arith.constant 128 : i32
        %parallel_loop3A_407 = vector.broadcast %parallel_loop3A_406 : i32 to vector<16xi32>
        %parallel_loop3A_408 = arith.addi %parallel_loop3A_362, %parallel_loop3A_407 : vector<16xi32>
        %parallel_loop3A_409 = tpu.vector_load_idx %arg6[%parallel_loop3A_408] : memref<80896xf32, #tpu.memory_space<vmem>>[vector<16xi32>], vector<16xf32>,
        %parallel_loop3A_410 = arith.constant 640 : i32
        %parallel_loop3A_411 = vector.broadcast %parallel_loop3A_410 : i32 to vector<16xi32>
        %parallel_loop3A_412 = arith.addi %parallel_loop3A_372, %parallel_loop3A_411 : vector<16xi32>
        %parallel_loop3A_413 = tpu.vector_load_idx %arg6[%parallel_loop3A_412] : memref<80896xf32, #tpu.memory_space<vmem>>[vector<16xi32>], vector<16xf32>,
        %parallel_loop3A_414 = arith.addf %parallel_loop3A_409, %parallel_loop3A_413 : vector<16xf32>
        %parallel_loop3A_415 = arith.constant 0.000000e+00 : f32
        %parallel_loop3A_416 = vector.broadcast %parallel_loop3A_415 : f32 to vector<16xf32>
        %parallel_loop3A_417 = arith.subf %parallel_loop3A_416, %parallel_loop3A_414 : vector<16xf32>
        %parallel_loop3A_418 = math.exp %parallel_loop3A_417 : vector<16xf32>
        %parallel_loop3A_419 = arith.constant 1.000000e+00 : f32
        %parallel_loop3A_420 = vector.broadcast %parallel_loop3A_419 : f32 to vector<16xf32>
        %parallel_loop3A_421 = arith.addf %parallel_loop3A_420, %parallel_loop3A_418 : vector<16xf32>
        %parallel_loop3A_422 = arith.constant 1.000000e+00 : f32
        %parallel_loop3A_423 = vector.broadcast %parallel_loop3A_422 : f32 to vector<16xf32>
        %parallel_loop3A_424 = arith.divf %parallel_loop3A_423, %parallel_loop3A_421 : vector<16xf32>
        %parallel_loop3A_425 = arith.mulf %parallel_loop3A_424, %parallel_loop3A_351 : vector<16xf32>
        %parallel_loop3A_426 = arith.constant 1.000000e+00 : f32
        %parallel_loop3A_427 = vector.broadcast %parallel_loop3A_426 : f32 to vector<16xf32>
        %parallel_loop3A_428 = arith.select %parallel_loop3A_352, %parallel_loop3A_427, %parallel_loop3A_425 : vector<16xi1>, vector<16xf32>
        %parallel_loop3A_429 = arith.constant 1 : i32
        %parallel_loop3A_430 = arith.constant 0 : i32
        %parallel_loop3A_431 = arith.constant 0 : i32
        %parallel_loop3A_432 = arith.constant 0 : i32
        %parallel_loop3A_433 = tpu.memref_slice %arg9[%parallel_loop3A_316, %parallel_loop3A_430, %parallel_loop3A_431, %parallel_loop3A_432] : memref<2x26x4x128xf32, #tpu.memory_space<vmem>> -> memref<1x26x4x128xf32, #tpu.memory_space<vmem>>
        %parallel_loop3A_434 = tpu.memref_squeeze %parallel_loop3A_433 : memref<1x26x4x128xf32, #tpu.memory_space<vmem>> -> memref<26x4x128xf32, #tpu.memory_space<vmem>>
        %parallel_loop3A_435 = arith.index_cast %parallel_loop3A_320 : i32 to index
        %parallel_loop3A_436 = arith.index_cast %parallel_loop3A_429 : i32 to index
        %parallel_loop3A_437 = arith.index_cast %parallel_loop3A_324 : i32 to index
        %parallel_loop3A_438 = tpu.vector_load %parallel_loop3A_434[%parallel_loop3A_435, %parallel_loop3A_436, %parallel_loop3A_437] {strides = array<i32>} : memref<26x4x128xf32, #tpu.memory_space<vmem>>, vector<16xf32>,
        tpu.vector_store %parallel_loop3A_434[%parallel_loop3A_435, %parallel_loop3A_436, %parallel_loop3A_437], %parallel_loop3A_428 {strides = array<i32>} : memref<26x4x128xf32, #tpu.memory_space<vmem>>, vector<16xf32>,
        %parallel_loop3A_439 = arith.constant 256 : i32
        %parallel_loop3A_440 = vector.broadcast %parallel_loop3A_439 : i32 to vector<16xi32>
        %parallel_loop3A_441 = arith.addi %parallel_loop3A_362, %parallel_loop3A_440 : vector<16xi32>
        %parallel_loop3A_442 = tpu.vector_load_idx %arg6[%parallel_loop3A_441] : memref<80896xf32, #tpu.memory_space<vmem>>[vector<16xi32>], vector<16xf32>,
        %parallel_loop3A_443 = arith.constant 768 : i32
        %parallel_loop3A_444 = vector.broadcast %parallel_loop3A_443 : i32 to vector<16xi32>
        %parallel_loop3A_445 = arith.addi %parallel_loop3A_372, %parallel_loop3A_444 : vector<16xi32>
        %parallel_loop3A_446 = tpu.vector_load_idx %arg6[%parallel_loop3A_445] : memref<80896xf32, #tpu.memory_space<vmem>>[vector<16xi32>], vector<16xf32>,
        %parallel_loop3A_447 = arith.addf %parallel_loop3A_442, %parallel_loop3A_446 : vector<16xf32>
        %parallel_loop3A_448 = arith.constant 0.000000e+00 : f32
        %parallel_loop3A_449 = vector.broadcast %parallel_loop3A_448 : f32 to vector<16xf32>
        %parallel_loop3A_450 = arith.subf %parallel_loop3A_449, %parallel_loop3A_447 : vector<16xf32>
        %parallel_loop3A_451 = math.exp %parallel_loop3A_450 : vector<16xf32>
        %parallel_loop3A_452 = arith.constant 1.000000e+00 : f32
        %parallel_loop3A_453 = vector.broadcast %parallel_loop3A_452 : f32 to vector<16xf32>
        %parallel_loop3A_454 = arith.addf %parallel_loop3A_453, %parallel_loop3A_451 : vector<16xf32>
        %parallel_loop3A_455 = arith.constant 1.000000e+00 : f32
        %parallel_loop3A_456 = vector.broadcast %parallel_loop3A_455 : f32 to vector<16xf32>
        %parallel_loop3A_457 = arith.divf %parallel_loop3A_456, %parallel_loop3A_454 : vector<16xf32>
        %parallel_loop3A_458 = arith.mulf %parallel_loop3A_457, %parallel_loop3A_351 : vector<16xf32>
        %parallel_loop3A_459 = arith.constant 1.000000e+00 : f32
        %parallel_loop3A_460 = vector.broadcast %parallel_loop3A_459 : f32 to vector<16xf32>
        %parallel_loop3A_461 = arith.select %parallel_loop3A_352, %parallel_loop3A_460, %parallel_loop3A_458 : vector<16xi1>, vector<16xf32>
        %parallel_loop3A_462 = arith.constant 2 : i32
        %parallel_loop3A_463 = arith.constant 0 : i32
        %parallel_loop3A_464 = arith.constant 0 : i32
        %parallel_loop3A_465 = arith.constant 0 : i32
        %parallel_loop3A_466 = tpu.memref_slice %arg9[%parallel_loop3A_316, %parallel_loop3A_463, %parallel_loop3A_464, %parallel_loop3A_465] : memref<2x26x4x128xf32, #tpu.memory_space<vmem>> -> memref<1x26x4x128xf32, #tpu.memory_space<vmem>>
        %parallel_loop3A_467 = tpu.memref_squeeze %parallel_loop3A_466 : memref<1x26x4x128xf32, #tpu.memory_space<vmem>> -> memref<26x4x128xf32, #tpu.memory_space<vmem>>
        %parallel_loop3A_468 = arith.index_cast %parallel_loop3A_320 : i32 to index
        %parallel_loop3A_469 = arith.index_cast %parallel_loop3A_462 : i32 to index
        %parallel_loop3A_470 = arith.index_cast %parallel_loop3A_324 : i32 to index
        %parallel_loop3A_471 = tpu.vector_load %parallel_loop3A_467[%parallel_loop3A_468, %parallel_loop3A_469, %parallel_loop3A_470] {strides = array<i32>} : memref<26x4x128xf32, #tpu.memory_space<vmem>>, vector<16xf32>,
        tpu.vector_store %parallel_loop3A_467[%parallel_loop3A_468, %parallel_loop3A_469, %parallel_loop3A_470], %parallel_loop3A_461 {strides = array<i32>} : memref<26x4x128xf32, #tpu.memory_space<vmem>>, vector<16xf32>,
        %parallel_loop3A_472 = arith.constant 384 : i32
        %parallel_loop3A_473 = vector.broadcast %parallel_loop3A_472 : i32 to vector<16xi32>
        %parallel_loop3A_474 = arith.addi %parallel_loop3A_362, %parallel_loop3A_473 : vector<16xi32>
        %parallel_loop3A_475 = tpu.vector_load_idx %arg6[%parallel_loop3A_474] : memref<80896xf32, #tpu.memory_space<vmem>>[vector<16xi32>], vector<16xf32>,
        %parallel_loop3A_476 = arith.constant 896 : i32
        %parallel_loop3A_477 = vector.broadcast %parallel_loop3A_476 : i32 to vector<16xi32>
        %parallel_loop3A_478 = arith.addi %parallel_loop3A_372, %parallel_loop3A_477 : vector<16xi32>
        %parallel_loop3A_479 = tpu.vector_load_idx %arg6[%parallel_loop3A_478] : memref<80896xf32, #tpu.memory_space<vmem>>[vector<16xi32>], vector<16xf32>,
        %parallel_loop3A_480 = arith.addf %parallel_loop3A_475, %parallel_loop3A_479 : vector<16xf32>
        %parallel_loop3A_481 = arith.constant 0.000000e+00 : f32
        %parallel_loop3A_482 = vector.broadcast %parallel_loop3A_481 : f32 to vector<16xf32>
        %parallel_loop3A_483 = arith.subf %parallel_loop3A_482, %parallel_loop3A_480 : vector<16xf32>
        %parallel_loop3A_484 = math.exp %parallel_loop3A_483 : vector<16xf32>
        %parallel_loop3A_485 = arith.constant 1.000000e+00 : f32
        %parallel_loop3A_486 = vector.broadcast %parallel_loop3A_485 : f32 to vector<16xf32>
        %parallel_loop3A_487 = arith.addf %parallel_loop3A_486, %parallel_loop3A_484 : vector<16xf32>
        %parallel_loop3A_488 = arith.constant 1.000000e+00 : f32
        %parallel_loop3A_489 = vector.broadcast %parallel_loop3A_488 : f32 to vector<16xf32>
        %parallel_loop3A_490 = arith.divf %parallel_loop3A_489, %parallel_loop3A_487 : vector<16xf32>
        %parallel_loop3A_491 = arith.mulf %parallel_loop3A_490, %parallel_loop3A_351 : vector<16xf32>
        %parallel_loop3A_492 = arith.constant 1.000000e+00 : f32
        %parallel_loop3A_493 = vector.broadcast %parallel_loop3A_492 : f32 to vector<16xf32>
        %parallel_loop3A_494 = arith.select %parallel_loop3A_352, %parallel_loop3A_493, %parallel_loop3A_491 : vector<16xi1>, vector<16xf32>
        %parallel_loop3A_495 = arith.constant 3 : i32
        %parallel_loop3A_496 = arith.constant 0 : i32
        %parallel_loop3A_497 = arith.constant 0 : i32
        %parallel_loop3A_498 = arith.constant 0 : i32
        %parallel_loop3A_499 = tpu.memref_slice %arg9[%parallel_loop3A_316, %parallel_loop3A_496, %parallel_loop3A_497, %parallel_loop3A_498] : memref<2x26x4x128xf32, #tpu.memory_space<vmem>> -> memref<1x26x4x128xf32, #tpu.memory_space<vmem>>
        %parallel_loop3A_500 = tpu.memref_squeeze %parallel_loop3A_499 : memref<1x26x4x128xf32, #tpu.memory_space<vmem>> -> memref<26x4x128xf32, #tpu.memory_space<vmem>>
        %parallel_loop3A_501 = arith.index_cast %parallel_loop3A_320 : i32 to index
        %parallel_loop3A_502 = arith.index_cast %parallel_loop3A_495 : i32 to index
        %parallel_loop3A_503 = arith.index_cast %parallel_loop3A_324 : i32 to index
        %parallel_loop3A_504 = tpu.vector_load %parallel_loop3A_500[%parallel_loop3A_501, %parallel_loop3A_502, %parallel_loop3A_503] {strides = array<i32>} : memref<26x4x128xf32, #tpu.memory_space<vmem>>, vector<16xf32>,
        tpu.vector_store %parallel_loop3A_500[%parallel_loop3A_501, %parallel_loop3A_502, %parallel_loop3A_503], %parallel_loop3A_494 {strides = array<i32>} : memref<26x4x128xf32, #tpu.memory_space<vmem>>, vector<16xf32>,
      } {sc.loop_unroll_factor = 2 : i64, sc.parallel_access}
      %run_scoped3A_317 = arith.constant 0 : i32
      "tpu.region"() ({
        %run_scoped3A_318 = tpu.sem_alloc : memref<!tpu.dma_semaphore, #tpu.memory_space<semaphore_mem>>
        %dma_start3A_319 = arith.constant 0 : i32
        %dma_start3A_320 = arith.constant 0 : i32
        %dma_start3A_321 = arith.constant 0 : i32
        %dma_start3A_322 = tpu.memref_slice %arg9[%run_scoped3A_317, %dma_start3A_319, %dma_start3A_320, %dma_start3A_321] : memref<2x26x4x128xf32, #tpu.memory_space<vmem>> -> memref<1x1x4x128xf32, #tpu.memory_space<vmem>>
        %dma_start3A_323 = tpu.memref_squeeze %dma_start3A_322 : memref<1x1x4x128xf32, #tpu.memory_space<vmem>> -> memref<1x4x128xf32, #tpu.memory_space<vmem>>
        %dma_start3A_324 = arith.constant 0 : i32
        %dma_start3A_325 = arith.constant 0 : i32
        %dma_start3A_326 = tpu.memref_slice %arg5[%add3A_307, %dma_start3A_324, %dma_start3A_325] : memref<2500x4x128xf32, #tpu.memory_space<hbm>> -> memref<1x4x128xf32, #tpu.memory_space<hbm>>
        %dma_start3A_327 = arith.constant 0 : i32
        %dma_start3A_328 = arith.constant 0 : i32
        %dma_start3A_329 = tpu.memref_slice %arg5[%add3A_307, %dma_start3A_327, %dma_start3A_328] : memref<2500x4x128xf32, #tpu.memory_space<hbm>> -> memref<1x4x128xf32, #tpu.memory_space<hbm>>
        %dma_start3A_330 = arith.constant 0 : i32
        %dma_start3A_331 = arith.constant 0 : i32
        %dma_start3A_332 = arith.constant 0 : i32
        %dma_start3A_333 = tpu.memref_slice %arg9[%run_scoped3A_317, %dma_start3A_330, %dma_start3A_331, %dma_start3A_332] : memref<2x26x4x128xf32, #tpu.memory_space<vmem>> -> memref<1x1x4x128xf32, #tpu.memory_space<vmem>>
        %dma_start3A_334 = tpu.memref_squeeze %dma_start3A_333 : memref<1x1x4x128xf32, #tpu.memory_space<vmem>> -> memref<1x4x128xf32, #tpu.memory_space<vmem>>
        tpu.enqueue_dma source(%dma_start3A_334 : memref<1x4x128xf32, #tpu.memory_space<vmem>>) target(%dma_start3A_329 : memref<1x4x128xf32, #tpu.memory_space<hbm>>) target_semaphore(%run_scoped3A_318 : memref<!tpu.dma_semaphore, #tpu.memory_space<semaphore_mem>>)
        %dma_wait3A_335 = arith.constant 0 : i32
        %dma_wait3A_336 = arith.constant 0 : i32
        %dma_wait3A_337 = arith.constant 0 : i32
        %dma_wait3A_338 = tpu.memref_slice %arg9[%run_scoped3A_317, %dma_wait3A_335, %dma_wait3A_336, %dma_wait3A_337] : memref<2x26x4x128xf32, #tpu.memory_space<vmem>> -> memref<1x1x4x128xf32, #tpu.memory_space<vmem>>
        %dma_wait3A_339 = tpu.memref_squeeze %dma_wait3A_338 : memref<1x1x4x128xf32, #tpu.memory_space<vmem>> -> memref<1x4x128xf32, #tpu.memory_space<vmem>>
        %dma_wait3A_340 = arith.constant 0 : i32
        %dma_wait3A_341 = arith.constant 0 : i32
        %dma_wait3A_342 = tpu.memref_slice %arg5[%add3A_307, %dma_wait3A_340, %dma_wait3A_341] : memref<2500x4x128xf32, #tpu.memory_space<hbm>> -> memref<1x4x128xf32, #tpu.memory_space<hbm>>
        %dma_wait3A_343 = arith.constant 0 : i32
        %dma_wait3A_344 = arith.constant 0 : i32
        %dma_wait3A_345 = tpu.memref_slice %arg5[%add3A_307, %dma_wait3A_343, %dma_wait3A_344] : memref<2500x4x128xf32, #tpu.memory_space<hbm>> -> memref<1x4x128xf32, #tpu.memory_space<hbm>>
        %dma_wait3A_346 = arith.constant 0 : i32
        %dma_wait3A_347 = arith.constant 0 : i32
        %dma_wait3A_348 = arith.constant 0 : i32
        %dma_wait3A_349 = tpu.memref_slice %arg9[%run_scoped3A_317, %dma_wait3A_346, %dma_wait3A_347, %dma_wait3A_348] : memref<2x26x4x128xf32, #tpu.memory_space<vmem>> -> memref<1x1x4x128xf32, #tpu.memory_space<vmem>>
        %dma_wait3A_350 = tpu.memref_squeeze %dma_wait3A_349 : memref<1x1x4x128xf32, #tpu.memory_space<vmem>> -> memref<1x4x128xf32, #tpu.memory_space<vmem>>
        tpu.wait_dma2 semaphore(%run_scoped3A_318 : memref<!tpu.dma_semaphore, #tpu.memory_space<semaphore_mem>>) src(%dma_wait3A_350 : memref<1x4x128xf32, #tpu.memory_space<vmem>>) dst(%dma_wait3A_345 : memref<1x4x128xf32, #tpu.memory_space<hbm>>)
        tpu.yield
      }) : () -> ()
    } else {
    }
    return
  }
}

module attributes {stable_mosaic.version = 14 : i64} {
  func.func @body(%arg0: i32, %arg1: memref<1024x128xf32, #tpu.memory_space<vmem>>, %arg2: memref<8x128xf32, #tpu.memory_space<vmem>>, %arg3: memref<8x1xf32, #tpu.memory_space<vmem>>, %arg4: memref<8x1024xf32, #tpu.memory_space<vmem>>) attributes {dimension_semantics = [#tpu.dimension_semantics<arbitrary>], iteration_bounds = array<i64: 10>, scalar_prefetch = 0 : i64, scratch_operands = 0 : i64, tpu.core_type = #tpu.core_type<tc>, window_params = [{transform_indices = @transform_0, window_bounds = array<i64: 1024, 128>}, {pipeline_mode = #tpu.pipeline_mode<synchronous>, transform_indices = @transform_1, window_bounds = array<i64: 8, 128>}, {pipeline_mode = #tpu.pipeline_mode<synchronous>, transform_indices = @transform_2, window_bounds = array<i64: 8, 1>}, {transform_indices = @transform_3, window_bounds = array<i64: 8, 1024>}]} {
    %get3A = arith.constant 0 : index
    %get3A_0 = arith.constant 0 : index
    %get3A_1 = vector.load %arg2[%get3A, %get3A_0] : memref<8x128xf32, #tpu.memory_space<vmem>>, vector<8x128xf32>
    %get3A_2 = arith.constant 0 : index
    %get3A_3 = arith.constant 0 : index
    %get3A_4 = vector.load %arg1[%get3A_2, %get3A_3] : memref<1024x128xf32, #tpu.memory_space<vmem>>, vector<1024x128xf32>
    %dot_general3A = arith.constant dense<0.000000e+00> : vector<8x1024xf32>
    %dot_general3A_5 = tpu.matmul %get3A_1, %get3A_4, %dot_general3A {dimension_numbers = #tpu.dot_dimension_numbers<[1], [1], [0], [0], [0, 0, 1, 0], [], []>, precision = #tpu.contract_precision<fp32>, transpose_lhs_hint = false} : vector<8x128xf32>, vector<1024x128xf32>, vector<8x1024xf32> -> vector<8x1024xf32>
    %get3A_6 = arith.constant 0 : index
    %get3A_7 = arith.constant 0 : index
    %get3A_8 = vector.load %arg3[%get3A_6, %get3A_7] : memref<8x1xf32, #tpu.memory_space<vmem>>, vector<8x1xf32>
    %add3A = vector.broadcast %get3A_8 : vector<8x1xf32> to vector<8x1024xf32>
    %add3A_9 = arith.addf %dot_general3A_5, %add3A : vector<8x1024xf32>
    %swap3A = arith.constant 0 : index
    %swap3A_10 = arith.constant 0 : index
    %swap3A_11 = vector.load %arg4[%swap3A, %swap3A_10] : memref<8x1024xf32, #tpu.memory_space<vmem>>, vector<8x1024xf32>
    tpu.vector_store %arg4[%swap3A, %swap3A_10], %add3A_9 {strides = array<i32>} : memref<8x1024xf32, #tpu.memory_space<vmem>>, vector<8x1024xf32>,
    return
  }
  func.func @transform_0(%arg0: i32) -> (i32, i32) {
    %c0_i32 = arith.constant 0 : i32
    %c0_i32_0 = arith.constant 0 : i32
    return %arg0, %c0_i32 : i32, i32
  }
  func.func @transform_1(%arg0: i32) -> (i32, i32) {
    %c0_i32 = arith.constant 0 : i32
    %c0_i32_0 = arith.constant 0 : i32
    %c0_i32_1 = arith.constant 0 : i32
    return %c0_i32, %c0_i32_0 : i32, i32
  }
  func.func @transform_2(%arg0: i32) -> (i32, i32) {
    %c0_i32 = arith.constant 0 : i32
    %c0_i32_0 = arith.constant 0 : i32
    %c0_i32_1 = arith.constant 0 : i32
    return %c0_i32, %c0_i32_0 : i32, i32
  }
  func.func @transform_3(%arg0: i32) -> (i32, i32) {
    %c0_i32 = arith.constant 0 : i32
    %c0_i32_0 = arith.constant 0 : i32
    return %c0_i32, %arg0 : i32, i32
  }
}

</mosaic_0001>

<sc_bundles>
// kernel: kernel.4.cloned.1.call-start
scs
__scs_entry_jumppad:
0x0: {  	(pc) =	sbr.rel $0x88, $3  }
0x1: {  	(tag) =	ssettag $0x0;
	lr =	simm.s32 $0x1  }
0x2: {  	[smem:$0x3F9C] =	sst lr;
	_ =	strace $0xD0000000  }
0x3: {  	_ = 	snop  }
0x4: {  	_ = 	snop  }
0x5: {  	_ = 	snop  }
0x6: {  	_ = 	snop  }
0x7: {  	_ = 	snop  }
__scs_overlays_trampoline_lowered:
0x8: {  	[smem:$0x3FAB] =	sst s0  }
0x9: {  	[smem:$0x3FAC] =	sst s1  }
0xa: {  	[smem:$0x3FAD] =	sst s2  }
0xb: {  	[smem:$0x3FAE] =	sst s3  }
0xc: {  	[smem:$0x3FAF] =	sst s4  }
0xd: {  	[smem:$0x3FB0] =	sst s5  }
0xe: {  	[smem:$0x3FB1] =	sst s6  }
0xf: {  	[smem:$0x3FB2] =	sst s7  }
0x10: {  	[smem:$0x3FB3] =	sst s8  }
0x11: {  	[smem:$0x3FB4] =	sst s9;
	s0 =	simm.s32 @!p0 $0x0  }
0x12: {  	s1 =	sld [smem:$0x3F9A];
	s0 =	simm.s32 @p0 $0x1  }
0x13: {  	[smem:$0x3FB5] =	sst s0;
	s0 =	simm.s32 @!p1 $0x0  }
0x14: {  	s2 =	sld [smem:$0x3F99];
	s0 =	simm.s32 @p1 $0x1  }
0x15: {  	[smem:$0x3FB6] =	sst s0;
	s0 =	simm.s32 @!p2 $0x0  }
0x16: {  	s3 =	sld [smem:$0x3FDB];
	s0 =	simm.s32 @p2 $0x1  }
0x17: {  	s4 =	simm.s32 $0x1BF5;
	[smem:$0x3FB8] =	sst s0  }
0x18: {  	s0 =	sld [smem:$0x3F9B];
	_ =	swait.ge [sflag:s4], $0x0  }
0x19: {  	s7 =	sld [smem:$0x3F9C]  }
0x1a: {  	s8 =	sadd.s32 $0xFFFFE003, lr  }
0x1b: {  	s9 =	sadd.s32 $0xFFFFFEF7, lr;
	s5 =	simm.s32 $0xFFFFFFFF;
	p2 =	slt.u32 s8, $0xFFFFF086  }
0x1c: {  	p1 =	slt.u32 s9, $0xF7A;
	s5 =	simm.s32 @!p2 $0x0  }
0x1d: {  	s5 =	simm.s32 @p1 $0x1;
	p0 =	seq.s32 s7, s2  }
0x1e: {  	s7 =	smul.u32 @!p0 $0xF7A, s2;
	p2 =	seq.s32 @!p0 s5, $0x0  }
0x1f: {  	s9 =	smul.u32 $0xF7A, s1;
	s8 =	simm.s32 @!p0 $0x1BF5;
	p2 =	por !p2, p0  }
0x20: {  	[sflag:s8] =	ssyncset.s32 @!p0 $0xFFFFF086;
	s6 =	sadd.s32 @!p0 s3, s7;
	s7 =	simm.s32 @!p0 $0x108  }
0x21: {  	s3 =	sadd.s32 s3, s9;
	s6 =	sadd.s32 @!p0 $0x88, s6;
	s7 =	simm.s32 @p2 $0x1082  }
0x22: {  	[simem:s7], [sflag:s8] =	dma.local @!p0 [hbm:s6], $0xF7A  }
0x23: {  	s9 =	sor.u32 $0xD0000000, s2;
	s6 =	simm.s32 $0x108;
	_ =	swait.ge @!p0 [sflag:s8], $0x0  }
0x24: {  	s3 =	sadd.s32 $0x88, s3;
	s6 =	simm.s32 @!p1 $0x1082;
	[sflag:s4] =	ssyncset.s32 $0xFFFFF086  }
0x25: {  	[simem:s6], [sflag:s4] =	dma.local [hbm:s3], $0xF7A  }
0x26: {  	[smem:$0x3F9C] =	sst s1;
	(tag) =	ssettag s2;
	_ =	strace s9  }
0x27: {  	s1 =	sld [smem:$0x3FAC]  }
0x28: {  	s2 =	sld [smem:$0x3FAD]  }
0x29: {  	s4 =	sld [smem:$0x3FAF]  }
0x2a: {  	p0 =	seq.s32 s5, $0x0;
	s5 =	sld [smem:$0x3FB0]  }
0x2b: {  	s6 =	sld [smem:$0x3FB1]  }
0x2c: {  	s7 =	sld [smem:$0x3FB2]  }
0x2d: {  	s3 =	simm.s32 $0x108;
	s8 =	sld [smem:$0x3FB3]  }
0x2e: {  	s3 =	simm.s32 @!p0 $0x1082;
	s9 =	sld [smem:$0x3FB4]  }
0x2f: {  	lr =	sadd.s32 s0, s3;
	s0 =	sld [smem:$0x3FAB]  }
0x30: {  	s3 =	sld [smem:$0x3FAE]  }
0x31: {  	[smem:$0x3FB7] =	sst s10  }
0x32: {  	s10 =	sld [smem:$0x3FB5];
	_ =	sdelay $0x3  }
0x33: {  	p0 =	seq.s32 s10, $0x1;
	s10 =	sld [smem:$0x3FB7];
	_ =	sdelay $0x3  }
0x34: {  	[smem:$0x3FB7] =	sst s10  }
0x35: {  	s10 =	sld [smem:$0x3FB6];
	_ =	sdelay $0x3  }
0x36: {  	p1 =	seq.s32 s10, $0x1;
	s10 =	sld [smem:$0x3FB7];
	_ =	sdelay $0x3  }
0x37: {  	[smem:$0x3FB7] =	sst s10  }
0x38: {  	s10 =	sld [smem:$0x3FB8]  }
0x39: {  	_ = 	snop;
	(pc) =	sbr.ind lr, $3  }
0x3a: {  	_ = 	snop  }
0x3b: {  	_ = 	snop  }
0x3c: {  	p2 =	seq.s32 s10, $0x1;
	s10 =	sld [smem:$0x3FB7]  }
0x3d: {  	_ =	shalt  }
0x3e: {  	_ =	shalt  }
0x3f: {  	_ =	shalt  }
0x40: {  	_ =	shalt  }
0x41: {  	_ =	shalt  }
0x42: {  	_ =	shalt  }
0x43: {  	_ =	shalt  }
0x44: {  	_ =	shalt  }
0x45: {  	_ =	shalt  }
0x46: {  	_ =	shalt  }
0x47: {  	_ =	shalt  }
0x48: {  	_ =	shalt  }
0x49: {  	_ =	shalt  }
0x4a: {  	_ =	shalt  }
0x4b: {  	_ =	shalt  }
0x4c: {  	_ =	shalt  }
0x4d: {  	_ =	shalt  }
0x4e: {  	_ =	shalt  }
0x4f: {  	_ =	shalt  }
0x50: {  	_ =	shalt  }
0x51: {  	_ =	shalt  }
0x52: {  	_ =	shalt  }
0x53: {  	_ =	shalt  }
0x54: {  	_ =	shalt  }
0x55: {  	_ =	shalt  }
0x56: {  	_ =	shalt  }
0x57: {  	_ =	shalt  }
0x58: {  	_ =	shalt  }
0x59: {  	_ =	shalt  }
0x5a: {  	_ =	shalt  }
0x5b: {  	_ =	shalt  }
0x5c: {  	_ =	shalt  }
0x5d: {  	_ =	shalt  }
0x5e: {  	_ =	shalt  }
0x5f: {  	_ =	shalt  }
0x60: {  	_ =	shalt  }
0x61: {  	_ =	shalt  }
0x62: {  	_ =	shalt  }
0x63: {  	_ =	shalt  }
0x64: {  	_ =	shalt  }
0x65: {  	_ =	shalt  }
0x66: {  	_ =	shalt  }
0x67: {  	_ =	shalt  }
0x68: {  	_ =	shalt  }
0x69: {  	_ =	shalt  }
0x6a: {  	_ =	shalt  }
0x6b: {  	_ =	shalt  }
0x6c: {  	_ =	shalt  }
0x6d: {  	_ =	shalt  }
0x6e: {  	_ =	shalt  }
0x6f: {  	_ =	shalt  }
0x70: {  	_ =	shalt  }
0x71: {  	_ =	shalt  }
0x72: {  	_ =	shalt  }
0x73: {  	_ =	shalt  }
0x74: {  	_ =	shalt  }
0x75: {  	_ =	shalt  }
0x76: {  	_ =	shalt  }
0x77: {  	_ =	shalt  }
0x78: {  	_ =	shalt  }
0x79: {  	_ =	shalt  }
0x7a: {  	_ =	shalt  }
0x7b: {  	_ =	shalt  }
0x7c: {  	_ =	shalt  }
0x7d: {  	_ =	shalt  }
0x7e: {  	_ =	shalt  }
0x7f: {  	_ =	shalt  }
0x80: {  	_ =	shalt  }
0x81: {  	_ =	shalt  }
0x82: {  	_ =	shalt  }
0x83: {  	_ =	shalt  }
0x84: {  	_ =	shalt  }
0x85: {  	_ =	shalt  }
0x86: {  	_ =	shalt  }
0x87: {  	_ =	shalt  }
.Lfunc_end0:
.L_simem_size_0:
called_computation_lowered:
.L_overlay_start_0:
0x88: {  	s2 =	sld [smem:$0x3FD9]  }
0x89: {  	s3 =	sld [smem:$0x3FFE];
	_ =	sdelay $0x1  }
0x8a: {  	s1 =	srdreg.scid  }
0x8b: {  	s0 =	sand.u32 $0x1, s1  }
0x8c: {  	s15 =	sshll.u32 s0, $0xA;
	s2 =	sadd.s32 s3, s2  }
0x8d: {  	s2 =	sadd.s32 s2, s15  }
0x8e: {  	[smem:$0x3FC3] =	sst s2  }
0x8f: {  	_ = 	snop  }
0x90: {  	s2 =	sld [smem:$0x3FD0];
	_ =	sdelay $0x1  }
0x91: {  	s16 =	sld [smem:$0x3FC8]  }
0x92: {  	s5 =	simm.s32 $0xA;
	s6 =	simm.s32 $0x10;
	s4 =	sld [smem:$0x3FC7]  }
0x93: {  	[smem:s6], [sflag:s5] =	dma.local [hbm:s2], $0x1  }
0x94: {  	_ =	swait.eq [sflag:s5], $0x1  }
0x95: {  	[sflag:s5] =	ssyncset.done $0x0  }
0x96: {  	s17 =	sld [smem:$0x10];
	[sflag:s5] =	ssyncadd.s32 $0xFFFFFFFF  }
0x97: {  	s18 =	sld [smem:$0x11];
	(tm) =	ssettm $0x1  }
0x98: {  	s19 =	sld [smem:$0x3FFB];
	_ =	sdelay $0x3  }
0x99: {  	_ =	strace s19  }
0x9a: {  	s6 =	sld [smem:$0x3FFC];
	_ =	sdelay $0x3  }
0x9b: {  	_ =	strace s6  }
0x9c: {  	s6 =	sld [smem:$0x3FFD];
	_ =	sdelay $0x3  }
0x9d: {  	_ =	strace s6  }
0x9e: {  	_ =	strace $0x8FFFFFFF  }
0x9f: {  	s20 =	sld [smem:$0x3FDB];
	_ =	sdelay $0x1  }
0xa0: {  	s7 =	simm.s32 $_scs_section_size  }
0xa1: {  	s8 =	simm.s32 $_size__tile_overlayer_lowered;
	s9 =	simm.s32 $_tile_overlayer_lowered  }
0xa2: {  	s23 =	simm.s32 $0x1BFF;
	s22 =	sshll.u32 s9, $0x1;
	s6 =	sadd.s32 s7, s20  }
0xa3: {  	s10 =	simm.s32 $0x0;
	s21 =	sshll.u32 s8, $0x1;
	s8 =	sadd.s32 s22, s6  }
0xa4: {  	[timem:s10], [sflag:s23] =	dma.local [hbm:s8], s21  }
0xa5: {  	_ =	swait.ge [sflag:s23], s21  }
0xa6: {  	s7 =	ssub.s32 $0x0, s21;
	[sflag:s23] =	ssyncset.done $0x0  }
0xa7: {  	[sflag:s23] =	ssyncadd.s32 s7;
	_ =	sdelay $0x1  }
0xa8: {  	s24 =	simm.s32 $0x1B8B  }
0xa9: {  	_ =	swait.ge [sflag:s24], $0x1  }
0xaa: {  	[sflag:s24] =	ssyncset.done $0x0  }
0xab: {  	s25 =	simm.s32 $0x1B8E;
	[sflag:s24] =	ssyncadd.s32 $0xFFFFFFFF  }
0xac: {  	s26 =	simm.s32 $execute0_lowered;
	[smem:$0x3FD2] =	sst s25  }
0xad: {  	s7 =	sshll.u32 s26, $0x1;
	_ =	strace $0x80000046;
	[dreg:$0x1] =	wrdreg $0xFFFFFFFF  }
0xae: {  	s28 =	simm.s32 $_size_execute0_lowered;
	s6 =	sadd.s32 s6, s7;
	[dreg:$0x0] =	wrdreg $0x0  }
0xaf: {  	s7 =	sshll.u32 s28, $0x1;
	[dreg:$0x2] =	wrdreg s6  }
0xb0: {  	[dreg:$0x3] =	wrdreg s7  }
0xb1: {  	[dreg:$0x4] =	wrdreg $0xC0  }
0xb2: {  	_ =	task [dreg:s10], $0x5FFFF  }
0xb3: {  	[dreg:$0x1] =	wrdreg $0xFFFFFFFF  }
0xb4: {  	[dreg:$0x0] =	wrdreg $0x60  }
0xb5: {  	[dreg:$0x2] =	wrdreg s18  }
0xb6: {  	[dreg:$0x3] =	wrdreg s16  }
0xb7: {  	[dreg:$0x4] =	wrdreg s4  }
0xb8: {  	[dreg:$0x5] =	wrdreg s17  }
0xb9: {  	[dreg:$0x6] =	wrdreg $0x9  }
0xba: {  	_ =	task.clear_ibuf [dreg:s10], $0x7FFFF;
	_ =	strace $0x90000046  }
0xbb: {  	s29 =	simm.s32 $0x9;
	_ =	strace $0x80000048  }
0xbc: {  	_ =	swait.ge [sflag:s29], $0x1  }
0xbd: {  	[sflag:s29] =	ssyncadd.s32 $0xFFFFFFFF  }
0xbe: {  	_ =	strace $0x90000048  }
0xbf: {  	_ =	sfence  }
0xc0: {  	s30 =	sld [smem:$0x0];
	_ =	sdelay $0x2  }
0xc1: {  	s31 =	sshll.u32 s1, $0xD;
	s1 =	sshrl.u32 s1, $0x2  }
0xc2: {  	s3 =	sand.u32 $0x4000, s31;
	s1 =	sadd.s32 s1, s30  }
0xc3: {  	s0 =	sor.u32 s3, s0;
	s1 =	sshll.u32 s1, $0x11  }
0xc4: {  	s0 =	sor.u32 s1, s0  }
0xc5: {  	s0 =	sadd.s32 $0x8F2B, s0  }
0xc6: {  	[sflag:s0] =	ssyncadd.remote.s32 $0x1  }
0xc7: {  	_ =	sfence.sel $0xFFFF  }
0xc8: {  	[dreg:$0x0] =	wrdreg $0xFFFFFFFF;
	(pc) =	sbr.abs _section_cstart, $3  }
0xc9: {  	[dreg:$0x1] =	wrdreg $0xFFFFFFFF  }
0xca: {  	_ =	task.clear_ibuf [dreg:s10], $0x2FFFF;
	_ =	strace $0x9FFFFFFF  }
0xcb: {  	(tm) =	ssettm $0x7FFFFFFF  }
tec
execute0_lowered:
.L_overlay_start_1:
0x0: {  	(tag) =	ssettag $0x1  }
0x1: {  	s0 =	rddreg [dreg:$0x1]  }
0x2: {  	s1 =	srdreg.scid;
	s11 =	stileid.u32  }
0x3: {  	s2 =	rddreg [dreg:$0x2];
	s1 =	sand.u32 $0x1, s1;
	s3 =	sshll.u32 s11, $0x1  }
0x4: {  	s4 =	rddreg [dreg:$0x3];
	s28 =	simm.s32 $0x5;
	s5 =	sor.u32 s1, s3  }
0x5: {  	s29 =	simm.s32 $0x6;
	s30 =	simm.s32 $0x0;
	s6 =	smul.u32 $0x4E, s5  }
0x6: {  	p0 =	sgt.u32 s11, $0x1;
	s3 =	simm.s32 $0x0;
	s7 =	smul.u32 $0x9C0, s5  }
0x7: {  	s1 =	ssub.s32 $0x2, s1;
	[smem:$0x7FF] =	sst s3;
	s9 =	smul.u32 $0x4E0, s5  }
0x8: {  	s8 =	sshrl.u32 s1, $0x1;
	s10 =	smul.u32 $0x1380, s5;
	s5 =	sor.u32 $0x9C0, s5  }
0x9: {  	_ =	strace $0x80000047;
	s1 =	ssub.s32 s1, s8;
	s24 =	sshll.u32 s5, $0x5  }
0xa: {  	s25 =	sshll.u32 s5, $0x4;
	s5 =	sshll.u32 s5, $0x6;
	s15 =	sadd.s32 $0x1A, s6  }
0xb: {  	s7 =	sadd.s32 s0, s7;
	s16 =	sadd.s32 s2, s9;
	s6 =	sadd.s32 $0x34, s6  }
0xc: {  	s21 =	sadd.s32 s4, s10;
	s26 =	sadd.s32 s2, s25;
	[dreg:$0x5] =	wrdreg s7  }
0xd: {  	s31 =	sadd.s32 s4, s5;
	[dreg:$0x6] =	wrdreg s16;
	s17 =	sshll.u32 s15, $0x5  }
0xe: {  	s18 =	sshll.u32 s15, $0x4;
	s20 =	sshll.u32 s6, $0x5;
	[dreg:$0x9] =	wrdreg s21  }
0xf: {  	s22 =	sshll.u32 s6, $0x4;
	s23 =	sshll.u32 s15, $0x6;
	[dreg:$0xe] =	wrdreg s26  }
0x10: {  	s6 =	sshll.u32 s6, $0x6;
	[dreg:$0xf] =	wrdreg s31;
	s16 =	smax.u32 s1, $0x1  }
0x11: {  	s21 =	simm.s32 $0x1;
	s26 =	simm.s32 $0x4;
	s7 =	sadd.s32 s0, s17  }
0x12: {  	s19 =	sadd.s32 s2, s18;
	s12 =	sadd.s32 s4, s6;
	[dreg:$0x7] =	wrdreg s7  }
.Ltmp0:
0x13: {  	[dreg:$0x8] =	wrdreg s19;
	s7 =	sadd.s32 s0, s20;
	(pc) =	sbr.rel .LBB2_1-.Ltmp0, $4  }
0x14: {  	s17 =	simm.s32 $0x13C00;
	s0 =	sadd.s32 s0, s24;
	[dreg:$0xa] =	wrdreg s7  }
0x15: {  	s18 =	simm.s32 $0x17000;
	s7 =	sadd.s32 s2, s22;
	[dreg:$0xd] =	wrdreg s0  }
0x16: {  	s24 =	simm.s32 $0x3;
	[dreg:$0xb] =	wrdreg s7;
	s7 =	sadd.s32 s4, s23  }
0x17: {  	s22 =	simm.s32 $0x2;
	s23 =	simm.s32 $0x18A00;
	[dreg:$0xc] =	wrdreg s7  }
.LBB2_10:
0x18: {  	_ = 	snop  }
0x19: {  	vm5 =	veq.s32 v10, v12  }
0x1a: {  	s2 =	sadd.s32 $0x20, s2;
	v10 =	vsel vm5, $0x3F800000, v30  }
0x1b: {  	[tilespmem:s2+$0xFFFFFF10] =	vst v10  }
0x1c: {  	v10 =	vld.idx.msk [tilespmem:v28+s3+$0x0], $0xffff  }
0x1d: {  	v52 =	vld.idx.msk [tilespmem:v29+s3+$0x0], $0xffff;
	_ =	sdelay $0x1  }
0x1e: {  	v23 =	vadd.f32 v27, v26;
	_ =	sdelay $0x1  }
0x1f: {  	v25 =	vpop (erf);
	v23 =	vsub.f32 $0.0e+00, v23  }
0x20: {  	v25 =	vmul.f32 v25, v3;
	v10 =	vadd.f32 v52, v10  }
0x21: {  	vm2 =	vmmov vm2;
	v53 =	vpop (erf);
	v23 =	vmul.f32 $1.442695020e+00, v23  }
0x22: {  	v54 =	vpop (erf);
	v25 =	vsel vm2, $0x3F800000, v25;
	v10 =	vsub.f32 $0.0e+00, v10  }
0x23: {  	v17 =	vld.idx.msk [tilespmem:v17+s3+$0x0], $0xffff;
	v12 =	vmul.f32 v53, v22;
	v55 =	vadd.f32 $1.000000000e+00, v54;
	[tilespmem:s1+$0xFFFFFF80] =	vst v25;
	(erf) = vpow2.f32 v23  }
0x24: {  	vm4 =	vmmov vm4;
	v19 =	vld.idx.msk [tilespmem:v19+s3+$0x0], $0xffff;
	v10 =	vmul.f32 $1.442695020e+00, v10  }
0x25: {  	v12 =	vsel vm4, $0x3F800000, v12;
	v18 =	vld.idx.msk [tilespmem:v18+s3+$0x0], $0xffff;
	(erf) = vrcp.f32 v55  }
0x26: {  	[tilespmem:s2+$0xFFFFFF00] =	vst v12;
	(erf) = vpow2.f32 v10  }
0x27: {  	v56 =	vld.idx.msk [tilespmem:v21+s3+$0x0], $0xffff  }
0x28: {  	v12 =	vld.idx.msk [tilespmem:v20+s3+$0x0], $0xffff;
	_ =	sdelay $0x1  }
0x29: {  	v17 =	vadd.f32 v17, v24;
	v18 =	vadd.f32 v18, v19;
	_ =	sdelay $0x1  }
0x2a: {  	v17 =	vsub.f32 $0.0e+00, v17;
	v18 =	vsub.f32 $0.0e+00, v18;
	v57 =	vpop (erf)  }
0x2b: {  	v10 =	vadd.f32 v12, v56;
	v19 =	vadd.f32 $1.000000000e+00, v57  }
0x2c: {  	v18 =	vmul.f32 $1.442695020e+00, v18;
	v58 =	vpop (erf)  }
0x2d: {  	v17 =	vmul.f32 $1.442695020e+00, v17;
	v10 =	vsub.f32 $0.0e+00, v10;
	(erf) = vrcp.f32 v19;
	v59 =	vpop (erf)  }
0x2e: {  	(erf) = vpow2.f32 v18;
	v60 =	vadd.f32 $1.000000000e+00, v59  }
0x2f: {  	v10 =	vmul.f32 $1.442695020e+00, v10;
	(erf) = vpow2.f32 v17  }
0x30: {  	(erf) = vrcp.f32 v60  }
0x31: {  	(erf) = vpow2.f32 v10;
	_ =	sdelay $0x4  }
0x32: {  	v61 =	vpop (erf)  }
0x33: {  	v5 =	vor.u32 $0x180, v5;
	v62 =	vpop (erf)  }
0x34: {  	vm3 =	vmmov vm3;
	v4 =	vor.u32 $0x380, v4;
	v10 =	vmul.f32 v61, v2;
	v63 =	vpop (erf)  }
0x35: {  	v26 =	vor.u32 $0x300, v6;
	v24 =	vor.u32 $0x100, v7;
	v17 =	vadd.f32 $1.000000000e+00, v62;
	v25 =	vpop (erf)  }
0x36: {  	v10 =	vsel vm3, $0x3F800000, v10;
	v18 =	vadd.f32 $1.000000000e+00, v63;
	v20 =	vmul.f32 v25, v14;
	v27 =	vpop (erf)  }
0x37: {  	vm5 =	vmmov vm5;
	[tilespmem:s1+$0x10] =	vst v10;
	(erf) = vrcp.f32 v17;
	v28 =	vadd.f32 $1.000000000e+00, v27  }
0x38: {  	v5 =	vld.idx.msk [tilespmem:v5+s3+$0x0], $0xffff;
	(erf) = vrcp.f32 v18;
	v29 =	vsel vm5, $0x3F800000, v20  }
0x39: {  	v4 =	vld.idx.msk [tilespmem:v4+s3+$0x0], $0xffff;
	[tilespmem:s2+$0xFFFFFF90] =	vst v29;
	(erf) = vrcp.f32 v28  }
0x3a: {  	v30 =	vld.idx.msk [tilespmem:v24+s3+$0x0], $0xffff  }
0x3b: {  	v17 =	vld.idx.msk [tilespmem:v26+s3+$0x0], $0xffff;
	_ =	sdelay $0x3  }
0x3c: {  	v4 =	vadd.f32 v4, v5  }
0x3d: {  	v31 =	vpop (erf);
	v10 =	vadd.f32 v17, v30  }
0x3e: {  	v4 =	vsub.f32 $0.0e+00, v4;
	v32 =	vpop (erf)  }
0x3f: {  	v10 =	vsub.f32 $0.0e+00, v10;
	v33 =	vpop (erf)  }
0x40: {  	v4 =	vmul.f32 $1.442695020e+00, v4;
	v18 =	vmul.f32 v33, v22  }
0x41: {  	vm4 =	vmmov vm4;
	v10 =	vmul.f32 $1.442695020e+00, v10  }
0x42: {  	(erf) = vpow2.f32 v4;
	v34 =	vsel vm4, $0x3F800000, v18  }
0x43: {  	(erf) = vpow2.f32 v10;
	[tilespmem:s2+$0xFFFFFF80] =	vst v34  }
0x44: {  	v4 =	vld.idx.msk [tilespmem:v15+s3+$0x0], $0xffff  }
0x45: {  	v35 =	vld.idx.msk [tilespmem:v16+s3+$0x0], $0xffff;
	_ =	sdelay $0x4  }
0x46: {  	v4 =	vadd.f32 v35, v4  }
0x47: {  	v5 =	vmul.f32 v31, v3;
	v36 =	vpop (erf)  }
0x48: {  	v10 =	vadd.f32 $1.000000000e+00, v36;
	v37 =	vpop (erf);
	v4 =	vsub.f32 $0.0e+00, v4  }
0x49: {  	v5 =	vsel vm2, $0x3F800000, v5;
	v15 =	vadd.f32 $1.000000000e+00, v37  }
0x4a: {  	[tilespmem:s1+$0x0] =	vst v5;
	(erf) = vrcp.f32 v10;
	v4 =	vmul.f32 $1.442695020e+00, v4  }
0x4b: {  	v5 =	vld.idx.msk [tilespmem:v9+s3+$0x0], $0xffff;
	(erf) = vrcp.f32 v15  }
0x4c: {  	v38 =	vld.idx.msk [tilespmem:v11+s3+$0x0], $0xffff;
	(erf) = vpow2.f32 v4;
	_ =	sdelay $0x4  }
0x4d: {  	v39 =	vadd.f32 v38, v5;
	_ =	sdelay $0x1  }
0x4e: {  	v40 =	vpop (erf);
	v4 =	vsub.f32 $0.0e+00, v39  }
0x4f: {  	v41 =	vor.u32 $0x180, v7;
	v42 =	vpop (erf)  }
0x50: {  	v43 =	vor.u32 $0x380, v6;
	v4 =	vmul.f32 $1.442695020e+00, v4;
	v9 =	vmul.f32 v42, v14;
	v44 =	vpop (erf)  }
0x51: {  	vm5 =	vmmov vm5;
	v10 =	vadd.f32 $1.000000000e+00, v44  }
0x52: {  	(erf) = vpow2.f32 v4;
	v45 =	vsel vm5, $0x3F800000, v9  }
0x53: {  	[tilespmem:s2+$0x10] =	vst v45;
	(erf) = vrcp.f32 v10  }
0x54: {  	v4 =	vld.idx.msk [tilespmem:v41+s3+$0x0], $0xffff  }
0x55: {  	v6 =	vld.idx.msk [tilespmem:v43+s3+$0x0], $0xffff;
	_ =	sdelay $0x4  }
0x56: {  	v4 =	vadd.f32 v6, v4  }
0x57: {  	v46 =	vpop (erf)  }
0x58: {  	v4 =	vsub.f32 $0.0e+00, v4;
	v47 =	vpop (erf)  }
0x59: {  	v6 =	vadd.f32 $1.000000000e+00, v46;
	v7 =	vmul.f32 v47, v22  }
0x5a: {  	v4 =	vmul.f32 $1.442695020e+00, v4  }
0x5b: {  	(erf) = vrcp.f32 v6;
	v48 =	vsel vm4, $0x3F800000, v7  }
0x5c: {  	(erf) = vpow2.f32 v4;
	[tilespmem:s2+$0x0] =	vst v48  }
0x5d: {  	v49 =	vld.idx.msk [tilespmem:v8+s3+$0x0], $0xffff  }
0x5e: {  	v6 =	vld.idx.msk [tilespmem:v13+s3+$0x0], $0xffff;
	_ =	sdelay $0x4  }
0x5f: {  	v4 =	vadd.f32 v6, v49  }
0x60: {  	v50 =	vpop (erf)  }
0x61: {  	v51 =	vpop (erf);
	v4 =	vsub.f32 $0.0e+00, v4  }
0x62: {  	v7 =	vadd.f32 $1.000000000e+00, v51  }
0x63: {  	v4 =	vmul.f32 $1.442695020e+00, v4  }
0x64: {  	(erf) = vrcp.f32 v7  }
0x65: {  	(erf) = vpow2.f32 v4;
	_ =	sdelay $0x7  }
0x66: {  	v52 =	vpop (erf)  }
0x67: {  	v53 =	vpop (erf)  }
0x68: {  	v7 =	vadd.f32 $1.000000000e+00, v53;
	_ =	sdelay $0x1  }
0x69: {  	(erf) = vrcp.f32 v7;
	_ =	sdelay $0x4  }
0x6a: {  	v0 =	vmul.f32 v58, v0  }
0x6b: {  	v1 =	vmul.f32 v32, v1  }
0x6c: {  	v0 =	vsel vm0, $0x3F800000, v0;
	v54 =	vmul.f32 v40, v2  }
0x6d: {  	[tilespmem:s0+$0x90] =	vst v0;
	v55 =	vsel vm1, $0x3F800000, v1;
	v56 =	vmul.f32 v50, v3  }
0x6e: {  	vm14 =	vmmov vm2;
	[tilespmem:s0+$0x80] =	vst v55;
	v57 =	vsel vm3, $0x3F800000, v54;
	v58 =	vmul.f32 v52, v14;
	v59 =	vpop (erf)  }
0x6f: {  	[tilespmem:s1+$0x90] =	vst v57;
	v60 =	vsel vm14, $0x3F800000, v56;
	v61 =	vmul.f32 v59, v22  }
0x70: {  	vm15 =	vmmov vm4;
	[tilespmem:s1+$0x80] =	vst v60;
	v62 =	vsel vm5, $0x3F800000, v58  }
0x71: {  	[tilespmem:s2+$0x90] =	vst v62;
	v63 =	vsel vm15, $0x3F800000, v61  }
0x72: {  	[tilespmem:s2+$0x80] =	vst v63  }
0x73: {  	s0 =	rddreg [dreg:$0xf]  }
0x74: {  	[hbm4b:s0+s3] =	stream.linear.scatter [tilespmem:s23], [sflag:$0x6], $0x200, $0x38;
	[tilespmem:$0x1F200] =	vst v63  }
0x75: {  	_ =	swait.ge [sflag:s29], $0x200  }
0x76: {  	[sflag:s29] =	ssyncset.done $0x0  }
0x77: {  	[sflag:s29] =	ssyncadd.s32 $0xFFFFFE00  }
.LBB2_11:
0x78: {  	s30 =	sadd.s32 $0x1, s30  }
0x79: {  	p1 =	sne.s32 s30, s16  }
.Ltmp1:
0x7a: {  	_ = 	snop;
	(pc) =	sbr.rel @!p1 .LBB2_12-.Ltmp1, $1  }
0x7b: {  	_ =	sdelay $0x3  }
.LBB2_1:
0x7c: {  	s0 =	rddreg [dreg:$0x0]  }
0x7d: {  	[tilespmem:s3], [sflag:$0x1] =	stream.linear.gather [hbm4b:s0+s3], $0x13C00, $0x38;
	[tilespmem:$0x1F200] =	vst v63  }
0x7e: {  	s7 =	rddreg [dreg:$0x5]  }
0x7f: {  	[tilespmem:s17], [sflag:$0x2] =	stream.linear.gather [hbm4b:s7+s3], $0x1A00, $0x38;
	[tilespmem:$0x1F200] =	vst v63  }
0x80: {  	s8 =	rddreg [dreg:$0x6]  }
0x81: {  	[tilespmem:s18], [sflag:$0x2] =	stream.linear.gather [hbm4b:s8+s3], $0xD00, $0x38;
	[tilespmem:$0x1F200] =	vst v63  }
0x82: {  	s9 =	rddreg [dreg:$0x7];
	s1 =	simm.s32 $0x15600  }
0x83: {  	[tilespmem:s1], [sflag:$0x3] =	stream.linear.gather [hbm4b:s9+s3], $0x1A00, $0x38;
	[tilespmem:$0x1F200] =	vst v63  }
0x84: {  	s10 =	rddreg [dreg:$0x8];
	s11 =	simm.s32 $0x17D00  }
0x85: {  	[tilespmem:s11], [sflag:$0x3] =	stream.linear.gather [hbm4b:s10+s3], $0xD00, $0x38;
	[tilespmem:$0x1F200] =	vst v63  }
0x86: {  	_ =	swait.ge [sflag:s21], $0x13C00  }
0x87: {  	[sflag:s21] =	ssyncset.done $0x0  }
0x88: {  	[sflag:s21] =	ssyncadd.s32 $0xFFFEC400  }
0x89: {  	_ =	swait.ge [sflag:s22], $0x1A00  }
0x8a: {  	[sflag:s22] =	ssyncset.done $0x0  }
0x8b: {  	s13 =	simm.s32 $0x0;
	[sflag:s22] =	ssyncadd.s32 $0xFFFFE600  }
0x8c: {  	s14 =	simm.s32 $0x10;
	s0 =	sand.u32 $0x3FFFFF00, s13;
	_ =	swait.ge [sflag:s22], $0xD00  }
0x8d: {  	s15 =	sand.u32 $0x70, s14;
	s2 =	sadd.s32 $0x13C00, s0;
	[sflag:s22] =	ssyncset.done $0x0  }
0x8e: {  	s1 =	sor.u32 s15, s2;
	[sflag:s22] =	ssyncadd.s32 $0xFFFFF300  }
0x8f: {  	v0 =	vld [tilespmem:s1+$0x0]  }
0x90: {  	v1 =	vld [tilespmem:s1+$0x80];
	_ =	sdelay $0x4  }
0x91: {  	v2 =	vshll.u32 v0, $0x3;
	v3 =	vand.u32 $0x7F, v0;
	v4 =	vshll.u32 v1, $0x3  }
0x92: {  	v5 =	vand.u32 $0x7F, v1;
	v2 =	vand.u32 $0xFFFFFC00, v2;
	v4 =	vand.u32 $0xFFFFFC00, v4  }
0x93: {  	s19 =	simm.s32 $0x0;
	v11 =	vor.u32 v3, v2;
	v8 =	vor.u32 v5, v4  }
0x94: {  	s1 =	sand.u32 $0x60, s19;
	v2 =	vor.u32 $0x200, v8  }
0x95: {  	s2 =	sor.u32 s1, s2  }
0x96: {  	v7 =	vld [tilespmem:s2+$0x80]  }
0x97: {  	v14 =	vld [tilespmem:s2+$0x0]  }
0x98: {  	v4 =	vld.idx.msk [tilespmem:v11+s3+$0x0], $0xffff  }
0x99: {  	v2 =	vld.idx.msk [tilespmem:v2+s3+$0x0], $0xffff;
	_ =	sdelay $0x1  }
0x9a: {  	v3 =	vshll.u32 v7, $0x3  }
0x9b: {  	v5 =	vshll.u32 v14, $0x3;
	v6 =	vand.u32 $0x7F, v7;
	v3 =	vand.u32 $0xFFFFFC00, v3  }
0x9c: {  	v5 =	vand.u32 $0xFFFFFC00, v5;
	v3 =	vor.u32 v6, v3  }
0x9d: {  	v6 =	vand.u32 $0x7F, v14;
	v9 =	vor.u32 $0x200, v3;
	v2 =	vadd.f32 v2, v4  }
0x9e: {  	v4 =	vor.u32 v6, v5  }
0x9f: {  	v2 =	vsub.f32 $0.0e+00, v2;
	_ =	sdelay $0x1  }
0xa0: {  	v2 =	vmul.f32 $1.442695020e+00, v2  }
0xa1: {  	v5 =	vld.idx.msk [tilespmem:v9+s3+$0x0], $0xffff  }
0xa2: {  	v6 =	vld.idx.msk [tilespmem:v4+s3+$0x0], $0xffff;
	(erf) = vpow2.f32 v2;
	_ =	sdelay $0x4  }
0xa3: {  	v2 =	vadd.f32 v5, v6;
	_ =	sdelay $0x1  }
0xa4: {  	s20 =	simm.s32 $0x40;
	v2 =	vsub.f32 $0.0e+00, v2  }
0xa5: {  	s4 =	simm.s32 $0x30;
	s2 =	sand.u32 $0x3FFFFF00, s20  }
0xa6: {  	s4 =	sand.u32 $0x70, s4;
	s5 =	sadd.s32 $0x13C00, s2;
	v2 =	vmul.f32 $1.442695020e+00, v2;
	v5 =	vpop (erf)  }
0xa7: {  	s2 =	sor.u32 s4, s5;
	v5 =	vadd.f32 $1.000000000e+00, v5  }
0xa8: {  	v15 =	vld [tilespmem:s2+$0x0];
	(erf) = vpow2.f32 v2  }
0xa9: {  	v18 =	vld [tilespmem:s2+$0x80];
	(erf) = vrcp.f32 v5;
	_ =	sdelay $0x3  }
0xaa: {  	s6 =	simm.s32 $0x17010  }
0xab: {  	s25 =	simm.s32 $0x20;
	v13 =	vld [tilespmem:s6+$0x0];
	v9 =	vand.u32 $0x7F, v18;
	v6 =	vshll.u32 v18, $0x3;
	v2 =	vshll.u32 v15, $0x3  }
0xac: {  	s2 =	sand.u32 $0x60, s25;
	v6 =	vand.u32 $0xFFFFFC00, v6;
	v2 =	vand.u32 $0xFFFFFC00, v2;
	v5 =	vand.u32 $0x7F, v15  }
0xad: {  	s5 =	sor.u32 s2, s5;
	v10 =	vor.u32 v5, v2;
	v5 =	vor.u32 v9, v6  }
0xae: {  	v2 =	vld [tilespmem:s5+$0x80];
	v9 =	vor.u32 $0x200, v5;
	v16 =	vpop (erf)  }
0xaf: {  	s7 =	simm.s32 $0x0;
	v12 =	vor.u32 $0x80, v11;
	v6 =	vpop (erf)  }
0xb0: {  	s7 =	sand.u32 $0x3FFFFE00, s7;
	v19 =	vor.u32 $0x280, v8;
	v17 =	vmul.f32 v6, v13;
	v6 =	vld [tilespmem:s5+$0x0]  }
0xb1: {  	s7 =	sadd.s32 $0x18A00, s7;
	vm0 =	veq.s32 v0, v1  }
0xb2: {  	s13 =	sor.u32 s15, s7;
	v0 =	vld.idx.msk [tilespmem:v10+s3+$0x0], $0xffff;
	v1 =	vsel vm0, $0x3F800000, v17  }
0xb3: {  	v17 =	vld.idx.msk [tilespmem:v9+s3+$0x0], $0xffff;
	v9 =	vshll.u32 v2, $0x3;
	[tilespmem:s13+$0x0] =	vst v1  }
0xb4: {  	v20 =	vand.u32 $0x7F, v2;
	v9 =	vand.u32 $0xFFFFFC00, v9;
	v1 =	vld.idx.msk [tilespmem:v12+s3+$0x0], $0xffff  }
0xb5: {  	v19 =	vld.idx.msk [tilespmem:v19+s3+$0x0], $0xffff;
	v9 =	vor.u32 v20, v9;
	v12 =	vshll.u32 v6, $0x3  }
0xb6: {  	v20 =	vand.u32 $0x7F, v6;
	v21 =	vor.u32 $0x200, v9;
	v12 =	vand.u32 $0xFFFFFC00, v12  }
0xb7: {  	v12 =	vor.u32 v20, v12  }
0xb8: {  	v0 =	vadd.f32 v17, v0  }
0xb9: {  	v16 =	vadd.f32 $1.000000000e+00, v16  }
0xba: {  	v0 =	vsub.f32 $0.0e+00, v0;
	v1 =	vadd.f32 v19, v1  }
0xbb: {  	(erf) = vrcp.f32 v16;
	v16 =	vld.idx.msk [tilespmem:v21+s3+$0x0], $0xffff  }
0xbc: {  	v0 =	vmul.f32 $1.442695020e+00, v0;
	v1 =	vsub.f32 $0.0e+00, v1;
	v17 =	vld.idx.msk [tilespmem:v12+s3+$0x0], $0xffff;
	_ =	sdelay $0x1  }
0xbd: {  	(erf) = vpow2.f32 v0;
	v0 =	vmul.f32 $1.442695020e+00, v1;
	_ =	sdelay $0x1  }
0xbe: {  	(erf) = vpow2.f32 v0  }
0xbf: {  	v0 =	vadd.f32 v16, v17;
	_ =	sdelay $0x1  }
0xc0: {  	v1 =	vsub.f32 $0.0e+00, v0;
	_ =	sdelay $0x1  }
0xc1: {  	s5 =	simm.s32 $0x80;
	v1 =	vmul.f32 $1.442695020e+00, v1  }
0xc2: {  	s8 =	simm.s32 $0x50;
	s0 =	sand.u32 $0x3FFFFF00, s5;
	v17 =	vpop (erf)  }
0xc3: {  	s9 =	sadd.s32 $0x13C00, s0;
	s0 =	sand.u32 $0x70, s8;
	v0 =	vld [tilespmem:s6+$0xFFFFFFF0];
	v16 =	vpop (erf)  }
0xc4: {  	s5 =	sor.u32 s0, s9;
	v19 =	vadd.f32 $1.000000000e+00, v16  }
0xc5: {  	(erf) = vpow2.f32 v1;
	v16 =	vld [tilespmem:s5+$0x0];
	v1 =	vpop (erf)  }
0xc6: {  	v21 =	vld [tilespmem:s5+$0x80];
	(erf) = vrcp.f32 v19;
	v1 =	vadd.f32 $1.000000000e+00, v1  }
0xc7: {  	vm1 =	veq.s32 v14, v7  }
0xc8: {  	v7 =	vor.u32 $0x80, v4;
	v14 =	vmul.f32 v17, v0;
	(erf) = vrcp.f32 v1  }
0xc9: {  	vm1 =	vmmov vm1;
	v1 =	vor.u32 $0x280, v3  }
0xca: {  	s10 =	simm.s32 $0x17030;
	s31 =	sor.u32 s1, s7;
	v14 =	vsel vm1, $0x3F800000, v14;
	v17 =	vshll.u32 v16, $0x3  }
0xcb: {  	v26 =	vld [tilespmem:s10+$0x0];
	v20 =	vshll.u32 v21, $0x3;
	[tilespmem:s31+$0x0] =	vst v14;
	v14 =	vand.u32 $0xFFFFFC00, v17  }
0xcc: {  	s11 =	simm.s32 $0x40;
	v19 =	vand.u32 $0x7F, v16;
	v17 =	vand.u32 $0xFFFFFC00, v20;
	v20 =	vand.u32 $0x7F, v21  }
0xcd: {  	s1 =	sand.u32 $0x60, s11;
	v7 =	vld.idx.msk [tilespmem:v7+s3+$0x0], $0xffff;
	v28 =	vor.u32 v19, v14;
	v27 =	vor.u32 v20, v17  }
0xce: {  	s6 =	sor.u32 s1, s9;
	v19 =	vor.u32 $0x200, v27;
	v14 =	vpop (erf);
	v1 =	vld.idx.msk [tilespmem:v1+s3+$0x0], $0xffff  }
0xcf: {  	s14 =	simm.s32 $0x80;
	v22 =	vor.u32 $0x80, v10;
	v17 =	vld [tilespmem:s6+$0x80];
	v20 =	vpop (erf)  }
0xd0: {  	s7 =	sand.u32 $0x3FFFFE00, s14;
	v24 =	vor.u32 $0x280, v5;
	v23 =	vmul.f32 v20, v26  }
0xd1: {  	s15 =	sadd.s32 $0x18A00, s7;
	vm3 =	veq.s32 v15, v18;
	v15 =	vor.u32 $0x100, v11;
	v20 =	vld [tilespmem:s6+$0x0];
	v18 =	vpop (erf)  }
0xd2: {  	s14 =	sor.u32 s4, s15;
	v29 =	vor.u32 $0x300, v8;
	v25 =	vld.idx.msk [tilespmem:v28+s3+$0x0], $0xffff;
	v23 =	vsel vm3, $0x3F800000, v23;
	v18 =	vmul.f32 v18, v13  }
0xd3: {  	vm0 =	vmmov vm0;
	v1 =	vadd.f32 v1, v7;
	v7 =	vld.idx.msk [tilespmem:v19+s3+$0x0], $0xffff;
	[tilespmem:s14+$0x0] =	vst v23  }
0xd4: {  	v19 =	vshll.u32 v17, $0x3;
	v22 =	vld.idx.msk [tilespmem:v22+s3+$0x0], $0xffff;
	v18 =	vsel vm0, $0x3F800000, v18  }
0xd5: {  	v23 =	vld.idx.msk [tilespmem:v24+s3+$0x0], $0xffff;
	v19 =	vand.u32 $0xFFFFFC00, v19;
	v24 =	vand.u32 $0x7F, v17;
	[tilespmem:s13+$0x80] =	vst v18  }
0xd6: {  	v1 =	vsub.f32 $0.0e+00, v1;
	v18 =	vshll.u32 v20, $0x3;
	v30 =	vld.idx.msk [tilespmem:v15+s3+$0x0], $0xffff;
	v15 =	vor.u32 v24, v19  }
0xd7: {  	v31 =	vand.u32 $0x7F, v20;
	v18 =	vand.u32 $0xFFFFFC00, v18;
	v24 =	vld.idx.msk [tilespmem:v29+s3+$0x0], $0xffff;
	v29 =	vor.u32 $0x200, v15  }
0xd8: {  	v14 =	vadd.f32 $1.000000000e+00, v14;
	v7 =	vadd.f32 v7, v25;
	v19 =	vor.u32 v31, v18  }
0xd9: {  	v1 =	vmul.f32 $1.442695020e+00, v1  }
0xda: {  	(erf) = vrcp.f32 v14;
	v14 =	vadd.f32 v23, v22;
	v7 =	vsub.f32 $0.0e+00, v7  }
0xdb: {  	(erf) = vpow2.f32 v1  }
0xdc: {  	v1 =	vmul.f32 $1.442695020e+00, v7;
	v7 =	vsub.f32 $0.0e+00, v14;
	v14 =	vadd.f32 v24, v30;
	v18 =	vld.idx.msk [tilespmem:v29+s3+$0x0], $0xffff  }
0xdd: {  	v22 =	vld.idx.msk [tilespmem:v19+s3+$0x0], $0xffff  }
0xde: {  	(erf) = vpow2.f32 v1;
	v1 =	vmul.f32 $1.442695020e+00, v7;
	v7 =	vsub.f32 $0.0e+00, v14;
	_ =	sdelay $0x1  }
0xdf: {  	v7 =	vmul.f32 $1.442695020e+00, v7  }
0xe0: {  	(erf) = vpow2.f32 v1;
	v1 =	vld [tilespmem:s10+$0xFFFFFFF0]  }
0xe1: {  	(erf) = vpow2.f32 v7;
	v7 =	vadd.f32 v18, v22  }
0xe2: {  	s19 =	simm.s32 $0xC0  }
0xe3: {  	s20 =	simm.s32 $0x70;
	s4 =	sand.u32 $0x3FFFFF00, s19;
	v14 =	vpop (erf);
	v7 =	vsub.f32 $0.0e+00, v7  }
0xe4: {  	s25 =	sadd.s32 $0x13C00, s4;
	vm2 =	veq.s32 v6, v2;
	v2 =	vor.u32 $0x80, v12;
	s5 =	sand.u32 $0x70, s20;
	v18 =	vpop (erf)  }
0xe5: {  	s4 =	sor.u32 s5, s25;
	v6 =	vadd.f32 $1.000000000e+00, v18;
	v18 =	vmul.f32 v14, v1;
	v7 =	vmul.f32 $1.442695020e+00, v7  }
0xe6: {  	vm2 =	vmmov vm2;
	v22 =	vor.u32 $0x280, v9;
	v14 =	vld [tilespmem:s4+$0x0];
	v23 =	vpop (erf)  }
0xe7: {  	(erf) = vrcp.f32 v6;
	v6 =	vadd.f32 $1.000000000e+00, v23;
	v23 =	vsel vm2, $0x3F800000, v18;
	v18 =	vld [tilespmem:s4+$0x80]  }
0xe8: {  	s2 =	sor.u32 s2, s15;
	(erf) = vpow2.f32 v7  }
0xe9: {  	[tilespmem:s2+$0x0] =	vst v23;
	v7 =	vpop (erf);
	(erf) = vrcp.f32 v6  }
0xea: {  	v23 =	vld.idx.msk [tilespmem:v2+s3+$0x0], $0xffff  }
0xeb: {  	v22 =	vld.idx.msk [tilespmem:v22+s3+$0x0], $0xffff;
	v6 =	vadd.f32 $1.000000000e+00, v7;
	v2 =	vpop (erf)  }
0xec: {  	v7 =	vand.u32 $0x7F, v14;
	v2 =	vadd.f32 $1.000000000e+00, v2;
	v25 =	vshll.u32 v18, $0x3  }
0xed: {  	s10 =	simm.s32 $0x17050;
	(erf) = vrcp.f32 v6;
	v6 =	vshll.u32 v14, $0x3;
	v25 =	vand.u32 $0xFFFFFC00, v25  }
0xee: {  	v29 =	vand.u32 $0x7F, v18;
	(erf) = vrcp.f32 v2;
	v6 =	vand.u32 $0xFFFFFC00, v6;
	v2 =	vld [tilespmem:s10+$0x0]  }
0xef: {  	s8 =	simm.s32 $0x60;
	v6 =	vor.u32 v7, v6;
	v7 =	vor.u32 v29, v25  }
0xf0: {  	s4 =	sand.u32 $0x60, s8;
	v22 =	vadd.f32 v22, v23;
	v23 =	vor.u32 $0x200, v7;
	v25 =	vpop (erf)  }
0xf1: {  	s9 =	sor.u32 s4, s25;
	v31 =	vpop (erf)  }
0xf2: {  	v8 =	vor.u32 $0x380, v8;
	v11 =	vor.u32 $0x180, v11;
	v24 =	vld [tilespmem:s9+$0x80];
	v34 =	vpop (erf)  }
0xf3: {  	s11 =	simm.s32 $0x100;
	v39 =	vor.u32 $0x300, v5;
	v33 =	vor.u32 $0x80, v28;
	v30 =	vld [tilespmem:s9+$0x0];
	v34 =	vmul.f32 v34, v2  }
0xf4: {  	vm1 =	vmmov vm1;
	vm4 =	veq.s32 v16, v21;
	v35 =	vor.u32 $0x280, v27;
	s6 =	sand.u32 $0x3FFFFE00, s11  }
0xf5: {  	vm1 =	vmmov vm1;
	v16 =	vor.u32 $0x100, v10;
	s6 =	sadd.s32 $0x18A00, s6;
	v38 =	vld.idx.msk [tilespmem:v23+s3+$0x0], $0xffff;
	v23 =	vsel vm4, $0x3F800000, v34  }
0xf6: {  	vm3 =	vmmov vm3;
	s0 =	sor.u32 s0, s6;
	vm0 =	vmmov vm0;
	v29 =	vor.u32 $0x100, v4;
	v21 =	vpop (erf)  }
0xf7: {  	v32 =	vshll.u32 v24, $0x3;
	v36 =	vand.u32 $0x7F, v24;
	v37 =	vld.idx.msk [tilespmem:v6+s3+$0x0], $0xffff;
	v44 =	vmul.f32 v21, v26;
	[tilespmem:s0+$0x0] =	vst v23  }
0xf8: {  	v40 =	vshll.u32 v30, $0x3;
	v48 =	vand.u32 $0x7F, v30;
	v32 =	vand.u32 $0xFFFFFC00, v32;
	v45 =	vld.idx.msk [tilespmem:v33+s3+$0x0], $0xffff;
	v23 =	vpop (erf)  }
0xf9: {  	v22 =	vsub.f32 $0.0e+00, v22;
	v35 =	vld.idx.msk [tilespmem:v35+s3+$0x0], $0xffff;
	v46 =	vsel vm3, $0x3F800000, v44;
	v47 =	vmul.f32 v23, v13  }
0xfa: {  	v25 =	vmul.f32 v25, v0;
	v31 =	vadd.f32 $1.000000000e+00, v31;
	v21 =	vor.u32 v36, v32;
	[tilespmem:s14+$0x80] =	vst v46  }
0xfb: {  	v49 =	vor.u32 $0x200, v21;
	v23 =	vand.u32 $0xFFFFFC00, v40;
	v16 =	vld.idx.msk [tilespmem:v16+s3+$0x0], $0xffff;
	v50 =	vsel vm0, $0x3F800000, v47  }
0xfc: {  	v22 =	vmul.f32 $1.442695020e+00, v22;
	v53 =	vadd.f32 v38, v37;
	v23 =	vor.u32 v48, v23;
	v52 =	vld.idx.msk [tilespmem:v39+s3+$0x0], $0xffff;
	[tilespmem:s13+$0x100] =	vst v50  }
0xfd: {  	v51 =	vor.u32 $0x300, v3;
	v25 =	vsel vm1, $0x3F800000, v25;
	(erf) = vrcp.f32 v31;
	v11 =	vld.idx.msk [tilespmem:v11+s3+$0x0], $0xffff  }
0xfe: {  	[tilespmem:s31+$0x80] =	vst v25;
	(erf) = vpow2.f32 v22;
	v22 =	vsub.f32 $0.0e+00, v53;
	v32 =	vadd.f32 v35, v45;
	v8 =	vld.idx.msk [tilespmem:v8+s3+$0x0], $0xffff  }
0xff: {  	v29 =	vld.idx.msk [tilespmem:v29+s3+$0x0], $0xffff  }
0x100: {  	v31 =	vld.idx.msk [tilespmem:v49+s3+$0x0], $0xffff;
	v22 =	vmul.f32 $1.442695020e+00, v22;
	v25 =	vsub.f32 $0.0e+00, v32  }
0x101: {  	v54 =	vld.idx.msk [tilespmem:v23+s3+$0x0], $0xffff;
	v16 =	vadd.f32 v52, v16  }
0x102: {  	v55 =	vld.idx.msk [tilespmem:v51+s3+$0x0], $0xffff;
	(erf) = vpow2.f32 v22;
	v22 =	vmul.f32 $1.442695020e+00, v25  }
0x103: {  	v34 =	vor.u32 $0x180, v4;
	v16 =	vsub.f32 $0.0e+00, v16;
	v4 =	vadd.f32 v8, v11  }
0x104: {  	v63 =	vor.u32 $0x180, v10;
	vm7 =	vmmov vm2;
	(erf) = vpow2.f32 v22  }
0x105: {  	vm7 =	vmmov vm7;
	v8 =	vmul.f32 $1.442695020e+00, v16;
	v4 =	vsub.f32 $0.0e+00, v4  }
0x106: {  	s15 =	simm.s32 $0x100;
	vm5 =	veq.s32 v20, v17;
	v11 =	vpop (erf);
	v16 =	vor.u32 $0x380, v3;
	v22 =	vadd.f32 v31, v54  }
0x107: {  	s7 =	sand.u32 $0x3FFFFF00, s15;
	s8 =	simm.s32 $0x90;
	v3 =	vld [tilespmem:s10+$0xFFFFFFF0];
	v31 =	vpop (erf);
	(erf) = vpow2.f32 v8;
	v8 =	vadd.f32 v55, v29;
	v4 =	vmul.f32 $1.442695020e+00, v4  }
0x108: {  	vm5 =	vmmov vm5;
	s25 =	sand.u32 $0x70, s8;
	s9 =	sadd.s32 $0x13C00, s7;
	v31 =	vadd.f32 $1.000000000e+00, v31;
	v22 =	vsub.f32 $0.0e+00, v22  }
0x109: {  	v56 =	vor.u32 $0x280, v15;
	v17 =	vor.u32 $0x80, v19;
	s7 =	sor.u32 s25, s9;
	v8 =	vsub.f32 $0.0e+00, v8  }
0x10a: {  	vm2 =	vmmov vm4;
	v37 =	vld [tilespmem:s7+$0x80];
	(erf) = vrcp.f32 v31;
	v20 =	vmul.f32 $1.442695020e+00, v22  }
0x10b: {  	vm6 =	veq.s32 v30, v24;
	(erf) = vpow2.f32 v4;
	v8 =	vmul.f32 $1.442695020e+00, v8;
	v4 =	vpop (erf)  }
0x10c: {  	v35 =	vld [tilespmem:s7+$0x0];
	v11 =	vmul.f32 v11, v3;
	(erf) = vpow2.f32 v20;
	v4 =	vadd.f32 $1.000000000e+00, v4  }
0x10d: {  	s19 =	simm.s32 $0x80;
	v29 =	vor.u32 $0x300, v9;
	v22 =	vor.u32 $0x380, v9;
	(erf) = vpow2.f32 v8;
	v9 =	vpop (erf)  }
0x10e: {  	v43 =	vor.u32 $0x80, v6;
	s7 =	sand.u32 $0x60, s19;
	(erf) = vrcp.f32 v4;
	v4 =	vadd.f32 $1.000000000e+00, v9  }
0x10f: {  	s1 =	sor.u32 s1, s6;
	vm4 =	veq.s32 v14, v18;
	s6 =	sor.u32 s7, s9;
	v59 =	vand.u32 $0x7F, v37;
	v25 =	vor.u32 $0x100, v12  }
0x110: {  	v38 =	vld [tilespmem:s6+$0x0];
	v31 =	vor.u32 $0x100, v19;
	v8 =	vsel vm5, $0x3F800000, v11;
	v11 =	vpop (erf);
	(erf) = vrcp.f32 v4  }
0x111: {  	v41 =	vld [tilespmem:s6+$0x80];
	v20 =	vor.u32 $0x180, v12;
	v12 =	vand.u32 $0x7F, v35;
	[tilespmem:s1+$0x0] =	vst v8;
	v4 =	vadd.f32 $1.000000000e+00, v11  }
0x112: {  	s20 =	simm.s32 $0x17070;
	v9 =	vor.u32 $0x180, v19;
	v57 =	vld.idx.msk [tilespmem:v17+s3+$0x0], $0xffff;
	v17 =	vshll.u32 v37, $0x3;
	v11 =	vshll.u32 v35, $0x3  }
0x113: {  	v19 =	vand.u32 $0xFFFFFC00, v17;
	v30 =	vpop (erf);
	v11 =	vand.u32 $0xFFFFFC00, v11;
	(erf) = vrcp.f32 v4;
	v4 =	vld [tilespmem:s20+$0x0]  }
0x114: {  	v51 =	vor.u32 $0x380, v5;
	v58 =	vpop (erf);
	v11 =	vor.u32 v12, v11;
	v12 =	vor.u32 v59, v19  }
0x115: {  	v36 =	vor.u32 $0x300, v15;
	vm3 =	vmmov vm3;
	v24 =	vld.idx.msk [tilespmem:v56+s3+$0x0], $0xffff;
	v61 =	vor.u32 $0x200, v12;
	v60 =	vpop (erf)  }
0x116: {  	v47 =	vor.u32 $0x100, v28;
	v45 =	vor.u32 $0x280, v7;
	v49 =	vor.u32 $0x300, v27;
	v42 =	vpop (erf)  }
0x117: {  	s9 =	simm.s32 $0x180;
	v32 =	vor.u32 $0x80, v23;
	v46 =	vshll.u32 v38, $0x3;
	v14 =	vshll.u32 v41, $0x3;
	v44 =	vpop (erf)  }
0x118: {  	s6 =	sand.u32 $0x3FFFFE00, s9;
	v62 =	vand.u32 $0x7F, v41;
	v14 =	vand.u32 $0xFFFFFC00, v14;
	v44 =	vmul.f32 v44, v4  }
0x119: {  	s6 =	sadd.s32 $0x18A00, s6;
	v50 =	vand.u32 $0x7F, v38;
	v46 =	vand.u32 $0xFFFFFC00, v46;
	v14 =	vor.u32 v62, v14;
	v18 =	vld.idx.msk [tilespmem:v11+s3+$0x0], $0xffff;
	v48 =	vpop (erf)  }
0x11a: {  	s19 =	sor.u32 s5, s6;
	v24 =	vadd.f32 v24, v57;
	v33 =	vld.idx.msk [tilespmem:v61+s3+$0x0], $0xffff;
	v44 =	vsel vm4, $0x3F800000, v44;
	v48 =	vmul.f32 v48, v2  }
0x11b: {  	v46 =	vor.u32 v50, v46;
	v52 =	vor.u32 $0x200, v14;
	v8 =	vor.u32 $0x380, v15;
	[tilespmem:s19+$0x0] =	vst v44  }
0x11c: {  	v39 =	vadd.f32 $1.000000000e+00, v58;
	v24 =	vsub.f32 $0.0e+00, v24;
	v10 =	vpop (erf);
	v43 =	vld.idx.msk [tilespmem:v43+s3+$0x0], $0xffff;
	v48 =	vsel vm2, $0x3F800000, v48  }
0x11d: {  	v15 =	vor.u32 $0x280, v21;
	v40 =	vadd.f32 $1.000000000e+00, v60;
	v45 =	vld.idx.msk [tilespmem:v45+s3+$0x0], $0xffff;
	v10 =	vmul.f32 v10, v26;
	[tilespmem:s0+$0x80] =	vst v48  }
0x11e: {  	v19 =	vor.u32 $0x300, v21;
	(erf) = vrcp.f32 v39;
	v53 =	vmul.f32 $1.442695020e+00, v24;
	v47 =	vld.idx.msk [tilespmem:v47+s3+$0x0], $0xffff  }
0x11f: {  	(erf) = vrcp.f32 v40;
	v18 =	vadd.f32 v33, v18;
	v54 =	vsel vm3, $0x3F800000, v10;
	v49 =	vld.idx.msk [tilespmem:v49+s3+$0x0], $0xffff  }
0x120: {  	v39 =	vld.idx.msk [tilespmem:v52+s3+$0x0], $0xffff;
	v24 =	vor.u32 $0x380, v21;
	v21 =	vmul.f32 v30, v1;
	(erf) = vpow2.f32 v53;
	[tilespmem:s14+$0x100] =	vst v54  }
0x121: {  	v17 =	vor.u32 $0x100, v23;
	v10 =	vor.u32 $0x180, v23;
	v18 =	vsub.f32 $0.0e+00, v18;
	v23 =	vld.idx.msk [tilespmem:v63+s3+$0x0], $0xffff  }
0x122: {  	v56 =	vadd.f32 $1.000000000e+00, v42;
	v21 =	vsel vm7, $0x3F800000, v21;
	v55 =	vld.idx.msk [tilespmem:v51+s3+$0x0], $0xffff  }
0x123: {  	[tilespmem:s2+$0x80] =	vst v21;
	v21 =	vld.idx.msk [tilespmem:v46+s3+$0x0], $0xffff;
	v30 =	vadd.f32 v45, v43;
	v18 =	vmul.f32 $1.442695020e+00, v18  }
0x124: {  	v25 =	vld.idx.msk [tilespmem:v25+s3+$0x0], $0xffff;
	(erf) = vrcp.f32 v56;
	v57 =	vadd.f32 v49, v47  }
0x125: {  	v58 =	vld.idx.msk [tilespmem:v29+s3+$0x0], $0xffff;
	v30 =	vsub.f32 $0.0e+00, v30;
	(erf) = vpow2.f32 v18  }
0x126: {  	vm10 =	vmmov vm6;
	vm0 =	vmmov vm0;
	v18 =	vsub.f32 $0.0e+00, v57  }
0x127: {  	v5 =	vld [tilespmem:s20+$0xFFFFFFF0];
	vm8 =	veq.s32 v38, v41;
	v59 =	vpop (erf);
	v30 =	vmul.f32 $1.442695020e+00, v30;
	v23 =	vadd.f32 v55, v23  }
0x128: {  	v29 =	vor.u32 $0x80, v46;
	v13 =	vmul.f32 v59, v13;
	v60 =	vpop (erf);
	v61 =	vmul.f32 $1.442695020e+00, v18  }
0x129: {  	s10 =	simm.s32 $0x140;
	v39 =	vadd.f32 v39, v21;
	v63 =	vpop (erf);
	(erf) = vpow2.f32 v30;
	v23 =	vsub.f32 $0.0e+00, v23  }
0x12a: {  	s20 =	sor.u32 s4, s6;
	s4 =	sand.u32 $0x3FFFFF00, s10;
	s10 =	simm.s32 $0xA0;
	v25 =	vadd.f32 v58, v25;
	v44 =	vadd.f32 $1.000000000e+00, v63;
	(erf) = vpow2.f32 v61  }
0x12b: {  	s11 =	sadd.s32 $0x13C00, s4;
	s15 =	sand.u32 $0x60, s10;
	v39 =	vsub.f32 $0.0e+00, v39;
	v38 =	vsel vm0, $0x3F800000, v13;
	v23 =	vmul.f32 $1.442695020e+00, v23  }
0x12c: {  	s5 =	simm.s32 $0xB0;
	s6 =	sor.u32 s15, s11;
	v13 =	vor.u32 $0x180, v46;
	v62 =	vmul.f32 v60, v5;
	(erf) = vrcp.f32 v44  }
0x12d: {  	s4 =	sand.u32 $0x70, s5;
	v41 =	vld [tilespmem:s6+$0x80];
	v18 =	vor.u32 $0x100, v46;
	v46 =	vpop (erf);
	(erf) = vpow2.f32 v23;
	v23 =	vmul.f32 $1.442695020e+00, v39  }
0x12e: {  	vm1 =	vmmov vm1;
	s9 =	sor.u32 s4, s11;
	v42 =	vld [tilespmem:s6+$0x0];
	v25 =	vsub.f32 $0.0e+00, v25;
	v45 =	vsel vm10, $0x3F800000, v62;
	v48 =	vpop (erf)  }
0x12f: {  	vm6 =	vmmov vm4;
	v33 =	vld [tilespmem:s9+$0x80];
	[tilespmem:s20+$0x0] =	vst v45;
	(erf) = vpow2.f32 v23;
	v23 =	vadd.f32 $1.000000000e+00, v48  }
0x130: {  	vm9 =	vmmov vm3;
	vm5 =	vmmov vm5;
	v25 =	vmul.f32 $1.442695020e+00, v25;
	v40 =	vld.idx.msk [tilespmem:v32+s3+$0x0], $0xffff  }
0x131: {  	v28 =	vor.u32 $0x180, v28;
	vm4 =	vmmov vm5;
	vm5 =	vmmov vm10;
	v15 =	vld.idx.msk [tilespmem:v15+s3+$0x0], $0xffff  }
0x132: {  	vm3 =	vmmov vm8;
	vm8 =	veq.s32 v35, v37;
	v32 =	vld [tilespmem:s9+$0x0];
	(erf) = vpow2.f32 v25;
	v49 =	vpop (erf)  }
0x133: {  	v21 =	vor.u32 $0x300, v14;
	(erf) = vrcp.f32 v23;
	v25 =	vadd.f32 $1.000000000e+00, v49;
	v23 =	vpop (erf)  }
0x134: {  	v58 =	vor.u32 $0x80, v11;
	vm0 =	vmmov vm2;
	v23 =	vadd.f32 $1.000000000e+00, v23  }
0x135: {  	vm2 =	vmmov vm7;
	v51 =	vshll.u32 v33, $0x3;
	(erf) = vrcp.f32 v25  }
0x136: {  	vm7 =	veq.s32 v42, v41;
	v47 =	vmul.f32 v46, v0;
	v44 =	vand.u32 $0xFFFFFC00, v51  }
0x137: {  	s6 =	simm.s32 $0x17090;
	v40 =	vadd.f32 v15, v40;
	v15 =	vshll.u32 v32, $0x3;
	v50 =	vpop (erf);
	(erf) = vrcp.f32 v23  }
0x138: {  	v53 =	vand.u32 $0x7F, v33;
	v52 =	vand.u32 $0xFFFFFC00, v15;
	v15 =	vld [tilespmem:s6+$0x0];
	v25 =	vand.u32 $0x7F, v32;
	v23 =	vpop (erf)  }
0x139: {  	v25 =	vor.u32 v25, v52;
	v54 =	vadd.f32 $1.000000000e+00, v23;
	v23 =	vor.u32 v53, v44  }
0x13a: {  	v55 =	vshll.u32 v41, $0x3;
	v39 =	vsel vm1, $0x3F800000, v47;
	v44 =	vpop (erf);
	v45 =	vor.u32 $0x200, v23  }
0x13b: {  	v57 =	vand.u32 $0x7F, v41;
	v60 =	vor.u32 $0x280, v12;
	[tilespmem:s31+$0x100] =	vst v39;
	v47 =	vpop (erf);
	(erf) = vrcp.f32 v54  }
0x13c: {  	s11 =	simm.s32 $0x200;
	v56 =	vand.u32 $0xFFFFFC00, v55;
	v30 =	vor.u32 $0x280, v14;
	v14 =	vor.u32 $0x380, v14;
	v48 =	vld.idx.msk [tilespmem:v34+s3+$0x0], $0xffff;
	v59 =	vpop (erf)  }
0x13d: {  	s8 =	sand.u32 $0x3FFFFE00, s11;
	v62 =	vor.u32 $0x100, v6;
	v39 =	vshll.u32 v42, $0x3;
	v51 =	vld.idx.msk [tilespmem:v16+s3+$0x0], $0xffff;
	v16 =	vmul.f32 v59, v15  }
0x13e: {  	s8 =	sadd.s32 $0x18A00, s8;
	v46 =	vor.u32 v57, v56;
	v39 =	vand.u32 $0xFFFFFC00, v39;
	v40 =	vsub.f32 $0.0e+00, v40;
	v52 =	vld.idx.msk [tilespmem:v25+s3+$0x0], $0xffff;
	v61 =	vpop (erf)  }
0x13f: {  	s25 =	sor.u32 s25, s8;
	v53 =	vor.u32 $0x300, v7;
	v63 =	vmul.f32 v61, v4;
	v56 =	vsel vm8, $0x3F800000, v16;
	v45 =	vld.idx.msk [tilespmem:v45+s3+$0x0], $0xffff  }
0x140: {  	v43 =	vmul.f32 v50, v3;
	v44 =	vadd.f32 $1.000000000e+00, v44;
	v54 =	vor.u32 $0x380, v27;
	v16 =	vld [tilespmem:s6+$0xFFFFFFF0];
	[tilespmem:s25+$0x0] =	vst v56;
	v57 =	vpop (erf)  }
0x141: {  	v27 =	vand.u32 $0x7F, v42;
	v37 =	vsel vm6, $0x3F800000, v63;
	v49 =	vld.idx.msk [tilespmem:v58+s3+$0x0], $0xffff;
	v50 =	vmul.f32 v57, v2  }
0x142: {  	v39 =	vor.u32 v27, v39;
	(erf) = vrcp.f32 v44;
	v59 =	vld.idx.msk [tilespmem:v60+s3+$0x0], $0xffff;
	v60 =	vmul.f32 $1.442695020e+00, v40;
	[tilespmem:s19+$0x80] =	vst v37  }
0x143: {  	vm1 =	vmmov vm1;
	v58 =	vor.u32 $0x200, v46;
	v61 =	vld.idx.msk [tilespmem:v62+s3+$0x0], $0xffff;
	v27 =	vsel vm0, $0x3F800000, v50  }
0x144: {  	v34 =	vor.u32 $0x280, v46;
	v63 =	vld.idx.msk [tilespmem:v53+s3+$0x0], $0xffff;
	[tilespmem:s0+$0x100] =	vst v27;
	v62 =	vpop (erf);
	v45 =	vadd.f32 v45, v52;
	(erf) = vpow2.f32 v60  }
0x145: {  	v48 =	vadd.f32 v51, v48;
	v43 =	vsel vm4, $0x3F800000, v43;
	v47 =	vadd.f32 $1.000000000e+00, v47;
	v53 =	vld.idx.msk [tilespmem:v28+s3+$0x0], $0xffff  }
0x146: {  	v35 =	vor.u32 $0x80, v39;
	v54 =	vld.idx.msk [tilespmem:v54+s3+$0x0], $0xffff;
	v26 =	vmul.f32 v62, v26;
	v45 =	vsub.f32 $0.0e+00, v45  }
0x147: {  	v57 =	vsub.f32 $0.0e+00, v48;
	v56 =	vld.idx.msk [tilespmem:v39+s3+$0x0], $0xffff;
	v44 =	vadd.f32 v59, v49;
	(erf) = vrcp.f32 v47  }
0x148: {  	[tilespmem:s1+$0x80] =	vst v43;
	v27 =	vor.u32 $0x100, v39;
	v37 =	vld.idx.msk [tilespmem:v58+s3+$0x0], $0xffff;
	v55 =	vsel vm9, $0x3F800000, v26;
	v26 =	vmul.f32 $1.442695020e+00, v45  }
0x149: {  	v28 =	vor.u32 $0x300, v46;
	v58 =	vld.idx.msk [tilespmem:v31+s3+$0x0], $0xffff;
	v44 =	vsub.f32 $0.0e+00, v44;
	v40 =	vadd.f32 v63, v61  }
0x14a: {  	v60 =	vmul.f32 $1.442695020e+00, v57;
	v31 =	vor.u32 $0x180, v39;
	v59 =	vld.idx.msk [tilespmem:v36+s3+$0x0], $0xffff;
	(erf) = vpow2.f32 v26  }
0x14b: {  	v61 =	vpop (erf);
	v44 =	vmul.f32 $1.442695020e+00, v44;
	v40 =	vsub.f32 $0.0e+00, v40;
	v41 =	vadd.f32 v54, v53  }
0x14c: {  	v42 =	vmul.f32 v61, v16;
	v26 =	vor.u32 $0x380, v46;
	(erf) = vpow2.f32 v60  }
0x14d: {  	[tilespmem:s13+$0x180] =	vst v38;
	v62 =	vmul.f32 $1.442695020e+00, v40;
	v41 =	vsub.f32 $0.0e+00, v41;
	(erf) = vpow2.f32 v44;
	v63 =	vpop (erf)  }
0x14e: {  	s13 =	sor.u32 s7, s8;
	[tilespmem:s14+$0x180] =	vst v55;
	v36 =	vadd.f32 v37, v56;
	v42 =	vsel vm3, $0x3F800000, v42;
	v37 =	vadd.f32 $1.000000000e+00, v63  }
0x14f: {  	s7 =	simm.s32 $0xA;
	s14 =	simm.s32 $0xA;
	v39 =	vadd.f32 v59, v58;
	[tilespmem:s13+$0x0] =	vst v42;
	(erf) = vpow2.f32 v62;
	v38 =	vmul.f32 $1.442695020e+00, v41  }
.LBB2_2:
0x150: {  	s7 =	sadd.s32 $0x2, s7;
	v41 =	vsub.f32 $0.0e+00, v36;
	v40 =	vld.idx.msk [tilespmem:v29+s3+$0x0], $0xffff;
	(erf) = vrcp.f32 v37;
	v37 =	vpop (erf);
	v29 =	vmov v35  }
0x151: {  	s8 =	sshll.u32 s7, $0x5;
	v35 =	vld.idx.msk [tilespmem:v30+s3+$0x0], $0xffff;
	v39 =	vsub.f32 $0.0e+00, v39;
	(erf) = vpow2.f32 v38;
	v37 =	vmul.f32 v37, v1;
	v30 =	vmovc v34  }
0x152: {  	s5 =	sadd.s32 $0x20, s5;
	vm10 =	vmmov vm0;
	vm0 =	vmmov vm6;
	s8 =	sand.u32 $0x3FFFFF00, s8;
	v34 =	vmul.f32 $1.442695020e+00, v41  }
0x153: {  	vm6 =	vmmov vm8;
	s10 =	sadd.s32 $0xFFFFFFF0, s5;
	s9 =	sand.u32 $0x70, s5;
	s11 =	sadd.s32 $0x13C00, s8;
	v36 =	vpop (erf);
	v38 =	vmul.f32 $1.442695020e+00, v39;
	v39 =	vsel vm2, $0x3F800000, v37  }
0x154: {  	vm9 =	vmmov vm1;
	vm1 =	vmmov vm2;
	s8 =	sand.u32 $0x60, s10;
	s10 =	sor.u32 s9, s11;
	(erf) = vpow2.f32 v34;
	[tilespmem:s2+$0x100] =	vst v39  }
0x155: {  	p1 =	slt.u32 s7, $0xCE;
	vm2 =	vmmov vm4;
	s11 =	sor.u32 s8, s11;
	v36 =	vadd.f32 $1.000000000e+00, v36;
	v34 =	vld [tilespmem:s10+$0x0];
	(erf) = vpow2.f32 v38;
	v37 =	vpop (erf)  }
0x156: {  	vm4 =	vmmov vm5;
	vm5 =	vmmov vm3;
	v38 =	vld [tilespmem:s10+$0x80];
	v39 =	vpop (erf);
	v37 =	vadd.f32 $1.000000000e+00, v37  }
0x157: {  	v35 =	vadd.f32 v35, v40;
	v41 =	vld [tilespmem:s11+$0x80];
	(erf) = vrcp.f32 v36;
	v42 =	vadd.f32 $1.000000000e+00, v39  }
0x158: {  	vm3 =	vmmov vm7;
	v39 =	vld [tilespmem:s11+$0x0];
	v40 =	vpop (erf);
	(erf) = vrcp.f32 v37  }
0x159: {  	v37 =	vsub.f32 $0.0e+00, v35;
	(erf) = vrcp.f32 v42;
	v35 =	vadd.f32 $1.000000000e+00, v40;
	v36 =	vpop (erf);
	v40 =	vld.idx.msk [tilespmem:v20+s3+$0x0], $0xffff  }
0x15a: {  	v42 =	vshll.u32 v34, $0x3;
	v43 =	vand.u32 $0x7F, v34;
	v36 =	vmul.f32 v36, v5;
	v20 =	vpop (erf);
	v44 =	vld.idx.msk [tilespmem:v22+s3+$0x0], $0xffff  }
0x15b: {  	s6 =	sadd.s32 $0x20, s6;
	v22 =	vshll.u32 v38, $0x3;
	(erf) = vrcp.f32 v35;
	v35 =	vadd.f32 $1.000000000e+00, v20;
	v20 =	vmovc v9;
	v9 =	vmovc v10  }
0x15c: {  	v42 =	vand.u32 $0xFFFFFC00, v42;
	v47 =	vand.u32 $0x7F, v38;
	v10 =	vmovc v13;
	v13 =	vmovc v31;
	v22 =	vand.u32 $0xFFFFFC00, v22;
	v46 =	vld [tilespmem:s6+$0x0]  }
0x15d: {  	v31 =	vor.u32 v43, v42;
	v42 =	vor.u32 v47, v22;
	v43 =	vld [tilespmem:s6+$0xFFFFFFF0];
	v45 =	vpop (erf);
	(erf) = vrcp.f32 v35  }
0x15e: {  	v52 =	vshll.u32 v39, $0x3;
	v35 =	vshll.u32 v41, $0x3;
	v47 =	vor.u32 $0x200, v42;
	v48 =	vpop (erf)  }
0x15f: {  	v50 =	vand.u32 $0x7F, v41;
	v49 =	vand.u32 $0xFFFFFC00, v52;
	v35 =	vand.u32 $0xFFFFFC00, v35;
	v22 =	vmovc v8;
	v8 =	vmovc v24  }
0x160: {  	s10 =	sshll.u32 s14, $0x6;
	s14 =	smov.u32 s7;
	v24 =	vand.u32 $0x7F, v39;
	v50 =	vor.u32 v50, v35;
	v35 =	vor.u32 $0x80, v25;
	v51 =	vpop (erf)  }
0x161: {  	v53 =	vor.u32 $0x280, v23;
	s10 =	sand.u32 $0x3FFFFE00, s10;
	v52 =	vor.u32 $0x200, v50;
	v51 =	vmul.f32 v51, v46;
	v54 =	vpop (erf)  }
0x162: {  	vm8 =	veq.s32 v32, v33;
	v55 =	vor.u32 $0x100, v11;
	s11 =	sadd.s32 $0x18A00, s10;
	v24 =	vor.u32 v24, v49;
	v49 =	vld.idx.msk [tilespmem:v31+s3+$0x0], $0xffff;
	v32 =	vpop (erf)  }
0x163: {  	v57 =	vor.u32 $0x300, v12;
	s10 =	sor.u32 s15, s11;
	s11 =	sor.u32 s4, s11;
	s4 =	smov.u32 s9;
	v33 =	vmovc v38;
	v47 =	vld.idx.msk [tilespmem:v47+s3+$0x0], $0xffff;
	v51 =	vsel vm8, $0x3F800000, v51;
	v56 =	vmul.f32 v32, v15;
	v32 =	vmovc v34  }
0x164: {  	s15 =	smov.u32 s8;
	vm7 =	veq.s32 v39, v41;
	v38 =	vadd.f32 $1.000000000e+00, v45;
	v39 =	vor.u32 $0x180, v6;
	[tilespmem:s11+$0x0] =	vst v51;
	v6 =	vpop (erf)  }
0x165: {  	v41 =	vld.idx.msk [tilespmem:v35+s3+$0x0], $0xffff;
	v45 =	vsel vm6, $0x3F800000, v56;
	v51 =	vmul.f32 v6, v4;
	v56 =	vor.u32 $0x380, v7;
	v6 =	vmovc v11;
	v11 =	vmovc v25  }
0x166: {  	v34 =	vor.u32 $0x280, v50;
	v35 =	vor.u32 $0x80, v24;
	v53 =	vld.idx.msk [tilespmem:v53+s3+$0x0], $0xffff;
	(erf) = vrcp.f32 v38;
	[tilespmem:s25+$0x80] =	vst v45;
	v7 =	vpop (erf)  }
0x167: {  	v37 =	vmul.f32 $1.442695020e+00, v37;
	v38 =	vld.idx.msk [tilespmem:v55+s3+$0x0], $0xffff;
	v58 =	vsel vm0, $0x3F800000, v51;
	v59 =	vmul.f32 v7, v2;
	v2 =	vmovc v4;
	v4 =	vmovc v15  }
0x168: {  	v36 =	vsel vm4, $0x3F800000, v36;
	v25 =	vmovc v31;
	v45 =	vor.u32 $0x100, v24;
	v51 =	vor.u32 $0x300, v50;
	v15 =	vmovc v46;
	v55 =	vld.idx.msk [tilespmem:v57+s3+$0x0], $0xffff;
	[tilespmem:s19+$0x100] =	vst v58  }
0x169: {  	v7 =	vmovc v12;
	v46 =	vadd.f32 v47, v49;
	(erf) = vpow2.f32 v37;
	[tilespmem:s20+$0x80] =	vst v36;
	v36 =	vld.idx.msk [tilespmem:v39+s3+$0x0], $0xffff;
	v37 =	vsel vm10, $0x3F800000, v59  }
0x16a: {  	v48 =	vadd.f32 $1.000000000e+00, v48;
	v31 =	vor.u32 $0x180, v24;
	v12 =	vmovc v23;
	v23 =	vmovc v42;
	v39 =	vor.u32 $0x380, v50;
	v47 =	vld.idx.msk [tilespmem:v56+s3+$0x0], $0xffff;
	[tilespmem:s0+$0x180] =	vst v37;
	s0 =	smov.u32 s19;
	s19 =	smov.u32 s25;
	s25 =	smov.u32 s11  }
0x16b: {  	v40 =	vadd.f32 v44, v40;
	v44 =	vmul.f32 v54, v0;
	v0 =	vmovc v1;
	v42 =	vsub.f32 $0.0e+00, v46;
	v37 =	vld.idx.msk [tilespmem:v52+s3+$0x0], $0xffff  }
0x16c: {  	v1 =	vmovc v3;
	v3 =	vmovc v5;
	v5 =	vmov v16;
	v46 =	vld.idx.msk [tilespmem:v24+s3+$0x0], $0xffff;
	v24 =	vadd.f32 v53, v41;
	(erf) = vrcp.f32 v48  }
0x16d: {  	v40 =	vsub.f32 $0.0e+00, v40;
	v16 =	vmovc v43;
	v44 =	vsel vm9, $0x3F800000, v44;
	v48 =	vmul.f32 $1.442695020e+00, v42;
	v42 =	vld.idx.msk [tilespmem:v17+s3+$0x0], $0xffff;
	v17 =	vmovc v18  }
0x16e: {  	v38 =	vadd.f32 v55, v38;
	v18 =	vmovc v27;
	v27 =	vmov v45;
	v49 =	vsub.f32 $0.0e+00, v24;
	v43 =	vld.idx.msk [tilespmem:v19+s3+$0x0], $0xffff;
	[tilespmem:s31+$0x180] =	vst v44;
	s31 =	smov.u32 s2;
	s2 =	smov.u32 s1;
	s1 =	smov.u32 s20  }
0x16f: {  	v40 =	vmul.f32 $1.442695020e+00, v40;
	v19 =	vmov v21;
	s20 =	smov.u32 s13;
	s13 =	smov.u32 s10;
	(erf) = vpow2.f32 v48;
	v41 =	vpop (erf)  }
.Ltmp2:
0x170: {  	v21 =	vmovc v28;
	v28 =	vmovc v51;
	v38 =	vsub.f32 $0.0e+00, v38;
	v36 =	vadd.f32 v47, v36;
	v44 =	vmul.f32 $1.442695020e+00, v49;
	(pc) =	sbr.rel @p1 .LBB2_2-.Ltmp2, $4  }
0x171: {  	v41 =	vmul.f32 v41, v16;
	v24 =	vmovc v14;
	v14 =	vmovc v26;
	v26 =	vmov v39;
	(erf) = vpow2.f32 v40  }
0x172: {  	v38 =	vmul.f32 $1.442695020e+00, v38;
	v40 =	vsub.f32 $0.0e+00, v36;
	(erf) = vpow2.f32 v44;
	v39 =	vpop (erf)  }
0x173: {  	v36 =	vadd.f32 v37, v46;
	v41 =	vsel vm3, $0x3F800000, v41;
	v37 =	vadd.f32 $1.000000000e+00, v39  }
0x174: {  	v39 =	vadd.f32 v43, v42;
	[tilespmem:s13+$0x0] =	vst v41;
	(erf) = vpow2.f32 v38;
	v38 =	vmul.f32 $1.442695020e+00, v40  }
0x175: {  	v36 =	vsub.f32 $0.0e+00, v36  }
0x176: {  	v39 =	vsub.f32 $0.0e+00, v39  }
0x177: {  	(erf) = vrcp.f32 v37;
	v46 =	vpop (erf);
	v36 =	vmul.f32 $1.442695020e+00, v36  }
0x178: {  	(erf) = vpow2.f32 v38;
	v47 =	vpop (erf);
	v39 =	vmul.f32 $1.442695020e+00, v39  }
0x179: {  	(erf) = vpow2.f32 v36;
	v48 =	vadd.f32 $1.000000000e+00, v47  }
0x17a: {  	(erf) = vpow2.f32 v39  }
0x17b: {  	(erf) = vrcp.f32 v48;
	_ =	sdelay $0x1  }
0x17c: {  	v49 =	vpop (erf)  }
0x17d: {  	v50 =	vpop (erf)  }
0x17e: {  	s5 =	sadd.s32 $0x20, s6;
	v36 =	vadd.f32 $1.000000000e+00, v49;
	v51 =	vpop (erf)  }
0x17f: {  	v52 =	vld [tilespmem:s5+$0x0];
	v38 =	vadd.f32 $1.000000000e+00, v50;
	v40 =	vpop (erf)  }
0x180: {  	(erf) = vrcp.f32 v36;
	v54 =	vpop (erf)  }
0x181: {  	(erf) = vrcp.f32 v38;
	v41 =	vpop (erf)  }
0x182: {  	v37 =	vmul.f32 v46, v1;
	v53 =	vadd.f32 $1.000000000e+00, v51;
	v55 =	vpop (erf)  }
0x183: {  	v29 =	vld.idx.msk [tilespmem:v29+s3+$0x0], $0xffff;
	v42 =	vor.u32 $0x80, v25;
	v43 =	vpop (erf)  }
0x184: {  	v30 =	vld.idx.msk [tilespmem:v30+s3+$0x0], $0xffff;
	s14 =	sshll.u32 s14, $0x6;
	v37 =	vsel vm2, $0x3F800000, v37;
	(erf) = vrcp.f32 v53;
	v43 =	vmul.f32 v43, v52  }
0x185: {  	v44 =	vor.u32 $0x280, v23;
	vm9 =	veq.s32 v32, v33;
	s6 =	sand.u32 $0x3FFFFE00, s14;
	[tilespmem:s2+$0x100] =	vst v37  }
0x186: {  	s6 =	sadd.s32 $0x18A00, s6;
	v56 =	vld.idx.msk [tilespmem:v20+s3+$0x0], $0xffff;
	v20 =	vsel vm9, $0x3F800000, v43  }
0x187: {  	s4 =	sor.u32 s4, s6  }
0x188: {  	v22 =	vld.idx.msk [tilespmem:v22+s3+$0x0], $0xffff;
	[tilespmem:s4+$0x0] =	vst v20  }
0x189: {  	v29 =	vadd.f32 v30, v29;
	v30 =	vld.idx.msk [tilespmem:v42+s3+$0x0], $0xffff;
	v20 =	vpop (erf)  }
0x18a: {  	vm6 =	vmmov vm6;
	v57 =	vor.u32 $0x100, v11;
	v59 =	vld.idx.msk [tilespmem:v44+s3+$0x0], $0xffff;
	v58 =	vpop (erf)  }
0x18b: {  	v60 =	vor.u32 $0x300, v12;
	v29 =	vsub.f32 $0.0e+00, v29;
	v37 =	vmul.f32 v58, v15  }
0x18c: {  	vm8 =	vmmov vm8;
	v6 =	vor.u32 $0x180, v6;
	v7 =	vor.u32 $0x380, v7  }
0x18d: {  	v29 =	vmul.f32 $1.442695020e+00, v29;
	v39 =	vadd.f32 $1.000000000e+00, v54;
	v61 =	vpop (erf);
	v37 =	vsel vm8, $0x3F800000, v37  }
0x18e: {  	v22 =	vadd.f32 v22, v56;
	v62 =	vadd.f32 $1.000000000e+00, v41;
	v44 =	vmul.f32 v61, v4;
	[tilespmem:s25+$0x80] =	vst v37  }
0x18f: {  	v40 =	vmul.f32 v40, v5;
	(erf) = vrcp.f32 v39;
	v30 =	vadd.f32 v59, v30;
	v63 =	vld.idx.msk [tilespmem:v57+s3+$0x0], $0xffff  }
0x190: {  	v22 =	vsub.f32 $0.0e+00, v22;
	(erf) = vrcp.f32 v62;
	v44 =	vsel vm6, $0x3F800000, v44;
	v37 =	vld.idx.msk [tilespmem:v60+s3+$0x0], $0xffff  }
0x191: {  	(erf) = vpow2.f32 v29;
	v29 =	vadd.f32 $1.000000000e+00, v55;
	[tilespmem:s19+$0x100] =	vst v44;
	v30 =	vsub.f32 $0.0e+00, v30  }
0x192: {  	vm5 =	vmmov vm5;
	v33 =	vld.idx.msk [tilespmem:v7+s3+$0x0], $0xffff;
	v7 =	vmul.f32 $1.442695020e+00, v22  }
0x193: {  	v45 =	vsel vm5, $0x3F800000, v40;
	(erf) = vrcp.f32 v29;
	v22 =	vmul.f32 $1.442695020e+00, v30  }
0x194: {  	[tilespmem:s20+$0x80] =	vst v45;
	v6 =	vld.idx.msk [tilespmem:v6+s3+$0x0], $0xffff;
	(erf) = vpow2.f32 v7  }
0x195: {  	v17 =	vld.idx.msk [tilespmem:v17+s3+$0x0], $0xffff;
	(erf) = vpow2.f32 v22;
	v22 =	vadd.f32 v37, v63  }
0x196: {  	v19 =	vld.idx.msk [tilespmem:v19+s3+$0x0], $0xffff  }
0x197: {  	v22 =	vsub.f32 $0.0e+00, v22;
	_ =	sdelay $0x1  }
0x198: {  	v7 =	vpop (erf);
	v6 =	vadd.f32 v33, v6  }
0x199: {  	v29 =	vpop (erf)  }
0x19a: {  	v17 =	vadd.f32 v19, v17;
	v6 =	vsub.f32 $0.0e+00, v6;
	v19 =	vmul.f32 $1.442695020e+00, v22;
	v22 =	vpop (erf)  }
0x19b: {  	v22 =	vadd.f32 $1.000000000e+00, v22  }
0x19c: {  	v6 =	vmul.f32 $1.442695020e+00, v6  }
0x19d: {  	v17 =	vsub.f32 $0.0e+00, v17  }
0x19e: {  	(erf) = vpow2.f32 v19;
	v19 =	vpop (erf)  }
0x19f: {  	v17 =	vmul.f32 $1.442695020e+00, v17;
	(erf) = vrcp.f32 v22;
	v22 =	vpop (erf)  }
0x1a0: {  	(erf) = vpow2.f32 v6;
	v6 =	vpop (erf);
	v22 =	vadd.f32 $1.000000000e+00, v22  }
0x1a1: {  	(erf) = vpow2.f32 v17;
	v6 =	vadd.f32 $1.000000000e+00, v6  }
0x1a2: {  	(erf) = vrcp.f32 v22  }
0x1a3: {  	(erf) = vrcp.f32 v6;
	v6 =	vld [tilespmem:s5+$0xFFFFFFF0];
	_ =	sdelay $0x3  }
0x1a4: {  	v17 =	vpop (erf)  }
0x1a5: {  	v17 =	vadd.f32 $1.000000000e+00, v17;
	v29 =	vmul.f32 v29, v6  }
0x1a6: {  	vm10 =	vmmov vm7;
	v22 =	vpop (erf)  }
0x1a7: {  	s15 =	sor.u32 s15, s6;
	v30 =	vpop (erf);
	v29 =	vsel vm10, $0x3F800000, v29  }
0x1a8: {  	v46 =	vpop (erf);
	[tilespmem:s15+$0x0] =	vst v29  }
0x1a9: {  	v19 =	vmul.f32 v19, v3;
	(erf) = vrcp.f32 v17;
	v17 =	vpop (erf);
	v35 =	vld.idx.msk [tilespmem:v35+s3+$0x0], $0xffff  }
0x1aa: {  	vm4 =	vmmov vm4;
	v29 =	vor.u32 $0x100, v25;
	v47 =	vpop (erf);
	v34 =	vld.idx.msk [tilespmem:v34+s3+$0x0], $0xffff  }
0x1ab: {  	v48 =	vor.u32 $0x300, v23;
	v19 =	vsel vm4, $0x3F800000, v19;
	v33 =	vmul.f32 v47, v52  }
0x1ac: {  	vm9 =	vmmov vm9;
	[tilespmem:s1+$0x100] =	vst v19  }
0x1ad: {  	v9 =	vld.idx.msk [tilespmem:v9+s3+$0x0], $0xffff;
	v19 =	vsel vm9, $0x3F800000, v33  }
0x1ae: {  	v8 =	vld.idx.msk [tilespmem:v8+s3+$0x0], $0xffff;
	[tilespmem:s4+$0x80] =	vst v19  }
0x1af: {  	v19 =	vld.idx.msk [tilespmem:v29+s3+$0x0], $0xffff;
	v49 =	vadd.f32 v34, v35  }
0x1b0: {  	v29 =	vld.idx.msk [tilespmem:v48+s3+$0x0], $0xffff  }
0x1b1: {  	vm7 =	vmmov vm3;
	v33 =	vsub.f32 $0.0e+00, v49  }
0x1b2: {  	v11 =	vor.u32 $0x180, v11;
	v12 =	vor.u32 $0x380, v12;
	v30 =	vadd.f32 $1.000000000e+00, v30;
	v50 =	vpop (erf)  }
0x1b3: {  	v8 =	vadd.f32 v8, v9;
	v34 =	vmul.f32 v50, v15;
	v9 =	vmul.f32 $1.442695020e+00, v33  }
0x1b4: {  	vm3 =	vmmov vm8;
	v22 =	vmul.f32 v22, v16;
	(erf) = vrcp.f32 v30  }
0x1b5: {  	v51 =	vsel vm3, $0x3F800000, v34;
	v19 =	vadd.f32 v29, v19;
	(erf) = vpow2.f32 v9  }
0x1b6: {  	vm8 =	vmmov vm7;
	v8 =	vsub.f32 $0.0e+00, v8;
	[tilespmem:s25+$0x100] =	vst v51  }
0x1b7: {  	v22 =	vsel vm8, $0x3F800000, v22;
	v9 =	vld.idx.msk [tilespmem:v11+s3+$0x0], $0xffff;
	v11 =	vadd.f32 $1.000000000e+00, v46;
	v19 =	vsub.f32 $0.0e+00, v19  }
0x1b8: {  	[tilespmem:s13+$0x80] =	vst v22;
	v8 =	vmul.f32 $1.442695020e+00, v8;
	v12 =	vld.idx.msk [tilespmem:v12+s3+$0x0], $0xffff  }
0x1b9: {  	(erf) = vrcp.f32 v11;
	v11 =	vld.idx.msk [tilespmem:v18+s3+$0x0], $0xffff;
	v18 =	vmul.f32 $1.442695020e+00, v19  }
0x1ba: {  	v19 =	vld.idx.msk [tilespmem:v21+s3+$0x0], $0xffff;
	(erf) = vpow2.f32 v8  }
0x1bb: {  	(erf) = vpow2.f32 v18;
	_ =	sdelay $0x1  }
0x1bc: {  	v8 =	vadd.f32 v12, v9;
	v9 =	vpop (erf)  }
0x1bd: {  	v12 =	vpop (erf)  }
0x1be: {  	v11 =	vadd.f32 v19, v11;
	v12 =	vadd.f32 $1.000000000e+00, v12  }
0x1bf: {  	v8 =	vsub.f32 $0.0e+00, v8  }
0x1c0: {  	v11 =	vsub.f32 $0.0e+00, v11  }
0x1c1: {  	v8 =	vmul.f32 $1.442695020e+00, v8;
	v18 =	vpop (erf)  }
0x1c2: {  	(erf) = vrcp.f32 v12;
	v11 =	vmul.f32 $1.442695020e+00, v11;
	v12 =	vpop (erf)  }
0x1c3: {  	(erf) = vpow2.f32 v8;
	v8 =	vadd.f32 $1.000000000e+00, v12;
	v12 =	vpop (erf)  }
0x1c4: {  	(erf) = vpow2.f32 v11;
	v11 =	vadd.f32 $1.000000000e+00, v12  }
0x1c5: {  	(erf) = vrcp.f32 v8  }
0x1c6: {  	(erf) = vrcp.f32 v11;
	_ =	sdelay $0x4  }
0x1c7: {  	v8 =	vpop (erf)  }
0x1c8: {  	v11 =	vpop (erf)  }
0x1c9: {  	v12 =	vpop (erf)  }
0x1ca: {  	v18 =	vmul.f32 v18, v5;
	v19 =	vpop (erf)  }
0x1cb: {  	vm7 =	vmmov vm5;
	v21 =	vor.u32 $0x180, v25;
	v22 =	vpop (erf)  }
0x1cc: {  	v23 =	vor.u32 $0x380, v23;
	v18 =	vsel vm7, $0x3F800000, v18;
	v22 =	vmul.f32 v22, v52  }
0x1cd: {  	vm5 =	vmmov vm9;
	[tilespmem:s20+$0x100] =	vst v18  }
0x1ce: {  	vm9 =	vmmov vm10;
	v10 =	vld.idx.msk [tilespmem:v10+s3+$0x0], $0xffff;
	v8 =	vmul.f32 v8, v6;
	v18 =	vsel vm5, $0x3F800000, v22  }
0x1cf: {  	vm9 =	vmmov vm9;
	v22 =	vld.idx.msk [tilespmem:v24+s3+$0x0], $0xffff;
	[tilespmem:s4+$0x100] =	vst v18  }
0x1d0: {  	v8 =	vsel vm9, $0x3F800000, v8;
	v18 =	vld.idx.msk [tilespmem:v21+s3+$0x0], $0xffff  }
0x1d1: {  	[tilespmem:s15+$0x80] =	vst v8;
	v8 =	vld.idx.msk [tilespmem:v23+s3+$0x0], $0xffff  }
0x1d2: {  	v21 =	vld.idx.msk [tilespmem:v27+s3+$0x0], $0xffff  }
0x1d3: {  	v23 =	vld.idx.msk [tilespmem:v28+s3+$0x0], $0xffff;
	_ =	sdelay $0x2  }
0x1d4: {  	v10 =	vadd.f32 v22, v10  }
0x1d5: {  	v11 =	vadd.f32 $1.000000000e+00, v11;
	v8 =	vadd.f32 v8, v18  }
0x1d6: {  	v10 =	vsub.f32 $0.0e+00, v10;
	v18 =	vadd.f32 v23, v21  }
0x1d7: {  	v12 =	vadd.f32 $1.000000000e+00, v12;
	v8 =	vsub.f32 $0.0e+00, v8  }
0x1d8: {  	(erf) = vrcp.f32 v11;
	v10 =	vmul.f32 $1.442695020e+00, v10;
	v11 =	vsub.f32 $0.0e+00, v18  }
0x1d9: {  	(erf) = vrcp.f32 v12;
	v8 =	vmul.f32 $1.442695020e+00, v8  }
0x1da: {  	(erf) = vpow2.f32 v10;
	v10 =	vmul.f32 $1.442695020e+00, v11  }
0x1db: {  	(erf) = vpow2.f32 v8  }
0x1dc: {  	(erf) = vpow2.f32 v10;
	_ =	sdelay $0x4  }
0x1dd: {  	v8 =	vpop (erf)  }
0x1de: {  	v10 =	vpop (erf)  }
0x1df: {  	v11 =	vpop (erf)  }
0x1e0: {  	v11 =	vadd.f32 $1.000000000e+00, v11;
	v12 =	vpop (erf)  }
0x1e1: {  	v10 =	vmul.f32 v10, v16;
	v12 =	vadd.f32 $1.000000000e+00, v12;
	v18 =	vpop (erf)  }
0x1e2: {  	vm8 =	vmmov vm8;
	(erf) = vrcp.f32 v11;
	v11 =	vadd.f32 $1.000000000e+00, v18  }
0x1e3: {  	v10 =	vsel vm8, $0x3F800000, v10;
	(erf) = vrcp.f32 v12  }
0x1e4: {  	[tilespmem:s13+$0x100] =	vst v10;
	(erf) = vrcp.f32 v11  }
0x1e5: {  	v10 =	vld.idx.msk [tilespmem:v13+s3+$0x0], $0xffff  }
0x1e6: {  	v11 =	vld.idx.msk [tilespmem:v14+s3+$0x0], $0xffff;
	_ =	sdelay $0x4  }
0x1e7: {  	v10 =	vadd.f32 v11, v10;
	v12 =	vpop (erf)  }
0x1e8: {  	v11 =	vpop (erf)  }
0x1e9: {  	v10 =	vsub.f32 $0.0e+00, v10;
	v13 =	vpop (erf)  }
0x1ea: {  	v13 =	vmul.f32 v13, v6  }
0x1eb: {  	vm9 =	vmmov vm9;
	v10 =	vmul.f32 $1.442695020e+00, v10  }
0x1ec: {  	v13 =	vsel vm9, $0x3F800000, v13  }
0x1ed: {  	(erf) = vpow2.f32 v10;
	[tilespmem:s15+$0x100] =	vst v13  }
0x1ee: {  	v10 =	vld.idx.msk [tilespmem:v31+s3+$0x0], $0xffff  }
0x1ef: {  	v13 =	vld.idx.msk [tilespmem:v26+s3+$0x0], $0xffff;
	_ =	sdelay $0x4  }
0x1f0: {  	v10 =	vadd.f32 v13, v10;
	_ =	sdelay $0x1  }
0x1f1: {  	v13 =	vpop (erf);
	v10 =	vsub.f32 $0.0e+00, v10  }
0x1f2: {  	v13 =	vadd.f32 $1.000000000e+00, v13  }
0x1f3: {  	v10 =	vmul.f32 $1.442695020e+00, v10  }
0x1f4: {  	(erf) = vrcp.f32 v13  }
0x1f5: {  	(erf) = vpow2.f32 v10;
	_ =	sdelay $0x7  }
0x1f6: {  	v10 =	vpop (erf)  }
0x1f7: {  	v13 =	vpop (erf)  }
0x1f8: {  	v13 =	vadd.f32 $1.000000000e+00, v13;
	_ =	sdelay $0x1  }
0x1f9: {  	vm0 =	vmmov vm0;
	v0 =	vmul.f32 v20, v0;
	(erf) = vrcp.f32 v13  }
0x1fa: {  	vm1 =	vmmov vm1;
	vm2 =	vmmov vm2;
	v2 =	vmul.f32 v7, v2  }
0x1fb: {  	v0 =	vsel vm1, $0x3F800000, v0;
	vm1 =	vmmov vm2;
	v1 =	vmul.f32 v17, v1  }
0x1fc: {  	vm2 =	vmmov vm4;
	v2 =	vsel vm0, $0x3F800000, v2;
	vm0 =	vmmov vm6  }
0x1fd: {  	[tilespmem:s31+$0x180] =	vst v0;
	v0 =	vsel vm1, $0x3F800000, v1;
	vm1 =	vmmov vm2;
	v4 =	vmul.f32 v9, v4  }
0x1fe: {  	[tilespmem:s0+$0x180] =	vst v2;
	vm2 =	vmmov vm7;
	v1 =	vmul.f32 v19, v3;
	v3 =	vmul.f32 v12, v5  }
0x1ff: {  	[tilespmem:s2+$0x180] =	vst v0;
	v2 =	vsel vm0, $0x3F800000, v4;
	vm0 =	vmmov vm3;
	v4 =	vmul.f32 v8, v15  }
0x200: {  	[tilespmem:s19+$0x180] =	vst v2;
	v0 =	vsel vm1, $0x3F800000, v1;
	vm1 =	vmmov vm2;
	v1 =	vmul.f32 v11, v52  }
0x201: {  	vm2 =	vmmov vm8;
	[tilespmem:s1+$0x180] =	vst v0;
	v2 =	vsel vm0, $0x3F800000, v4;
	vm0 =	vmmov vm5  }
0x202: {  	[tilespmem:s25+$0x180] =	vst v2;
	v0 =	vsel vm0, $0x3F800000, v1;
	v1 =	vsel vm1, $0x3F800000, v3;
	v2 =	vmul.f32 v10, v16;
	v3 =	vpop (erf)  }
0x203: {  	vm0 =	vmmov vm2;
	vm1 =	vmmov vm9;
	[tilespmem:s4+$0x180] =	vst v0;
	v0 =	vmul.f32 v3, v6  }
0x204: {  	[tilespmem:s20+$0x180] =	vst v1;
	v1 =	vsel vm0, $0x3F800000, v2;
	vm0 =	vmmov vm1  }
0x205: {  	[tilespmem:s13+$0x180] =	vst v1;
	v0 =	vsel vm0, $0x3F800000, v0  }
0x206: {  	[tilespmem:s15+$0x180] =	vst v0  }
0x207: {  	s0 =	rddreg [dreg:$0x9]  }
0x208: {  	[hbm4b:s0+s3] =	stream.linear.scatter [tilespmem:s23], [sflag:$0x4], $0x3400, $0x38;
	[tilespmem:$0x1F200] =	vst v63  }
0x209: {  	s6 =	rddreg [dreg:$0xa]  }
0x20a: {  	[tilespmem:s17], [sflag:$0x2] =	stream.linear.gather [hbm4b:s6+s3], $0x1A00, $0x38;
	[tilespmem:$0x1F200] =	vst v63  }
0x20b: {  	s7 =	rddreg [dreg:$0xb]  }
0x20c: {  	[tilespmem:s18], [sflag:$0x2] =	stream.linear.gather [hbm4b:s7+s3], $0xD00, $0x38;
	[tilespmem:$0x1F200] =	vst v63  }
0x20d: {  	_ =	swait.ge [sflag:s24], $0x1A00  }
0x20e: {  	[sflag:s24] =	ssyncset.done $0x0  }
0x20f: {  	s8 =	simm.s32 $0x0;
	[sflag:s24] =	ssyncadd.s32 $0xFFFFE600  }
0x210: {  	s9 =	simm.s32 $0x10;
	s0 =	sand.u32 $0x3FFFFF00, s8;
	_ =	swait.ge [sflag:s24], $0xD00  }
0x211: {  	s11 =	sand.u32 $0x70, s9;
	s10 =	sadd.s32 $0x15600, s0;
	[sflag:s24] =	ssyncset.done $0x0  }
0x212: {  	s1 =	sor.u32 s11, s10;
	[sflag:s24] =	ssyncadd.s32 $0xFFFFF300  }
0x213: {  	v0 =	vld [tilespmem:s1+$0x0]  }
0x214: {  	v1 =	vld [tilespmem:s1+$0x80];
	_ =	sdelay $0x4  }
0x215: {  	v2 =	vshll.u32 v0, $0x3;
	v3 =	vand.u32 $0x7F, v0;
	v4 =	vshll.u32 v1, $0x3  }
0x216: {  	v5 =	vand.u32 $0x7F, v1;
	v2 =	vand.u32 $0xFFFFFC00, v2;
	v4 =	vand.u32 $0xFFFFFC00, v4  }
0x217: {  	s13 =	simm.s32 $0x0;
	v11 =	vor.u32 v3, v2;
	v8 =	vor.u32 v5, v4  }
0x218: {  	s1 =	sand.u32 $0x60, s13;
	v2 =	vor.u32 $0x200, v8  }
0x219: {  	s2 =	sor.u32 s1, s10  }
0x21a: {  	v7 =	vld [tilespmem:s2+$0x80]  }
0x21b: {  	v14 =	vld [tilespmem:s2+$0x0]  }
0x21c: {  	v4 =	vld.idx.msk [tilespmem:v11+s3+$0x0], $0xffff  }
0x21d: {  	v2 =	vld.idx.msk [tilespmem:v2+s3+$0x0], $0xffff;
	_ =	sdelay $0x1  }
0x21e: {  	v3 =	vshll.u32 v7, $0x3  }
0x21f: {  	v5 =	vshll.u32 v14, $0x3;
	v6 =	vand.u32 $0x7F, v7;
	v3 =	vand.u32 $0xFFFFFC00, v3  }
0x220: {  	v5 =	vand.u32 $0xFFFFFC00, v5;
	v3 =	vor.u32 v6, v3  }
0x221: {  	v6 =	vand.u32 $0x7F, v14;
	v9 =	vor.u32 $0x200, v3;
	v2 =	vadd.f32 v2, v4  }
0x222: {  	v4 =	vor.u32 v6, v5  }
0x223: {  	v2 =	vsub.f32 $0.0e+00, v2;
	_ =	sdelay $0x1  }
0x224: {  	v2 =	vmul.f32 $1.442695020e+00, v2  }
0x225: {  	v5 =	vld.idx.msk [tilespmem:v9+s3+$0x0], $0xffff  }
0x226: {  	v6 =	vld.idx.msk [tilespmem:v4+s3+$0x0], $0xffff;
	(erf) = vpow2.f32 v2;
	_ =	sdelay $0x4  }
0x227: {  	v2 =	vadd.f32 v5, v6;
	_ =	sdelay $0x1  }
0x228: {  	s14 =	simm.s32 $0x40;
	v2 =	vsub.f32 $0.0e+00, v2  }
0x229: {  	s15 =	simm.s32 $0x30;
	s2 =	sand.u32 $0x3FFFFF00, s14  }
0x22a: {  	s4 =	sand.u32 $0x70, s15;
	s19 =	sadd.s32 $0x15600, s2;
	v2 =	vmul.f32 $1.442695020e+00, v2;
	v5 =	vpop (erf)  }
0x22b: {  	s2 =	sor.u32 s4, s19;
	v5 =	vadd.f32 $1.000000000e+00, v5  }
0x22c: {  	v15 =	vld [tilespmem:s2+$0x0];
	(erf) = vpow2.f32 v2  }
0x22d: {  	v18 =	vld [tilespmem:s2+$0x80];
	(erf) = vrcp.f32 v5;
	_ =	sdelay $0x3  }
0x22e: {  	s20 =	simm.s32 $0x17D10  }
0x22f: {  	s25 =	simm.s32 $0x20;
	v13 =	vld [tilespmem:s20+$0x0];
	v9 =	vand.u32 $0x7F, v18;
	v6 =	vshll.u32 v18, $0x3;
	v2 =	vshll.u32 v15, $0x3  }
0x230: {  	s2 =	sand.u32 $0x60, s25;
	v6 =	vand.u32 $0xFFFFFC00, v6;
	v2 =	vand.u32 $0xFFFFFC00, v2;
	v5 =	vand.u32 $0x7F, v15  }
0x231: {  	s5 =	sor.u32 s2, s19;
	v10 =	vor.u32 v5, v2;
	v5 =	vor.u32 v9, v6  }
0x232: {  	v2 =	vld [tilespmem:s5+$0x80];
	v9 =	vor.u32 $0x200, v5;
	v16 =	vpop (erf)  }
0x233: {  	s7 =	simm.s32 $0x0;
	v12 =	vor.u32 $0x80, v11;
	v6 =	vpop (erf)  }
0x234: {  	s7 =	sand.u32 $0x3FFFFE00, s7;
	v19 =	vor.u32 $0x280, v8;
	v17 =	vmul.f32 v6, v13;
	v6 =	vld [tilespmem:s5+$0x0]  }
0x235: {  	s7 =	sadd.s32 $0x1BE00, s7;
	vm0 =	veq.s32 v0, v1  }
0x236: {  	s13 =	sor.u32 s11, s7;
	v0 =	vld.idx.msk [tilespmem:v10+s3+$0x0], $0xffff;
	v1 =	vsel vm0, $0x3F800000, v17  }
0x237: {  	v17 =	vld.idx.msk [tilespmem:v9+s3+$0x0], $0xffff;
	v9 =	vshll.u32 v2, $0x3;
	[tilespmem:s13+$0x0] =	vst v1  }
0x238: {  	v20 =	vand.u32 $0x7F, v2;
	v9 =	vand.u32 $0xFFFFFC00, v9;
	v1 =	vld.idx.msk [tilespmem:v12+s3+$0x0], $0xffff  }
0x239: {  	v19 =	vld.idx.msk [tilespmem:v19+s3+$0x0], $0xffff;
	v9 =	vor.u32 v20, v9;
	v12 =	vshll.u32 v6, $0x3  }
0x23a: {  	v20 =	vand.u32 $0x7F, v6;
	v21 =	vor.u32 $0x200, v9;
	v12 =	vand.u32 $0xFFFFFC00, v12  }
0x23b: {  	v12 =	vor.u32 v20, v12  }
0x23c: {  	v0 =	vadd.f32 v17, v0  }
0x23d: {  	v16 =	vadd.f32 $1.000000000e+00, v16  }
0x23e: {  	v0 =	vsub.f32 $0.0e+00, v0;
	v1 =	vadd.f32 v19, v1  }
0x23f: {  	(erf) = vrcp.f32 v16;
	v16 =	vld.idx.msk [tilespmem:v21+s3+$0x0], $0xffff  }
0x240: {  	v0 =	vmul.f32 $1.442695020e+00, v0;
	v1 =	vsub.f32 $0.0e+00, v1;
	v17 =	vld.idx.msk [tilespmem:v12+s3+$0x0], $0xffff;
	_ =	sdelay $0x1  }
0x241: {  	(erf) = vpow2.f32 v0;
	v0 =	vmul.f32 $1.442695020e+00, v1;
	_ =	sdelay $0x1  }
0x242: {  	(erf) = vpow2.f32 v0  }
0x243: {  	v0 =	vadd.f32 v16, v17;
	_ =	sdelay $0x1  }
0x244: {  	v1 =	vsub.f32 $0.0e+00, v0  }
0x245: {  	s5 =	simm.s32 $0x80  }
0x246: {  	s8 =	simm.s32 $0x50;
	s0 =	sand.u32 $0x3FFFFF00, s5;
	v1 =	vmul.f32 $1.442695020e+00, v1  }
0x247: {  	s9 =	sadd.s32 $0x15600, s0;
	s0 =	sand.u32 $0x70, s8;
	v17 =	vpop (erf)  }
0x248: {  	s5 =	sor.u32 s0, s9;
	v0 =	vld [tilespmem:s20+$0xFFFFFFF0];
	v16 =	vpop (erf)  }
0x249: {  	v21 =	vld [tilespmem:s5+$0x80];
	v19 =	vadd.f32 $1.000000000e+00, v16  }
0x24a: {  	(erf) = vpow2.f32 v1;
	v16 =	vld [tilespmem:s5+$0x0];
	v1 =	vpop (erf)  }
0x24b: {  	(erf) = vrcp.f32 v19;
	v1 =	vadd.f32 $1.000000000e+00, v1  }
0x24c: {  	vm1 =	veq.s32 v14, v7;
	v7 =	vor.u32 $0x80, v4  }
0x24d: {  	v14 =	vmul.f32 v17, v0;
	(erf) = vrcp.f32 v1;
	v1 =	vor.u32 $0x280, v3  }
0x24e: {  	vm1 =	vmmov vm1;
	v20 =	vshll.u32 v21, $0x3  }
0x24f: {  	s10 =	simm.s32 $0x17D30;
	s31 =	sor.u32 s1, s7;
	v14 =	vsel vm1, $0x3F800000, v14;
	v17 =	vshll.u32 v16, $0x3;
	v19 =	vand.u32 $0x7F, v16  }
0x250: {  	v26 =	vld [tilespmem:s10+$0x0];
	[tilespmem:s31+$0x0] =	vst v14;
	v14 =	vand.u32 $0xFFFFFC00, v17;
	v17 =	vand.u32 $0xFFFFFC00, v20;
	v20 =	vand.u32 $0x7F, v21  }
0x251: {  	s11 =	simm.s32 $0x40;
	v7 =	vld.idx.msk [tilespmem:v7+s3+$0x0], $0xffff;
	v28 =	vor.u32 v19, v14;
	v27 =	vor.u32 v20, v17  }
0x252: {  	s1 =	sand.u32 $0x60, s11;
	v19 =	vor.u32 $0x200, v27;
	v1 =	vld.idx.msk [tilespmem:v1+s3+$0x0], $0xffff  }
0x253: {  	s6 =	sor.u32 s1, s9;
	v14 =	vpop (erf)  }
0x254: {  	s14 =	simm.s32 $0x80;
	v22 =	vor.u32 $0x80, v10;
	v17 =	vld [tilespmem:s6+$0x80];
	v20 =	vpop (erf)  }
0x255: {  	s7 =	sand.u32 $0x3FFFFE00, s14;
	v24 =	vor.u32 $0x280, v5;
	v23 =	vmul.f32 v20, v26;
	v20 =	vld [tilespmem:s6+$0x0]  }
0x256: {  	s15 =	sadd.s32 $0x1BE00, s7;
	v29 =	vor.u32 $0x300, v8;
	vm3 =	veq.s32 v15, v18;
	v15 =	vor.u32 $0x100, v11;
	v25 =	vld.idx.msk [tilespmem:v28+s3+$0x0], $0xffff;
	v18 =	vpop (erf)  }
0x257: {  	s14 =	sor.u32 s4, s15;
	v23 =	vsel vm3, $0x3F800000, v23;
	v18 =	vmul.f32 v18, v13;
	v1 =	vadd.f32 v1, v7;
	v7 =	vld.idx.msk [tilespmem:v19+s3+$0x0], $0xffff  }
0x258: {  	vm0 =	vmmov vm0;
	[tilespmem:s14+$0x0] =	vst v23  }
0x259: {  	v19 =	vshll.u32 v17, $0x3;
	v22 =	vld.idx.msk [tilespmem:v22+s3+$0x0], $0xffff;
	v18 =	vsel vm0, $0x3F800000, v18  }
0x25a: {  	v23 =	vld.idx.msk [tilespmem:v24+s3+$0x0], $0xffff;
	v19 =	vand.u32 $0xFFFFFC00, v19;
	v24 =	vand.u32 $0x7F, v17;
	v1 =	vsub.f32 $0.0e+00, v1;
	[tilespmem:s13+$0x80] =	vst v18  }
0x25b: {  	v31 =	vand.u32 $0x7F, v20;
	v18 =	vshll.u32 v20, $0x3;
	v30 =	vld.idx.msk [tilespmem:v15+s3+$0x0], $0xffff;
	v15 =	vor.u32 v24, v19  }
0x25c: {  	v18 =	vand.u32 $0xFFFFFC00, v18;
	v24 =	vld.idx.msk [tilespmem:v29+s3+$0x0], $0xffff;
	v29 =	vor.u32 $0x200, v15;
	v7 =	vadd.f32 v7, v25  }
0x25d: {  	v14 =	vadd.f32 $1.000000000e+00, v14;
	v19 =	vor.u32 v31, v18  }
0x25e: {  	v1 =	vmul.f32 $1.442695020e+00, v1;
	v7 =	vsub.f32 $0.0e+00, v7  }
0x25f: {  	(erf) = vrcp.f32 v14;
	v14 =	vadd.f32 v23, v22  }
0x260: {  	(erf) = vpow2.f32 v1;
	v1 =	vmul.f32 $1.442695020e+00, v7  }
0x261: {  	v7 =	vsub.f32 $0.0e+00, v14;
	v14 =	vadd.f32 v24, v30;
	v18 =	vld.idx.msk [tilespmem:v29+s3+$0x0], $0xffff  }
0x262: {  	v22 =	vld.idx.msk [tilespmem:v19+s3+$0x0], $0xffff;
	(erf) = vpow2.f32 v1  }
0x263: {  	v1 =	vmul.f32 $1.442695020e+00, v7;
	v7 =	vsub.f32 $0.0e+00, v14;
	_ =	sdelay $0x1  }
0x264: {  	(erf) = vpow2.f32 v1;
	v7 =	vmul.f32 $1.442695020e+00, v7;
	v1 =	vld [tilespmem:s10+$0xFFFFFFF0];
	_ =	sdelay $0x1  }
0x265: {  	s19 =	simm.s32 $0xC0;
	(erf) = vpow2.f32 v7;
	v7 =	vadd.f32 v18, v22  }
0x266: {  	s4 =	sand.u32 $0x3FFFFF00, s19;
	s20 =	simm.s32 $0x70;
	v14 =	vpop (erf)  }
0x267: {  	s25 =	sadd.s32 $0x15600, s4;
	vm2 =	veq.s32 v6, v2;
	s5 =	sand.u32 $0x70, s20;
	v18 =	vpop (erf);
	v7 =	vsub.f32 $0.0e+00, v7  }
0x268: {  	v2 =	vor.u32 $0x80, v12;
	s4 =	sor.u32 s5, s25;
	v6 =	vadd.f32 $1.000000000e+00, v18;
	v18 =	vmul.f32 v14, v1  }
0x269: {  	vm2 =	vmmov vm2;
	v22 =	vor.u32 $0x280, v9;
	v14 =	vld [tilespmem:s4+$0x0];
	v7 =	vmul.f32 $1.442695020e+00, v7;
	v23 =	vpop (erf)  }
0x26a: {  	(erf) = vrcp.f32 v6;
	v6 =	vadd.f32 $1.000000000e+00, v23;
	v23 =	vsel vm2, $0x3F800000, v18;
	v18 =	vld [tilespmem:s4+$0x80]  }
0x26b: {  	s2 =	sor.u32 s2, s15;
	(erf) = vpow2.f32 v7  }
0x26c: {  	[tilespmem:s2+$0x0] =	vst v23;
	(erf) = vrcp.f32 v6  }
0x26d: {  	v7 =	vpop (erf);
	v23 =	vld.idx.msk [tilespmem:v2+s3+$0x0], $0xffff  }
0x26e: {  	v22 =	vld.idx.msk [tilespmem:v22+s3+$0x0], $0xffff;
	v6 =	vadd.f32 $1.000000000e+00, v7;
	v2 =	vpop (erf)  }
0x26f: {  	v7 =	vand.u32 $0x7F, v14;
	v2 =	vadd.f32 $1.000000000e+00, v2;
	v25 =	vshll.u32 v18, $0x3  }
0x270: {  	s10 =	simm.s32 $0x17D50;
	(erf) = vrcp.f32 v6;
	v6 =	vshll.u32 v14, $0x3;
	v25 =	vand.u32 $0xFFFFFC00, v25  }
0x271: {  	v29 =	vand.u32 $0x7F, v18;
	(erf) = vrcp.f32 v2;
	v6 =	vand.u32 $0xFFFFFC00, v6;
	v2 =	vld [tilespmem:s10+$0x0]  }
0x272: {  	s8 =	simm.s32 $0x60;
	v6 =	vor.u32 v7, v6;
	v7 =	vor.u32 v29, v25  }
0x273: {  	s4 =	sand.u32 $0x60, s8;
	v22 =	vadd.f32 v22, v23;
	v23 =	vor.u32 $0x200, v7;
	v25 =	vpop (erf)  }
0x274: {  	s9 =	sor.u32 s4, s25;
	v31 =	vpop (erf)  }
0x275: {  	v8 =	vor.u32 $0x380, v8;
	v11 =	vor.u32 $0x180, v11;
	v24 =	vld [tilespmem:s9+$0x80];
	v54 =	vpop (erf)  }
0x276: {  	s11 =	simm.s32 $0x100;
	v60 =	vor.u32 $0x300, v5;
	v53 =	vor.u32 $0x80, v28;
	v30 =	vld [tilespmem:s9+$0x0];
	v34 =	vmul.f32 v54, v2  }
0x277: {  	vm1 =	vmmov vm1;
	vm4 =	veq.s32 v16, v21;
	v55 =	vor.u32 $0x280, v27;
	s6 =	sand.u32 $0x3FFFFE00, s11  }
0x278: {  	vm1 =	vmmov vm1;
	v16 =	vor.u32 $0x100, v10;
	s6 =	sadd.s32 $0x1BE00, s6;
	v58 =	vld.idx.msk [tilespmem:v23+s3+$0x0], $0xffff;
	v23 =	vsel vm4, $0x3F800000, v34  }
0x279: {  	vm3 =	vmmov vm3;
	s0 =	sor.u32 s0, s6;
	vm0 =	vmmov vm0;
	v29 =	vor.u32 $0x100, v4;
	v21 =	vpop (erf)  }
0x27a: {  	v52 =	vshll.u32 v24, $0x3;
	v56 =	vand.u32 $0x7F, v24;
	v57 =	vld.idx.msk [tilespmem:v6+s3+$0x0], $0xffff;
	v59 =	vmul.f32 v21, v26;
	[tilespmem:s0+$0x0] =	vst v23  }
0x27b: {  	v61 =	vshll.u32 v30, $0x3;
	v45 =	vand.u32 $0x7F, v30;
	v32 =	vand.u32 $0xFFFFFC00, v52;
	v62 =	vld.idx.msk [tilespmem:v53+s3+$0x0], $0xffff;
	v23 =	vpop (erf)  }
0x27c: {  	v22 =	vsub.f32 $0.0e+00, v22;
	v35 =	vld.idx.msk [tilespmem:v55+s3+$0x0], $0xffff;
	v63 =	vsel vm3, $0x3F800000, v59;
	v44 =	vmul.f32 v23, v13  }
0x27d: {  	v25 =	vmul.f32 v25, v0;
	v31 =	vadd.f32 $1.000000000e+00, v31;
	v21 =	vor.u32 v56, v32;
	[tilespmem:s14+$0x80] =	vst v63  }
0x27e: {  	v46 =	vor.u32 $0x200, v21;
	v23 =	vand.u32 $0xFFFFFC00, v61;
	v16 =	vld.idx.msk [tilespmem:v16+s3+$0x0], $0xffff;
	v47 =	vsel vm0, $0x3F800000, v44  }
0x27f: {  	v22 =	vmul.f32 $1.442695020e+00, v22;
	v50 =	vadd.f32 v58, v57;
	v23 =	vor.u32 v45, v23;
	v49 =	vld.idx.msk [tilespmem:v60+s3+$0x0], $0xffff;
	[tilespmem:s13+$0x100] =	vst v47  }
0x280: {  	v48 =	vor.u32 $0x300, v3;
	v25 =	vsel vm1, $0x3F800000, v25;
	(erf) = vrcp.f32 v31;
	v11 =	vld.idx.msk [tilespmem:v11+s3+$0x0], $0xffff  }
0x281: {  	[tilespmem:s31+$0x80] =	vst v25;
	(erf) = vpow2.f32 v22;
	v22 =	vsub.f32 $0.0e+00, v50;
	v32 =	vadd.f32 v35, v62;
	v8 =	vld.idx.msk [tilespmem:v8+s3+$0x0], $0xffff  }
0x282: {  	v29 =	vld.idx.msk [tilespmem:v29+s3+$0x0], $0xffff  }
0x283: {  	v31 =	vld.idx.msk [tilespmem:v46+s3+$0x0], $0xffff;
	v22 =	vmul.f32 $1.442695020e+00, v22;
	v25 =	vsub.f32 $0.0e+00, v32  }
0x284: {  	v51 =	vld.idx.msk [tilespmem:v23+s3+$0x0], $0xffff;
	v16 =	vadd.f32 v49, v16  }
0x285: {  	vm7 =	vmmov vm2;
	v52 =	vld.idx.msk [tilespmem:v48+s3+$0x0], $0xffff;
	(erf) = vpow2.f32 v22;
	v22 =	vmul.f32 $1.442695020e+00, v25  }
0x286: {  	v34 =	vor.u32 $0x180, v4;
	v16 =	vsub.f32 $0.0e+00, v16;
	v4 =	vadd.f32 v8, v11  }
0x287: {  	vm7 =	vmmov vm7;
	(erf) = vpow2.f32 v22  }
0x288: {  	s15 =	simm.s32 $0x100;
	vm5 =	veq.s32 v20, v17;
	v8 =	vmul.f32 $1.442695020e+00, v16;
	v4 =	vsub.f32 $0.0e+00, v4  }
0x289: {  	s7 =	sand.u32 $0x3FFFFF00, s15;
	vm5 =	vmmov vm5;
	s8 =	simm.s32 $0x90;
	v11 =	vpop (erf);
	v16 =	vor.u32 $0x380, v3;
	v22 =	vadd.f32 v31, v51  }
0x28a: {  	s25 =	sand.u32 $0x70, s8;
	s9 =	sadd.s32 $0x15600, s7;
	v3 =	vld [tilespmem:s10+$0xFFFFFFF0];
	v31 =	vpop (erf);
	(erf) = vpow2.f32 v8;
	v8 =	vadd.f32 v52, v29;
	v4 =	vmul.f32 $1.442695020e+00, v4  }
0x28b: {  	v36 =	vor.u32 $0x300, v15;
	s7 =	sor.u32 s25, s9;
	v31 =	vadd.f32 $1.000000000e+00, v31;
	v22 =	vsub.f32 $0.0e+00, v22  }
0x28c: {  	v17 =	vor.u32 $0x80, v19;
	vm2 =	vmmov vm4;
	v37 =	vld [tilespmem:s7+$0x80];
	v8 =	vsub.f32 $0.0e+00, v8  }
0x28d: {  	vm6 =	veq.s32 v30, v24;
	(erf) = vrcp.f32 v31;
	v20 =	vmul.f32 $1.442695020e+00, v22  }
0x28e: {  	vm4 =	veq.s32 v14, v18;
	(erf) = vpow2.f32 v4;
	v8 =	vmul.f32 $1.442695020e+00, v8;
	v4 =	vpop (erf)  }
0x28f: {  	v35 =	vld [tilespmem:s7+$0x0];
	v11 =	vmul.f32 v11, v3;
	(erf) = vpow2.f32 v20;
	v4 =	vadd.f32 $1.000000000e+00, v4  }
0x290: {  	s19 =	simm.s32 $0x80;
	v29 =	vor.u32 $0x300, v9;
	v22 =	vor.u32 $0x380, v9;
	(erf) = vpow2.f32 v8;
	v9 =	vpop (erf)  }
0x291: {  	v56 =	vand.u32 $0x7F, v37;
	s7 =	sand.u32 $0x60, s19;
	(erf) = vrcp.f32 v4;
	v4 =	vadd.f32 $1.000000000e+00, v9  }
0x292: {  	s1 =	sor.u32 s1, s6;
	v53 =	vor.u32 $0x280, v15;
	vm3 =	vmmov vm3;
	s6 =	sor.u32 s7, s9;
	v25 =	vor.u32 $0x100, v12  }
0x293: {  	v38 =	vld [tilespmem:s6+$0x0];
	v31 =	vor.u32 $0x100, v19;
	v8 =	vsel vm5, $0x3F800000, v11;
	v11 =	vpop (erf);
	(erf) = vrcp.f32 v4  }
0x294: {  	v41 =	vld [tilespmem:s6+$0x80];
	v20 =	vor.u32 $0x180, v12;
	v12 =	vand.u32 $0x7F, v35;
	[tilespmem:s1+$0x0] =	vst v8;
	v4 =	vadd.f32 $1.000000000e+00, v11  }
0x295: {  	s20 =	simm.s32 $0x17D70;
	v9 =	vor.u32 $0x180, v19;
	v54 =	vld.idx.msk [tilespmem:v17+s3+$0x0], $0xffff;
	v17 =	vshll.u32 v37, $0x3;
	v11 =	vshll.u32 v35, $0x3  }
0x296: {  	v19 =	vand.u32 $0xFFFFFC00, v17;
	v30 =	vpop (erf);
	v11 =	vand.u32 $0xFFFFFC00, v11;
	(erf) = vrcp.f32 v4;
	v4 =	vld [tilespmem:s20+$0x0]  }
0x297: {  	v63 =	vor.u32 $0x180, v10;
	v55 =	vpop (erf);
	v11 =	vor.u32 v12, v11;
	v12 =	vor.u32 v56, v19  }
0x298: {  	v60 =	vor.u32 $0x80, v6;
	v45 =	vor.u32 $0x280, v7;
	v24 =	vld.idx.msk [tilespmem:v53+s3+$0x0], $0xffff;
	v58 =	vor.u32 $0x200, v12;
	v57 =	vpop (erf)  }
0x299: {  	v47 =	vor.u32 $0x100, v28;
	v32 =	vor.u32 $0x80, v23;
	v49 =	vor.u32 $0x300, v27;
	v59 =	vpop (erf)  }
0x29a: {  	s9 =	simm.s32 $0x180;
	v46 =	vshll.u32 v38, $0x3;
	v14 =	vshll.u32 v41, $0x3;
	v62 =	vand.u32 $0x7F, v41;
	v61 =	vpop (erf)  }
0x29b: {  	s6 =	sand.u32 $0x3FFFFE00, s9;
	v50 =	vand.u32 $0x7F, v38;
	v14 =	vand.u32 $0xFFFFFC00, v14;
	v44 =	vmul.f32 v61, v4  }
0x29c: {  	s6 =	sadd.s32 $0x1BE00, s6;
	v46 =	vand.u32 $0xFFFFFC00, v46;
	v51 =	vor.u32 $0x380, v5;
	v14 =	vor.u32 v62, v14;
	v18 =	vld.idx.msk [tilespmem:v11+s3+$0x0], $0xffff;
	v48 =	vpop (erf)  }
0x29d: {  	s19 =	sor.u32 s5, s6;
	v24 =	vadd.f32 v24, v54;
	v33 =	vld.idx.msk [tilespmem:v58+s3+$0x0], $0xffff;
	v44 =	vsel vm4, $0x3F800000, v44;
	v48 =	vmul.f32 v48, v2  }
0x29e: {  	v46 =	vor.u32 v50, v46;
	v52 =	vor.u32 $0x200, v14;
	v8 =	vor.u32 $0x380, v15;
	[tilespmem:s19+$0x0] =	vst v44  }
0x29f: {  	v39 =	vadd.f32 $1.000000000e+00, v55;
	v24 =	vsub.f32 $0.0e+00, v24;
	v10 =	vpop (erf);
	v43 =	vld.idx.msk [tilespmem:v60+s3+$0x0], $0xffff;
	v48 =	vsel vm2, $0x3F800000, v48  }
0x2a0: {  	v15 =	vor.u32 $0x280, v21;
	v40 =	vadd.f32 $1.000000000e+00, v57;
	v45 =	vld.idx.msk [tilespmem:v45+s3+$0x0], $0xffff;
	v10 =	vmul.f32 v10, v26;
	[tilespmem:s0+$0x80] =	vst v48  }
0x2a1: {  	v19 =	vor.u32 $0x300, v21;
	(erf) = vrcp.f32 v39;
	v53 =	vmul.f32 $1.442695020e+00, v24;
	v47 =	vld.idx.msk [tilespmem:v47+s3+$0x0], $0xffff  }
0x2a2: {  	(erf) = vrcp.f32 v40;
	v18 =	vadd.f32 v33, v18;
	v54 =	vsel vm3, $0x3F800000, v10;
	v49 =	vld.idx.msk [tilespmem:v49+s3+$0x0], $0xffff  }
0x2a3: {  	v39 =	vld.idx.msk [tilespmem:v52+s3+$0x0], $0xffff;
	v24 =	vor.u32 $0x380, v21;
	v21 =	vmul.f32 v30, v1;
	(erf) = vpow2.f32 v53;
	[tilespmem:s14+$0x100] =	vst v54  }
0x2a4: {  	v17 =	vor.u32 $0x100, v23;
	v10 =	vor.u32 $0x180, v23;
	v18 =	vsub.f32 $0.0e+00, v18;
	v23 =	vld.idx.msk [tilespmem:v63+s3+$0x0], $0xffff  }
0x2a5: {  	v56 =	vadd.f32 $1.000000000e+00, v59;
	v21 =	vsel vm7, $0x3F800000, v21;
	v55 =	vld.idx.msk [tilespmem:v51+s3+$0x0], $0xffff  }
0x2a6: {  	[tilespmem:s2+$0x80] =	vst v21;
	v21 =	vld.idx.msk [tilespmem:v46+s3+$0x0], $0xffff;
	v30 =	vadd.f32 v45, v43;
	v18 =	vmul.f32 $1.442695020e+00, v18  }
0x2a7: {  	v25 =	vld.idx.msk [tilespmem:v25+s3+$0x0], $0xffff;
	(erf) = vrcp.f32 v56;
	v57 =	vadd.f32 v49, v47  }
0x2a8: {  	v58 =	vld.idx.msk [tilespmem:v29+s3+$0x0], $0xffff;
	v30 =	vsub.f32 $0.0e+00, v30;
	(erf) = vpow2.f32 v18  }
0x2a9: {  	vm10 =	vmmov vm6;
	vm0 =	vmmov vm0;
	v18 =	vsub.f32 $0.0e+00, v57  }
0x2aa: {  	vm8 =	veq.s32 v38, v41;
	v5 =	vld [tilespmem:s20+$0xFFFFFFF0];
	v59 =	vpop (erf);
	v30 =	vmul.f32 $1.442695020e+00, v30;
	v23 =	vadd.f32 v55, v23  }
0x2ab: {  	v29 =	vor.u32 $0x80, v46;
	v13 =	vmul.f32 v59, v13;
	v60 =	vpop (erf);
	v61 =	vmul.f32 $1.442695020e+00, v18  }
0x2ac: {  	s10 =	simm.s32 $0x140;
	v39 =	vadd.f32 v39, v21;
	v63 =	vpop (erf);
	(erf) = vpow2.f32 v30;
	v23 =	vsub.f32 $0.0e+00, v23  }
0x2ad: {  	s20 =	sor.u32 s4, s6;
	s4 =	sand.u32 $0x3FFFFF00, s10;
	s10 =	simm.s32 $0xA0;
	v25 =	vadd.f32 v58, v25;
	v44 =	vadd.f32 $1.000000000e+00, v63;
	(erf) = vpow2.f32 v61  }
0x2ae: {  	s11 =	sadd.s32 $0x15600, s4;
	s15 =	sand.u32 $0x60, s10;
	v39 =	vsub.f32 $0.0e+00, v39;
	v38 =	vsel vm0, $0x3F800000, v13;
	v23 =	vmul.f32 $1.442695020e+00, v23  }
0x2af: {  	s5 =	simm.s32 $0xB0;
	s6 =	sor.u32 s15, s11;
	v13 =	vor.u32 $0x180, v46;
	v62 =	vmul.f32 v60, v5;
	(erf) = vrcp.f32 v44  }
0x2b0: {  	s4 =	sand.u32 $0x70, s5;
	v41 =	vld [tilespmem:s6+$0x80];
	v18 =	vor.u32 $0x100, v46;
	v46 =	vpop (erf);
	(erf) = vpow2.f32 v23;
	v23 =	vmul.f32 $1.442695020e+00, v39  }
0x2b1: {  	vm1 =	vmmov vm1;
	s9 =	sor.u32 s4, s11;
	v42 =	vld [tilespmem:s6+$0x0];
	v25 =	vsub.f32 $0.0e+00, v25;
	v45 =	vsel vm10, $0x3F800000, v62;
	v48 =	vpop (erf)  }
0x2b2: {  	vm6 =	vmmov vm4;
	v33 =	vld [tilespmem:s9+$0x80];
	[tilespmem:s20+$0x0] =	vst v45;
	(erf) = vpow2.f32 v23;
	v23 =	vadd.f32 $1.000000000e+00, v48  }
0x2b3: {  	vm9 =	vmmov vm3;
	vm5 =	vmmov vm5;
	v25 =	vmul.f32 $1.442695020e+00, v25;
	v40 =	vld.idx.msk [tilespmem:v32+s3+$0x0], $0xffff  }
0x2b4: {  	v28 =	vor.u32 $0x180, v28;
	vm4 =	vmmov vm5;
	vm5 =	vmmov vm10;
	v15 =	vld.idx.msk [tilespmem:v15+s3+$0x0], $0xffff  }
0x2b5: {  	vm3 =	vmmov vm8;
	vm8 =	veq.s32 v35, v37;
	v32 =	vld [tilespmem:s9+$0x0];
	(erf) = vpow2.f32 v25;
	v49 =	vpop (erf)  }
0x2b6: {  	v21 =	vor.u32 $0x300, v14;
	(erf) = vrcp.f32 v23;
	v25 =	vadd.f32 $1.000000000e+00, v49;
	v23 =	vpop (erf)  }
0x2b7: {  	v58 =	vor.u32 $0x80, v11;
	vm0 =	vmmov vm2;
	v23 =	vadd.f32 $1.000000000e+00, v23  }
0x2b8: {  	vm2 =	vmmov vm7;
	v51 =	vshll.u32 v33, $0x3;
	(erf) = vrcp.f32 v25  }
0x2b9: {  	vm7 =	veq.s32 v42, v41;
	v47 =	vmul.f32 v46, v0;
	v44 =	vand.u32 $0xFFFFFC00, v51  }
0x2ba: {  	s6 =	simm.s32 $0x17D90;
	v40 =	vadd.f32 v15, v40;
	v15 =	vshll.u32 v32, $0x3;
	v50 =	vpop (erf);
	(erf) = vrcp.f32 v23  }
0x2bb: {  	v53 =	vand.u32 $0x7F, v33;
	v52 =	vand.u32 $0xFFFFFC00, v15;
	v15 =	vld [tilespmem:s6+$0x0];
	v25 =	vand.u32 $0x7F, v32;
	v23 =	vpop (erf)  }
0x2bc: {  	v25 =	vor.u32 v25, v52;
	v54 =	vadd.f32 $1.000000000e+00, v23;
	v23 =	vor.u32 v53, v44  }
0x2bd: {  	v55 =	vshll.u32 v41, $0x3;
	v39 =	vsel vm1, $0x3F800000, v47;
	v44 =	vpop (erf);
	v45 =	vor.u32 $0x200, v23  }
0x2be: {  	v57 =	vand.u32 $0x7F, v41;
	v60 =	vor.u32 $0x280, v12;
	[tilespmem:s31+$0x100] =	vst v39;
	v47 =	vpop (erf);
	(erf) = vrcp.f32 v54  }
0x2bf: {  	s11 =	simm.s32 $0x200;
	v56 =	vand.u32 $0xFFFFFC00, v55;
	v30 =	vor.u32 $0x280, v14;
	v14 =	vor.u32 $0x380, v14;
	v48 =	vld.idx.msk [tilespmem:v34+s3+$0x0], $0xffff;
	v59 =	vpop (erf)  }
0x2c0: {  	s8 =	sand.u32 $0x3FFFFE00, s11;
	v62 =	vor.u32 $0x100, v6;
	v39 =	vshll.u32 v42, $0x3;
	v51 =	vld.idx.msk [tilespmem:v16+s3+$0x0], $0xffff;
	v16 =	vmul.f32 v59, v15  }
0x2c1: {  	s8 =	sadd.s32 $0x1BE00, s8;
	v46 =	vor.u32 v57, v56;
	v39 =	vand.u32 $0xFFFFFC00, v39;
	v40 =	vsub.f32 $0.0e+00, v40;
	v52 =	vld.idx.msk [tilespmem:v25+s3+$0x0], $0xffff;
	v61 =	vpop (erf)  }
0x2c2: {  	s25 =	sor.u32 s25, s8;
	v53 =	vor.u32 $0x300, v7;
	v63 =	vmul.f32 v61, v4;
	v56 =	vsel vm8, $0x3F800000, v16;
	v45 =	vld.idx.msk [tilespmem:v45+s3+$0x0], $0xffff  }
0x2c3: {  	v43 =	vmul.f32 v50, v3;
	v44 =	vadd.f32 $1.000000000e+00, v44;
	v54 =	vor.u32 $0x380, v27;
	v16 =	vld [tilespmem:s6+$0xFFFFFFF0];
	[tilespmem:s25+$0x0] =	vst v56;
	v57 =	vpop (erf)  }
0x2c4: {  	v27 =	vand.u32 $0x7F, v42;
	v37 =	vsel vm6, $0x3F800000, v63;
	v49 =	vld.idx.msk [tilespmem:v58+s3+$0x0], $0xffff;
	v50 =	vmul.f32 v57, v2  }
0x2c5: {  	v39 =	vor.u32 v27, v39;
	(erf) = vrcp.f32 v44;
	v59 =	vld.idx.msk [tilespmem:v60+s3+$0x0], $0xffff;
	v60 =	vmul.f32 $1.442695020e+00, v40;
	[tilespmem:s19+$0x80] =	vst v37  }
0x2c6: {  	vm1 =	vmmov vm1;
	v58 =	vor.u32 $0x200, v46;
	v61 =	vld.idx.msk [tilespmem:v62+s3+$0x0], $0xffff;
	v27 =	vsel vm0, $0x3F800000, v50  }
0x2c7: {  	v34 =	vor.u32 $0x280, v46;
	v63 =	vld.idx.msk [tilespmem:v53+s3+$0x0], $0xffff;
	[tilespmem:s0+$0x100] =	vst v27;
	v62 =	vpop (erf);
	v45 =	vadd.f32 v45, v52;
	(erf) = vpow2.f32 v60  }
0x2c8: {  	v48 =	vadd.f32 v51, v48;
	v43 =	vsel vm4, $0x3F800000, v43;
	v47 =	vadd.f32 $1.000000000e+00, v47;
	v53 =	vld.idx.msk [tilespmem:v28+s3+$0x0], $0xffff  }
0x2c9: {  	v35 =	vor.u32 $0x80, v39;
	v54 =	vld.idx.msk [tilespmem:v54+s3+$0x0], $0xffff;
	v26 =	vmul.f32 v62, v26;
	v45 =	vsub.f32 $0.0e+00, v45  }
0x2ca: {  	v57 =	vsub.f32 $0.0e+00, v48;
	v56 =	vld.idx.msk [tilespmem:v39+s3+$0x0], $0xffff;
	v44 =	vadd.f32 v59, v49;
	(erf) = vrcp.f32 v47  }
0x2cb: {  	[tilespmem:s1+$0x80] =	vst v43;
	v27 =	vor.u32 $0x100, v39;
	v37 =	vld.idx.msk [tilespmem:v58+s3+$0x0], $0xffff;
	v55 =	vsel vm9, $0x3F800000, v26;
	v26 =	vmul.f32 $1.442695020e+00, v45  }
0x2cc: {  	v28 =	vor.u32 $0x300, v46;
	v58 =	vld.idx.msk [tilespmem:v31+s3+$0x0], $0xffff;
	v44 =	vsub.f32 $0.0e+00, v44;
	v40 =	vadd.f32 v63, v61  }
0x2cd: {  	v60 =	vmul.f32 $1.442695020e+00, v57;
	v31 =	vor.u32 $0x180, v39;
	v59 =	vld.idx.msk [tilespmem:v36+s3+$0x0], $0xffff;
	(erf) = vpow2.f32 v26  }
0x2ce: {  	v61 =	vpop (erf);
	v44 =	vmul.f32 $1.442695020e+00, v44;
	v40 =	vsub.f32 $0.0e+00, v40;
	v41 =	vadd.f32 v54, v53  }
0x2cf: {  	v42 =	vmul.f32 v61, v16;
	v26 =	vor.u32 $0x380, v46;
	(erf) = vpow2.f32 v60  }
0x2d0: {  	[tilespmem:s13+$0x180] =	vst v38;
	v62 =	vmul.f32 $1.442695020e+00, v40;
	v41 =	vsub.f32 $0.0e+00, v41;
	(erf) = vpow2.f32 v44;
	v63 =	vpop (erf)  }
0x2d1: {  	s13 =	sor.u32 s7, s8;
	[tilespmem:s14+$0x180] =	vst v55;
	v36 =	vadd.f32 v37, v56;
	v42 =	vsel vm3, $0x3F800000, v42;
	v37 =	vadd.f32 $1.000000000e+00, v63  }
0x2d2: {  	s7 =	simm.s32 $0xA;
	s14 =	simm.s32 $0xA;
	v39 =	vadd.f32 v59, v58;
	[tilespmem:s13+$0x0] =	vst v42;
	(erf) = vpow2.f32 v62;
	v38 =	vmul.f32 $1.442695020e+00, v41  }
.LBB2_4:
0x2d3: {  	s7 =	sadd.s32 $0x2, s7;
	v41 =	vsub.f32 $0.0e+00, v36;
	v40 =	vld.idx.msk [tilespmem:v29+s3+$0x0], $0xffff;
	(erf) = vrcp.f32 v37;
	v37 =	vpop (erf);
	v29 =	vmov v35  }
0x2d4: {  	s8 =	sshll.u32 s7, $0x5;
	v35 =	vld.idx.msk [tilespmem:v30+s3+$0x0], $0xffff;
	v39 =	vsub.f32 $0.0e+00, v39;
	(erf) = vpow2.f32 v38;
	v37 =	vmul.f32 v37, v1;
	v30 =	vmovc v34  }
0x2d5: {  	s5 =	sadd.s32 $0x20, s5;
	vm10 =	vmmov vm0;
	vm0 =	vmmov vm6;
	s8 =	sand.u32 $0x3FFFFF00, s8;
	v34 =	vmul.f32 $1.442695020e+00, v41  }
0x2d6: {  	vm6 =	vmmov vm8;
	s10 =	sadd.s32 $0xFFFFFFF0, s5;
	s9 =	sand.u32 $0x70, s5;
	s11 =	sadd.s32 $0x15600, s8;
	v36 =	vpop (erf);
	v38 =	vmul.f32 $1.442695020e+00, v39;
	v39 =	vsel vm2, $0x3F800000, v37  }
0x2d7: {  	vm9 =	vmmov vm1;
	vm1 =	vmmov vm2;
	s8 =	sand.u32 $0x60, s10;
	s10 =	sor.u32 s9, s11;
	(erf) = vpow2.f32 v34;
	[tilespmem:s2+$0x100] =	vst v39  }
0x2d8: {  	p1 =	slt.u32 s7, $0xCE;
	vm2 =	vmmov vm4;
	s11 =	sor.u32 s8, s11;
	v36 =	vadd.f32 $1.000000000e+00, v36;
	v34 =	vld [tilespmem:s10+$0x0];
	(erf) = vpow2.f32 v38;
	v37 =	vpop (erf)  }
0x2d9: {  	vm4 =	vmmov vm5;
	vm5 =	vmmov vm3;
	v38 =	vld [tilespmem:s10+$0x80];
	v39 =	vpop (erf);
	v37 =	vadd.f32 $1.000000000e+00, v37  }
0x2da: {  	v35 =	vadd.f32 v35, v40;
	v41 =	vld [tilespmem:s11+$0x80];
	(erf) = vrcp.f32 v36;
	v42 =	vadd.f32 $1.000000000e+00, v39  }
0x2db: {  	vm3 =	vmmov vm7;
	v39 =	vld [tilespmem:s11+$0x0];
	v40 =	vpop (erf);
	(erf) = vrcp.f32 v37  }
0x2dc: {  	v37 =	vsub.f32 $0.0e+00, v35;
	(erf) = vrcp.f32 v42;
	v35 =	vadd.f32 $1.000000000e+00, v40;
	v36 =	vpop (erf);
	v40 =	vld.idx.msk [tilespmem:v20+s3+$0x0], $0xffff  }
0x2dd: {  	v42 =	vshll.u32 v34, $0x3;
	v43 =	vand.u32 $0x7F, v34;
	v36 =	vmul.f32 v36, v5;
	v20 =	vpop (erf);
	v44 =	vld.idx.msk [tilespmem:v22+s3+$0x0], $0xffff  }
0x2de: {  	s6 =	sadd.s32 $0x20, s6;
	v22 =	vshll.u32 v38, $0x3;
	(erf) = vrcp.f32 v35;
	v35 =	vadd.f32 $1.000000000e+00, v20;
	v20 =	vmovc v9;
	v9 =	vmovc v10  }
0x2df: {  	v42 =	vand.u32 $0xFFFFFC00, v42;
	v47 =	vand.u32 $0x7F, v38;
	v10 =	vmovc v13;
	v13 =	vmovc v31;
	v22 =	vand.u32 $0xFFFFFC00, v22;
	v46 =	vld [tilespmem:s6+$0x0]  }
0x2e0: {  	v31 =	vor.u32 v43, v42;
	v42 =	vor.u32 v47, v22;
	v43 =	vld [tilespmem:s6+$0xFFFFFFF0];
	v45 =	vpop (erf);
	(erf) = vrcp.f32 v35  }
0x2e1: {  	v52 =	vshll.u32 v39, $0x3;
	v35 =	vshll.u32 v41, $0x3;
	v47 =	vor.u32 $0x200, v42;
	v48 =	vpop (erf)  }
0x2e2: {  	v50 =	vand.u32 $0x7F, v41;
	v49 =	vand.u32 $0xFFFFFC00, v52;
	v35 =	vand.u32 $0xFFFFFC00, v35;
	v22 =	vmovc v8;
	v8 =	vmovc v24  }
0x2e3: {  	s10 =	sshll.u32 s14, $0x6;
	s14 =	smov.u32 s7;
	v24 =	vand.u32 $0x7F, v39;
	v50 =	vor.u32 v50, v35;
	v35 =	vor.u32 $0x80, v25;
	v51 =	vpop (erf)  }
0x2e4: {  	v53 =	vor.u32 $0x280, v23;
	s10 =	sand.u32 $0x3FFFFE00, s10;
	v52 =	vor.u32 $0x200, v50;
	v51 =	vmul.f32 v51, v46;
	v54 =	vpop (erf)  }
0x2e5: {  	vm8 =	veq.s32 v32, v33;
	v55 =	vor.u32 $0x100, v11;
	s11 =	sadd.s32 $0x1BE00, s10;
	v24 =	vor.u32 v24, v49;
	v49 =	vld.idx.msk [tilespmem:v31+s3+$0x0], $0xffff;
	v32 =	vpop (erf)  }
0x2e6: {  	v57 =	vor.u32 $0x300, v12;
	s10 =	sor.u32 s15, s11;
	s11 =	sor.u32 s4, s11;
	s4 =	smov.u32 s9;
	v33 =	vmovc v38;
	v47 =	vld.idx.msk [tilespmem:v47+s3+$0x0], $0xffff;
	v51 =	vsel vm8, $0x3F800000, v51;
	v56 =	vmul.f32 v32, v15;
	v32 =	vmovc v34  }
0x2e7: {  	s15 =	smov.u32 s8;
	vm7 =	veq.s32 v39, v41;
	v38 =	vadd.f32 $1.000000000e+00, v45;
	v39 =	vor.u32 $0x180, v6;
	[tilespmem:s11+$0x0] =	vst v51;
	v6 =	vpop (erf)  }
0x2e8: {  	v41 =	vld.idx.msk [tilespmem:v35+s3+$0x0], $0xffff;
	v45 =	vsel vm6, $0x3F800000, v56;
	v51 =	vmul.f32 v6, v4;
	v56 =	vor.u32 $0x380, v7;
	v6 =	vmovc v11;
	v11 =	vmovc v25  }
0x2e9: {  	v34 =	vor.u32 $0x280, v50;
	v35 =	vor.u32 $0x80, v24;
	v53 =	vld.idx.msk [tilespmem:v53+s3+$0x0], $0xffff;
	(erf) = vrcp.f32 v38;
	[tilespmem:s25+$0x80] =	vst v45;
	v7 =	vpop (erf)  }
0x2ea: {  	v37 =	vmul.f32 $1.442695020e+00, v37;
	v38 =	vld.idx.msk [tilespmem:v55+s3+$0x0], $0xffff;
	v58 =	vsel vm0, $0x3F800000, v51;
	v59 =	vmul.f32 v7, v2;
	v2 =	vmovc v4;
	v4 =	vmovc v15  }
0x2eb: {  	v36 =	vsel vm4, $0x3F800000, v36;
	v25 =	vmovc v31;
	v45 =	vor.u32 $0x100, v24;
	v51 =	vor.u32 $0x300, v50;
	v15 =	vmovc v46;
	v55 =	vld.idx.msk [tilespmem:v57+s3+$0x0], $0xffff;
	[tilespmem:s19+$0x100] =	vst v58  }
0x2ec: {  	v7 =	vmovc v12;
	v46 =	vadd.f32 v47, v49;
	(erf) = vpow2.f32 v37;
	[tilespmem:s20+$0x80] =	vst v36;
	v36 =	vld.idx.msk [tilespmem:v39+s3+$0x0], $0xffff;
	v37 =	vsel vm10, $0x3F800000, v59  }
0x2ed: {  	v48 =	vadd.f32 $1.000000000e+00, v48;
	v31 =	vor.u32 $0x180, v24;
	v12 =	vmovc v23;
	v23 =	vmovc v42;
	v39 =	vor.u32 $0x380, v50;
	v47 =	vld.idx.msk [tilespmem:v56+s3+$0x0], $0xffff;
	[tilespmem:s0+$0x180] =	vst v37;
	s0 =	smov.u32 s19;
	s19 =	smov.u32 s25;
	s25 =	smov.u32 s11  }
0x2ee: {  	v40 =	vadd.f32 v44, v40;
	v44 =	vmul.f32 v54, v0;
	v0 =	vmovc v1;
	v42 =	vsub.f32 $0.0e+00, v46;
	v37 =	vld.idx.msk [tilespmem:v52+s3+$0x0], $0xffff  }
0x2ef: {  	v1 =	vmovc v3;
	v3 =	vmovc v5;
	v5 =	vmov v16;
	v46 =	vld.idx.msk [tilespmem:v24+s3+$0x0], $0xffff;
	v24 =	vadd.f32 v53, v41;
	(erf) = vrcp.f32 v48  }
0x2f0: {  	v40 =	vsub.f32 $0.0e+00, v40;
	v16 =	vmovc v43;
	v44 =	vsel vm9, $0x3F800000, v44;
	v48 =	vmul.f32 $1.442695020e+00, v42;
	v42 =	vld.idx.msk [tilespmem:v17+s3+$0x0], $0xffff;
	v17 =	vmovc v18  }
0x2f1: {  	v38 =	vadd.f32 v55, v38;
	v18 =	vmovc v27;
	v27 =	vmov v45;
	v49 =	vsub.f32 $0.0e+00, v24;
	v43 =	vld.idx.msk [tilespmem:v19+s3+$0x0], $0xffff;
	[tilespmem:s31+$0x180] =	vst v44;
	s31 =	smov.u32 s2;
	s2 =	smov.u32 s1;
	s1 =	smov.u32 s20  }
0x2f2: {  	v40 =	vmul.f32 $1.442695020e+00, v40;
	v19 =	vmov v21;
	s20 =	smov.u32 s13;
	s13 =	smov.u32 s10;
	(erf) = vpow2.f32 v48;
	v41 =	vpop (erf)  }
.Ltmp3:
0x2f3: {  	v21 =	vmovc v28;
	v28 =	vmovc v51;
	v38 =	vsub.f32 $0.0e+00, v38;
	v36 =	vadd.f32 v47, v36;
	v44 =	vmul.f32 $1.442695020e+00, v49;
	(pc) =	sbr.rel @p1 .LBB2_4-.Ltmp3, $4  }
0x2f4: {  	v41 =	vmul.f32 v41, v16;
	v24 =	vmovc v14;
	v14 =	vmovc v26;
	v26 =	vmov v39;
	(erf) = vpow2.f32 v40  }
0x2f5: {  	v38 =	vmul.f32 $1.442695020e+00, v38;
	v40 =	vsub.f32 $0.0e+00, v36;
	(erf) = vpow2.f32 v44;
	v39 =	vpop (erf)  }
0x2f6: {  	v36 =	vadd.f32 v37, v46;
	v41 =	vsel vm3, $0x3F800000, v41;
	v37 =	vadd.f32 $1.000000000e+00, v39  }
0x2f7: {  	v39 =	vadd.f32 v43, v42;
	[tilespmem:s13+$0x0] =	vst v41;
	(erf) = vpow2.f32 v38;
	v38 =	vmul.f32 $1.442695020e+00, v40  }
0x2f8: {  	v36 =	vsub.f32 $0.0e+00, v36  }
0x2f9: {  	v39 =	vsub.f32 $0.0e+00, v39  }
0x2fa: {  	(erf) = vrcp.f32 v37;
	v46 =	vpop (erf);
	v36 =	vmul.f32 $1.442695020e+00, v36  }
0x2fb: {  	(erf) = vpow2.f32 v38;
	v47 =	vpop (erf);
	v39 =	vmul.f32 $1.442695020e+00, v39  }
0x2fc: {  	(erf) = vpow2.f32 v36;
	v48 =	vadd.f32 $1.000000000e+00, v47  }
0x2fd: {  	(erf) = vpow2.f32 v39  }
0x2fe: {  	(erf) = vrcp.f32 v48;
	_ =	sdelay $0x1  }
0x2ff: {  	v49 =	vpop (erf)  }
0x300: {  	v50 =	vpop (erf)  }
0x301: {  	s5 =	sadd.s32 $0x20, s6;
	v36 =	vadd.f32 $1.000000000e+00, v49;
	v51 =	vpop (erf)  }
0x302: {  	v52 =	vld [tilespmem:s5+$0x0];
	v38 =	vadd.f32 $1.000000000e+00, v50;
	v40 =	vpop (erf)  }
0x303: {  	(erf) = vrcp.f32 v36;
	v54 =	vpop (erf)  }
0x304: {  	(erf) = vrcp.f32 v38;
	v41 =	vpop (erf)  }
0x305: {  	v37 =	vmul.f32 v46, v1;
	v53 =	vadd.f32 $1.000000000e+00, v51;
	v55 =	vpop (erf)  }
0x306: {  	v29 =	vld.idx.msk [tilespmem:v29+s3+$0x0], $0xffff;
	v42 =	vor.u32 $0x80, v25;
	v43 =	vpop (erf)  }
0x307: {  	v30 =	vld.idx.msk [tilespmem:v30+s3+$0x0], $0xffff;
	s14 =	sshll.u32 s14, $0x6;
	v37 =	vsel vm2, $0x3F800000, v37;
	(erf) = vrcp.f32 v53;
	v43 =	vmul.f32 v43, v52  }
0x308: {  	v44 =	vor.u32 $0x280, v23;
	vm9 =	veq.s32 v32, v33;
	s6 =	sand.u32 $0x3FFFFE00, s14;
	[tilespmem:s2+$0x100] =	vst v37  }
0x309: {  	s6 =	sadd.s32 $0x1BE00, s6;
	v56 =	vld.idx.msk [tilespmem:v20+s3+$0x0], $0xffff;
	v20 =	vsel vm9, $0x3F800000, v43  }
0x30a: {  	s4 =	sor.u32 s4, s6  }
0x30b: {  	v22 =	vld.idx.msk [tilespmem:v22+s3+$0x0], $0xffff;
	[tilespmem:s4+$0x0] =	vst v20  }
0x30c: {  	v29 =	vadd.f32 v30, v29;
	v30 =	vld.idx.msk [tilespmem:v42+s3+$0x0], $0xffff;
	v20 =	vpop (erf)  }
0x30d: {  	vm6 =	vmmov vm6;
	v57 =	vor.u32 $0x100, v11;
	v59 =	vld.idx.msk [tilespmem:v44+s3+$0x0], $0xffff;
	v58 =	vpop (erf)  }
0x30e: {  	v60 =	vor.u32 $0x300, v12;
	v29 =	vsub.f32 $0.0e+00, v29;
	v37 =	vmul.f32 v58, v15  }
0x30f: {  	vm8 =	vmmov vm8;
	v6 =	vor.u32 $0x180, v6;
	v7 =	vor.u32 $0x380, v7  }
0x310: {  	v29 =	vmul.f32 $1.442695020e+00, v29;
	v39 =	vadd.f32 $1.000000000e+00, v54;
	v61 =	vpop (erf);
	v37 =	vsel vm8, $0x3F800000, v37  }
0x311: {  	v22 =	vadd.f32 v22, v56;
	v62 =	vadd.f32 $1.000000000e+00, v41;
	v44 =	vmul.f32 v61, v4;
	[tilespmem:s25+$0x80] =	vst v37  }
0x312: {  	v40 =	vmul.f32 v40, v5;
	(erf) = vrcp.f32 v39;
	v30 =	vadd.f32 v59, v30;
	v63 =	vld.idx.msk [tilespmem:v57+s3+$0x0], $0xffff  }
0x313: {  	v22 =	vsub.f32 $0.0e+00, v22;
	(erf) = vrcp.f32 v62;
	v44 =	vsel vm6, $0x3F800000, v44;
	v37 =	vld.idx.msk [tilespmem:v60+s3+$0x0], $0xffff  }
0x314: {  	(erf) = vpow2.f32 v29;
	v29 =	vadd.f32 $1.000000000e+00, v55;
	[tilespmem:s19+$0x100] =	vst v44;
	v30 =	vsub.f32 $0.0e+00, v30  }
0x315: {  	vm5 =	vmmov vm5;
	v33 =	vld.idx.msk [tilespmem:v7+s3+$0x0], $0xffff;
	v7 =	vmul.f32 $1.442695020e+00, v22  }
0x316: {  	v45 =	vsel vm5, $0x3F800000, v40;
	(erf) = vrcp.f32 v29;
	v22 =	vmul.f32 $1.442695020e+00, v30  }
0x317: {  	[tilespmem:s20+$0x80] =	vst v45;
	v6 =	vld.idx.msk [tilespmem:v6+s3+$0x0], $0xffff;
	(erf) = vpow2.f32 v7  }
0x318: {  	v17 =	vld.idx.msk [tilespmem:v17+s3+$0x0], $0xffff;
	(erf) = vpow2.f32 v22;
	v22 =	vadd.f32 v37, v63  }
0x319: {  	v19 =	vld.idx.msk [tilespmem:v19+s3+$0x0], $0xffff  }
0x31a: {  	v22 =	vsub.f32 $0.0e+00, v22;
	_ =	sdelay $0x1  }
0x31b: {  	v7 =	vpop (erf);
	v6 =	vadd.f32 v33, v6  }
0x31c: {  	v29 =	vpop (erf)  }
0x31d: {  	v17 =	vadd.f32 v19, v17;
	v6 =	vsub.f32 $0.0e+00, v6;
	v19 =	vmul.f32 $1.442695020e+00, v22;
	v22 =	vpop (erf)  }
0x31e: {  	v22 =	vadd.f32 $1.000000000e+00, v22  }
0x31f: {  	v6 =	vmul.f32 $1.442695020e+00, v6  }
0x320: {  	v17 =	vsub.f32 $0.0e+00, v17  }
0x321: {  	(erf) = vpow2.f32 v19;
	v19 =	vpop (erf)  }
0x322: {  	v17 =	vmul.f32 $1.442695020e+00, v17;
	(erf) = vrcp.f32 v22;
	v22 =	vpop (erf)  }
0x323: {  	(erf) = vpow2.f32 v6;
	v6 =	vpop (erf);
	v22 =	vadd.f32 $1.000000000e+00, v22  }
0x324: {  	(erf) = vpow2.f32 v17;
	v6 =	vadd.f32 $1.000000000e+00, v6  }
0x325: {  	(erf) = vrcp.f32 v22  }
0x326: {  	(erf) = vrcp.f32 v6;
	v6 =	vld [tilespmem:s5+$0xFFFFFFF0];
	_ =	sdelay $0x3  }
0x327: {  	v17 =	vpop (erf)  }
0x328: {  	v17 =	vadd.f32 $1.000000000e+00, v17;
	v29 =	vmul.f32 v29, v6  }
0x329: {  	vm10 =	vmmov vm7;
	v22 =	vpop (erf)  }
0x32a: {  	s6 =	sor.u32 s15, s6;
	v30 =	vpop (erf);
	v29 =	vsel vm10, $0x3F800000, v29  }
0x32b: {  	v46 =	vpop (erf);
	[tilespmem:s6+$0x0] =	vst v29  }
0x32c: {  	v19 =	vmul.f32 v19, v3;
	(erf) = vrcp.f32 v17;
	v17 =	vpop (erf);
	v35 =	vld.idx.msk [tilespmem:v35+s3+$0x0], $0xffff  }
0x32d: {  	vm4 =	vmmov vm4;
	v29 =	vor.u32 $0x100, v25;
	v47 =	vpop (erf);
	v34 =	vld.idx.msk [tilespmem:v34+s3+$0x0], $0xffff  }
0x32e: {  	v48 =	vor.u32 $0x300, v23;
	v19 =	vsel vm4, $0x3F800000, v19;
	v33 =	vmul.f32 v47, v52  }
0x32f: {  	vm9 =	vmmov vm9;
	[tilespmem:s1+$0x100] =	vst v19  }
0x330: {  	v9 =	vld.idx.msk [tilespmem:v9+s3+$0x0], $0xffff;
	v19 =	vsel vm9, $0x3F800000, v33  }
0x331: {  	v8 =	vld.idx.msk [tilespmem:v8+s3+$0x0], $0xffff;
	[tilespmem:s4+$0x80] =	vst v19  }
0x332: {  	v19 =	vld.idx.msk [tilespmem:v29+s3+$0x0], $0xffff;
	v49 =	vadd.f32 v34, v35  }
0x333: {  	v29 =	vld.idx.msk [tilespmem:v48+s3+$0x0], $0xffff  }
0x334: {  	vm7 =	vmmov vm3;
	v33 =	vsub.f32 $0.0e+00, v49  }
0x335: {  	v11 =	vor.u32 $0x180, v11;
	v12 =	vor.u32 $0x380, v12;
	v30 =	vadd.f32 $1.000000000e+00, v30;
	v50 =	vpop (erf)  }
0x336: {  	v8 =	vadd.f32 v8, v9;
	v34 =	vmul.f32 v50, v15;
	v9 =	vmul.f32 $1.442695020e+00, v33  }
0x337: {  	vm3 =	vmmov vm8;
	v22 =	vmul.f32 v22, v16;
	(erf) = vrcp.f32 v30  }
0x338: {  	v51 =	vsel vm3, $0x3F800000, v34;
	v19 =	vadd.f32 v29, v19;
	(erf) = vpow2.f32 v9  }
0x339: {  	vm8 =	vmmov vm7;
	v8 =	vsub.f32 $0.0e+00, v8;
	[tilespmem:s25+$0x100] =	vst v51  }
0x33a: {  	v22 =	vsel vm8, $0x3F800000, v22;
	v9 =	vld.idx.msk [tilespmem:v11+s3+$0x0], $0xffff;
	v11 =	vadd.f32 $1.000000000e+00, v46;
	v19 =	vsub.f32 $0.0e+00, v19  }
0x33b: {  	[tilespmem:s13+$0x80] =	vst v22;
	v8 =	vmul.f32 $1.442695020e+00, v8;
	v12 =	vld.idx.msk [tilespmem:v12+s3+$0x0], $0xffff  }
0x33c: {  	(erf) = vrcp.f32 v11;
	v11 =	vld.idx.msk [tilespmem:v18+s3+$0x0], $0xffff;
	v18 =	vmul.f32 $1.442695020e+00, v19  }
0x33d: {  	v19 =	vld.idx.msk [tilespmem:v21+s3+$0x0], $0xffff;
	(erf) = vpow2.f32 v8  }
0x33e: {  	(erf) = vpow2.f32 v18;
	_ =	sdelay $0x1  }
0x33f: {  	v8 =	vadd.f32 v12, v9;
	v9 =	vpop (erf)  }
0x340: {  	v12 =	vpop (erf)  }
0x341: {  	v11 =	vadd.f32 v19, v11;
	v12 =	vadd.f32 $1.000000000e+00, v12  }
0x342: {  	v8 =	vsub.f32 $0.0e+00, v8  }
0x343: {  	v11 =	vsub.f32 $0.0e+00, v11  }
0x344: {  	v8 =	vmul.f32 $1.442695020e+00, v8;
	v18 =	vpop (erf)  }
0x345: {  	(erf) = vrcp.f32 v12;
	v11 =	vmul.f32 $1.442695020e+00, v11;
	v12 =	vpop (erf)  }
0x346: {  	(erf) = vpow2.f32 v8;
	v8 =	vadd.f32 $1.000000000e+00, v12;
	v12 =	vpop (erf)  }
0x347: {  	(erf) = vpow2.f32 v11;
	v11 =	vadd.f32 $1.000000000e+00, v12  }
0x348: {  	(erf) = vrcp.f32 v8  }
0x349: {  	(erf) = vrcp.f32 v11;
	_ =	sdelay $0x4  }
0x34a: {  	v8 =	vpop (erf)  }
0x34b: {  	v11 =	vpop (erf)  }
0x34c: {  	v12 =	vpop (erf)  }
0x34d: {  	v18 =	vmul.f32 v18, v5;
	v19 =	vpop (erf)  }
0x34e: {  	vm7 =	vmmov vm5;
	v21 =	vor.u32 $0x180, v25;
	v22 =	vpop (erf)  }
0x34f: {  	v23 =	vor.u32 $0x380, v23;
	v18 =	vsel vm7, $0x3F800000, v18;
	v22 =	vmul.f32 v22, v52  }
0x350: {  	vm5 =	vmmov vm9;
	[tilespmem:s20+$0x100] =	vst v18  }
0x351: {  	vm9 =	vmmov vm10;
	v10 =	vld.idx.msk [tilespmem:v10+s3+$0x0], $0xffff;
	v8 =	vmul.f32 v8, v6;
	v18 =	vsel vm5, $0x3F800000, v22  }
0x352: {  	vm9 =	vmmov vm9;
	v22 =	vld.idx.msk [tilespmem:v24+s3+$0x0], $0xffff;
	[tilespmem:s4+$0x100] =	vst v18  }
0x353: {  	v8 =	vsel vm9, $0x3F800000, v8;
	v18 =	vld.idx.msk [tilespmem:v21+s3+$0x0], $0xffff  }
0x354: {  	[tilespmem:s6+$0x80] =	vst v8;
	v8 =	vld.idx.msk [tilespmem:v23+s3+$0x0], $0xffff  }
0x355: {  	v21 =	vld.idx.msk [tilespmem:v27+s3+$0x0], $0xffff  }
0x356: {  	v23 =	vld.idx.msk [tilespmem:v28+s3+$0x0], $0xffff;
	_ =	sdelay $0x2  }
0x357: {  	v10 =	vadd.f32 v22, v10  }
0x358: {  	v11 =	vadd.f32 $1.000000000e+00, v11;
	v8 =	vadd.f32 v8, v18  }
0x359: {  	v10 =	vsub.f32 $0.0e+00, v10;
	v18 =	vadd.f32 v23, v21  }
0x35a: {  	v12 =	vadd.f32 $1.000000000e+00, v12;
	v8 =	vsub.f32 $0.0e+00, v8  }
0x35b: {  	(erf) = vrcp.f32 v11;
	v10 =	vmul.f32 $1.442695020e+00, v10;
	v11 =	vsub.f32 $0.0e+00, v18  }
0x35c: {  	(erf) = vrcp.f32 v12;
	v8 =	vmul.f32 $1.442695020e+00, v8  }
0x35d: {  	(erf) = vpow2.f32 v10;
	v10 =	vmul.f32 $1.442695020e+00, v11  }
0x35e: {  	(erf) = vpow2.f32 v8  }
0x35f: {  	(erf) = vpow2.f32 v10;
	_ =	sdelay $0x4  }
0x360: {  	v8 =	vpop (erf)  }
0x361: {  	v10 =	vpop (erf)  }
0x362: {  	v11 =	vpop (erf)  }
0x363: {  	v11 =	vadd.f32 $1.000000000e+00, v11;
	v12 =	vpop (erf)  }
0x364: {  	v10 =	vmul.f32 v10, v16;
	v12 =	vadd.f32 $1.000000000e+00, v12;
	v18 =	vpop (erf)  }
0x365: {  	vm8 =	vmmov vm8;
	(erf) = vrcp.f32 v11;
	v11 =	vadd.f32 $1.000000000e+00, v18  }
0x366: {  	v10 =	vsel vm8, $0x3F800000, v10;
	(erf) = vrcp.f32 v12  }
0x367: {  	[tilespmem:s13+$0x100] =	vst v10;
	(erf) = vrcp.f32 v11  }
0x368: {  	v10 =	vld.idx.msk [tilespmem:v13+s3+$0x0], $0xffff  }
0x369: {  	v11 =	vld.idx.msk [tilespmem:v14+s3+$0x0], $0xffff;
	_ =	sdelay $0x4  }
0x36a: {  	v10 =	vadd.f32 v11, v10;
	v12 =	vpop (erf)  }
0x36b: {  	v11 =	vpop (erf)  }
0x36c: {  	v10 =	vsub.f32 $0.0e+00, v10;
	v13 =	vpop (erf)  }
0x36d: {  	v13 =	vmul.f32 v13, v6  }
0x36e: {  	vm9 =	vmmov vm9;
	v10 =	vmul.f32 $1.442695020e+00, v10  }
0x36f: {  	v13 =	vsel vm9, $0x3F800000, v13  }
0x370: {  	(erf) = vpow2.f32 v10;
	[tilespmem:s6+$0x100] =	vst v13  }
0x371: {  	v10 =	vld.idx.msk [tilespmem:v31+s3+$0x0], $0xffff  }
0x372: {  	v13 =	vld.idx.msk [tilespmem:v26+s3+$0x0], $0xffff;
	_ =	sdelay $0x4  }
0x373: {  	v10 =	vadd.f32 v13, v10;
	_ =	sdelay $0x1  }
0x374: {  	v13 =	vpop (erf);
	v10 =	vsub.f32 $0.0e+00, v10  }
0x375: {  	v13 =	vadd.f32 $1.000000000e+00, v13  }
0x376: {  	v10 =	vmul.f32 $1.442695020e+00, v10  }
0x377: {  	(erf) = vrcp.f32 v13  }
0x378: {  	(erf) = vpow2.f32 v10;
	_ =	sdelay $0x7  }
0x379: {  	v10 =	vpop (erf)  }
0x37a: {  	v13 =	vpop (erf)  }
0x37b: {  	v13 =	vadd.f32 $1.000000000e+00, v13;
	_ =	sdelay $0x1  }
0x37c: {  	vm0 =	vmmov vm0;
	v0 =	vmul.f32 v20, v0;
	(erf) = vrcp.f32 v13  }
0x37d: {  	vm1 =	vmmov vm1;
	vm2 =	vmmov vm2;
	v2 =	vmul.f32 v7, v2  }
0x37e: {  	v0 =	vsel vm1, $0x3F800000, v0;
	vm1 =	vmmov vm2;
	v1 =	vmul.f32 v17, v1  }
0x37f: {  	vm2 =	vmmov vm4;
	v2 =	vsel vm0, $0x3F800000, v2;
	vm0 =	vmmov vm6  }
0x380: {  	[tilespmem:s31+$0x180] =	vst v0;
	v0 =	vsel vm1, $0x3F800000, v1;
	vm1 =	vmmov vm2;
	v4 =	vmul.f32 v9, v4  }
0x381: {  	[tilespmem:s0+$0x180] =	vst v2;
	vm2 =	vmmov vm7;
	v1 =	vmul.f32 v19, v3;
	v3 =	vmul.f32 v12, v5  }
0x382: {  	[tilespmem:s2+$0x180] =	vst v0;
	v2 =	vsel vm0, $0x3F800000, v4;
	vm0 =	vmmov vm3;
	v4 =	vmul.f32 v8, v15  }
0x383: {  	[tilespmem:s19+$0x180] =	vst v2;
	v0 =	vsel vm1, $0x3F800000, v1;
	vm1 =	vmmov vm2;
	v1 =	vmul.f32 v11, v52  }
0x384: {  	vm2 =	vmmov vm8;
	[tilespmem:s1+$0x180] =	vst v0;
	v2 =	vsel vm0, $0x3F800000, v4;
	vm0 =	vmmov vm5  }
0x385: {  	[tilespmem:s25+$0x180] =	vst v2;
	v0 =	vsel vm0, $0x3F800000, v1;
	v1 =	vsel vm1, $0x3F800000, v3;
	v2 =	vmul.f32 v10, v16;
	v3 =	vpop (erf)  }
0x386: {  	vm0 =	vmmov vm2;
	vm1 =	vmmov vm9;
	[tilespmem:s4+$0x180] =	vst v0;
	v0 =	vmul.f32 v3, v6  }
0x387: {  	[tilespmem:s20+$0x180] =	vst v1;
	v1 =	vsel vm0, $0x3F800000, v2;
	vm0 =	vmmov vm1  }
0x388: {  	[tilespmem:s13+$0x180] =	vst v1;
	v0 =	vsel vm0, $0x3F800000, v0  }
0x389: {  	[tilespmem:s6+$0x180] =	vst v0  }
0x38a: {  	s7 =	simm.s32 $0x1BE00;
	s0 =	rddreg [dreg:$0xc]  }
0x38b: {  	[hbm4b:s0+s3] =	stream.linear.scatter [tilespmem:s7], [sflag:$0x5], $0x3400, $0x38;
	[tilespmem:$0x1F200] =	vst v63  }
0x38c: {  	_ =	swait.ge [sflag:s22], $0x1A00  }
0x38d: {  	[sflag:s22] =	ssyncset.done $0x0  }
0x38e: {  	[sflag:s22] =	ssyncadd.s32 $0xFFFFE600  }
0x38f: {  	_ =	swait.ge [sflag:s22], $0xD00  }
0x390: {  	[sflag:s22] =	ssyncset.done $0x0  }
0x391: {  	s8 =	simm.s32 $0x0;
	[sflag:s22] =	ssyncadd.s32 $0xFFFFF300  }
0x392: {  	s9 =	simm.s32 $0x10;
	s0 =	sand.u32 $0x3FFFFF00, s8;
	_ =	swait.ge [sflag:s26], $0x3400  }
0x393: {  	s11 =	sand.u32 $0x70, s9;
	s10 =	sadd.s32 $0x13C00, s0;
	[sflag:s26] =	ssyncset.done $0x0  }
0x394: {  	s1 =	sor.u32 s11, s10;
	[sflag:s26] =	ssyncadd.s32 $0xFFFFCC00  }
0x395: {  	v0 =	vld [tilespmem:s1+$0x0]  }
0x396: {  	v1 =	vld [tilespmem:s1+$0x80];
	_ =	sdelay $0x4  }
0x397: {  	v2 =	vshll.u32 v0, $0x3;
	v3 =	vand.u32 $0x7F, v0;
	v4 =	vshll.u32 v1, $0x3  }
0x398: {  	v5 =	vand.u32 $0x7F, v1;
	v2 =	vand.u32 $0xFFFFFC00, v2;
	v4 =	vand.u32 $0xFFFFFC00, v4  }
0x399: {  	s13 =	simm.s32 $0x0;
	v11 =	vor.u32 v3, v2;
	v8 =	vor.u32 v5, v4  }
0x39a: {  	s1 =	sand.u32 $0x60, s13;
	v2 =	vor.u32 $0x200, v8  }
0x39b: {  	s2 =	sor.u32 s1, s10  }
0x39c: {  	v7 =	vld [tilespmem:s2+$0x80]  }
0x39d: {  	v14 =	vld [tilespmem:s2+$0x0]  }
0x39e: {  	v4 =	vld.idx.msk [tilespmem:v11+s3+$0x0], $0xffff  }
0x39f: {  	v2 =	vld.idx.msk [tilespmem:v2+s3+$0x0], $0xffff;
	_ =	sdelay $0x1  }
0x3a0: {  	v3 =	vshll.u32 v7, $0x3  }
0x3a1: {  	v5 =	vshll.u32 v14, $0x3;
	v6 =	vand.u32 $0x7F, v7;
	v3 =	vand.u32 $0xFFFFFC00, v3  }
0x3a2: {  	v5 =	vand.u32 $0xFFFFFC00, v5;
	v3 =	vor.u32 v6, v3  }
0x3a3: {  	v6 =	vand.u32 $0x7F, v14;
	v9 =	vor.u32 $0x200, v3;
	v2 =	vadd.f32 v2, v4  }
0x3a4: {  	v4 =	vor.u32 v6, v5  }
0x3a5: {  	v2 =	vsub.f32 $0.0e+00, v2;
	_ =	sdelay $0x1  }
0x3a6: {  	v2 =	vmul.f32 $1.442695020e+00, v2  }
0x3a7: {  	v5 =	vld.idx.msk [tilespmem:v9+s3+$0x0], $0xffff  }
0x3a8: {  	v6 =	vld.idx.msk [tilespmem:v4+s3+$0x0], $0xffff;
	(erf) = vpow2.f32 v2;
	_ =	sdelay $0x4  }
0x3a9: {  	v2 =	vadd.f32 v5, v6;
	_ =	sdelay $0x1  }
0x3aa: {  	s14 =	simm.s32 $0x40;
	v2 =	vsub.f32 $0.0e+00, v2  }
0x3ab: {  	s15 =	simm.s32 $0x30;
	s2 =	sand.u32 $0x3FFFFF00, s14  }
0x3ac: {  	s4 =	sand.u32 $0x70, s15;
	s19 =	sadd.s32 $0x13C00, s2;
	v2 =	vmul.f32 $1.442695020e+00, v2;
	v5 =	vpop (erf)  }
0x3ad: {  	s2 =	sor.u32 s4, s19;
	v5 =	vadd.f32 $1.000000000e+00, v5  }
0x3ae: {  	v15 =	vld [tilespmem:s2+$0x0];
	(erf) = vpow2.f32 v2  }
0x3af: {  	v18 =	vld [tilespmem:s2+$0x80];
	(erf) = vrcp.f32 v5;
	_ =	sdelay $0x3  }
0x3b0: {  	s20 =	simm.s32 $0x17010  }
0x3b1: {  	s25 =	simm.s32 $0x20;
	v13 =	vld [tilespmem:s20+$0x0];
	v9 =	vand.u32 $0x7F, v18;
	v6 =	vshll.u32 v18, $0x3;
	v2 =	vshll.u32 v15, $0x3  }
0x3b2: {  	s2 =	sand.u32 $0x60, s25;
	v6 =	vand.u32 $0xFFFFFC00, v6;
	v2 =	vand.u32 $0xFFFFFC00, v2;
	v5 =	vand.u32 $0x7F, v15  }
0x3b3: {  	s5 =	sor.u32 s2, s19;
	v10 =	vor.u32 v5, v2;
	v5 =	vor.u32 v9, v6  }
0x3b4: {  	v2 =	vld [tilespmem:s5+$0x80];
	v9 =	vor.u32 $0x200, v5;
	v16 =	vpop (erf)  }
0x3b5: {  	s7 =	simm.s32 $0x0;
	v12 =	vor.u32 $0x80, v11;
	v6 =	vpop (erf)  }
0x3b6: {  	s7 =	sand.u32 $0x3FFFFE00, s7;
	v19 =	vor.u32 $0x280, v8;
	v17 =	vmul.f32 v6, v13;
	v6 =	vld [tilespmem:s5+$0x0]  }
0x3b7: {  	s7 =	sadd.s32 $0x18A00, s7;
	vm0 =	veq.s32 v0, v1  }
0x3b8: {  	s13 =	sor.u32 s11, s7;
	v0 =	vld.idx.msk [tilespmem:v10+s3+$0x0], $0xffff;
	v1 =	vsel vm0, $0x3F800000, v17  }
0x3b9: {  	v17 =	vld.idx.msk [tilespmem:v9+s3+$0x0], $0xffff;
	v9 =	vshll.u32 v2, $0x3;
	[tilespmem:s13+$0x0] =	vst v1  }
0x3ba: {  	v20 =	vand.u32 $0x7F, v2;
	v9 =	vand.u32 $0xFFFFFC00, v9;
	v1 =	vld.idx.msk [tilespmem:v12+s3+$0x0], $0xffff  }
0x3bb: {  	v19 =	vld.idx.msk [tilespmem:v19+s3+$0x0], $0xffff;
	v9 =	vor.u32 v20, v9;
	v12 =	vshll.u32 v6, $0x3  }
0x3bc: {  	v20 =	vand.u32 $0x7F, v6;
	v21 =	vor.u32 $0x200, v9;
	v12 =	vand.u32 $0xFFFFFC00, v12  }
0x3bd: {  	v12 =	vor.u32 v20, v12  }
0x3be: {  	v0 =	vadd.f32 v17, v0  }
0x3bf: {  	v16 =	vadd.f32 $1.000000000e+00, v16  }
0x3c0: {  	v0 =	vsub.f32 $0.0e+00, v0;
	v1 =	vadd.f32 v19, v1  }
0x3c1: {  	(erf) = vrcp.f32 v16;
	v16 =	vld.idx.msk [tilespmem:v21+s3+$0x0], $0xffff  }
0x3c2: {  	v0 =	vmul.f32 $1.442695020e+00, v0;
	v1 =	vsub.f32 $0.0e+00, v1;
	v17 =	vld.idx.msk [tilespmem:v12+s3+$0x0], $0xffff;
	_ =	sdelay $0x1  }
0x3c3: {  	(erf) = vpow2.f32 v0;
	v0 =	vmul.f32 $1.442695020e+00, v1;
	_ =	sdelay $0x1  }
0x3c4: {  	(erf) = vpow2.f32 v0  }
0x3c5: {  	v0 =	vadd.f32 v16, v17;
	_ =	sdelay $0x1  }
0x3c6: {  	v1 =	vsub.f32 $0.0e+00, v0  }
0x3c7: {  	s5 =	simm.s32 $0x80  }
0x3c8: {  	s8 =	simm.s32 $0x50;
	s0 =	sand.u32 $0x3FFFFF00, s5;
	v1 =	vmul.f32 $1.442695020e+00, v1  }
0x3c9: {  	s9 =	sadd.s32 $0x13C00, s0;
	s0 =	sand.u32 $0x70, s8;
	v17 =	vpop (erf)  }
0x3ca: {  	s5 =	sor.u32 s0, s9;
	v0 =	vld [tilespmem:s20+$0xFFFFFFF0];
	v16 =	vpop (erf)  }
0x3cb: {  	v21 =	vld [tilespmem:s5+$0x80];
	v19 =	vadd.f32 $1.000000000e+00, v16  }
0x3cc: {  	(erf) = vpow2.f32 v1;
	v16 =	vld [tilespmem:s5+$0x0];
	v1 =	vpop (erf)  }
0x3cd: {  	(erf) = vrcp.f32 v19;
	v1 =	vadd.f32 $1.000000000e+00, v1  }
0x3ce: {  	vm1 =	veq.s32 v14, v7;
	v7 =	vor.u32 $0x80, v4  }
0x3cf: {  	v14 =	vmul.f32 v17, v0;
	(erf) = vrcp.f32 v1;
	v1 =	vor.u32 $0x280, v3  }
0x3d0: {  	vm1 =	vmmov vm1;
	v20 =	vshll.u32 v21, $0x3  }
0x3d1: {  	s10 =	simm.s32 $0x17030;
	s31 =	sor.u32 s1, s7;
	v14 =	vsel vm1, $0x3F800000, v14;
	v17 =	vshll.u32 v16, $0x3;
	v19 =	vand.u32 $0x7F, v16  }
0x3d2: {  	v26 =	vld [tilespmem:s10+$0x0];
	[tilespmem:s31+$0x0] =	vst v14;
	v14 =	vand.u32 $0xFFFFFC00, v17;
	v17 =	vand.u32 $0xFFFFFC00, v20;
	v20 =	vand.u32 $0x7F, v21  }
0x3d3: {  	s11 =	simm.s32 $0x40;
	v7 =	vld.idx.msk [tilespmem:v7+s3+$0x0], $0xffff;
	v28 =	vor.u32 v19, v14;
	v27 =	vor.u32 v20, v17  }
0x3d4: {  	s1 =	sand.u32 $0x60, s11;
	v19 =	vor.u32 $0x200, v27;
	v1 =	vld.idx.msk [tilespmem:v1+s3+$0x0], $0xffff  }
0x3d5: {  	s6 =	sor.u32 s1, s9;
	v14 =	vpop (erf)  }
0x3d6: {  	s14 =	simm.s32 $0x80;
	v22 =	vor.u32 $0x80, v10;
	v17 =	vld [tilespmem:s6+$0x80];
	v20 =	vpop (erf)  }
0x3d7: {  	s7 =	sand.u32 $0x3FFFFE00, s14;
	v24 =	vor.u32 $0x280, v5;
	v23 =	vmul.f32 v20, v26;
	v20 =	vld [tilespmem:s6+$0x0]  }
0x3d8: {  	s15 =	sadd.s32 $0x18A00, s7;
	v29 =	vor.u32 $0x300, v8;
	vm3 =	veq.s32 v15, v18;
	v15 =	vor.u32 $0x100, v11;
	v25 =	vld.idx.msk [tilespmem:v28+s3+$0x0], $0xffff;
	v18 =	vpop (erf)  }
0x3d9: {  	s14 =	sor.u32 s4, s15;
	v23 =	vsel vm3, $0x3F800000, v23;
	v18 =	vmul.f32 v18, v13;
	v1 =	vadd.f32 v1, v7;
	v7 =	vld.idx.msk [tilespmem:v19+s3+$0x0], $0xffff  }
0x3da: {  	vm0 =	vmmov vm0;
	[tilespmem:s14+$0x0] =	vst v23  }
0x3db: {  	v19 =	vshll.u32 v17, $0x3;
	v22 =	vld.idx.msk [tilespmem:v22+s3+$0x0], $0xffff;
	v18 =	vsel vm0, $0x3F800000, v18  }
0x3dc: {  	v23 =	vld.idx.msk [tilespmem:v24+s3+$0x0], $0xffff;
	v19 =	vand.u32 $0xFFFFFC00, v19;
	v24 =	vand.u32 $0x7F, v17;
	v1 =	vsub.f32 $0.0e+00, v1;
	[tilespmem:s13+$0x80] =	vst v18  }
0x3dd: {  	v31 =	vand.u32 $0x7F, v20;
	v18 =	vshll.u32 v20, $0x3;
	v30 =	vld.idx.msk [tilespmem:v15+s3+$0x0], $0xffff;
	v15 =	vor.u32 v24, v19  }
0x3de: {  	v18 =	vand.u32 $0xFFFFFC00, v18;
	v24 =	vld.idx.msk [tilespmem:v29+s3+$0x0], $0xffff;
	v29 =	vor.u32 $0x200, v15;
	v7 =	vadd.f32 v7, v25  }
0x3df: {  	v14 =	vadd.f32 $1.000000000e+00, v14;
	v19 =	vor.u32 v31, v18  }
0x3e0: {  	v1 =	vmul.f32 $1.442695020e+00, v1;
	v7 =	vsub.f32 $0.0e+00, v7  }
0x3e1: {  	(erf) = vrcp.f32 v14;
	v14 =	vadd.f32 v23, v22  }
0x3e2: {  	(erf) = vpow2.f32 v1;
	v1 =	vmul.f32 $1.442695020e+00, v7  }
0x3e3: {  	v7 =	vsub.f32 $0.0e+00, v14;
	v14 =	vadd.f32 v24, v30;
	v18 =	vld.idx.msk [tilespmem:v29+s3+$0x0], $0xffff  }
0x3e4: {  	v22 =	vld.idx.msk [tilespmem:v19+s3+$0x0], $0xffff;
	(erf) = vpow2.f32 v1  }
0x3e5: {  	v1 =	vmul.f32 $1.442695020e+00, v7;
	v7 =	vsub.f32 $0.0e+00, v14;
	_ =	sdelay $0x1  }
0x3e6: {  	(erf) = vpow2.f32 v1;
	v7 =	vmul.f32 $1.442695020e+00, v7;
	v1 =	vld [tilespmem:s10+$0xFFFFFFF0];
	_ =	sdelay $0x1  }
0x3e7: {  	s19 =	simm.s32 $0xC0;
	(erf) = vpow2.f32 v7;
	v7 =	vadd.f32 v18, v22  }
0x3e8: {  	s4 =	sand.u32 $0x3FFFFF00, s19;
	s20 =	simm.s32 $0x70;
	v14 =	vpop (erf)  }
0x3e9: {  	s25 =	sadd.s32 $0x13C00, s4;
	vm2 =	veq.s32 v6, v2;
	s5 =	sand.u32 $0x70, s20;
	v18 =	vpop (erf);
	v7 =	vsub.f32 $0.0e+00, v7  }
0x3ea: {  	v2 =	vor.u32 $0x80, v12;
	s4 =	sor.u32 s5, s25;
	v6 =	vadd.f32 $1.000000000e+00, v18;
	v18 =	vmul.f32 v14, v1  }
0x3eb: {  	vm2 =	vmmov vm2;
	v22 =	vor.u32 $0x280, v9;
	v14 =	vld [tilespmem:s4+$0x0];
	v7 =	vmul.f32 $1.442695020e+00, v7;
	v23 =	vpop (erf)  }
0x3ec: {  	(erf) = vrcp.f32 v6;
	v6 =	vadd.f32 $1.000000000e+00, v23;
	v23 =	vsel vm2, $0x3F800000, v18;
	v18 =	vld [tilespmem:s4+$0x80]  }
0x3ed: {  	s2 =	sor.u32 s2, s15;
	(erf) = vpow2.f32 v7  }
0x3ee: {  	[tilespmem:s2+$0x0] =	vst v23;
	(erf) = vrcp.f32 v6  }
0x3ef: {  	v7 =	vpop (erf);
	v23 =	vld.idx.msk [tilespmem:v2+s3+$0x0], $0xffff  }
0x3f0: {  	v22 =	vld.idx.msk [tilespmem:v22+s3+$0x0], $0xffff;
	v6 =	vadd.f32 $1.000000000e+00, v7;
	v2 =	vpop (erf)  }
0x3f1: {  	v7 =	vand.u32 $0x7F, v14;
	v2 =	vadd.f32 $1.000000000e+00, v2;
	v25 =	vshll.u32 v18, $0x3  }
0x3f2: {  	s10 =	simm.s32 $0x17050;
	(erf) = vrcp.f32 v6;
	v6 =	vshll.u32 v14, $0x3;
	v25 =	vand.u32 $0xFFFFFC00, v25  }
0x3f3: {  	v29 =	vand.u32 $0x7F, v18;
	(erf) = vrcp.f32 v2;
	v6 =	vand.u32 $0xFFFFFC00, v6;
	v2 =	vld [tilespmem:s10+$0x0]  }
0x3f4: {  	s8 =	simm.s32 $0x60;
	v6 =	vor.u32 v7, v6;
	v7 =	vor.u32 v29, v25  }
0x3f5: {  	s4 =	sand.u32 $0x60, s8;
	v22 =	vadd.f32 v22, v23;
	v23 =	vor.u32 $0x200, v7;
	v25 =	vpop (erf)  }
0x3f6: {  	s9 =	sor.u32 s4, s25;
	v31 =	vpop (erf)  }
0x3f7: {  	v8 =	vor.u32 $0x380, v8;
	v11 =	vor.u32 $0x180, v11;
	v24 =	vld [tilespmem:s9+$0x80];
	v54 =	vpop (erf)  }
0x3f8: {  	s11 =	simm.s32 $0x100;
	v60 =	vor.u32 $0x300, v5;
	v53 =	vor.u32 $0x80, v28;
	v30 =	vld [tilespmem:s9+$0x0];
	v34 =	vmul.f32 v54, v2  }
0x3f9: {  	vm1 =	vmmov vm1;
	vm4 =	veq.s32 v16, v21;
	v55 =	vor.u32 $0x280, v27;
	s6 =	sand.u32 $0x3FFFFE00, s11  }
0x3fa: {  	vm1 =	vmmov vm1;
	v16 =	vor.u32 $0x100, v10;
	s6 =	sadd.s32 $0x18A00, s6;
	v58 =	vld.idx.msk [tilespmem:v23+s3+$0x0], $0xffff;
	v23 =	vsel vm4, $0x3F800000, v34  }
0x3fb: {  	vm3 =	vmmov vm3;
	s0 =	sor.u32 s0, s6;
	vm0 =	vmmov vm0;
	v29 =	vor.u32 $0x100, v4;
	v21 =	vpop (erf)  }
0x3fc: {  	v52 =	vshll.u32 v24, $0x3;
	v56 =	vand.u32 $0x7F, v24;
	v57 =	vld.idx.msk [tilespmem:v6+s3+$0x0], $0xffff;
	v59 =	vmul.f32 v21, v26;
	[tilespmem:s0+$0x0] =	vst v23  }
0x3fd: {  	v61 =	vshll.u32 v30, $0x3;
	v45 =	vand.u32 $0x7F, v30;
	v32 =	vand.u32 $0xFFFFFC00, v52;
	v62 =	vld.idx.msk [tilespmem:v53+s3+$0x0], $0xffff;
	v23 =	vpop (erf)  }
0x3fe: {  	v22 =	vsub.f32 $0.0e+00, v22;
	v35 =	vld.idx.msk [tilespmem:v55+s3+$0x0], $0xffff;
	v63 =	vsel vm3, $0x3F800000, v59;
	v44 =	vmul.f32 v23, v13  }
0x3ff: {  	v25 =	vmul.f32 v25, v0;
	v31 =	vadd.f32 $1.000000000e+00, v31;
	v21 =	vor.u32 v56, v32;
	[tilespmem:s14+$0x80] =	vst v63  }
0x400: {  	v46 =	vor.u32 $0x200, v21;
	v23 =	vand.u32 $0xFFFFFC00, v61;
	v16 =	vld.idx.msk [tilespmem:v16+s3+$0x0], $0xffff;
	v47 =	vsel vm0, $0x3F800000, v44  }
0x401: {  	v22 =	vmul.f32 $1.442695020e+00, v22;
	v50 =	vadd.f32 v58, v57;
	v23 =	vor.u32 v45, v23;
	v49 =	vld.idx.msk [tilespmem:v60+s3+$0x0], $0xffff;
	[tilespmem:s13+$0x100] =	vst v47  }
0x402: {  	v48 =	vor.u32 $0x300, v3;
	v25 =	vsel vm1, $0x3F800000, v25;
	(erf) = vrcp.f32 v31;
	v11 =	vld.idx.msk [tilespmem:v11+s3+$0x0], $0xffff  }
0x403: {  	[tilespmem:s31+$0x80] =	vst v25;
	(erf) = vpow2.f32 v22;
	v22 =	vsub.f32 $0.0e+00, v50;
	v32 =	vadd.f32 v35, v62;
	v8 =	vld.idx.msk [tilespmem:v8+s3+$0x0], $0xffff  }
0x404: {  	v29 =	vld.idx.msk [tilespmem:v29+s3+$0x0], $0xffff  }
0x405: {  	v31 =	vld.idx.msk [tilespmem:v46+s3+$0x0], $0xffff;
	v22 =	vmul.f32 $1.442695020e+00, v22;
	v25 =	vsub.f32 $0.0e+00, v32  }
0x406: {  	v51 =	vld.idx.msk [tilespmem:v23+s3+$0x0], $0xffff;
	v16 =	vadd.f32 v49, v16  }
0x407: {  	vm7 =	vmmov vm2;
	v52 =	vld.idx.msk [tilespmem:v48+s3+$0x0], $0xffff;
	(erf) = vpow2.f32 v22;
	v22 =	vmul.f32 $1.442695020e+00, v25  }
0x408: {  	v34 =	vor.u32 $0x180, v4;
	v16 =	vsub.f32 $0.0e+00, v16;
	v4 =	vadd.f32 v8, v11  }
0x409: {  	vm7 =	vmmov vm7;
	(erf) = vpow2.f32 v22  }
0x40a: {  	s15 =	simm.s32 $0x100;
	vm5 =	veq.s32 v20, v17;
	v8 =	vmul.f32 $1.442695020e+00, v16;
	v4 =	vsub.f32 $0.0e+00, v4  }
0x40b: {  	s7 =	sand.u32 $0x3FFFFF00, s15;
	vm5 =	vmmov vm5;
	s8 =	simm.s32 $0x90;
	v11 =	vpop (erf);
	v16 =	vor.u32 $0x380, v3;
	v22 =	vadd.f32 v31, v51  }
0x40c: {  	s25 =	sand.u32 $0x70, s8;
	s9 =	sadd.s32 $0x13C00, s7;
	v3 =	vld [tilespmem:s10+$0xFFFFFFF0];
	v31 =	vpop (erf);
	(erf) = vpow2.f32 v8;
	v8 =	vadd.f32 v52, v29;
	v4 =	vmul.f32 $1.442695020e+00, v4  }
0x40d: {  	v36 =	vor.u32 $0x300, v15;
	s7 =	sor.u32 s25, s9;
	v31 =	vadd.f32 $1.000000000e+00, v31;
	v22 =	vsub.f32 $0.0e+00, v22  }
0x40e: {  	v17 =	vor.u32 $0x80, v19;
	vm2 =	vmmov vm4;
	v37 =	vld [tilespmem:s7+$0x80];
	v8 =	vsub.f32 $0.0e+00, v8  }
0x40f: {  	vm6 =	veq.s32 v30, v24;
	(erf) = vrcp.f32 v31;
	v20 =	vmul.f32 $1.442695020e+00, v22  }
0x410: {  	vm4 =	veq.s32 v14, v18;
	(erf) = vpow2.f32 v4;
	v8 =	vmul.f32 $1.442695020e+00, v8;
	v4 =	vpop (erf)  }
0x411: {  	v35 =	vld [tilespmem:s7+$0x0];
	v11 =	vmul.f32 v11, v3;
	(erf) = vpow2.f32 v20;
	v4 =	vadd.f32 $1.000000000e+00, v4  }
0x412: {  	s19 =	simm.s32 $0x80;
	v29 =	vor.u32 $0x300, v9;
	v22 =	vor.u32 $0x380, v9;
	(erf) = vpow2.f32 v8;
	v9 =	vpop (erf)  }
0x413: {  	v56 =	vand.u32 $0x7F, v37;
	s7 =	sand.u32 $0x60, s19;
	(erf) = vrcp.f32 v4;
	v4 =	vadd.f32 $1.000000000e+00, v9  }
0x414: {  	s1 =	sor.u32 s1, s6;
	v53 =	vor.u32 $0x280, v15;
	vm3 =	vmmov vm3;
	s6 =	sor.u32 s7, s9;
	v25 =	vor.u32 $0x100, v12  }
0x415: {  	v38 =	vld [tilespmem:s6+$0x0];
	v31 =	vor.u32 $0x100, v19;
	v8 =	vsel vm5, $0x3F800000, v11;
	v11 =	vpop (erf);
	(erf) = vrcp.f32 v4  }
0x416: {  	v41 =	vld [tilespmem:s6+$0x80];
	v20 =	vor.u32 $0x180, v12;
	v12 =	vand.u32 $0x7F, v35;
	[tilespmem:s1+$0x0] =	vst v8;
	v4 =	vadd.f32 $1.000000000e+00, v11  }
0x417: {  	s20 =	simm.s32 $0x17070;
	v9 =	vor.u32 $0x180, v19;
	v54 =	vld.idx.msk [tilespmem:v17+s3+$0x0], $0xffff;
	v17 =	vshll.u32 v37, $0x3;
	v11 =	vshll.u32 v35, $0x3  }
0x418: {  	v19 =	vand.u32 $0xFFFFFC00, v17;
	v30 =	vpop (erf);
	v11 =	vand.u32 $0xFFFFFC00, v11;
	(erf) = vrcp.f32 v4;
	v4 =	vld [tilespmem:s20+$0x0]  }
0x419: {  	v63 =	vor.u32 $0x180, v10;
	v55 =	vpop (erf);
	v11 =	vor.u32 v12, v11;
	v12 =	vor.u32 v56, v19  }
0x41a: {  	v60 =	vor.u32 $0x80, v6;
	v45 =	vor.u32 $0x280, v7;
	v24 =	vld.idx.msk [tilespmem:v53+s3+$0x0], $0xffff;
	v58 =	vor.u32 $0x200, v12;
	v57 =	vpop (erf)  }
0x41b: {  	v47 =	vor.u32 $0x100, v28;
	v32 =	vor.u32 $0x80, v23;
	v49 =	vor.u32 $0x300, v27;
	v59 =	vpop (erf)  }
0x41c: {  	s9 =	simm.s32 $0x180;
	v46 =	vshll.u32 v38, $0x3;
	v14 =	vshll.u32 v41, $0x3;
	v62 =	vand.u32 $0x7F, v41;
	v61 =	vpop (erf)  }
0x41d: {  	s6 =	sand.u32 $0x3FFFFE00, s9;
	v50 =	vand.u32 $0x7F, v38;
	v14 =	vand.u32 $0xFFFFFC00, v14;
	v44 =	vmul.f32 v61, v4  }
0x41e: {  	s6 =	sadd.s32 $0x18A00, s6;
	v46 =	vand.u32 $0xFFFFFC00, v46;
	v51 =	vor.u32 $0x380, v5;
	v14 =	vor.u32 v62, v14;
	v18 =	vld.idx.msk [tilespmem:v11+s3+$0x0], $0xffff;
	v48 =	vpop (erf)  }
0x41f: {  	s19 =	sor.u32 s5, s6;
	v24 =	vadd.f32 v24, v54;
	v33 =	vld.idx.msk [tilespmem:v58+s3+$0x0], $0xffff;
	v44 =	vsel vm4, $0x3F800000, v44;
	v48 =	vmul.f32 v48, v2  }
0x420: {  	v46 =	vor.u32 v50, v46;
	v52 =	vor.u32 $0x200, v14;
	v8 =	vor.u32 $0x380, v15;
	[tilespmem:s19+$0x0] =	vst v44  }
0x421: {  	v39 =	vadd.f32 $1.000000000e+00, v55;
	v24 =	vsub.f32 $0.0e+00, v24;
	v10 =	vpop (erf);
	v43 =	vld.idx.msk [tilespmem:v60+s3+$0x0], $0xffff;
	v48 =	vsel vm2, $0x3F800000, v48  }
0x422: {  	v15 =	vor.u32 $0x280, v21;
	v40 =	vadd.f32 $1.000000000e+00, v57;
	v45 =	vld.idx.msk [tilespmem:v45+s3+$0x0], $0xffff;
	v10 =	vmul.f32 v10, v26;
	[tilespmem:s0+$0x80] =	vst v48  }
0x423: {  	v19 =	vor.u32 $0x300, v21;
	(erf) = vrcp.f32 v39;
	v53 =	vmul.f32 $1.442695020e+00, v24;
	v47 =	vld.idx.msk [tilespmem:v47+s3+$0x0], $0xffff  }
0x424: {  	(erf) = vrcp.f32 v40;
	v18 =	vadd.f32 v33, v18;
	v54 =	vsel vm3, $0x3F800000, v10;
	v49 =	vld.idx.msk [tilespmem:v49+s3+$0x0], $0xffff  }
0x425: {  	v39 =	vld.idx.msk [tilespmem:v52+s3+$0x0], $0xffff;
	v24 =	vor.u32 $0x380, v21;
	v21 =	vmul.f32 v30, v1;
	(erf) = vpow2.f32 v53;
	[tilespmem:s14+$0x100] =	vst v54  }
0x426: {  	v17 =	vor.u32 $0x100, v23;
	v10 =	vor.u32 $0x180, v23;
	v18 =	vsub.f32 $0.0e+00, v18;
	v23 =	vld.idx.msk [tilespmem:v63+s3+$0x0], $0xffff  }
0x427: {  	v56 =	vadd.f32 $1.000000000e+00, v59;
	v21 =	vsel vm7, $0x3F800000, v21;
	v55 =	vld.idx.msk [tilespmem:v51+s3+$0x0], $0xffff  }
0x428: {  	[tilespmem:s2+$0x80] =	vst v21;
	v21 =	vld.idx.msk [tilespmem:v46+s3+$0x0], $0xffff;
	v30 =	vadd.f32 v45, v43;
	v18 =	vmul.f32 $1.442695020e+00, v18  }
0x429: {  	v25 =	vld.idx.msk [tilespmem:v25+s3+$0x0], $0xffff;
	(erf) = vrcp.f32 v56;
	v57 =	vadd.f32 v49, v47  }
0x42a: {  	v58 =	vld.idx.msk [tilespmem:v29+s3+$0x0], $0xffff;
	v30 =	vsub.f32 $0.0e+00, v30;
	(erf) = vpow2.f32 v18  }
0x42b: {  	vm10 =	vmmov vm6;
	vm0 =	vmmov vm0;
	v18 =	vsub.f32 $0.0e+00, v57  }
0x42c: {  	vm8 =	veq.s32 v38, v41;
	v5 =	vld [tilespmem:s20+$0xFFFFFFF0];
	v59 =	vpop (erf);
	v30 =	vmul.f32 $1.442695020e+00, v30;
	v23 =	vadd.f32 v55, v23  }
0x42d: {  	v29 =	vor.u32 $0x80, v46;
	v13 =	vmul.f32 v59, v13;
	v60 =	vpop (erf);
	v61 =	vmul.f32 $1.442695020e+00, v18  }
0x42e: {  	s10 =	simm.s32 $0x140;
	v39 =	vadd.f32 v39, v21;
	v63 =	vpop (erf);
	(erf) = vpow2.f32 v30;
	v23 =	vsub.f32 $0.0e+00, v23  }
0x42f: {  	s20 =	sor.u32 s4, s6;
	s4 =	sand.u32 $0x3FFFFF00, s10;
	s10 =	simm.s32 $0xA0;
	v25 =	vadd.f32 v58, v25;
	v44 =	vadd.f32 $1.000000000e+00, v63;
	(erf) = vpow2.f32 v61  }
0x430: {  	s11 =	sadd.s32 $0x13C00, s4;
	s15 =	sand.u32 $0x60, s10;
	v39 =	vsub.f32 $0.0e+00, v39;
	v38 =	vsel vm0, $0x3F800000, v13;
	v23 =	vmul.f32 $1.442695020e+00, v23  }
0x431: {  	s5 =	simm.s32 $0xB0;
	s6 =	sor.u32 s15, s11;
	v13 =	vor.u32 $0x180, v46;
	v62 =	vmul.f32 v60, v5;
	(erf) = vrcp.f32 v44  }
0x432: {  	s4 =	sand.u32 $0x70, s5;
	v41 =	vld [tilespmem:s6+$0x80];
	v18 =	vor.u32 $0x100, v46;
	v46 =	vpop (erf);
	(erf) = vpow2.f32 v23;
	v23 =	vmul.f32 $1.442695020e+00, v39  }
0x433: {  	vm1 =	vmmov vm1;
	s9 =	sor.u32 s4, s11;
	v42 =	vld [tilespmem:s6+$0x0];
	v25 =	vsub.f32 $0.0e+00, v25;
	v45 =	vsel vm10, $0x3F800000, v62;
	v48 =	vpop (erf)  }
0x434: {  	vm6 =	vmmov vm4;
	v33 =	vld [tilespmem:s9+$0x80];
	[tilespmem:s20+$0x0] =	vst v45;
	(erf) = vpow2.f32 v23;
	v23 =	vadd.f32 $1.000000000e+00, v48  }
0x435: {  	vm9 =	vmmov vm3;
	vm5 =	vmmov vm5;
	v25 =	vmul.f32 $1.442695020e+00, v25;
	v40 =	vld.idx.msk [tilespmem:v32+s3+$0x0], $0xffff  }
0x436: {  	v28 =	vor.u32 $0x180, v28;
	vm4 =	vmmov vm5;
	vm5 =	vmmov vm10;
	v15 =	vld.idx.msk [tilespmem:v15+s3+$0x0], $0xffff  }
0x437: {  	vm3 =	vmmov vm8;
	vm8 =	veq.s32 v35, v37;
	v32 =	vld [tilespmem:s9+$0x0];
	(erf) = vpow2.f32 v25;
	v49 =	vpop (erf)  }
0x438: {  	v21 =	vor.u32 $0x300, v14;
	(erf) = vrcp.f32 v23;
	v25 =	vadd.f32 $1.000000000e+00, v49;
	v23 =	vpop (erf)  }
0x439: {  	v58 =	vor.u32 $0x80, v11;
	vm0 =	vmmov vm2;
	v23 =	vadd.f32 $1.000000000e+00, v23  }
0x43a: {  	vm2 =	vmmov vm7;
	v51 =	vshll.u32 v33, $0x3;
	(erf) = vrcp.f32 v25  }
0x43b: {  	vm7 =	veq.s32 v42, v41;
	v47 =	vmul.f32 v46, v0;
	v44 =	vand.u32 $0xFFFFFC00, v51  }
0x43c: {  	s6 =	simm.s32 $0x17090;
	v40 =	vadd.f32 v15, v40;
	v15 =	vshll.u32 v32, $0x3;
	v50 =	vpop (erf);
	(erf) = vrcp.f32 v23  }
0x43d: {  	v53 =	vand.u32 $0x7F, v33;
	v52 =	vand.u32 $0xFFFFFC00, v15;
	v15 =	vld [tilespmem:s6+$0x0];
	v25 =	vand.u32 $0x7F, v32;
	v23 =	vpop (erf)  }
0x43e: {  	v25 =	vor.u32 v25, v52;
	v54 =	vadd.f32 $1.000000000e+00, v23;
	v23 =	vor.u32 v53, v44  }
0x43f: {  	v55 =	vshll.u32 v41, $0x3;
	v39 =	vsel vm1, $0x3F800000, v47;
	v44 =	vpop (erf);
	v45 =	vor.u32 $0x200, v23  }
0x440: {  	v57 =	vand.u32 $0x7F, v41;
	v60 =	vor.u32 $0x280, v12;
	[tilespmem:s31+$0x100] =	vst v39;
	v47 =	vpop (erf);
	(erf) = vrcp.f32 v54  }
0x441: {  	s11 =	simm.s32 $0x200;
	v56 =	vand.u32 $0xFFFFFC00, v55;
	v30 =	vor.u32 $0x280, v14;
	v14 =	vor.u32 $0x380, v14;
	v48 =	vld.idx.msk [tilespmem:v34+s3+$0x0], $0xffff;
	v59 =	vpop (erf)  }
0x442: {  	s8 =	sand.u32 $0x3FFFFE00, s11;
	v62 =	vor.u32 $0x100, v6;
	v39 =	vshll.u32 v42, $0x3;
	v51 =	vld.idx.msk [tilespmem:v16+s3+$0x0], $0xffff;
	v16 =	vmul.f32 v59, v15  }
0x443: {  	s8 =	sadd.s32 $0x18A00, s8;
	v46 =	vor.u32 v57, v56;
	v39 =	vand.u32 $0xFFFFFC00, v39;
	v40 =	vsub.f32 $0.0e+00, v40;
	v52 =	vld.idx.msk [tilespmem:v25+s3+$0x0], $0xffff;
	v61 =	vpop (erf)  }
0x444: {  	s25 =	sor.u32 s25, s8;
	v53 =	vor.u32 $0x300, v7;
	v63 =	vmul.f32 v61, v4;
	v56 =	vsel vm8, $0x3F800000, v16;
	v45 =	vld.idx.msk [tilespmem:v45+s3+$0x0], $0xffff  }
0x445: {  	v43 =	vmul.f32 v50, v3;
	v44 =	vadd.f32 $1.000000000e+00, v44;
	v54 =	vor.u32 $0x380, v27;
	v16 =	vld [tilespmem:s6+$0xFFFFFFF0];
	[tilespmem:s25+$0x0] =	vst v56;
	v57 =	vpop (erf)  }
0x446: {  	v27 =	vand.u32 $0x7F, v42;
	v37 =	vsel vm6, $0x3F800000, v63;
	v49 =	vld.idx.msk [tilespmem:v58+s3+$0x0], $0xffff;
	v50 =	vmul.f32 v57, v2  }
0x447: {  	v39 =	vor.u32 v27, v39;
	(erf) = vrcp.f32 v44;
	v59 =	vld.idx.msk [tilespmem:v60+s3+$0x0], $0xffff;
	v60 =	vmul.f32 $1.442695020e+00, v40;
	[tilespmem:s19+$0x80] =	vst v37  }
0x448: {  	vm1 =	vmmov vm1;
	v58 =	vor.u32 $0x200, v46;
	v61 =	vld.idx.msk [tilespmem:v62+s3+$0x0], $0xffff;
	v27 =	vsel vm0, $0x3F800000, v50  }
0x449: {  	v34 =	vor.u32 $0x280, v46;
	v63 =	vld.idx.msk [tilespmem:v53+s3+$0x0], $0xffff;
	[tilespmem:s0+$0x100] =	vst v27;
	v62 =	vpop (erf);
	v45 =	vadd.f32 v45, v52;
	(erf) = vpow2.f32 v60  }
0x44a: {  	v48 =	vadd.f32 v51, v48;
	v43 =	vsel vm4, $0x3F800000, v43;
	v47 =	vadd.f32 $1.000000000e+00, v47;
	v53 =	vld.idx.msk [tilespmem:v28+s3+$0x0], $0xffff  }
0x44b: {  	v35 =	vor.u32 $0x80, v39;
	v54 =	vld.idx.msk [tilespmem:v54+s3+$0x0], $0xffff;
	v26 =	vmul.f32 v62, v26;
	v45 =	vsub.f32 $0.0e+00, v45  }
0x44c: {  	v57 =	vsub.f32 $0.0e+00, v48;
	v56 =	vld.idx.msk [tilespmem:v39+s3+$0x0], $0xffff;
	v44 =	vadd.f32 v59, v49;
	(erf) = vrcp.f32 v47  }
0x44d: {  	[tilespmem:s1+$0x80] =	vst v43;
	v27 =	vor.u32 $0x100, v39;
	v37 =	vld.idx.msk [tilespmem:v58+s3+$0x0], $0xffff;
	v55 =	vsel vm9, $0x3F800000, v26;
	v26 =	vmul.f32 $1.442695020e+00, v45  }
0x44e: {  	v28 =	vor.u32 $0x300, v46;
	v58 =	vld.idx.msk [tilespmem:v31+s3+$0x0], $0xffff;
	v44 =	vsub.f32 $0.0e+00, v44;
	v40 =	vadd.f32 v63, v61  }
0x44f: {  	v60 =	vmul.f32 $1.442695020e+00, v57;
	v31 =	vor.u32 $0x180, v39;
	v59 =	vld.idx.msk [tilespmem:v36+s3+$0x0], $0xffff;
	(erf) = vpow2.f32 v26  }
0x450: {  	v61 =	vpop (erf);
	v44 =	vmul.f32 $1.442695020e+00, v44;
	v40 =	vsub.f32 $0.0e+00, v40;
	v41 =	vadd.f32 v54, v53  }
0x451: {  	v42 =	vmul.f32 v61, v16;
	v26 =	vor.u32 $0x380, v46;
	(erf) = vpow2.f32 v60  }
0x452: {  	[tilespmem:s13+$0x180] =	vst v38;
	v62 =	vmul.f32 $1.442695020e+00, v40;
	v41 =	vsub.f32 $0.0e+00, v41;
	(erf) = vpow2.f32 v44;
	v63 =	vpop (erf)  }
0x453: {  	s13 =	sor.u32 s7, s8;
	[tilespmem:s14+$0x180] =	vst v55;
	v36 =	vadd.f32 v37, v56;
	v42 =	vsel vm3, $0x3F800000, v42;
	v37 =	vadd.f32 $1.000000000e+00, v63  }
0x454: {  	s7 =	simm.s32 $0xA;
	s14 =	simm.s32 $0xA;
	v39 =	vadd.f32 v59, v58;
	[tilespmem:s13+$0x0] =	vst v42;
	(erf) = vpow2.f32 v62;
	v38 =	vmul.f32 $1.442695020e+00, v41  }
.LBB2_6:
0x455: {  	s7 =	sadd.s32 $0x2, s7;
	v41 =	vsub.f32 $0.0e+00, v36;
	v40 =	vld.idx.msk [tilespmem:v29+s3+$0x0], $0xffff;
	(erf) = vrcp.f32 v37;
	v37 =	vpop (erf);
	v29 =	vmov v35  }
0x456: {  	s8 =	sshll.u32 s7, $0x5;
	v35 =	vld.idx.msk [tilespmem:v30+s3+$0x0], $0xffff;
	v39 =	vsub.f32 $0.0e+00, v39;
	(erf) = vpow2.f32 v38;
	v37 =	vmul.f32 v37, v1;
	v30 =	vmovc v34  }
0x457: {  	s5 =	sadd.s32 $0x20, s5;
	vm10 =	vmmov vm0;
	vm0 =	vmmov vm6;
	s8 =	sand.u32 $0x3FFFFF00, s8;
	v34 =	vmul.f32 $1.442695020e+00, v41  }
0x458: {  	vm6 =	vmmov vm8;
	s10 =	sadd.s32 $0xFFFFFFF0, s5;
	s9 =	sand.u32 $0x70, s5;
	s11 =	sadd.s32 $0x13C00, s8;
	v36 =	vpop (erf);
	v38 =	vmul.f32 $1.442695020e+00, v39;
	v39 =	vsel vm2, $0x3F800000, v37  }
0x459: {  	vm9 =	vmmov vm1;
	vm1 =	vmmov vm2;
	s8 =	sand.u32 $0x60, s10;
	s10 =	sor.u32 s9, s11;
	(erf) = vpow2.f32 v34;
	[tilespmem:s2+$0x100] =	vst v39  }
0x45a: {  	p1 =	slt.u32 s7, $0xCE;
	vm2 =	vmmov vm4;
	s11 =	sor.u32 s8, s11;
	v36 =	vadd.f32 $1.000000000e+00, v36;
	v34 =	vld [tilespmem:s10+$0x0];
	(erf) = vpow2.f32 v38;
	v37 =	vpop (erf)  }
0x45b: {  	vm4 =	vmmov vm5;
	vm5 =	vmmov vm3;
	v38 =	vld [tilespmem:s10+$0x80];
	v39 =	vpop (erf);
	v37 =	vadd.f32 $1.000000000e+00, v37  }
0x45c: {  	v35 =	vadd.f32 v35, v40;
	v41 =	vld [tilespmem:s11+$0x80];
	(erf) = vrcp.f32 v36;
	v42 =	vadd.f32 $1.000000000e+00, v39  }
0x45d: {  	vm3 =	vmmov vm7;
	v39 =	vld [tilespmem:s11+$0x0];
	v40 =	vpop (erf);
	(erf) = vrcp.f32 v37  }
0x45e: {  	v37 =	vsub.f32 $0.0e+00, v35;
	(erf) = vrcp.f32 v42;
	v35 =	vadd.f32 $1.000000000e+00, v40;
	v36 =	vpop (erf);
	v40 =	vld.idx.msk [tilespmem:v20+s3+$0x0], $0xffff  }
0x45f: {  	v42 =	vshll.u32 v34, $0x3;
	v43 =	vand.u32 $0x7F, v34;
	v36 =	vmul.f32 v36, v5;
	v20 =	vpop (erf);
	v44 =	vld.idx.msk [tilespmem:v22+s3+$0x0], $0xffff  }
0x460: {  	s6 =	sadd.s32 $0x20, s6;
	v22 =	vshll.u32 v38, $0x3;
	(erf) = vrcp.f32 v35;
	v35 =	vadd.f32 $1.000000000e+00, v20;
	v20 =	vmovc v9;
	v9 =	vmovc v10  }
0x461: {  	v42 =	vand.u32 $0xFFFFFC00, v42;
	v47 =	vand.u32 $0x7F, v38;
	v10 =	vmovc v13;
	v13 =	vmovc v31;
	v22 =	vand.u32 $0xFFFFFC00, v22;
	v46 =	vld [tilespmem:s6+$0x0]  }
0x462: {  	v31 =	vor.u32 v43, v42;
	v42 =	vor.u32 v47, v22;
	v43 =	vld [tilespmem:s6+$0xFFFFFFF0];
	v45 =	vpop (erf);
	(erf) = vrcp.f32 v35  }
0x463: {  	v52 =	vshll.u32 v39, $0x3;
	v35 =	vshll.u32 v41, $0x3;
	v47 =	vor.u32 $0x200, v42;
	v48 =	vpop (erf)  }
0x464: {  	v50 =	vand.u32 $0x7F, v41;
	v49 =	vand.u32 $0xFFFFFC00, v52;
	v35 =	vand.u32 $0xFFFFFC00, v35;
	v22 =	vmovc v8;
	v8 =	vmovc v24  }
0x465: {  	s10 =	sshll.u32 s14, $0x6;
	s14 =	smov.u32 s7;
	v24 =	vand.u32 $0x7F, v39;
	v50 =	vor.u32 v50, v35;
	v35 =	vor.u32 $0x80, v25;
	v51 =	vpop (erf)  }
0x466: {  	v53 =	vor.u32 $0x280, v23;
	s10 =	sand.u32 $0x3FFFFE00, s10;
	v52 =	vor.u32 $0x200, v50;
	v51 =	vmul.f32 v51, v46;
	v54 =	vpop (erf)  }
0x467: {  	vm8 =	veq.s32 v32, v33;
	v55 =	vor.u32 $0x100, v11;
	s11 =	sadd.s32 $0x18A00, s10;
	v24 =	vor.u32 v24, v49;
	v49 =	vld.idx.msk [tilespmem:v31+s3+$0x0], $0xffff;
	v32 =	vpop (erf)  }
0x468: {  	v57 =	vor.u32 $0x300, v12;
	s10 =	sor.u32 s15, s11;
	s11 =	sor.u32 s4, s11;
	s4 =	smov.u32 s9;
	v33 =	vmovc v38;
	v47 =	vld.idx.msk [tilespmem:v47+s3+$0x0], $0xffff;
	v51 =	vsel vm8, $0x3F800000, v51;
	v56 =	vmul.f32 v32, v15;
	v32 =	vmovc v34  }
0x469: {  	s15 =	smov.u32 s8;
	vm7 =	veq.s32 v39, v41;
	v38 =	vadd.f32 $1.000000000e+00, v45;
	v39 =	vor.u32 $0x180, v6;
	[tilespmem:s11+$0x0] =	vst v51;
	v6 =	vpop (erf)  }
0x46a: {  	v41 =	vld.idx.msk [tilespmem:v35+s3+$0x0], $0xffff;
	v45 =	vsel vm6, $0x3F800000, v56;
	v51 =	vmul.f32 v6, v4;
	v56 =	vor.u32 $0x380, v7;
	v6 =	vmovc v11;
	v11 =	vmovc v25  }
0x46b: {  	v34 =	vor.u32 $0x280, v50;
	v35 =	vor.u32 $0x80, v24;
	v53 =	vld.idx.msk [tilespmem:v53+s3+$0x0], $0xffff;
	(erf) = vrcp.f32 v38;
	[tilespmem:s25+$0x80] =	vst v45;
	v7 =	vpop (erf)  }
0x46c: {  	v37 =	vmul.f32 $1.442695020e+00, v37;
	v38 =	vld.idx.msk [tilespmem:v55+s3+$0x0], $0xffff;
	v58 =	vsel vm0, $0x3F800000, v51;
	v59 =	vmul.f32 v7, v2;
	v2 =	vmovc v4;
	v4 =	vmovc v15  }
0x46d: {  	v36 =	vsel vm4, $0x3F800000, v36;
	v25 =	vmovc v31;
	v45 =	vor.u32 $0x100, v24;
	v51 =	vor.u32 $0x300, v50;
	v15 =	vmovc v46;
	v55 =	vld.idx.msk [tilespmem:v57+s3+$0x0], $0xffff;
	[tilespmem:s19+$0x100] =	vst v58  }
0x46e: {  	v7 =	vmovc v12;
	v46 =	vadd.f32 v47, v49;
	(erf) = vpow2.f32 v37;
	[tilespmem:s20+$0x80] =	vst v36;
	v36 =	vld.idx.msk [tilespmem:v39+s3+$0x0], $0xffff;
	v37 =	vsel vm10, $0x3F800000, v59  }
0x46f: {  	v48 =	vadd.f32 $1.000000000e+00, v48;
	v31 =	vor.u32 $0x180, v24;
	v12 =	vmovc v23;
	v23 =	vmovc v42;
	v39 =	vor.u32 $0x380, v50;
	v47 =	vld.idx.msk [tilespmem:v56+s3+$0x0], $0xffff;
	[tilespmem:s0+$0x180] =	vst v37;
	s0 =	smov.u32 s19;
	s19 =	smov.u32 s25;
	s25 =	smov.u32 s11  }
0x470: {  	v40 =	vadd.f32 v44, v40;
	v44 =	vmul.f32 v54, v0;
	v0 =	vmovc v1;
	v42 =	vsub.f32 $0.0e+00, v46;
	v37 =	vld.idx.msk [tilespmem:v52+s3+$0x0], $0xffff  }
0x471: {  	v1 =	vmovc v3;
	v3 =	vmovc v5;
	v5 =	vmov v16;
	v46 =	vld.idx.msk [tilespmem:v24+s3+$0x0], $0xffff;
	v24 =	vadd.f32 v53, v41;
	(erf) = vrcp.f32 v48  }
0x472: {  	v40 =	vsub.f32 $0.0e+00, v40;
	v16 =	vmovc v43;
	v44 =	vsel vm9, $0x3F800000, v44;
	v48 =	vmul.f32 $1.442695020e+00, v42;
	v42 =	vld.idx.msk [tilespmem:v17+s3+$0x0], $0xffff;
	v17 =	vmovc v18  }
0x473: {  	v38 =	vadd.f32 v55, v38;
	v18 =	vmovc v27;
	v27 =	vmov v45;
	v49 =	vsub.f32 $0.0e+00, v24;
	v43 =	vld.idx.msk [tilespmem:v19+s3+$0x0], $0xffff;
	[tilespmem:s31+$0x180] =	vst v44;
	s31 =	smov.u32 s2;
	s2 =	smov.u32 s1;
	s1 =	smov.u32 s20  }
0x474: {  	v40 =	vmul.f32 $1.442695020e+00, v40;
	v19 =	vmov v21;
	s20 =	smov.u32 s13;
	s13 =	smov.u32 s10;
	(erf) = vpow2.f32 v48;
	v41 =	vpop (erf)  }
.Ltmp4:
0x475: {  	v21 =	vmovc v28;
	v28 =	vmovc v51;
	v38 =	vsub.f32 $0.0e+00, v38;
	v36 =	vadd.f32 v47, v36;
	v44 =	vmul.f32 $1.442695020e+00, v49;
	(pc) =	sbr.rel @p1 .LBB2_6-.Ltmp4, $4  }
0x476: {  	v41 =	vmul.f32 v41, v16;
	v24 =	vmovc v14;
	v14 =	vmovc v26;
	v26 =	vmov v39;
	(erf) = vpow2.f32 v40  }
0x477: {  	v38 =	vmul.f32 $1.442695020e+00, v38;
	v40 =	vsub.f32 $0.0e+00, v36;
	(erf) = vpow2.f32 v44;
	v39 =	vpop (erf)  }
0x478: {  	v36 =	vadd.f32 v37, v46;
	v41 =	vsel vm3, $0x3F800000, v41;
	v37 =	vadd.f32 $1.000000000e+00, v39  }
0x479: {  	v39 =	vadd.f32 v43, v42;
	[tilespmem:s13+$0x0] =	vst v41;
	(erf) = vpow2.f32 v38;
	v38 =	vmul.f32 $1.442695020e+00, v40  }
0x47a: {  	v36 =	vsub.f32 $0.0e+00, v36  }
0x47b: {  	v39 =	vsub.f32 $0.0e+00, v39  }
0x47c: {  	(erf) = vrcp.f32 v37;
	v44 =	vpop (erf);
	v36 =	vmul.f32 $1.442695020e+00, v36  }
0x47d: {  	(erf) = vpow2.f32 v38;
	v45 =	vpop (erf);
	v39 =	vmul.f32 $1.442695020e+00, v39  }
0x47e: {  	(erf) = vpow2.f32 v36;
	v46 =	vadd.f32 $1.000000000e+00, v45  }
0x47f: {  	(erf) = vpow2.f32 v39  }
0x480: {  	(erf) = vrcp.f32 v46;
	_ =	sdelay $0x1  }
0x481: {  	v47 =	vpop (erf)  }
0x482: {  	v48 =	vpop (erf);
	v36 =	vadd.f32 $1.000000000e+00, v47  }
0x483: {  	s5 =	sadd.s32 $0x20, s6;
	v38 =	vadd.f32 $1.000000000e+00, v48;
	v49 =	vpop (erf)  }
0x484: {  	(erf) = vrcp.f32 v36;
	v36 =	vld [tilespmem:s5+$0x0];
	v40 =	vpop (erf)  }
0x485: {  	(erf) = vrcp.f32 v38;
	v50 =	vadd.f32 $1.000000000e+00, v49;
	v51 =	vpop (erf)  }
0x486: {  	v29 =	vld.idx.msk [tilespmem:v29+s3+$0x0], $0xffff;
	v41 =	vpop (erf)  }
0x487: {  	v30 =	vld.idx.msk [tilespmem:v30+s3+$0x0], $0xffff;
	v37 =	vmul.f32 v44, v1;
	(erf) = vrcp.f32 v50;
	v52 =	vpop (erf)  }
0x488: {  	s14 =	sshll.u32 s14, $0x6;
	v42 =	vor.u32 $0x80, v25;
	v43 =	vpop (erf)  }
0x489: {  	s6 =	sand.u32 $0x3FFFFE00, s14;
	v44 =	vor.u32 $0x280, v23;
	v37 =	vsel vm2, $0x3F800000, v37;
	v43 =	vmul.f32 v43, v36  }
0x48a: {  	vm9 =	veq.s32 v32, v33;
	s6 =	sadd.s32 $0x18A00, s6;
	[tilespmem:s2+$0x100] =	vst v37  }
0x48b: {  	s4 =	sor.u32 s4, s6;
	v53 =	vld.idx.msk [tilespmem:v20+s3+$0x0], $0xffff;
	v54 =	vsel vm9, $0x3F800000, v43  }
0x48c: {  	v22 =	vld.idx.msk [tilespmem:v22+s3+$0x0], $0xffff;
	v29 =	vadd.f32 v30, v29;
	[tilespmem:s4+$0x0] =	vst v54  }
0x48d: {  	vm6 =	vmmov vm6;
	v20 =	vpop (erf);
	v55 =	vld.idx.msk [tilespmem:v42+s3+$0x0], $0xffff  }
0x48e: {  	vm8 =	vmmov vm8;
	v56 =	vor.u32 $0x100, v11;
	v29 =	vsub.f32 $0.0e+00, v29;
	v57 =	vpop (erf);
	v58 =	vld.idx.msk [tilespmem:v44+s3+$0x0], $0xffff  }
0x48f: {  	vm5 =	vmmov vm5;
	v59 =	vor.u32 $0x300, v12;
	v37 =	vmul.f32 v57, v15  }
0x490: {  	v6 =	vor.u32 $0x180, v6;
	v7 =	vor.u32 $0x380, v7;
	v29 =	vmul.f32 $1.442695020e+00, v29;
	v60 =	vpop (erf)  }
0x491: {  	v39 =	vadd.f32 $1.000000000e+00, v51;
	v37 =	vsel vm8, $0x3F800000, v37;
	v44 =	vmul.f32 v60, v4  }
0x492: {  	v40 =	vmul.f32 v40, v5;
	v22 =	vadd.f32 v22, v53;
	v61 =	vadd.f32 $1.000000000e+00, v41;
	[tilespmem:s25+$0x80] =	vst v37  }
0x493: {  	(erf) = vrcp.f32 v39;
	v62 =	vld.idx.msk [tilespmem:v56+s3+$0x0], $0xffff;
	v63 =	vsel vm6, $0x3F800000, v44;
	v30 =	vadd.f32 v58, v55  }
0x494: {  	v22 =	vsub.f32 $0.0e+00, v22;
	v45 =	vadd.f32 $1.000000000e+00, v52;
	(erf) = vrcp.f32 v61;
	v37 =	vld.idx.msk [tilespmem:v59+s3+$0x0], $0xffff;
	[tilespmem:s19+$0x100] =	vst v63  }
0x495: {  	(erf) = vpow2.f32 v29;
	v44 =	vsel vm5, $0x3F800000, v40;
	v6 =	vld.idx.msk [tilespmem:v6+s3+$0x0], $0xffff;
	v30 =	vsub.f32 $0.0e+00, v30  }
0x496: {  	v46 =	vmul.f32 $1.442695020e+00, v22;
	[tilespmem:s20+$0x80] =	vst v44;
	v33 =	vld.idx.msk [tilespmem:v7+s3+$0x0], $0xffff  }
0x497: {  	(erf) = vrcp.f32 v45;
	v17 =	vld.idx.msk [tilespmem:v17+s3+$0x0], $0xffff;
	v47 =	vmul.f32 $1.442695020e+00, v30  }
0x498: {  	(erf) = vpow2.f32 v46;
	v19 =	vld.idx.msk [tilespmem:v19+s3+$0x0], $0xffff  }
0x499: {  	v48 =	vadd.f32 v37, v62;
	(erf) = vpow2.f32 v47;
	_ =	sdelay $0x1  }
0x49a: {  	v22 =	vsub.f32 $0.0e+00, v48  }
0x49b: {  	v7 =	vpop (erf);
	v6 =	vadd.f32 v33, v6  }
0x49c: {  	v49 =	vpop (erf);
	v17 =	vadd.f32 v19, v17;
	v50 =	vmul.f32 $1.442695020e+00, v22  }
0x49d: {  	v51 =	vpop (erf);
	v6 =	vsub.f32 $0.0e+00, v6  }
0x49e: {  	v22 =	vadd.f32 $1.000000000e+00, v51;
	v17 =	vsub.f32 $0.0e+00, v17;
	(erf) = vpow2.f32 v50  }
0x49f: {  	v52 =	vpop (erf);
	v6 =	vmul.f32 $1.442695020e+00, v6  }
0x4a0: {  	v53 =	vpop (erf);
	(erf) = vrcp.f32 v22;
	v17 =	vmul.f32 $1.442695020e+00, v17  }
0x4a1: {  	v22 =	vadd.f32 $1.000000000e+00, v53;
	(erf) = vpow2.f32 v6;
	v54 =	vpop (erf)  }
0x4a2: {  	(erf) = vpow2.f32 v17;
	v6 =	vadd.f32 $1.000000000e+00, v54  }
0x4a3: {  	(erf) = vrcp.f32 v22  }
0x4a4: {  	(erf) = vrcp.f32 v6  }
0x4a5: {  	v6 =	vld [tilespmem:s5+$0xFFFFFFF0];
	_ =	sdelay $0x1  }
0x4a6: {  	v55 =	vpop (erf)  }
0x4a7: {  	v17 =	vadd.f32 $1.000000000e+00, v55  }
0x4a8: {  	v56 =	vpop (erf)  }
0x4a9: {  	v57 =	vpop (erf);
	v29 =	vmul.f32 v49, v6  }
0x4aa: {  	vm10 =	vmmov vm7;
	v58 =	vpop (erf)  }
0x4ab: {  	s15 =	sor.u32 s15, s6;
	v19 =	vmul.f32 v52, v3;
	(erf) = vrcp.f32 v17;
	v17 =	vpop (erf);
	v29 =	vsel vm10, $0x3F800000, v29  }
0x4ac: {  	vm4 =	vmmov vm4;
	v59 =	vor.u32 $0x100, v25;
	[tilespmem:s15+$0x0] =	vst v29;
	v60 =	vpop (erf)  }
0x4ad: {  	v61 =	vor.u32 $0x300, v23;
	v19 =	vsel vm4, $0x3F800000, v19;
	v35 =	vld.idx.msk [tilespmem:v35+s3+$0x0], $0xffff;
	v33 =	vmul.f32 v60, v36  }
0x4ae: {  	vm9 =	vmmov vm9;
	[tilespmem:s1+$0x100] =	vst v19;
	v34 =	vld.idx.msk [tilespmem:v34+s3+$0x0], $0xffff  }
0x4af: {  	v9 =	vld.idx.msk [tilespmem:v9+s3+$0x0], $0xffff;
	v62 =	vsel vm9, $0x3F800000, v33  }
0x4b0: {  	v8 =	vld.idx.msk [tilespmem:v8+s3+$0x0], $0xffff;
	[tilespmem:s4+$0x80] =	vst v62  }
0x4b1: {  	v19 =	vld.idx.msk [tilespmem:v59+s3+$0x0], $0xffff  }
0x4b2: {  	v63 =	vld.idx.msk [tilespmem:v61+s3+$0x0], $0xffff  }
0x4b3: {  	vm13 =	vmmov vm3;
	v37 =	vadd.f32 v34, v35  }
0x4b4: {  	vm3 =	vmmov vm8;
	vm14 =	vmmov vm13;
	v38 =	vor.u32 $0x180, v11  }
0x4b5: {  	v40 =	vor.u32 $0x380, v12;
	v22 =	vmul.f32 v56, v16;
	v39 =	vpop (erf);
	v33 =	vsub.f32 $0.0e+00, v37  }
0x4b6: {  	v8 =	vadd.f32 v8, v9;
	v30 =	vadd.f32 $1.000000000e+00, v57;
	v34 =	vmul.f32 v39, v15  }
0x4b7: {  	v22 =	vsel vm14, $0x3F800000, v22;
	v41 =	vmul.f32 $1.442695020e+00, v33;
	v19 =	vadd.f32 v63, v19  }
0x4b8: {  	v8 =	vsub.f32 $0.0e+00, v8;
	[tilespmem:s13+$0x80] =	vst v22;
	(erf) = vrcp.f32 v30;
	v42 =	vsel vm3, $0x3F800000, v34  }
0x4b9: {  	v44 =	vadd.f32 $1.000000000e+00, v58;
	v45 =	vld.idx.msk [tilespmem:v18+s3+$0x0], $0xffff;
	[tilespmem:s25+$0x100] =	vst v42;
	(erf) = vpow2.f32 v41;
	v19 =	vsub.f32 $0.0e+00, v19  }
0x4ba: {  	v8 =	vmul.f32 $1.442695020e+00, v8;
	v43 =	vld.idx.msk [tilespmem:v38+s3+$0x0], $0xffff  }
0x4bb: {  	v12 =	vld.idx.msk [tilespmem:v40+s3+$0x0], $0xffff;
	(erf) = vrcp.f32 v44;
	v46 =	vmul.f32 $1.442695020e+00, v19  }
0x4bc: {  	v47 =	vld.idx.msk [tilespmem:v21+s3+$0x0], $0xffff;
	(erf) = vpow2.f32 v8  }
0x4bd: {  	(erf) = vpow2.f32 v46;
	_ =	sdelay $0x2  }
0x4be: {  	v48 =	vadd.f32 v12, v43  }
0x4bf: {  	v11 =	vadd.f32 v47, v45;
	v49 =	vpop (erf)  }
0x4c0: {  	v8 =	vsub.f32 $0.0e+00, v48;
	v50 =	vpop (erf)  }
0x4c1: {  	v11 =	vsub.f32 $0.0e+00, v11;
	v12 =	vadd.f32 $1.000000000e+00, v50  }
0x4c2: {  	v8 =	vmul.f32 $1.442695020e+00, v8;
	v51 =	vpop (erf)  }
0x4c3: {  	v11 =	vmul.f32 $1.442695020e+00, v11;
	v52 =	vpop (erf);
	(erf) = vrcp.f32 v12  }
0x4c4: {  	v53 =	vadd.f32 $1.000000000e+00, v52;
	(erf) = vpow2.f32 v8;
	v54 =	vpop (erf)  }
0x4c5: {  	(erf) = vpow2.f32 v11;
	v55 =	vadd.f32 $1.000000000e+00, v54  }
0x4c6: {  	(erf) = vrcp.f32 v53  }
0x4c7: {  	(erf) = vrcp.f32 v55;
	_ =	sdelay $0x4  }
0x4c8: {  	v56 =	vpop (erf)  }
0x4c9: {  	v57 =	vpop (erf)  }
0x4ca: {  	v18 =	vmul.f32 v51, v5;
	v58 =	vpop (erf)  }
0x4cb: {  	vm7 =	vmmov vm5;
	vm15 =	vmmov vm10;
	vm5 =	vmmov vm9;
	v59 =	vpop (erf)  }
0x4cc: {  	v60 =	vor.u32 $0x180, v25;
	v18 =	vsel vm7, $0x3F800000, v18;
	v8 =	vmul.f32 v56, v6;
	v61 =	vpop (erf)  }
0x4cd: {  	vm9 =	vmmov vm15;
	v62 =	vor.u32 $0x380, v23;
	[tilespmem:s20+$0x100] =	vst v18;
	v22 =	vmul.f32 v61, v36  }
0x4ce: {  	v10 =	vld.idx.msk [tilespmem:v10+s3+$0x0], $0xffff;
	v8 =	vsel vm9, $0x3F800000, v8  }
0x4cf: {  	v24 =	vld.idx.msk [tilespmem:v24+s3+$0x0], $0xffff;
	[tilespmem:s15+$0x80] =	vst v8;
	v63 =	vsel vm5, $0x3F800000, v22  }
0x4d0: {  	v27 =	vld.idx.msk [tilespmem:v27+s3+$0x0], $0xffff;
	[tilespmem:s4+$0x100] =	vst v63  }
0x4d1: {  	v18 =	vld.idx.msk [tilespmem:v60+s3+$0x0], $0xffff  }
0x4d2: {  	v25 =	vld.idx.msk [tilespmem:v62+s3+$0x0], $0xffff  }
0x4d3: {  	v28 =	vld.idx.msk [tilespmem:v28+s3+$0x0], $0xffff;
	_ =	sdelay $0x1  }
0x4d4: {  	v10 =	vadd.f32 v24, v10;
	_ =	sdelay $0x1  }
0x4d5: {  	v10 =	vsub.f32 $0.0e+00, v10;
	v8 =	vadd.f32 v25, v18  }
0x4d6: {  	v11 =	vadd.f32 $1.000000000e+00, v57;
	v29 =	vadd.f32 v28, v27  }
0x4d7: {  	v12 =	vadd.f32 $1.000000000e+00, v58;
	v8 =	vsub.f32 $0.0e+00, v8  }
0x4d8: {  	v10 =	vmul.f32 $1.442695020e+00, v10;
	(erf) = vrcp.f32 v11;
	v30 =	vsub.f32 $0.0e+00, v29  }
0x4d9: {  	(erf) = vrcp.f32 v12;
	v8 =	vmul.f32 $1.442695020e+00, v8  }
0x4da: {  	(erf) = vpow2.f32 v10;
	v32 =	vmul.f32 $1.442695020e+00, v30  }
0x4db: {  	(erf) = vpow2.f32 v8  }
0x4dc: {  	(erf) = vpow2.f32 v32;
	_ =	sdelay $0x4  }
0x4dd: {  	v33 =	vpop (erf)  }
0x4de: {  	v34 =	vpop (erf)  }
0x4df: {  	v35 =	vpop (erf)  }
0x4e0: {  	v11 =	vadd.f32 $1.000000000e+00, v35;
	v37 =	vpop (erf)  }
0x4e1: {  	v10 =	vmul.f32 v34, v16;
	v12 =	vadd.f32 $1.000000000e+00, v37;
	v38 =	vpop (erf)  }
0x4e2: {  	vm8 =	vmmov vm14;
	(erf) = vrcp.f32 v11;
	v39 =	vadd.f32 $1.000000000e+00, v38  }
0x4e3: {  	v10 =	vsel vm8, $0x3F800000, v10;
	(erf) = vrcp.f32 v12  }
0x4e4: {  	[tilespmem:s13+$0x100] =	vst v10;
	(erf) = vrcp.f32 v39  }
0x4e5: {  	v10 =	vld.idx.msk [tilespmem:v13+s3+$0x0], $0xffff  }
0x4e6: {  	v40 =	vld.idx.msk [tilespmem:v14+s3+$0x0], $0xffff;
	_ =	sdelay $0x4  }
0x4e7: {  	v10 =	vadd.f32 v40, v10;
	v41 =	vpop (erf)  }
0x4e8: {  	v42 =	vpop (erf)  }
0x4e9: {  	v10 =	vsub.f32 $0.0e+00, v10;
	v43 =	vpop (erf)  }
0x4ea: {  	v13 =	vmul.f32 v43, v6  }
0x4eb: {  	vm9 =	vmmov vm9;
	v10 =	vmul.f32 $1.442695020e+00, v10  }
0x4ec: {  	v13 =	vsel vm9, $0x3F800000, v13  }
0x4ed: {  	(erf) = vpow2.f32 v10;
	[tilespmem:s15+$0x100] =	vst v13  }
0x4ee: {  	v44 =	vld.idx.msk [tilespmem:v31+s3+$0x0], $0xffff  }
0x4ef: {  	v13 =	vld.idx.msk [tilespmem:v26+s3+$0x0], $0xffff;
	_ =	sdelay $0x4  }
0x4f0: {  	v10 =	vadd.f32 v13, v44;
	_ =	sdelay $0x1  }
0x4f1: {  	v45 =	vpop (erf);
	v10 =	vsub.f32 $0.0e+00, v10  }
0x4f2: {  	v13 =	vadd.f32 $1.000000000e+00, v45  }
0x4f3: {  	v10 =	vmul.f32 $1.442695020e+00, v10  }
0x4f4: {  	(erf) = vrcp.f32 v13  }
0x4f5: {  	(erf) = vpow2.f32 v10;
	_ =	sdelay $0x7  }
0x4f6: {  	v46 =	vpop (erf)  }
0x4f7: {  	v47 =	vpop (erf)  }
0x4f8: {  	v13 =	vadd.f32 $1.000000000e+00, v47  }
0x4f9: {  	v0 =	vmul.f32 v20, v0  }
0x4fa: {  	v2 =	vmul.f32 v7, v2;
	(erf) = vrcp.f32 v13  }
0x4fb: {  	vm0 =	vmmov vm0;
	vm1 =	vmmov vm1;
	vm12 =	vmmov vm2  }
0x4fc: {  	vm13 =	vmmov vm6;
	v0 =	vsel vm1, $0x3F800000, v0;
	v2 =	vsel vm0, $0x3F800000, v2  }
0x4fd: {  	vm14 =	vmmov vm12;
	vm12 =	vmmov vm8;
	v48 =	vmul.f32 v49, v4  }
0x4fe: {  	[tilespmem:s31+$0x180] =	vst v0;
	vm10 =	vmmov vm5;
	vm15 =	vmmov vm4;
	v49 =	vmul.f32 v17, v1  }
0x4ff: {  	[tilespmem:s0+$0x180] =	vst v2;
	vm4 =	vmmov vm3;
	v50 =	vsel vm13, $0x3F800000, v48;
	v53 =	vmul.f32 v59, v3  }
0x500: {  	vm6 =	vmmov vm15;
	[tilespmem:s19+$0x180] =	vst v50;
	v52 =	vsel vm14, $0x3F800000, v49;
	v51 =	vmul.f32 v33, v15  }
0x501: {  	vm7 =	vmmov vm7;
	[tilespmem:s2+$0x180] =	vst v52;
	v55 =	vsel vm6, $0x3F800000, v53;
	v57 =	vmul.f32 v41, v5  }
0x502: {  	vm11 =	vmmov vm7;
	[tilespmem:s1+$0x180] =	vst v55;
	v54 =	vsel vm4, $0x3F800000, v51;
	v56 =	vmul.f32 v42, v36  }
0x503: {  	vm13 =	vmmov vm12;
	[tilespmem:s25+$0x180] =	vst v54;
	v59 =	vsel vm11, $0x3F800000, v57;
	v60 =	vmul.f32 v46, v16;
	v61 =	vpop (erf)  }
0x504: {  	vm14 =	vmmov vm9;
	[tilespmem:s20+$0x180] =	vst v59;
	v58 =	vsel vm10, $0x3F800000, v56;
	v62 =	vmul.f32 v61, v6  }
0x505: {  	vm15 =	vmmov vm14;
	[tilespmem:s4+$0x180] =	vst v58;
	v63 =	vsel vm13, $0x3F800000, v60  }
0x506: {  	[tilespmem:s13+$0x180] =	vst v63;
	v0 =	vsel vm15, $0x3F800000, v62  }
0x507: {  	[tilespmem:s15+$0x180] =	vst v0  }
0x508: {  	[hbm4b:s12+s3] =	stream.linear.scatter [tilespmem:s23], [sflag:$0x4], $0x3400, $0x38;
	[tilespmem:$0x1F200] =	vst v63  }
0x509: {  	_ =	swait.ge [sflag:s26], $0x3400  }
.Ltmp5:
0x50a: {  	[sflag:s26] =	ssyncset.done $0x0;
	(pc) =	sbr.rel @p0 .LBB2_11-.Ltmp5, $4  }
0x50b: {  	[sflag:s26] =	ssyncadd.s32 $0xFFFFCC00  }
0x50c: {  	_ =	swait.ge [sflag:s28], $0x3400  }
0x50d: {  	[sflag:s28] =	ssyncset.done $0x0  }
0x50e: {  	[sflag:s28] =	ssyncadd.s32 $0xFFFFCC00  }
0x50f: {  	s0 =	rddreg [dreg:$0xd]  }
0x510: {  	[tilespmem:s17], [sflag:$0x6] =	stream.linear.gather [hbm4b:s0+s3], $0x100, $0x38;
	[tilespmem:$0x1F200] =	vst v63  }
0x511: {  	_ =	swait.ge [sflag:s29], $0x100  }
0x512: {  	[sflag:s29] =	ssyncset.done $0x0  }
0x513: {  	s20 =	rddreg [dreg:$0xe];
	[sflag:s29] =	ssyncadd.s32 $0xFFFFFF00  }
0x514: {  	[tilespmem:s18], [sflag:$0x6] =	stream.linear.gather [hbm4b:s20+s3], $0x80, $0x38;
	[tilespmem:$0x1F200] =	vst v63  }
0x515: {  	_ =	swait.ge [sflag:s29], $0x80  }
0x516: {  	[sflag:s29] =	ssyncset.done $0x0  }
0x517: {  	s25 =	simm.s32 $0x13C90;
	[sflag:s29] =	ssyncadd.s32 $0xFFFFFF80  }
0x518: {  	v1 =	vld [tilespmem:s25+$0xFFFFFF80]  }
0x519: {  	v2 =	vld [tilespmem:s25+$0x0];
	_ =	sdelay $0x4  }
0x51a: {  	v0 =	vshll.u32 v1, $0x3;
	v3 =	vand.u32 $0x7F, v1;
	v4 =	vshll.u32 v2, $0x3  }
0x51b: {  	v5 =	vand.u32 $0x7F, v2;
	v0 =	vand.u32 $0xFFFFFC00, v0;
	v4 =	vand.u32 $0xFFFFFC00, v4  }
0x51c: {  	v13 =	vor.u32 v3, v0;
	v9 =	vor.u32 v5, v4  }
0x51d: {  	v0 =	vor.u32 $0x200, v9;
	_ =	sdelay $0x1  }
0x51e: {  	v3 =	vld [tilespmem:s25+$0xFFFFFFF0]  }
0x51f: {  	v6 =	vld [tilespmem:s25+$0xFFFFFF70]  }
0x520: {  	v4 =	vld.idx.msk [tilespmem:v13+s3+$0x0], $0xffff  }
0x521: {  	v0 =	vld.idx.msk [tilespmem:v0+s3+$0x0], $0xffff;
	_ =	sdelay $0x1  }
0x522: {  	v5 =	vshll.u32 v3, $0x3  }
0x523: {  	v8 =	vshll.u32 v6, $0x3;
	v7 =	vand.u32 $0x7F, v3;
	v5 =	vand.u32 $0xFFFFFC00, v5  }
0x524: {  	v10 =	vand.u32 $0xFFFFFC00, v8;
	v8 =	vor.u32 v7, v5  }
0x525: {  	v5 =	vand.u32 $0x7F, v6;
	v7 =	vor.u32 $0x200, v8;
	v0 =	vadd.f32 v0, v4  }
0x526: {  	v11 =	vor.u32 v5, v10  }
0x527: {  	v0 =	vsub.f32 $0.0e+00, v0;
	_ =	sdelay $0x1  }
0x528: {  	v0 =	vmul.f32 $1.442695020e+00, v0  }
0x529: {  	v4 =	vld.idx.msk [tilespmem:v7+s3+$0x0], $0xffff  }
0x52a: {  	v5 =	vld.idx.msk [tilespmem:v11+s3+$0x0], $0xffff;
	(erf) = vpow2.f32 v0;
	_ =	sdelay $0x4  }
0x52b: {  	v0 =	vadd.f32 v4, v5;
	_ =	sdelay $0x1  }
0x52c: {  	v0 =	vsub.f32 $0.0e+00, v0;
	_ =	sdelay $0x1  }
0x52d: {  	v0 =	vmul.f32 $1.442695020e+00, v0;
	v4 =	vpop (erf)  }
0x52e: {  	v4 =	vadd.f32 $1.000000000e+00, v4  }
0x52f: {  	(erf) = vpow2.f32 v0  }
0x530: {  	(erf) = vrcp.f32 v4;
	_ =	sdelay $0x3  }
0x531: {  	s1 =	simm.s32 $0x17010  }
0x532: {  	v0 =	vld [tilespmem:s1+$0x0];
	_ =	sdelay $0x2  }
0x533: {  	v4 =	vpop (erf)  }
0x534: {  	s2 =	simm.s32 $0x13CB0;
	v5 =	vor.u32 $0x80, v13;
	v7 =	vpop (erf)  }
0x535: {  	v16 =	vld [tilespmem:s2+$0xFFFFFF80];
	v10 =	vor.u32 $0x280, v9;
	v7 =	vmul.f32 v7, v0  }
0x536: {  	v17 =	vld [tilespmem:s2+$0x0];
	vm0 =	veq.s32 v1, v2;
	v4 =	vadd.f32 $1.000000000e+00, v4  }
0x537: {  	s0 =	simm.s32 $0x18B00;
	v1 =	vsel vm0, $0x3F800000, v7  }
0x538: {  	(erf) = vrcp.f32 v4;
	[tilespmem:s0+$0xFFFFFF10] =	vst v1  }
0x539: {  	v2 =	vld.idx.msk [tilespmem:v5+s3+$0x0], $0xffff  }
0x53a: {  	v7 =	vld.idx.msk [tilespmem:v10+s3+$0x0], $0xffff  }
0x53b: {  	v12 =	vand.u32 $0x7F, v17;
	v4 =	vshll.u32 v16, $0x3;
	v10 =	vshll.u32 v17, $0x3  }
0x53c: {  	v4 =	vand.u32 $0xFFFFFC00, v4;
	v5 =	vand.u32 $0x7F, v16;
	v10 =	vand.u32 $0xFFFFFC00, v10  }
0x53d: {  	v1 =	vld [tilespmem:s1+$0xFFFFFFF0];
	v5 =	vor.u32 v5, v4;
	v4 =	vor.u32 v12, v10  }
0x53e: {  	v10 =	vor.u32 $0x200, v4  }
0x53f: {  	v2 =	vadd.f32 v7, v2  }
0x540: {  	v18 =	vld [tilespmem:s2+$0xFFFFFFF0]  }
0x541: {  	v19 =	vld [tilespmem:s2+$0xFFFFFF70];
	v12 =	vpop (erf);
	v7 =	vor.u32 $0x80, v11;
	v2 =	vsub.f32 $0.0e+00, v2  }
0x542: {  	vm1 =	veq.s32 v6, v3;
	v6 =	vmul.f32 v12, v1;
	v12 =	vld.idx.msk [tilespmem:v5+s3+$0x0], $0xffff  }
0x543: {  	vm1 =	vmmov vm1;
	v3 =	vor.u32 $0x280, v8;
	v10 =	vld.idx.msk [tilespmem:v10+s3+$0x0], $0xffff;
	v2 =	vmul.f32 $1.442695020e+00, v2  }
0x544: {  	v6 =	vsel vm1, $0x3F800000, v6  }
0x545: {  	[tilespmem:s0+$0xFFFFFF00] =	vst v6;
	(erf) = vpow2.f32 v2;
	v2 =	vshll.u32 v18, $0x3  }
0x546: {  	v14 =	vshll.u32 v19, $0x3;
	v6 =	vld.idx.msk [tilespmem:v7+s3+$0x0], $0xffff;
	v7 =	vand.u32 $0x7F, v18;
	v2 =	vand.u32 $0xFFFFFC00, v2  }
0x547: {  	v15 =	vand.u32 $0xFFFFFC00, v14;
	v14 =	vor.u32 v7, v2  }
0x548: {  	v3 =	vld.idx.msk [tilespmem:v3+s3+$0x0], $0xffff;
	v2 =	vand.u32 $0x7F, v19;
	v10 =	vadd.f32 v10, v12;
	v7 =	vor.u32 $0x200, v14  }
0x549: {  	v15 =	vor.u32 v2, v15  }
0x54a: {  	v2 =	vsub.f32 $0.0e+00, v10;
	_ =	sdelay $0x1  }
0x54b: {  	v2 =	vmul.f32 $1.442695020e+00, v2  }
0x54c: {  	v3 =	vadd.f32 v3, v6;
	v6 =	vld.idx.msk [tilespmem:v7+s3+$0x0], $0xffff  }
0x54d: {  	v10 =	vld.idx.msk [tilespmem:v15+s3+$0x0], $0xffff;
	(erf) = vpow2.f32 v2  }
0x54e: {  	v3 =	vsub.f32 $0.0e+00, v3;
	v7 =	vpop (erf)  }
0x54f: {  	v2 =	vadd.f32 $1.000000000e+00, v7  }
0x550: {  	v3 =	vmul.f32 $1.442695020e+00, v3  }
0x551: {  	(erf) = vrcp.f32 v2  }
0x552: {  	(erf) = vpow2.f32 v3;
	v2 =	vadd.f32 v6, v10;
	_ =	sdelay $0x1  }
0x553: {  	v2 =	vsub.f32 $0.0e+00, v2;
	_ =	sdelay $0x1  }
0x554: {  	v2 =	vmul.f32 $1.442695020e+00, v2;
	v3 =	vpop (erf)  }
0x555: {  	v3 =	vadd.f32 $1.000000000e+00, v3;
	_ =	sdelay $0x1  }
0x556: {  	(erf) = vpow2.f32 v2  }
0x557: {  	v6 =	vor.u32 $0x100, v13;
	v2 =	vpop (erf)  }
0x558: {  	v7 =	vor.u32 $0x300, v9;
	(erf) = vrcp.f32 v3;
	v3 =	vpop (erf);
	v2 =	vmul.f32 v2, v0  }
0x559: {  	vm0 =	vmmov vm0;
	v3 =	vadd.f32 $1.000000000e+00, v3  }
0x55a: {  	s31 =	simm.s32 $0x17030;
	v10 =	vsel vm0, $0x3F800000, v2  }
0x55b: {  	v2 =	vld [tilespmem:s31+$0x0];
	(erf) = vrcp.f32 v3;
	[tilespmem:s0+$0xFFFFFF90] =	vst v10  }
0x55c: {  	v3 =	vld.idx.msk [tilespmem:v6+s3+$0x0], $0xffff  }
0x55d: {  	v6 =	vld.idx.msk [tilespmem:v7+s3+$0x0], $0xffff;
	_ =	sdelay $0x1  }
0x55e: {  	v7 =	vpop (erf)  }
0x55f: {  	s4 =	simm.s32 $0x13CD0;
	v7 =	vadd.f32 $1.000000000e+00, v7  }
0x560: {  	v20 =	vor.u32 $0x80, v5;
	v22 =	vor.u32 $0x280, v4;
	v10 =	vld [tilespmem:s4+$0xFFFFFF80];
	v12 =	vpop (erf)  }
0x561: {  	v21 =	vmul.f32 v12, v2;
	v12 =	vld [tilespmem:s4+$0x0];
	v3 =	vadd.f32 v6, v3;
	(erf) = vrcp.f32 v7  }
0x562: {  	v25 =	vld [tilespmem:s4+$0xFFFFFFF0];
	vm3 =	veq.s32 v16, v17  }
0x563: {  	s2 =	simm.s32 $0x18B20;
	v27 =	vld [tilespmem:s4+$0xFFFFFF70];
	v17 =	vor.u32 $0x100, v11;
	v7 =	vsel vm3, $0x3F800000, v21;
	v16 =	vsub.f32 $0.0e+00, v3;
	v6 =	vpop (erf)  }
0x564: {  	v21 =	vor.u32 $0x300, v8;
	v3 =	vld [tilespmem:s31+$0xFFFFFFF0];
	[tilespmem:s2+$0xFFFFFF10] =	vst v7;
	v6 =	vmul.f32 v6, v1  }
0x565: {  	vm1 =	vmmov vm1;
	v23 =	vand.u32 $0x7F, v10;
	v20 =	vld.idx.msk [tilespmem:v20+s3+$0x0], $0xffff;
	v7 =	vmul.f32 $1.442695020e+00, v16  }
0x566: {  	v16 =	vld.idx.msk [tilespmem:v22+s3+$0x0], $0xffff;
	v22 =	vshll.u32 v10, $0x3;
	v24 =	vshll.u32 v12, $0x3;
	v6 =	vsel vm1, $0x3F800000, v6  }
0x567: {  	v26 =	vand.u32 $0x7F, v12;
	v22 =	vand.u32 $0xFFFFFC00, v22;
	v24 =	vand.u32 $0xFFFFFC00, v24;
	[tilespmem:s0+$0xFFFFFF80] =	vst v6  }
0x568: {  	(erf) = vpow2.f32 v7;
	v7 =	vor.u32 v23, v22;
	v6 =	vor.u32 v26, v24;
	v17 =	vld.idx.msk [tilespmem:v17+s3+$0x0], $0xffff  }
0x569: {  	vm2 =	veq.s32 v19, v18;
	v29 =	vand.u32 $0x7F, v27;
	v22 =	vor.u32 $0x200, v6;
	v19 =	vld.idx.msk [tilespmem:v21+s3+$0x0], $0xffff  }
0x56a: {  	vm2 =	vmmov vm2;
	v18 =	vor.u32 $0x80, v15;
	v24 =	vand.u32 $0x7F, v25;
	v23 =	vpop (erf)  }
0x56b: {  	v16 =	vadd.f32 v16, v20;
	v20 =	vmul.f32 v23, v3;
	v23 =	vshll.u32 v25, $0x3  }
0x56c: {  	v26 =	vshll.u32 v27, $0x3;
	v21 =	vor.u32 $0x280, v14;
	v23 =	vand.u32 $0xFFFFFC00, v23  }
0x56d: {  	v26 =	vand.u32 $0xFFFFFC00, v26;
	v16 =	vsub.f32 $0.0e+00, v16;
	v28 =	vld.idx.msk [tilespmem:v7+s3+$0x0], $0xffff;
	v23 =	vor.u32 v24, v23  }
0x56e: {  	v22 =	vld.idx.msk [tilespmem:v22+s3+$0x0], $0xffff;
	v24 =	vor.u32 $0x200, v23;
	v17 =	vadd.f32 v19, v17;
	v19 =	vsel vm2, $0x3F800000, v20  }
0x56f: {  	v29 =	vor.u32 v29, v26;
	v16 =	vmul.f32 $1.442695020e+00, v16  }
0x570: {  	[tilespmem:s2+$0xFFFFFF00] =	vst v19  }
0x571: {  	(erf) = vpow2.f32 v16;
	v16 =	vsub.f32 $0.0e+00, v17;
	v17 =	vld.idx.msk [tilespmem:v18+s3+$0x0], $0xffff;
	v19 =	vpop (erf)  }
0x572: {  	v18 =	vadd.f32 $1.000000000e+00, v19;
	v19 =	vld.idx.msk [tilespmem:v21+s3+$0x0], $0xffff  }
0x573: {  	v16 =	vmul.f32 $1.442695020e+00, v16;
	v20 =	vadd.f32 v22, v28;
	v21 =	vld.idx.msk [tilespmem:v24+s3+$0x0], $0xffff  }
0x574: {  	(erf) = vrcp.f32 v18;
	v18 =	vld.idx.msk [tilespmem:v29+s3+$0x0], $0xffff  }
0x575: {  	(erf) = vpow2.f32 v16;
	v16 =	vsub.f32 $0.0e+00, v20;
	_ =	sdelay $0x1  }
0x576: {  	v16 =	vmul.f32 $1.442695020e+00, v16  }
0x577: {  	v17 =	vadd.f32 v19, v17  }
0x578: {  	(erf) = vpow2.f32 v16;
	v16 =	vadd.f32 v21, v18  }
0x579: {  	v18 =	vpop (erf);
	v17 =	vsub.f32 $0.0e+00, v17  }
0x57a: {  	v18 =	vadd.f32 $1.000000000e+00, v18;
	v16 =	vsub.f32 $0.0e+00, v16  }
0x57b: {  	v17 =	vmul.f32 $1.442695020e+00, v17  }
0x57c: {  	v13 =	vor.u32 $0x180, v13;
	(erf) = vrcp.f32 v18;
	v19 =	vpop (erf);
	v16 =	vmul.f32 $1.442695020e+00, v16  }
0x57d: {  	v9 =	vor.u32 $0x380, v9;
	(erf) = vpow2.f32 v17;
	v18 =	vmul.f32 v19, v0;
	v19 =	vpop (erf)  }
0x57e: {  	vm0 =	vmmov vm0;
	v17 =	vadd.f32 $1.000000000e+00, v19  }
0x57f: {  	(erf) = vpow2.f32 v16;
	v18 =	vsel vm0, $0x3F800000, v18  }
0x580: {  	[tilespmem:s0+$0x10] =	vst v18;
	(erf) = vrcp.f32 v17  }
0x581: {  	v13 =	vld.idx.msk [tilespmem:v13+s3+$0x0], $0xffff  }
0x582: {  	v20 =	vld.idx.msk [tilespmem:v9+s3+$0x0], $0xffff  }
0x583: {  	vm4 =	veq.s32 v27, v25;
	v24 =	vor.u32 $0x180, v11;
	v11 =	vor.u32 $0x380, v14;
	v16 =	vpop (erf)  }
0x584: {  	v22 =	vor.u32 $0x300, v4;
	v19 =	vor.u32 $0x100, v15;
	v9 =	vadd.f32 $1.000000000e+00, v16  }
0x585: {  	v17 =	vor.u32 $0x380, v8;
	v18 =	vor.u32 $0x300, v14;
	v8 =	vor.u32 $0x100, v5;
	v14 =	vpop (erf)  }
0x586: {  	(erf) = vrcp.f32 v9;
	v9 =	vor.u32 $0x180, v15;
	v14 =	vmul.f32 v14, v2;
	v15 =	vpop (erf)  }
0x587: {  	vm3 =	vmmov vm3;
	v13 =	vadd.f32 v20, v13;
	v25 =	vadd.f32 $1.000000000e+00, v15  }
0x588: {  	s4 =	simm.s32 $0x17050;
	v16 =	vpop (erf);
	v26 =	vsel vm3, $0x3F800000, v14  }
0x589: {  	v14 =	vld [tilespmem:s4+$0x0];
	v13 =	vsub.f32 $0.0e+00, v13;
	v28 =	vadd.f32 $1.000000000e+00, v16;
	[tilespmem:s2+$0xFFFFFF90] =	vst v26;
	(erf) = vrcp.f32 v25;
	v27 =	vpop (erf)  }
0x58a: {  	v26 =	vld.idx.msk [tilespmem:v8+s3+$0x0], $0xffff;
	v30 =	vmul.f32 v27, v1  }
0x58b: {  	v25 =	vmul.f32 $1.442695020e+00, v13;
	(erf) = vrcp.f32 v28;
	v27 =	vld.idx.msk [tilespmem:v22+s3+$0x0], $0xffff  }
0x58c: {  	v22 =	vld [tilespmem:s4+$0xFFFFFFF0]  }
0x58d: {  	v21 =	vor.u32 $0x80, v29;
	v20 =	vor.u32 $0x280, v23;
	(erf) = vpow2.f32 v25  }
0x58e: {  	v15 =	vor.u32 $0x100, v29;
	v8 =	vor.u32 $0x180, v29;
	v29 =	vsel vm1, $0x3F800000, v30  }
0x58f: {  	v16 =	vor.u32 $0x300, v23;
	v13 =	vor.u32 $0x380, v23;
	v28 =	vor.u32 $0x80, v7;
	v23 =	vpop (erf);
	[tilespmem:s0+$0x0] =	vst v29  }
0x590: {  	s5 =	simm.s32 $0x4;
	s6 =	simm.s32 $0x13CF0;
	s1 =	simm.s32 $0x18B20;
	vm1 =	vmmov vm1;
	v29 =	vor.u32 $0x280, v6;
	v30 =	vmul.f32 v23, v14;
	v24 =	vld.idx.msk [tilespmem:v24+s3+$0x0], $0xffff  }
.LBB2_9:
0x591: {  	vm6 =	veq.s32 v10, v12;
	v10 =	vld [tilespmem:s6+$0xFFFFFF80];
	v25 =	vadd.f32 v27, v26;
	v23 =	vmovc v22;
	vm5 =	vmmov vm2  }
0x592: {  	s2 =	sadd.s32 $0x20, s2;
	vm2 =	vmmov vm4;
	v12 =	vld [tilespmem:s6+$0x0];
	v22 =	vsel vm6, $0x3F800000, v30;
	v26 =	vpop (erf)  }
0x593: {  	v27 =	vld [tilespmem:s6+$0xFFFFFFF0];
	[tilespmem:s2+$0xFFFFFF10] =	vst v22;
	v34 =	vmul.f32 v26, v3;
	v25 =	vsub.f32 $0.0e+00, v25  }
0x594: {  	v26 =	vld.idx.msk [tilespmem:v28+s3+$0x0], $0xffff;
	v28 =	vpop (erf)  }
0x595: {  	s5 =	sadd.s32 $0x2, s5;
	v28 =	vmul.f32 v28, v23;
	v29 =	vld.idx.msk [tilespmem:v29+s3+$0x0], $0xffff;
	v33 =	vsel vm5, $0x3F800000, v34;
	v25 =	vmul.f32 $1.442695020e+00, v25  }
0x596: {  	p1 =	slt.u32 s5, $0x6;
	v30 =	vld [tilespmem:s6+$0xFFFFFF70];
	v31 =	vshll.u32 v10, $0x3;
	v32 =	vand.u32 $0x7F, v10;
	[tilespmem:s1+$0xFFFFFF80] =	vst v33;
	v22 =	vpop (erf)  }
0x597: {  	v33 =	vshll.u32 v12, $0x3;
	v34 =	vld.idx.msk [tilespmem:v19+s3+$0x0], $0xffff;
	(erf) = vpow2.f32 v25;
	v22 =	vadd.f32 $1.000000000e+00, v22;
	v19 =	vmovc v15  }
0x598: {  	v15 =	vand.u32 $0xFFFFFC00, v31;
	v31 =	vand.u32 $0x7F, v12;
	v25 =	vand.u32 $0xFFFFFC00, v33;
	v33 =	vld.idx.msk [tilespmem:v18+s3+$0x0], $0xffff;
	v18 =	vmovc v16  }
0x599: {  	v32 =	vor.u32 v32, v15;
	v31 =	vor.u32 v31, v25;
	v35 =	vld.idx.msk [tilespmem:v17+s3+$0x0], $0xffff;
	(erf) = vrcp.f32 v22;
	v17 =	vmovc v11  }
0x59a: {  	v15 =	vshll.u32 v27, $0x3;
	v16 =	vand.u32 $0x7F, v27;
	v11 =	vmovc v13;
	v22 =	vor.u32 $0x200, v31  }
0x59b: {  	v15 =	vand.u32 $0xFFFFFC00, v15;
	v25 =	vadd.f32 v29, v26;
	v13 =	vshll.u32 v30, $0x3  }
0x59c: {  	v29 =	vor.u32 v16, v15;
	v26 =	vand.u32 $0x7F, v30;
	v13 =	vand.u32 $0xFFFFFC00, v13  }
0x59d: {  	v36 =	vor.u32 $0x200, v29;
	v26 =	vor.u32 v26, v13;
	v13 =	vsub.f32 $0.0e+00, v25  }
0x59e: {  	v16 =	vsel vm2, $0x3F800000, v28;
	vm4 =	veq.s32 v30, v27;
	v27 =	vor.u32 $0x80, v26;
	v30 =	vld.idx.msk [tilespmem:v32+s3+$0x0], $0xffff  }
0x59f: {  	v28 =	vor.u32 $0x280, v29;
	v15 =	vor.u32 $0x100, v26;
	v22 =	vld.idx.msk [tilespmem:v22+s3+$0x0], $0xffff;
	[tilespmem:s2+$0xFFFFFF00] =	vst v16;
	v37 =	vmul.f32 $1.442695020e+00, v13  }
0x5a0: {  	v39 =	vadd.f32 v33, v34;
	v25 =	vor.u32 $0x180, v26;
	v16 =	vor.u32 $0x300, v29;
	v38 =	vld.idx.msk [tilespmem:v21+s3+$0x0], $0xffff;
	v21 =	vpop (erf)  }
0x5a1: {  	v13 =	vor.u32 $0x380, v29;
	v29 =	vld.idx.msk [tilespmem:v20+s3+$0x0], $0xffff;
	(erf) = vpow2.f32 v37;
	v34 =	vadd.f32 $1.000000000e+00, v21;
	v21 =	vmovc v27;
	v20 =	vmovc v28  }
0x5a2: {  	v24 =	vadd.f32 v35, v24;
	v28 =	vsub.f32 $0.0e+00, v39;
	v27 =	vld.idx.msk [tilespmem:v36+s3+$0x0], $0xffff;
	v33 =	vpop (erf)  }
0x5a3: {  	v26 =	vld.idx.msk [tilespmem:v26+s3+$0x0], $0xffff;
	(erf) = vrcp.f32 v34;
	v33 =	vmul.f32 v33, v0;
	v0 =	vmovc v2;
	v2 =	vmov v14  }
0x5a4: {  	v24 =	vsub.f32 $0.0e+00, v24;
	v14 =	vmul.f32 $1.442695020e+00, v28  }
0x5a5: {  	v22 =	vadd.f32 v22, v30;
	v28 =	vsel vm0, $0x3F800000, v33;
	vm0 =	vmmov vm3  }
0x5a6: {  	vm3 =	vmmov vm6;
	(erf) = vpow2.f32 v14;
	v14 =	vmul.f32 $1.442695020e+00, v24;
	[tilespmem:s0+$0x90] =	vst v28  }
0x5a7: {  	v22 =	vsub.f32 $0.0e+00, v22;
	v24 =	vadd.f32 v29, v38  }
0x5a8: {  	(erf) = vpow2.f32 v14  }
0x5a9: {  	v14 =	vadd.f32 v27, v26;
	v22 =	vmul.f32 $1.442695020e+00, v22;
	v24 =	vsub.f32 $0.0e+00, v24  }
0x5aa: {  	v26 =	vpop (erf)  }
0x5ab: {  	v14 =	vsub.f32 $0.0e+00, v14;
	(erf) = vpow2.f32 v22;
	v22 =	vadd.f32 $1.000000000e+00, v26  }
0x5ac: {  	v28 =	vmul.f32 $1.442695020e+00, v24;
	v26 =	vor.u32 $0x180, v5;
	v5 =	vmov v7;
	v27 =	vpop (erf)  }
0x5ad: {  	v7 =	vmovc v32;
	(erf) = vrcp.f32 v22;
	v22 =	vmul.f32 v27, v0;
	v27 =	vor.u32 $0x380, v4;
	v4 =	vmovc v6  }
0x5ae: {  	v14 =	vmul.f32 $1.442695020e+00, v14;
	v6 =	vmov v31;
	(erf) = vpow2.f32 v28  }
0x5af: {  	v22 =	vsel vm0, $0x3F800000, v22;
	v24 =	vpop (erf)  }
0x5b0: {  	(erf) = vpow2.f32 v14;
	v14 =	vadd.f32 $1.000000000e+00, v24;
	[tilespmem:s1+$0x10] =	vst v22  }
0x5b1: {  	v22 =	vld.idx.msk [tilespmem:v26+s3+$0x0], $0xffff;
	v24 =	vpop (erf)  }
0x5b2: {  	v26 =	vld.idx.msk [tilespmem:v27+s3+$0x0], $0xffff;
	(erf) = vrcp.f32 v14;
	v14 =	vadd.f32 $1.000000000e+00, v24;
	_ =	sdelay $0x1  }
0x5b3: {  	v24 =	vpop (erf);
	(erf) = vrcp.f32 v14  }
0x5b4: {  	v14 =	vadd.f32 $1.000000000e+00, v24  }
0x5b5: {  	v24 =	vor.u32 $0x100, v5;
	v27 =	vpop (erf)  }
0x5b6: {  	(erf) = vrcp.f32 v14;
	v14 =	vmul.f32 v27, v2;
	v27 =	vor.u32 $0x300, v4;
	v28 =	vpop (erf)  }
0x5b7: {  	v22 =	vadd.f32 v26, v22;
	v28 =	vadd.f32 $1.000000000e+00, v28  }
0x5b8: {  	s4 =	sadd.s32 $0x20, s4;
	v26 =	vpop (erf);
	v29 =	vsel vm3, $0x3F800000, v14  }
0x5b9: {  	v22 =	vsub.f32 $0.0e+00, v22;
	v30 =	vadd.f32 $1.000000000e+00, v26;
	v14 =	vld [tilespmem:s4+$0x0];
	[tilespmem:s2+$0xFFFFFF90] =	vst v29;
	(erf) = vrcp.f32 v28  }
0x5ba: {  	v26 =	vld.idx.msk [tilespmem:v24+s3+$0x0], $0xffff;
	v24 =	vpop (erf)  }
0x5bb: {  	v28 =	vmul.f32 $1.442695020e+00, v22;
	(erf) = vrcp.f32 v30;
	v27 =	vld.idx.msk [tilespmem:v27+s3+$0x0], $0xffff  }
.Ltmp6:
0x5bc: {  	v30 =	vmul.f32 v24, v3;
	v22 =	vld [tilespmem:s4+$0xFFFFFFF0];
	v29 =	vpop (erf);
	(pc) =	sbr.rel @p1 .LBB2_9-.Ltmp6, $4  }
0x5bd: {  	(erf) = vpow2.f32 v28;
	v29 =	vmul.f32 v29, v1;
	v1 =	vmovc v3;
	v3 =	vmov v23  }
0x5be: {  	v23 =	vsel vm5, $0x3F800000, v30  }
0x5bf: {  	v28 =	vor.u32 $0x80, v7;
	v24 =	vpop (erf);
	[tilespmem:s1+$0x0] =	vst v23;
	v23 =	vsel vm1, $0x3F800000, v29;
	vm1 =	vmmov vm5  }
0x5c0: {  	s6 =	sadd.s32 $0x20, s6;
	v29 =	vor.u32 $0x280, v6;
	v30 =	vmul.f32 v24, v14;
	v24 =	vld.idx.msk [tilespmem:v9+s3+$0x0], $0xffff;
	[tilespmem:s0+$0x80] =	vst v23;
	v9 =	vmovc v8;
	v8 =	vmov v25;
	s0 =	smov.u32 s1;
	s1 =	smov.u32 s2  }
.Ltmp7:
0x5c1: {  	_ = 	snop;
	(pc) =	sbr.rel .LBB2_10-.Ltmp7, $1  }
0x5c2: {  	_ =	sdelay $0x3  }
.LBB2_12:
0x5c3: {  	_ =	sfence.sel $0x180000  }
0x5c4: {  	[bflag:$0x0] =	sbarrier.arrive $0xFFFF  }
0x5c5: {  	_ =	strace $0x90000047  }
0x5c6: {  	s0 =	stileid.u32;
	[bflag:$0x2] =	sbarrier.arrive $0xFFFF  }
0x5c7: {  	p0 =	sne.s32 s0, $0x0;
	s0 =	rddreg [dreg:$0x4]  }
0x5c8: {  	s0 =	sadd.s32 @!p0 $0x100000, s0  }
0x5c9: {  	[sflag:s0] =	ssyncadd.tile.s32 @!p0 $0x1;
	_ =	shalt  }
.Lfunc_end2:
_tile_overlayer_lowered:
.L_overlay_start_2:
0x5ca: {  	(tag) =	ssettag $0x2  }
0x5cb: {  	s0 =	rddreg [dreg:$0x0];
	s2 =	stileid.u32  }
0x5cc: {  	s1 =	rddreg [dreg:$0x1];
	p0 =	sne.s32 s2, $0x0  }
0x5cd: {  	s3 =	rddreg [dreg:$0x2];
	[bflag:$0x3] =	sbarrier.arrive $0xFFFF;
	s2 =	simm.s32 @!p0 $0x1C06  }
0x5ce: {  	[timem:s3], [sflag:s2] =	dma.local @!p0 [hbm:s0], s1  }
0x5cf: {  	s0 =	simm.s32 @!p0 $0x6  }
0x5d0: {  	_ =	swait.ge @!p0 [sflag:s0], s1  }
0x5d1: {  	s1 =	ssub.s32 @!p0 $0x0, s1;
	[sflag:s0] =	ssyncset.done @!p0 $0x0  }
0x5d2: {  	[sflag:s0] =	ssyncadd.s32 @!p0 s1  }
0x5d3: {  	[bflag:$0x3] =	sbarrier.arrive $0xFFFF  }
0x5d4: {  	_ =	shalt  }

</sc_bundles>
